<compile_context>
chip_gen: v7x
topology: tpu7x:2x2x1
jax: 0.10.2.dev20260603
libtpu: 0.0.44.dev20260713+nightly
codegen_flags: <defaults>
</compile_context>

<pallas_src>
import jax
import jax.numpy as jnp
from jax import lax
from jax.experimental import pallas as pl
from jax.experimental.pallas import tpu as pltpu
from jax.experimental.pallas import tpu_sc as plsc

_B = 128
_T = 8192
_LANES = 16
_CHUNK = _T // _LANES
_NC = 2
_NS = 16
_NW = _NC * _NS
_RPW = _B // _NW
_OUT_W = _T * 5

_ID_CODE = 0
for _i in range(5):
    _ID_CODE |= (5 * _i) << (5 * _i)


def _compose(prefix, new):
    acc = None
    for i in range(5):
        t = (new >> (5 * i)) & 31
        s = (prefix >> t) & 31
        term = s << (5 * i)
        acc = term if acc is None else acc | term
    return acc


def _sc_body(state_hbm, seq_hbm, ctab_hbm, out_hbm,
             seq_v, out_v, state_v, ctab_v, lane_v, sem0, sem1):
    wid = lax.axis_index("s") * _NC + lax.axis_index("c")
    iota = lax.iota(jnp.int32, _LANES)
    idvec = jnp.full((_LANES,), _ID_CODE, dtype=jnp.int32)
    obase = iota * 5
    sems = (sem0, sem1)

    pltpu.sync_copy(ctab_hbm, ctab_v)
    lane_v[pl.ds(0, _LANES)] = idvec

    row0 = wid * _RPW
    for j in range(_RPW):
        pltpu.sync_copy(seq_hbm.at[row0 + j], seq_v.at[pl.ds(j * _T, _T)])
    pltpu.sync_copy(state_hbm.at[pl.ds(row0 * 32, _RPW * 32)], state_v)

    def pass1(k, carrys):
        out = []
        for r in range(_RPW):
            u = seq_v[pl.ds(r * _T + k * _LANES, _LANES)]
            cu = plsc.load_gather(ctab_v, [u])
            c = _compose(carrys[r], cu)
            seq_v[pl.ds(r * _T + k * _LANES, _LANES)] = c
            out.append(c)
        return tuple(out)

    tots = lax.fori_loop(0, _CHUNK, pass1, (idvec,) * _RPW, unroll=4)

    for j in range(_RPW):
        x = tots[j]
        for off in (1, 2, 4, 8):
            lane_v[pl.ds(_LANES, _LANES)] = x
            sh = plsc.load_gather(lane_v, [iota + (_LANES - off)])
            x = _compose(sh, x)
        lane_v[pl.ds(_LANES, _LANES)] = x
        lane_off = plsc.load_gather(lane_v, [iota + (_LANES - 1)])

        buf = j % 2
        if j >= 2:
            pltpu.make_async_copy(
                out_v.at[pl.ds(buf * _OUT_W, _OUT_W)],
                out_hbm.at[row0 + j - 2], sems[buf]).wait()
        sbase = j * 32

        def pass2(k, carry):
            local = seq_v[pl.ds(j * _T + k * _LANES, _LANES)]
            fin = _compose(lane_off, local)
            for i in range(5):
                d5 = (fin >> (5 * i)) & 31
                val = plsc.load_gather(state_v, [d5 + sbase])
                plsc.store_scatter(
                    out_v, [obase + (buf * _OUT_W + (k * 80 + i))], val)
            return carry

        lax.fori_loop(0, _CHUNK, pass2, 0, unroll=4)
        pltpu.make_async_copy(
            out_v.at[pl.ds(buf * _OUT_W, _OUT_W)],
            out_hbm.at[row0 + j], sems[buf]).start()

    for j in (_RPW - 2, _RPW - 1):
        buf = j % 2
        pltpu.make_async_copy(
            out_v.at[pl.ds(buf * _OUT_W, _OUT_W)],
            out_hbm.at[row0 + j], sems[buf]).wait()


def kernel(state, inputs, perm_mats):
    p = jnp.argmax(perm_mats, axis=2).astype(jnp.int32)
    shifts = 5 * jnp.arange(5, dtype=jnp.int32)
    codes = jnp.sum((p * 5) << shifts[None, :], axis=1).astype(jnp.int32)
    ctab = jnp.zeros((128,), jnp.int32).at[:120].set(codes)
    state_pad = jnp.zeros((_B, 32), jnp.float32).at[:, 0:25:5].set(state)
    state_flat = state_pad.reshape(_B * 32)
    seq = inputs.reshape(_B, _LANES, _CHUNK).swapaxes(1, 2).reshape(_B, _T)

    mesh = plsc.VectorSubcoreMesh(core_axis_name="c", subcore_axis_name="s")
    fn = pl.kernel(
        _sc_body,
        mesh=mesh,
        compiler_params=pltpu.CompilerParams(needs_layout_passes=False),
        out_type=jax.ShapeDtypeStruct((_B, _OUT_W), jnp.float32),
        scratch_types=[
            pltpu.VMEM((_RPW * _T,), jnp.int32),
            pltpu.VMEM((2 * _OUT_W,), jnp.float32),
            pltpu.VMEM((_RPW * 32,), jnp.float32),
            pltpu.VMEM((128,), jnp.int32),
            pltpu.VMEM((32,), jnp.int32),
            pltpu.SemaphoreType.DMA,
            pltpu.SemaphoreType.DMA,
        ],
    )
    out = fn(state_flat, seq, ctab)
    return out.reshape(_B, _CHUNK, _LANES, 5).transpose(0, 2, 1, 3).reshape(
        _B, _T, 5)

# --- scband reference (transcript-rebuilt; emitter-appended) ---
"""Pipeline reference for scband-s5-word-27685359190749 (READ-ONLY COPY).

The authoritative reference and input builder live on the scoring server;
editing this copy changes nothing except your own understanding.
"""

import jax, jax.numpy as jnp
import numpy as np
from itertools import permutations


def _make_perm_mats():
    perms = list(permutations(range(5)))
    mats = np.zeros((120, 5, 5), dtype=np.int32)
    for i, p in enumerate(perms):
        mats[i, np.arange(5), np.array(p)] = 1
    return jnp.asarray(mats)


def setup_inputs(seed: int = 0) -> dict:
    key = jax.random.key(seed)
    k1, k2 = jax.random.split(key)
    state = jax.random.normal(k1, (128, 5), dtype=jnp.float32)
    inputs = jax.random.randint(k2, (128, 8192), 0, 120, dtype=jnp.int32)
    perm_mats = _make_perm_mats()
    return {"state": state, "inputs": inputs, "perm_mats": perm_mats}


def reference(state, inputs, perm_mats):
    # scan_fxn applied over the sequence dimension via lax.scan, vmapped over batch.
    def step(s, u):
        transition_matrix = perm_mats[u]        # gather: (5, 5) from (120, 5, 5)
        out = transition_matrix @ s             # deer_fxn: A_t @ x_t
        return out, out                         # scan_fxn returns (out, out)

    def run(s0, seq):
        _, ys = jax.lax.scan(step, s0, seq)
        return ys                               # (T, 5)

    ys = jax.vmap(run)(state, inputs)           # (B, T, 5)
    return ys

if __name__ == "__main__":
    import jax
    _d = setup_inputs()
    print(jax.jit(kernel)(*tuple(_d.values())))

</pallas_src>

<mosaic_0001>
#map = affine_map<(d0, d1) -> (0)>
#map1 = affine_map<(d0, d1) -> (0, 0)>
module attributes {stable_mosaic.version = 14 : i64} {
  func.func @_sc_body(%arg0: i32, %arg1: i32, %arg2: memref<4096xf32, #tpu.memory_space<hbm>>, %arg3: memref<128x8192xi32, #tpu.memory_space<hbm>>, %arg4: memref<128xi32, #tpu.memory_space<hbm>>, %arg5: memref<128x40960xf32, #tpu.memory_space<hbm>>, %arg6: memref<32768xi32, #tpu.memory_space<vmem>>, %arg7: memref<81920xf32, #tpu.memory_space<vmem>>, %arg8: memref<128xf32, #tpu.memory_space<vmem>>, %arg9: memref<128xi32, #tpu.memory_space<vmem>>, %arg10: memref<32xi32, #tpu.memory_space<vmem>>, %arg11: memref<!tpu.dma_semaphore, #tpu.memory_space<semaphore_mem>>, %arg12: memref<!tpu.dma_semaphore, #tpu.memory_space<semaphore_mem>>) attributes {dimension_semantics = [#tpu.dimension_semantics<core_parallel>, #tpu.dimension_semantics<subcore_parallel>], iteration_bounds = array<i64: 2, 16>, scalar_prefetch = 0 : i64, scratch_operands = 7 : i64, tpu.core_type = #tpu.core_type<sc_vector_subcore>, window_params = [{transform_indices = #map}, {transform_indices = #map1}, {transform_indices = #map}, {transform_indices = #map1}]} {
    %mul3A = arith.constant 2 : i32
    %mul3A_0 = arith.muli %arg1, %mul3A : i32
    %add3A = arith.addi %mul3A_0, %arg0 : i32
    %iota3A = tpu.iota {dimensions = array<i32: 0>} : vector<16xi32>
    %broadcast_in_dim3A = arith.constant 21473440 : i32
    %broadcast_in_dim3A_1 = vector.broadcast %broadcast_in_dim3A : i32 to vector<16xi32>
    %mul3A_2 = arith.constant 5 : i32
    %mul3A_3 = vector.broadcast %mul3A_2 : i32 to vector<16xi32>
    %mul3A_4 = arith.muli %iota3A, %mul3A_3 : vector<16xi32>
    "tpu.region"() ({
      %run_scoped3A = tpu.sem_alloc : memref<!tpu.dma_semaphore, #tpu.memory_space<semaphore_mem>>
      tpu.enqueue_dma source(%arg4 : memref<128xi32, #tpu.memory_space<hbm>>) target(%arg9 : memref<128xi32, #tpu.memory_space<vmem>>) target_semaphore(%run_scoped3A : memref<!tpu.dma_semaphore, #tpu.memory_space<semaphore_mem>>)
      tpu.wait_dma2 semaphore(%run_scoped3A : memref<!tpu.dma_semaphore, #tpu.memory_space<semaphore_mem>>) src(%arg4 : memref<128xi32, #tpu.memory_space<hbm>>) dst(%arg9 : memref<128xi32, #tpu.memory_space<vmem>>)
      tpu.yield
    }) : () -> ()
    %swap3A = arith.constant 0 : index
    %swap3A_5 = tpu.vector_load %arg10[%swap3A] {strides = array<i32>} : memref<32xi32, #tpu.memory_space<vmem>>, vector<16xi32>,
    tpu.vector_store %arg10[%swap3A], %broadcast_in_dim3A_1 {strides = array<i32>} : memref<32xi32, #tpu.memory_space<vmem>>, vector<16xi32>,
    %mul3A_6 = arith.constant 4 : i32
    %mul3A_7 = arith.muli %add3A, %mul3A_6 : i32
    %add3A_8 = arith.constant 0 : i32
    %add3A_9 = arith.addi %mul3A_7, %add3A_8 : i32
    "tpu.region"() ({
      %run_scoped3A = tpu.sem_alloc : memref<!tpu.dma_semaphore, #tpu.memory_space<semaphore_mem>>
      %dma_start3A_1363 = arith.constant 0 : i32
      %dma_start3A_1364 = tpu.memref_slice %arg6[%dma_start3A_1363] : memref<32768xi32, #tpu.memory_space<vmem>> -> memref<8192xi32, #tpu.memory_space<vmem>>
      %dma_start3A_1365 = arith.constant 0 : i32
      %dma_start3A_1366 = tpu.memref_slice %arg3[%add3A_9, %dma_start3A_1365] : memref<128x8192xi32, #tpu.memory_space<hbm>> -> memref<1x8192xi32, #tpu.memory_space<hbm>>
      %dma_start3A_1367 = tpu.memref_squeeze %dma_start3A_1366 : memref<1x8192xi32, #tpu.memory_space<hbm>> -> memref<8192xi32, #tpu.memory_space<hbm>>
      %dma_start3A_1368 = arith.constant 0 : i32
      %dma_start3A_1369 = tpu.memref_slice %arg6[%dma_start3A_1368] : memref<32768xi32, #tpu.memory_space<vmem>> -> memref<8192xi32, #tpu.memory_space<vmem>>
      %dma_start3A_1370 = arith.constant 0 : i32
      %dma_start3A_1371 = tpu.memref_slice %arg3[%add3A_9, %dma_start3A_1370] : memref<128x8192xi32, #tpu.memory_space<hbm>> -> memref<1x8192xi32, #tpu.memory_space<hbm>>
      %dma_start3A_1372 = tpu.memref_squeeze %dma_start3A_1371 : memref<1x8192xi32, #tpu.memory_space<hbm>> -> memref<8192xi32, #tpu.memory_space<hbm>>
      tpu.enqueue_dma source(%dma_start3A_1372 : memref<8192xi32, #tpu.memory_space<hbm>>) target(%dma_start3A_1369 : memref<8192xi32, #tpu.memory_space<vmem>>) target_semaphore(%run_scoped3A : memref<!tpu.dma_semaphore, #tpu.memory_space<semaphore_mem>>)
      %dma_wait3A_1373 = arith.constant 0 : i32
      %dma_wait3A_1374 = tpu.memref_slice %arg6[%dma_wait3A_1373] : memref<32768xi32, #tpu.memory_space<vmem>> -> memref<8192xi32, #tpu.memory_space<vmem>>
      %dma_wait3A_1375 = arith.constant 0 : i32
      %dma_wait3A_1376 = tpu.memref_slice %arg3[%add3A_9, %dma_wait3A_1375] : memref<128x8192xi32, #tpu.memory_space<hbm>> -> memref<1x8192xi32, #tpu.memory_space<hbm>>
      %dma_wait3A_1377 = tpu.memref_squeeze %dma_wait3A_1376 : memref<1x8192xi32, #tpu.memory_space<hbm>> -> memref<8192xi32, #tpu.memory_space<hbm>>
      %dma_wait3A_1378 = arith.constant 0 : i32
      %dma_wait3A_1379 = tpu.memref_slice %arg6[%dma_wait3A_1378] : memref<32768xi32, #tpu.memory_space<vmem>> -> memref<8192xi32, #tpu.memory_space<vmem>>
      %dma_wait3A_1380 = arith.constant 0 : i32
      %dma_wait3A_1381 = tpu.memref_slice %arg3[%add3A_9, %dma_wait3A_1380] : memref<128x8192xi32, #tpu.memory_space<hbm>> -> memref<1x8192xi32, #tpu.memory_space<hbm>>
      %dma_wait3A_1382 = tpu.memref_squeeze %dma_wait3A_1381 : memref<1x8192xi32, #tpu.memory_space<hbm>> -> memref<8192xi32, #tpu.memory_space<hbm>>
      tpu.wait_dma2 semaphore(%run_scoped3A : memref<!tpu.dma_semaphore, #tpu.memory_space<semaphore_mem>>) src(%dma_wait3A_1382 : memref<8192xi32, #tpu.memory_space<hbm>>) dst(%dma_wait3A_1379 : memref<8192xi32, #tpu.memory_space<vmem>>)
      tpu.yield
    }) : () -> ()
    %add3A_10 = arith.constant 1 : i32
    %add3A_11 = arith.addi %mul3A_7, %add3A_10 : i32
    "tpu.region"() ({
      %run_scoped3A = tpu.sem_alloc : memref<!tpu.dma_semaphore, #tpu.memory_space<semaphore_mem>>
      %dma_start3A_1363 = arith.constant 8192 : i32
      %dma_start3A_1364 = tpu.memref_slice %arg6[%dma_start3A_1363] : memref<32768xi32, #tpu.memory_space<vmem>> -> memref<8192xi32, #tpu.memory_space<vmem>>
      %dma_start3A_1365 = arith.constant 0 : i32
      %dma_start3A_1366 = tpu.memref_slice %arg3[%add3A_11, %dma_start3A_1365] : memref<128x8192xi32, #tpu.memory_space<hbm>> -> memref<1x8192xi32, #tpu.memory_space<hbm>>
      %dma_start3A_1367 = tpu.memref_squeeze %dma_start3A_1366 : memref<1x8192xi32, #tpu.memory_space<hbm>> -> memref<8192xi32, #tpu.memory_space<hbm>>
      %dma_start3A_1368 = arith.constant 8192 : i32
      %dma_start3A_1369 = tpu.memref_slice %arg6[%dma_start3A_1368] : memref<32768xi32, #tpu.memory_space<vmem>> -> memref<8192xi32, #tpu.memory_space<vmem>>
      %dma_start3A_1370 = arith.constant 0 : i32
      %dma_start3A_1371 = tpu.memref_slice %arg3[%add3A_11, %dma_start3A_1370] : memref<128x8192xi32, #tpu.memory_space<hbm>> -> memref<1x8192xi32, #tpu.memory_space<hbm>>
      %dma_start3A_1372 = tpu.memref_squeeze %dma_start3A_1371 : memref<1x8192xi32, #tpu.memory_space<hbm>> -> memref<8192xi32, #tpu.memory_space<hbm>>
      tpu.enqueue_dma source(%dma_start3A_1372 : memref<8192xi32, #tpu.memory_space<hbm>>) target(%dma_start3A_1369 : memref<8192xi32, #tpu.memory_space<vmem>>) target_semaphore(%run_scoped3A : memref<!tpu.dma_semaphore, #tpu.memory_space<semaphore_mem>>)
      %dma_wait3A_1373 = arith.constant 8192 : i32
      %dma_wait3A_1374 = tpu.memref_slice %arg6[%dma_wait3A_1373] : memref<32768xi32, #tpu.memory_space<vmem>> -> memref<8192xi32, #tpu.memory_space<vmem>>
      %dma_wait3A_1375 = arith.constant 0 : i32
      %dma_wait3A_1376 = tpu.memref_slice %arg3[%add3A_11, %dma_wait3A_1375] : memref<128x8192xi32, #tpu.memory_space<hbm>> -> memref<1x8192xi32, #tpu.memory_space<hbm>>
      %dma_wait3A_1377 = tpu.memref_squeeze %dma_wait3A_1376 : memref<1x8192xi32, #tpu.memory_space<hbm>> -> memref<8192xi32, #tpu.memory_space<hbm>>
      %dma_wait3A_1378 = arith.constant 8192 : i32
      %dma_wait3A_1379 = tpu.memref_slice %arg6[%dma_wait3A_1378] : memref<32768xi32, #tpu.memory_space<vmem>> -> memref<8192xi32, #tpu.memory_space<vmem>>
      %dma_wait3A_1380 = arith.constant 0 : i32
      %dma_wait3A_1381 = tpu.memref_slice %arg3[%add3A_11, %dma_wait3A_1380] : memref<128x8192xi32, #tpu.memory_space<hbm>> -> memref<1x8192xi32, #tpu.memory_space<hbm>>
      %dma_wait3A_1382 = tpu.memref_squeeze %dma_wait3A_1381 : memref<1x8192xi32, #tpu.memory_space<hbm>> -> memref<8192xi32, #tpu.memory_space<hbm>>
      tpu.wait_dma2 semaphore(%run_scoped3A : memref<!tpu.dma_semaphore, #tpu.memory_space<semaphore_mem>>) src(%dma_wait3A_1382 : memref<8192xi32, #tpu.memory_space<hbm>>) dst(%dma_wait3A_1379 : memref<8192xi32, #tpu.memory_space<vmem>>)
      tpu.yield
    }) : () -> ()
    %add3A_12 = arith.constant 2 : i32
    %add3A_13 = arith.addi %mul3A_7, %add3A_12 : i32
    "tpu.region"() ({
      %run_scoped3A = tpu.sem_alloc : memref<!tpu.dma_semaphore, #tpu.memory_space<semaphore_mem>>
      %dma_start3A_1363 = arith.constant 16384 : i32
      %dma_start3A_1364 = tpu.memref_slice %arg6[%dma_start3A_1363] : memref<32768xi32, #tpu.memory_space<vmem>> -> memref<8192xi32, #tpu.memory_space<vmem>>
      %dma_start3A_1365 = arith.constant 0 : i32
      %dma_start3A_1366 = tpu.memref_slice %arg3[%add3A_13, %dma_start3A_1365] : memref<128x8192xi32, #tpu.memory_space<hbm>> -> memref<1x8192xi32, #tpu.memory_space<hbm>>
      %dma_start3A_1367 = tpu.memref_squeeze %dma_start3A_1366 : memref<1x8192xi32, #tpu.memory_space<hbm>> -> memref<8192xi32, #tpu.memory_space<hbm>>
      %dma_start3A_1368 = arith.constant 16384 : i32
      %dma_start3A_1369 = tpu.memref_slice %arg6[%dma_start3A_1368] : memref<32768xi32, #tpu.memory_space<vmem>> -> memref<8192xi32, #tpu.memory_space<vmem>>
      %dma_start3A_1370 = arith.constant 0 : i32
      %dma_start3A_1371 = tpu.memref_slice %arg3[%add3A_13, %dma_start3A_1370] : memref<128x8192xi32, #tpu.memory_space<hbm>> -> memref<1x8192xi32, #tpu.memory_space<hbm>>
      %dma_start3A_1372 = tpu.memref_squeeze %dma_start3A_1371 : memref<1x8192xi32, #tpu.memory_space<hbm>> -> memref<8192xi32, #tpu.memory_space<hbm>>
      tpu.enqueue_dma source(%dma_start3A_1372 : memref<8192xi32, #tpu.memory_space<hbm>>) target(%dma_start3A_1369 : memref<8192xi32, #tpu.memory_space<vmem>>) target_semaphore(%run_scoped3A : memref<!tpu.dma_semaphore, #tpu.memory_space<semaphore_mem>>)
      %dma_wait3A_1373 = arith.constant 16384 : i32
      %dma_wait3A_1374 = tpu.memref_slice %arg6[%dma_wait3A_1373] : memref<32768xi32, #tpu.memory_space<vmem>> -> memref<8192xi32, #tpu.memory_space<vmem>>
      %dma_wait3A_1375 = arith.constant 0 : i32
      %dma_wait3A_1376 = tpu.memref_slice %arg3[%add3A_13, %dma_wait3A_1375] : memref<128x8192xi32, #tpu.memory_space<hbm>> -> memref<1x8192xi32, #tpu.memory_space<hbm>>
      %dma_wait3A_1377 = tpu.memref_squeeze %dma_wait3A_1376 : memref<1x8192xi32, #tpu.memory_space<hbm>> -> memref<8192xi32, #tpu.memory_space<hbm>>
      %dma_wait3A_1378 = arith.constant 16384 : i32
      %dma_wait3A_1379 = tpu.memref_slice %arg6[%dma_wait3A_1378] : memref<32768xi32, #tpu.memory_space<vmem>> -> memref<8192xi32, #tpu.memory_space<vmem>>
      %dma_wait3A_1380 = arith.constant 0 : i32
      %dma_wait3A_1381 = tpu.memref_slice %arg3[%add3A_13, %dma_wait3A_1380] : memref<128x8192xi32, #tpu.memory_space<hbm>> -> memref<1x8192xi32, #tpu.memory_space<hbm>>
      %dma_wait3A_1382 = tpu.memref_squeeze %dma_wait3A_1381 : memref<1x8192xi32, #tpu.memory_space<hbm>> -> memref<8192xi32, #tpu.memory_space<hbm>>
      tpu.wait_dma2 semaphore(%run_scoped3A : memref<!tpu.dma_semaphore, #tpu.memory_space<semaphore_mem>>) src(%dma_wait3A_1382 : memref<8192xi32, #tpu.memory_space<hbm>>) dst(%dma_wait3A_1379 : memref<8192xi32, #tpu.memory_space<vmem>>)
      tpu.yield
    }) : () -> ()
    %add3A_14 = arith.constant 3 : i32
    %add3A_15 = arith.addi %mul3A_7, %add3A_14 : i32
    "tpu.region"() ({
      %run_scoped3A = tpu.sem_alloc : memref<!tpu.dma_semaphore, #tpu.memory_space<semaphore_mem>>
      %dma_start3A_1363 = arith.constant 24576 : i32
      %dma_start3A_1364 = tpu.memref_slice %arg6[%dma_start3A_1363] : memref<32768xi32, #tpu.memory_space<vmem>> -> memref<8192xi32, #tpu.memory_space<vmem>>
      %dma_start3A_1365 = arith.constant 0 : i32
      %dma_start3A_1366 = tpu.memref_slice %arg3[%add3A_15, %dma_start3A_1365] : memref<128x8192xi32, #tpu.memory_space<hbm>> -> memref<1x8192xi32, #tpu.memory_space<hbm>>
      %dma_start3A_1367 = tpu.memref_squeeze %dma_start3A_1366 : memref<1x8192xi32, #tpu.memory_space<hbm>> -> memref<8192xi32, #tpu.memory_space<hbm>>
      %dma_start3A_1368 = arith.constant 24576 : i32
      %dma_start3A_1369 = tpu.memref_slice %arg6[%dma_start3A_1368] : memref<32768xi32, #tpu.memory_space<vmem>> -> memref<8192xi32, #tpu.memory_space<vmem>>
      %dma_start3A_1370 = arith.constant 0 : i32
      %dma_start3A_1371 = tpu.memref_slice %arg3[%add3A_15, %dma_start3A_1370] : memref<128x8192xi32, #tpu.memory_space<hbm>> -> memref<1x8192xi32, #tpu.memory_space<hbm>>
      %dma_start3A_1372 = tpu.memref_squeeze %dma_start3A_1371 : memref<1x8192xi32, #tpu.memory_space<hbm>> -> memref<8192xi32, #tpu.memory_space<hbm>>
      tpu.enqueue_dma source(%dma_start3A_1372 : memref<8192xi32, #tpu.memory_space<hbm>>) target(%dma_start3A_1369 : memref<8192xi32, #tpu.memory_space<vmem>>) target_semaphore(%run_scoped3A : memref<!tpu.dma_semaphore, #tpu.memory_space<semaphore_mem>>)
      %dma_wait3A_1373 = arith.constant 24576 : i32
      %dma_wait3A_1374 = tpu.memref_slice %arg6[%dma_wait3A_1373] : memref<32768xi32, #tpu.memory_space<vmem>> -> memref<8192xi32, #tpu.memory_space<vmem>>
      %dma_wait3A_1375 = arith.constant 0 : i32
      %dma_wait3A_1376 = tpu.memref_slice %arg3[%add3A_15, %dma_wait3A_1375] : memref<128x8192xi32, #tpu.memory_space<hbm>> -> memref<1x8192xi32, #tpu.memory_space<hbm>>
      %dma_wait3A_1377 = tpu.memref_squeeze %dma_wait3A_1376 : memref<1x8192xi32, #tpu.memory_space<hbm>> -> memref<8192xi32, #tpu.memory_space<hbm>>
      %dma_wait3A_1378 = arith.constant 24576 : i32
      %dma_wait3A_1379 = tpu.memref_slice %arg6[%dma_wait3A_1378] : memref<32768xi32, #tpu.memory_space<vmem>> -> memref<8192xi32, #tpu.memory_space<vmem>>
      %dma_wait3A_1380 = arith.constant 0 : i32
      %dma_wait3A_1381 = tpu.memref_slice %arg3[%add3A_15, %dma_wait3A_1380] : memref<128x8192xi32, #tpu.memory_space<hbm>> -> memref<1x8192xi32, #tpu.memory_space<hbm>>
      %dma_wait3A_1382 = tpu.memref_squeeze %dma_wait3A_1381 : memref<1x8192xi32, #tpu.memory_space<hbm>> -> memref<8192xi32, #tpu.memory_space<hbm>>
      tpu.wait_dma2 semaphore(%run_scoped3A : memref<!tpu.dma_semaphore, #tpu.memory_space<semaphore_mem>>) src(%dma_wait3A_1382 : memref<8192xi32, #tpu.memory_space<hbm>>) dst(%dma_wait3A_1379 : memref<8192xi32, #tpu.memory_space<vmem>>)
      tpu.yield
    }) : () -> ()
    %mul3A_16 = arith.constant 32 : i32
    %mul3A_17 = arith.muli %mul3A_7, %mul3A_16 : i32
    "tpu.region"() ({
      %run_scoped3A = tpu.sem_alloc : memref<!tpu.dma_semaphore, #tpu.memory_space<semaphore_mem>>
      %dma_start3A_1363 = tpu.memref_slice %arg2[%mul3A_17] : memref<4096xf32, #tpu.memory_space<hbm>> -> memref<128xf32, #tpu.memory_space<hbm>>
      %dma_start3A_1364 = tpu.memref_slice %arg2[%mul3A_17] : memref<4096xf32, #tpu.memory_space<hbm>> -> memref<128xf32, #tpu.memory_space<hbm>>
      tpu.enqueue_dma source(%dma_start3A_1364 : memref<128xf32, #tpu.memory_space<hbm>>) target(%arg8 : memref<128xf32, #tpu.memory_space<vmem>>) target_semaphore(%run_scoped3A : memref<!tpu.dma_semaphore, #tpu.memory_space<semaphore_mem>>)
      %dma_wait3A_1365 = tpu.memref_slice %arg2[%mul3A_17] : memref<4096xf32, #tpu.memory_space<hbm>> -> memref<128xf32, #tpu.memory_space<hbm>>
      %dma_wait3A_1366 = tpu.memref_slice %arg2[%mul3A_17] : memref<4096xf32, #tpu.memory_space<hbm>> -> memref<128xf32, #tpu.memory_space<hbm>>
      tpu.wait_dma2 semaphore(%run_scoped3A : memref<!tpu.dma_semaphore, #tpu.memory_space<semaphore_mem>>) src(%dma_wait3A_1366 : memref<128xf32, #tpu.memory_space<hbm>>) dst(%arg8 : memref<128xf32, #tpu.memory_space<vmem>>)
      tpu.yield
    }) : () -> ()
    %scan3A = arith.constant 0 : i32
    %scan3A_18 = arith.constant 512 : i32
    %scan3A_19 = arith.addi %scan3A, %scan3A_18 : i32
    %scan3A_20 = arith.constant 4 : i32
    %scan3A_21:4 = scf.for %scan3A_1363 = %scan3A to %scan3A_19 step %scan3A_20 iter_args(%scan3A_1364 = %broadcast_in_dim3A_1, %scan3A_1365 = %broadcast_in_dim3A_1, %scan3A_1366 = %broadcast_in_dim3A_1, %scan3A_1367 = %broadcast_in_dim3A_1) -> (vector<16xi32>, vector<16xi32>, vector<16xi32>, vector<16xi32>)  : i32 {
      %mul3A_1368 = arith.constant 16 : i32
      %mul3A_1369 = arith.muli %scan3A_1363, %mul3A_1368 : i32
      %add3A_1370 = arith.constant 0 : i32
      %add3A_1371 = arith.addi %add3A_1370, %mul3A_1369 : i32
      %get3A = arith.index_cast %add3A_1371 : i32 to index
      %get3A_1372 = tpu.vector_load %arg6[%get3A] {strides = array<i32>} : memref<32768xi32, #tpu.memory_space<vmem>>, vector<16xi32>,
      %gather3A_1373 = tpu.vector_load_idx %arg9[%get3A_1372] : memref<128xi32, #tpu.memory_space<vmem>>[vector<16xi32>], vector<16xi32>,
      %shift_right_arithmetic3A_1374 = arith.constant 0 : i32
      %shift_right_arithmetic3A_1375 = vector.broadcast %shift_right_arithmetic3A_1374 : i32 to vector<16xi32>
      %shift_right_arithmetic3A_1376 = arith.shrsi %gather3A_1373, %shift_right_arithmetic3A_1375 : vector<16xi32>
      %and3A_1377 = arith.constant 31 : i32
      %and3A_1378 = vector.broadcast %and3A_1377 : i32 to vector<16xi32>
      %and3A_1379 = arith.andi %shift_right_arithmetic3A_1376, %and3A_1378 : vector<16xi32>
      %shift_right_arithmetic3A_1380 = arith.shrsi %scan3A_1364, %and3A_1379 : vector<16xi32>
      %and3A_1381 = arith.constant 31 : i32
      %and3A_1382 = vector.broadcast %and3A_1381 : i32 to vector<16xi32>
      %and3A_1383 = arith.andi %shift_right_arithmetic3A_1380, %and3A_1382 : vector<16xi32>
      %shift_left3A_1384 = arith.constant 0 : i32
      %shift_left3A_1385 = vector.broadcast %shift_left3A_1384 : i32 to vector<16xi32>
      %shift_left3A_1386 = arith.shli %and3A_1383, %shift_left3A_1385 : vector<16xi32>
      %shift_right_arithmetic3A_1387 = arith.constant 5 : i32
      %shift_right_arithmetic3A_1388 = vector.broadcast %shift_right_arithmetic3A_1387 : i32 to vector<16xi32>
      %shift_right_arithmetic3A_1389 = arith.shrsi %gather3A_1373, %shift_right_arithmetic3A_1388 : vector<16xi32>
      %and3A_1390 = arith.constant 31 : i32
      %and3A_1391 = vector.broadcast %and3A_1390 : i32 to vector<16xi32>
      %and3A_1392 = arith.andi %shift_right_arithmetic3A_1389, %and3A_1391 : vector<16xi32>
      %shift_right_arithmetic3A_1393 = arith.shrsi %scan3A_1364, %and3A_1392 : vector<16xi32>
      %and3A_1394 = arith.constant 31 : i32
      %and3A_1395 = vector.broadcast %and3A_1394 : i32 to vector<16xi32>
      %and3A_1396 = arith.andi %shift_right_arithmetic3A_1393, %and3A_1395 : vector<16xi32>
      %shift_left3A_1397 = arith.constant 5 : i32
      %shift_left3A_1398 = vector.broadcast %shift_left3A_1397 : i32 to vector<16xi32>
      %shift_left3A_1399 = arith.shli %and3A_1396, %shift_left3A_1398 : vector<16xi32>
      %or3A_1400 = arith.ori %shift_left3A_1386, %shift_left3A_1399 : vector<16xi32>
      %shift_right_arithmetic3A_1401 = arith.constant 10 : i32
      %shift_right_arithmetic3A_1402 = vector.broadcast %shift_right_arithmetic3A_1401 : i32 to vector<16xi32>
      %shift_right_arithmetic3A_1403 = arith.shrsi %gather3A_1373, %shift_right_arithmetic3A_1402 : vector<16xi32>
      %and3A_1404 = arith.constant 31 : i32
      %and3A_1405 = vector.broadcast %and3A_1404 : i32 to vector<16xi32>
      %and3A_1406 = arith.andi %shift_right_arithmetic3A_1403, %and3A_1405 : vector<16xi32>
      %shift_right_arithmetic3A_1407 = arith.shrsi %scan3A_1364, %and3A_1406 : vector<16xi32>
      %and3A_1408 = arith.constant 31 : i32
      %and3A_1409 = vector.broadcast %and3A_1408 : i32 to vector<16xi32>
      %and3A_1410 = arith.andi %shift_right_arithmetic3A_1407, %and3A_1409 : vector<16xi32>
      %shift_left3A_1411 = arith.constant 10 : i32
      %shift_left3A_1412 = vector.broadcast %shift_left3A_1411 : i32 to vector<16xi32>
      %shift_left3A_1413 = arith.shli %and3A_1410, %shift_left3A_1412 : vector<16xi32>
      %or3A_1414 = arith.ori %or3A_1400, %shift_left3A_1413 : vector<16xi32>
      %shift_right_arithmetic3A_1415 = arith.constant 15 : i32
      %shift_right_arithmetic3A_1416 = vector.broadcast %shift_right_arithmetic3A_1415 : i32 to vector<16xi32>
      %shift_right_arithmetic3A_1417 = arith.shrsi %gather3A_1373, %shift_right_arithmetic3A_1416 : vector<16xi32>
      %and3A_1418 = arith.constant 31 : i32
      %and3A_1419 = vector.broadcast %and3A_1418 : i32 to vector<16xi32>
      %and3A_1420 = arith.andi %shift_right_arithmetic3A_1417, %and3A_1419 : vector<16xi32>
      %shift_right_arithmetic3A_1421 = arith.shrsi %scan3A_1364, %and3A_1420 : vector<16xi32>
      %and3A_1422 = arith.constant 31 : i32
      %and3A_1423 = vector.broadcast %and3A_1422 : i32 to vector<16xi32>
      %and3A_1424 = arith.andi %shift_right_arithmetic3A_1421, %and3A_1423 : vector<16xi32>
      %shift_left3A_1425 = arith.constant 15 : i32
      %shift_left3A_1426 = vector.broadcast %shift_left3A_1425 : i32 to vector<16xi32>
      %shift_left3A_1427 = arith.shli %and3A_1424, %shift_left3A_1426 : vector<16xi32>
      %or3A_1428 = arith.ori %or3A_1414, %shift_left3A_1427 : vector<16xi32>
      %shift_right_arithmetic3A_1429 = arith.constant 20 : i32
      %shift_right_arithmetic3A_1430 = vector.broadcast %shift_right_arithmetic3A_1429 : i32 to vector<16xi32>
      %shift_right_arithmetic3A_1431 = arith.shrsi %gather3A_1373, %shift_right_arithmetic3A_1430 : vector<16xi32>
      %and3A_1432 = arith.constant 31 : i32
      %and3A_1433 = vector.broadcast %and3A_1432 : i32 to vector<16xi32>
      %and3A_1434 = arith.andi %shift_right_arithmetic3A_1431, %and3A_1433 : vector<16xi32>
      %shift_right_arithmetic3A_1435 = arith.shrsi %scan3A_1364, %and3A_1434 : vector<16xi32>
      %and3A_1436 = arith.constant 31 : i32
      %and3A_1437 = vector.broadcast %and3A_1436 : i32 to vector<16xi32>
      %and3A_1438 = arith.andi %shift_right_arithmetic3A_1435, %and3A_1437 : vector<16xi32>
      %shift_left3A_1439 = arith.constant 20 : i32
      %shift_left3A_1440 = vector.broadcast %shift_left3A_1439 : i32 to vector<16xi32>
      %shift_left3A_1441 = arith.shli %and3A_1438, %shift_left3A_1440 : vector<16xi32>
      %or3A_1442 = arith.ori %or3A_1428, %shift_left3A_1441 : vector<16xi32>
      %mul3A_1443 = arith.constant 16 : i32
      %mul3A_1444 = arith.muli %scan3A_1363, %mul3A_1443 : i32
      %add3A_1445 = arith.constant 0 : i32
      %add3A_1446 = arith.addi %add3A_1445, %mul3A_1444 : i32
      %swap3A_1447 = arith.index_cast %add3A_1446 : i32 to index
      %swap3A_1448 = tpu.vector_load %arg6[%swap3A_1447] {strides = array<i32>} : memref<32768xi32, #tpu.memory_space<vmem>>, vector<16xi32>,
      tpu.vector_store %arg6[%swap3A_1447], %or3A_1442 {strides = array<i32>} : memref<32768xi32, #tpu.memory_space<vmem>>, vector<16xi32>,
      %mul3A_1449 = arith.constant 16 : i32
      %mul3A_1450 = arith.muli %scan3A_1363, %mul3A_1449 : i32
      %add3A_1451 = arith.constant 8192 : i32
      %add3A_1452 = arith.addi %add3A_1451, %mul3A_1450 : i32
      %get3A_1453 = arith.index_cast %add3A_1452 : i32 to index
      %get3A_1454 = tpu.vector_load %arg6[%get3A_1453] {strides = array<i32>} : memref<32768xi32, #tpu.memory_space<vmem>>, vector<16xi32>,
      %gather3A_1455 = tpu.vector_load_idx %arg9[%get3A_1454] : memref<128xi32, #tpu.memory_space<vmem>>[vector<16xi32>], vector<16xi32>,
      %shift_right_arithmetic3A_1456 = arith.constant 0 : i32
      %shift_right_arithmetic3A_1457 = vector.broadcast %shift_right_arithmetic3A_1456 : i32 to vector<16xi32>
      %shift_right_arithmetic3A_1458 = arith.shrsi %gather3A_1455, %shift_right_arithmetic3A_1457 : vector<16xi32>
      %and3A_1459 = arith.constant 31 : i32
      %and3A_1460 = vector.broadcast %and3A_1459 : i32 to vector<16xi32>
      %and3A_1461 = arith.andi %shift_right_arithmetic3A_1458, %and3A_1460 : vector<16xi32>
      %shift_right_arithmetic3A_1462 = arith.shrsi %scan3A_1365, %and3A_1461 : vector<16xi32>
      %and3A_1463 = arith.constant 31 : i32
      %and3A_1464 = vector.broadcast %and3A_1463 : i32 to vector<16xi32>
      %and3A_1465 = arith.andi %shift_right_arithmetic3A_1462, %and3A_1464 : vector<16xi32>
      %shift_left3A_1466 = arith.constant 0 : i32
      %shift_left3A_1467 = vector.broadcast %shift_left3A_1466 : i32 to vector<16xi32>
      %shift_left3A_1468 = arith.shli %and3A_1465, %shift_left3A_1467 : vector<16xi32>
      %shift_right_arithmetic3A_1469 = arith.constant 5 : i32
      %shift_right_arithmetic3A_1470 = vector.broadcast %shift_right_arithmetic3A_1469 : i32 to vector<16xi32>
      %shift_right_arithmetic3A_1471 = arith.shrsi %gather3A_1455, %shift_right_arithmetic3A_1470 : vector<16xi32>
      %and3A_1472 = arith.constant 31 : i32
      %and3A_1473 = vector.broadcast %and3A_1472 : i32 to vector<16xi32>
      %and3A_1474 = arith.andi %shift_right_arithmetic3A_1471, %and3A_1473 : vector<16xi32>
      %shift_right_arithmetic3A_1475 = arith.shrsi %scan3A_1365, %and3A_1474 : vector<16xi32>
      %and3A_1476 = arith.constant 31 : i32
      %and3A_1477 = vector.broadcast %and3A_1476 : i32 to vector<16xi32>
      %and3A_1478 = arith.andi %shift_right_arithmetic3A_1475, %and3A_1477 : vector<16xi32>
      %shift_left3A_1479 = arith.constant 5 : i32
      %shift_left3A_1480 = vector.broadcast %shift_left3A_1479 : i32 to vector<16xi32>
      %shift_left3A_1481 = arith.shli %and3A_1478, %shift_left3A_1480 : vector<16xi32>
      %or3A_1482 = arith.ori %shift_left3A_1468, %shift_left3A_1481 : vector<16xi32>
      %shift_right_arithmetic3A_1483 = arith.constant 10 : i32
      %shift_right_arithmetic3A_1484 = vector.broadcast %shift_right_arithmetic3A_1483 : i32 to vector<16xi32>
      %shift_right_arithmetic3A_1485 = arith.shrsi %gather3A_1455, %shift_right_arithmetic3A_1484 : vector<16xi32>
      %and3A_1486 = arith.constant 31 : i32
      %and3A_1487 = vector.broadcast %and3A_1486 : i32 to vector<16xi32>
      %and3A_1488 = arith.andi %shift_right_arithmetic3A_1485, %and3A_1487 : vector<16xi32>
      %shift_right_arithmetic3A_1489 = arith.shrsi %scan3A_1365, %and3A_1488 : vector<16xi32>
      %and3A_1490 = arith.constant 31 : i32
      %and3A_1491 = vector.broadcast %and3A_1490 : i32 to vector<16xi32>
      %and3A_1492 = arith.andi %shift_right_arithmetic3A_1489, %and3A_1491 : vector<16xi32>
      %shift_left3A_1493 = arith.constant 10 : i32
      %shift_left3A_1494 = vector.broadcast %shift_left3A_1493 : i32 to vector<16xi32>
      %shift_left3A_1495 = arith.shli %and3A_1492, %shift_left3A_1494 : vector<16xi32>
      %or3A_1496 = arith.ori %or3A_1482, %shift_left3A_1495 : vector<16xi32>
      %shift_right_arithmetic3A_1497 = arith.constant 15 : i32
      %shift_right_arithmetic3A_1498 = vector.broadcast %shift_right_arithmetic3A_1497 : i32 to vector<16xi32>
      %shift_right_arithmetic3A_1499 = arith.shrsi %gather3A_1455, %shift_right_arithmetic3A_1498 : vector<16xi32>
      %and3A_1500 = arith.constant 31 : i32
      %and3A_1501 = vector.broadcast %and3A_1500 : i32 to vector<16xi32>
      %and3A_1502 = arith.andi %shift_right_arithmetic3A_1499, %and3A_1501 : vector<16xi32>
      %shift_right_arithmetic3A_1503 = arith.shrsi %scan3A_1365, %and3A_1502 : vector<16xi32>
      %and3A_1504 = arith.constant 31 : i32
      %and3A_1505 = vector.broadcast %and3A_1504 : i32 to vector<16xi32>
      %and3A_1506 = arith.andi %shift_right_arithmetic3A_1503, %and3A_1505 : vector<16xi32>
      %shift_left3A_1507 = arith.constant 15 : i32
      %shift_left3A_1508 = vector.broadcast %shift_left3A_1507 : i32 to vector<16xi32>
      %shift_left3A_1509 = arith.shli %and3A_1506, %shift_left3A_1508 : vector<16xi32>
      %or3A_1510 = arith.ori %or3A_1496, %shift_left3A_1509 : vector<16xi32>
      %shift_right_arithmetic3A_1511 = arith.constant 20 : i32
      %shift_right_arithmetic3A_1512 = vector.broadcast %shift_right_arithmetic3A_1511 : i32 to vector<16xi32>
      %shift_right_arithmetic3A_1513 = arith.shrsi %gather3A_1455, %shift_right_arithmetic3A_1512 : vector<16xi32>
      %and3A_1514 = arith.constant 31 : i32
      %and3A_1515 = vector.broadcast %and3A_1514 : i32 to vector<16xi32>
      %and3A_1516 = arith.andi %shift_right_arithmetic3A_1513, %and3A_1515 : vector<16xi32>
      %shift_right_arithmetic3A_1517 = arith.shrsi %scan3A_1365, %and3A_1516 : vector<16xi32>
      %and3A_1518 = arith.constant 31 : i32
      %and3A_1519 = vector.broadcast %and3A_1518 : i32 to vector<16xi32>
      %and3A_1520 = arith.andi %shift_right_arithmetic3A_1517, %and3A_1519 : vector<16xi32>
      %shift_left3A_1521 = arith.constant 20 : i32
      %shift_left3A_1522 = vector.broadcast %shift_left3A_1521 : i32 to vector<16xi32>
      %shift_left3A_1523 = arith.shli %and3A_1520, %shift_left3A_1522 : vector<16xi32>
      %or3A_1524 = arith.ori %or3A_1510, %shift_left3A_1523 : vector<16xi32>
      %mul3A_1525 = arith.constant 16 : i32
      %mul3A_1526 = arith.muli %scan3A_1363, %mul3A_1525 : i32
      %add3A_1527 = arith.constant 8192 : i32
      %add3A_1528 = arith.addi %add3A_1527, %mul3A_1526 : i32
      %swap3A_1529 = arith.index_cast %add3A_1528 : i32 to index
      %swap3A_1530 = tpu.vector_load %arg6[%swap3A_1529] {strides = array<i32>} : memref<32768xi32, #tpu.memory_space<vmem>>, vector<16xi32>,
      tpu.vector_store %arg6[%swap3A_1529], %or3A_1524 {strides = array<i32>} : memref<32768xi32, #tpu.memory_space<vmem>>, vector<16xi32>,
      %mul3A_1531 = arith.constant 16 : i32
      %mul3A_1532 = arith.muli %scan3A_1363, %mul3A_1531 : i32
      %add3A_1533 = arith.constant 16384 : i32
      %add3A_1534 = arith.addi %add3A_1533, %mul3A_1532 : i32
      %get3A_1535 = arith.index_cast %add3A_1534 : i32 to index
      %get3A_1536 = tpu.vector_load %arg6[%get3A_1535] {strides = array<i32>} : memref<32768xi32, #tpu.memory_space<vmem>>, vector<16xi32>,
      %gather3A_1537 = tpu.vector_load_idx %arg9[%get3A_1536] : memref<128xi32, #tpu.memory_space<vmem>>[vector<16xi32>], vector<16xi32>,
      %shift_right_arithmetic3A_1538 = arith.constant 0 : i32
      %shift_right_arithmetic3A_1539 = vector.broadcast %shift_right_arithmetic3A_1538 : i32 to vector<16xi32>
      %shift_right_arithmetic3A_1540 = arith.shrsi %gather3A_1537, %shift_right_arithmetic3A_1539 : vector<16xi32>
      %and3A_1541 = arith.constant 31 : i32
      %and3A_1542 = vector.broadcast %and3A_1541 : i32 to vector<16xi32>
      %and3A_1543 = arith.andi %shift_right_arithmetic3A_1540, %and3A_1542 : vector<16xi32>
      %shift_right_arithmetic3A_1544 = arith.shrsi %scan3A_1366, %and3A_1543 : vector<16xi32>
      %and3A_1545 = arith.constant 31 : i32
      %and3A_1546 = vector.broadcast %and3A_1545 : i32 to vector<16xi32>
      %and3A_1547 = arith.andi %shift_right_arithmetic3A_1544, %and3A_1546 : vector<16xi32>
      %shift_left3A_1548 = arith.constant 0 : i32
      %shift_left3A_1549 = vector.broadcast %shift_left3A_1548 : i32 to vector<16xi32>
      %shift_left3A_1550 = arith.shli %and3A_1547, %shift_left3A_1549 : vector<16xi32>
      %shift_right_arithmetic3A_1551 = arith.constant 5 : i32
      %shift_right_arithmetic3A_1552 = vector.broadcast %shift_right_arithmetic3A_1551 : i32 to vector<16xi32>
      %shift_right_arithmetic3A_1553 = arith.shrsi %gather3A_1537, %shift_right_arithmetic3A_1552 : vector<16xi32>
      %and3A_1554 = arith.constant 31 : i32
      %and3A_1555 = vector.broadcast %and3A_1554 : i32 to vector<16xi32>
      %and3A_1556 = arith.andi %shift_right_arithmetic3A_1553, %and3A_1555 : vector<16xi32>
      %shift_right_arithmetic3A_1557 = arith.shrsi %scan3A_1366, %and3A_1556 : vector<16xi32>
      %and3A_1558 = arith.constant 31 : i32
      %and3A_1559 = vector.broadcast %and3A_1558 : i32 to vector<16xi32>
      %and3A_1560 = arith.andi %shift_right_arithmetic3A_1557, %and3A_1559 : vector<16xi32>
      %shift_left3A_1561 = arith.constant 5 : i32
      %shift_left3A_1562 = vector.broadcast %shift_left3A_1561 : i32 to vector<16xi32>
      %shift_left3A_1563 = arith.shli %and3A_1560, %shift_left3A_1562 : vector<16xi32>
      %or3A_1564 = arith.ori %shift_left3A_1550, %shift_left3A_1563 : vector<16xi32>
      %shift_right_arithmetic3A_1565 = arith.constant 10 : i32
      %shift_right_arithmetic3A_1566 = vector.broadcast %shift_right_arithmetic3A_1565 : i32 to vector<16xi32>
      %shift_right_arithmetic3A_1567 = arith.shrsi %gather3A_1537, %shift_right_arithmetic3A_1566 : vector<16xi32>
      %and3A_1568 = arith.constant 31 : i32
      %and3A_1569 = vector.broadcast %and3A_1568 : i32 to vector<16xi32>
      %and3A_1570 = arith.andi %shift_right_arithmetic3A_1567, %and3A_1569 : vector<16xi32>
      %shift_right_arithmetic3A_1571 = arith.shrsi %scan3A_1366, %and3A_1570 : vector<16xi32>
      %and3A_1572 = arith.constant 31 : i32
      %and3A_1573 = vector.broadcast %and3A_1572 : i32 to vector<16xi32>
      %and3A_1574 = arith.andi %shift_right_arithmetic3A_1571, %and3A_1573 : vector<16xi32>
      %shift_left3A_1575 = arith.constant 10 : i32
      %shift_left3A_1576 = vector.broadcast %shift_left3A_1575 : i32 to vector<16xi32>
      %shift_left3A_1577 = arith.shli %and3A_1574, %shift_left3A_1576 : vector<16xi32>
      %or3A_1578 = arith.ori %or3A_1564, %shift_left3A_1577 : vector<16xi32>
      %shift_right_arithmetic3A_1579 = arith.constant 15 : i32
      %shift_right_arithmetic3A_1580 = vector.broadcast %shift_right_arithmetic3A_1579 : i32 to vector<16xi32>
      %shift_right_arithmetic3A_1581 = arith.shrsi %gather3A_1537, %shift_right_arithmetic3A_1580 : vector<16xi32>
      %and3A_1582 = arith.constant 31 : i32
      %and3A_1583 = vector.broadcast %and3A_1582 : i32 to vector<16xi32>
      %and3A_1584 = arith.andi %shift_right_arithmetic3A_1581, %and3A_1583 : vector<16xi32>
      %shift_right_arithmetic3A_1585 = arith.shrsi %scan3A_1366, %and3A_1584 : vector<16xi32>
      %and3A_1586 = arith.constant 31 : i32
      %and3A_1587 = vector.broadcast %and3A_1586 : i32 to vector<16xi32>
      %and3A_1588 = arith.andi %shift_right_arithmetic3A_1585, %and3A_1587 : vector<16xi32>
      %shift_left3A_1589 = arith.constant 15 : i32
      %shift_left3A_1590 = vector.broadcast %shift_left3A_1589 : i32 to vector<16xi32>
      %shift_left3A_1591 = arith.shli %and3A_1588, %shift_left3A_1590 : vector<16xi32>
      %or3A_1592 = arith.ori %or3A_1578, %shift_left3A_1591 : vector<16xi32>
      %shift_right_arithmetic3A_1593 = arith.constant 20 : i32
      %shift_right_arithmetic3A_1594 = vector.broadcast %shift_right_arithmetic3A_1593 : i32 to vector<16xi32>
      %shift_right_arithmetic3A_1595 = arith.shrsi %gather3A_1537, %shift_right_arithmetic3A_1594 : vector<16xi32>
      %and3A_1596 = arith.constant 31 : i32
      %and3A_1597 = vector.broadcast %and3A_1596 : i32 to vector<16xi32>
      %and3A_1598 = arith.andi %shift_right_arithmetic3A_1595, %and3A_1597 : vector<16xi32>
      %shift_right_arithmetic3A_1599 = arith.shrsi %scan3A_1366, %and3A_1598 : vector<16xi32>
      %and3A_1600 = arith.constant 31 : i32
      %and3A_1601 = vector.broadcast %and3A_1600 : i32 to vector<16xi32>
      %and3A_1602 = arith.andi %shift_right_arithmetic3A_1599, %and3A_1601 : vector<16xi32>
      %shift_left3A_1603 = arith.constant 20 : i32
      %shift_left3A_1604 = vector.broadcast %shift_left3A_1603 : i32 to vector<16xi32>
      %shift_left3A_1605 = arith.shli %and3A_1602, %shift_left3A_1604 : vector<16xi32>
      %or3A_1606 = arith.ori %or3A_1592, %shift_left3A_1605 : vector<16xi32>
      %mul3A_1607 = arith.constant 16 : i32
      %mul3A_1608 = arith.muli %scan3A_1363, %mul3A_1607 : i32
      %add3A_1609 = arith.constant 16384 : i32
      %add3A_1610 = arith.addi %add3A_1609, %mul3A_1608 : i32
      %swap3A_1611 = arith.index_cast %add3A_1610 : i32 to index
      %swap3A_1612 = tpu.vector_load %arg6[%swap3A_1611] {strides = array<i32>} : memref<32768xi32, #tpu.memory_space<vmem>>, vector<16xi32>,
      tpu.vector_store %arg6[%swap3A_1611], %or3A_1606 {strides = array<i32>} : memref<32768xi32, #tpu.memory_space<vmem>>, vector<16xi32>,
      %mul3A_1613 = arith.constant 16 : i32
      %mul3A_1614 = arith.muli %scan3A_1363, %mul3A_1613 : i32
      %add3A_1615 = arith.constant 24576 : i32
      %add3A_1616 = arith.addi %add3A_1615, %mul3A_1614 : i32
      %get3A_1617 = arith.index_cast %add3A_1616 : i32 to index
      %get3A_1618 = tpu.vector_load %arg6[%get3A_1617] {strides = array<i32>} : memref<32768xi32, #tpu.memory_space<vmem>>, vector<16xi32>,
      %gather3A_1619 = tpu.vector_load_idx %arg9[%get3A_1618] : memref<128xi32, #tpu.memory_space<vmem>>[vector<16xi32>], vector<16xi32>,
      %shift_right_arithmetic3A_1620 = arith.constant 0 : i32
      %shift_right_arithmetic3A_1621 = vector.broadcast %shift_right_arithmetic3A_1620 : i32 to vector<16xi32>
      %shift_right_arithmetic3A_1622 = arith.shrsi %gather3A_1619, %shift_right_arithmetic3A_1621 : vector<16xi32>
      %and3A_1623 = arith.constant 31 : i32
      %and3A_1624 = vector.broadcast %and3A_1623 : i32 to vector<16xi32>
      %and3A_1625 = arith.andi %shift_right_arithmetic3A_1622, %and3A_1624 : vector<16xi32>
      %shift_right_arithmetic3A_1626 = arith.shrsi %scan3A_1367, %and3A_1625 : vector<16xi32>
      %and3A_1627 = arith.constant 31 : i32
      %and3A_1628 = vector.broadcast %and3A_1627 : i32 to vector<16xi32>
      %and3A_1629 = arith.andi %shift_right_arithmetic3A_1626, %and3A_1628 : vector<16xi32>
      %shift_left3A_1630 = arith.constant 0 : i32
      %shift_left3A_1631 = vector.broadcast %shift_left3A_1630 : i32 to vector<16xi32>
      %shift_left3A_1632 = arith.shli %and3A_1629, %shift_left3A_1631 : vector<16xi32>
      %shift_right_arithmetic3A_1633 = arith.constant 5 : i32
      %shift_right_arithmetic3A_1634 = vector.broadcast %shift_right_arithmetic3A_1633 : i32 to vector<16xi32>
      %shift_right_arithmetic3A_1635 = arith.shrsi %gather3A_1619, %shift_right_arithmetic3A_1634 : vector<16xi32>
      %and3A_1636 = arith.constant 31 : i32
      %and3A_1637 = vector.broadcast %and3A_1636 : i32 to vector<16xi32>
      %and3A_1638 = arith.andi %shift_right_arithmetic3A_1635, %and3A_1637 : vector<16xi32>
      %shift_right_arithmetic3A_1639 = arith.shrsi %scan3A_1367, %and3A_1638 : vector<16xi32>
      %and3A_1640 = arith.constant 31 : i32
      %and3A_1641 = vector.broadcast %and3A_1640 : i32 to vector<16xi32>
      %and3A_1642 = arith.andi %shift_right_arithmetic3A_1639, %and3A_1641 : vector<16xi32>
      %shift_left3A_1643 = arith.constant 5 : i32
      %shift_left3A_1644 = vector.broadcast %shift_left3A_1643 : i32 to vector<16xi32>
      %shift_left3A_1645 = arith.shli %and3A_1642, %shift_left3A_1644 : vector<16xi32>
      %or3A_1646 = arith.ori %shift_left3A_1632, %shift_left3A_1645 : vector<16xi32>
      %shift_right_arithmetic3A_1647 = arith.constant 10 : i32
      %shift_right_arithmetic3A_1648 = vector.broadcast %shift_right_arithmetic3A_1647 : i32 to vector<16xi32>
      %shift_right_arithmetic3A_1649 = arith.shrsi %gather3A_1619, %shift_right_arithmetic3A_1648 : vector<16xi32>
      %and3A_1650 = arith.constant 31 : i32
      %and3A_1651 = vector.broadcast %and3A_1650 : i32 to vector<16xi32>
      %and3A_1652 = arith.andi %shift_right_arithmetic3A_1649, %and3A_1651 : vector<16xi32>
      %shift_right_arithmetic3A_1653 = arith.shrsi %scan3A_1367, %and3A_1652 : vector<16xi32>
      %and3A_1654 = arith.constant 31 : i32
      %and3A_1655 = vector.broadcast %and3A_1654 : i32 to vector<16xi32>
      %and3A_1656 = arith.andi %shift_right_arithmetic3A_1653, %and3A_1655 : vector<16xi32>
      %shift_left3A_1657 = arith.constant 10 : i32
      %shift_left3A_1658 = vector.broadcast %shift_left3A_1657 : i32 to vector<16xi32>
      %shift_left3A_1659 = arith.shli %and3A_1656, %shift_left3A_1658 : vector<16xi32>
      %or3A_1660 = arith.ori %or3A_1646, %shift_left3A_1659 : vector<16xi32>
      %shift_right_arithmetic3A_1661 = arith.constant 15 : i32
      %shift_right_arithmetic3A_1662 = vector.broadcast %shift_right_arithmetic3A_1661 : i32 to vector<16xi32>
      %shift_right_arithmetic3A_1663 = arith.shrsi %gather3A_1619, %shift_right_arithmetic3A_1662 : vector<16xi32>
      %and3A_1664 = arith.constant 31 : i32
      %and3A_1665 = vector.broadcast %and3A_1664 : i32 to vector<16xi32>
      %and3A_1666 = arith.andi %shift_right_arithmetic3A_1663, %and3A_1665 : vector<16xi32>
      %shift_right_arithmetic3A_1667 = arith.shrsi %scan3A_1367, %and3A_1666 : vector<16xi32>
      %and3A_1668 = arith.constant 31 : i32
      %and3A_1669 = vector.broadcast %and3A_1668 : i32 to vector<16xi32>
      %and3A_1670 = arith.andi %shift_right_arithmetic3A_1667, %and3A_1669 : vector<16xi32>
      %shift_left3A_1671 = arith.constant 15 : i32
      %shift_left3A_1672 = vector.broadcast %shift_left3A_1671 : i32 to vector<16xi32>
      %shift_left3A_1673 = arith.shli %and3A_1670, %shift_left3A_1672 : vector<16xi32>
      %or3A_1674 = arith.ori %or3A_1660, %shift_left3A_1673 : vector<16xi32>
      %shift_right_arithmetic3A_1675 = arith.constant 20 : i32
      %shift_right_arithmetic3A_1676 = vector.broadcast %shift_right_arithmetic3A_1675 : i32 to vector<16xi32>
      %shift_right_arithmetic3A_1677 = arith.shrsi %gather3A_1619, %shift_right_arithmetic3A_1676 : vector<16xi32>
      %and3A_1678 = arith.constant 31 : i32
      %and3A_1679 = vector.broadcast %and3A_1678 : i32 to vector<16xi32>
      %and3A_1680 = arith.andi %shift_right_arithmetic3A_1677, %and3A_1679 : vector<16xi32>
      %shift_right_arithmetic3A_1681 = arith.shrsi %scan3A_1367, %and3A_1680 : vector<16xi32>
      %and3A_1682 = arith.constant 31 : i32
      %and3A_1683 = vector.broadcast %and3A_1682 : i32 to vector<16xi32>
      %and3A_1684 = arith.andi %shift_right_arithmetic3A_1681, %and3A_1683 : vector<16xi32>
      %shift_left3A_1685 = arith.constant 20 : i32
      %shift_left3A_1686 = vector.broadcast %shift_left3A_1685 : i32 to vector<16xi32>
      %shift_left3A_1687 = arith.shli %and3A_1684, %shift_left3A_1686 : vector<16xi32>
      %or3A_1688 = arith.ori %or3A_1674, %shift_left3A_1687 : vector<16xi32>
      %mul3A_1689 = arith.constant 16 : i32
      %mul3A_1690 = arith.muli %scan3A_1363, %mul3A_1689 : i32
      %add3A_1691 = arith.constant 24576 : i32
      %add3A_1692 = arith.addi %add3A_1691, %mul3A_1690 : i32
      %swap3A_1693 = arith.index_cast %add3A_1692 : i32 to index
      %swap3A_1694 = tpu.vector_load %arg6[%swap3A_1693] {strides = array<i32>} : memref<32768xi32, #tpu.memory_space<vmem>>, vector<16xi32>,
      tpu.vector_store %arg6[%swap3A_1693], %or3A_1688 {strides = array<i32>} : memref<32768xi32, #tpu.memory_space<vmem>>, vector<16xi32>,
      %scan3A_1695 = arith.constant 1 : i32
      %scan3A_1696 = arith.addi %scan3A_1363, %scan3A_1695 : i32
      %mul3A_1697 = arith.constant 16 : i32
      %mul3A_1698 = arith.muli %scan3A_1696, %mul3A_1697 : i32
      %add3A_1699 = arith.constant 0 : i32
      %add3A_1700 = arith.addi %add3A_1699, %mul3A_1698 : i32
      %get3A_1701 = arith.index_cast %add3A_1700 : i32 to index
      %get3A_1702 = tpu.vector_load %arg6[%get3A_1701] {strides = array<i32>} : memref<32768xi32, #tpu.memory_space<vmem>>, vector<16xi32>,
      %gather3A_1703 = tpu.vector_load_idx %arg9[%get3A_1702] : memref<128xi32, #tpu.memory_space<vmem>>[vector<16xi32>], vector<16xi32>,
      %shift_right_arithmetic3A_1704 = arith.constant 0 : i32
      %shift_right_arithmetic3A_1705 = vector.broadcast %shift_right_arithmetic3A_1704 : i32 to vector<16xi32>
      %shift_right_arithmetic3A_1706 = arith.shrsi %gather3A_1703, %shift_right_arithmetic3A_1705 : vector<16xi32>
      %and3A_1707 = arith.constant 31 : i32
      %and3A_1708 = vector.broadcast %and3A_1707 : i32 to vector<16xi32>
      %and3A_1709 = arith.andi %shift_right_arithmetic3A_1706, %and3A_1708 : vector<16xi32>
      %shift_right_arithmetic3A_1710 = arith.shrsi %or3A_1442, %and3A_1709 : vector<16xi32>
      %and3A_1711 = arith.constant 31 : i32
      %and3A_1712 = vector.broadcast %and3A_1711 : i32 to vector<16xi32>
      %and3A_1713 = arith.andi %shift_right_arithmetic3A_1710, %and3A_1712 : vector<16xi32>
      %shift_left3A_1714 = arith.constant 0 : i32
      %shift_left3A_1715 = vector.broadcast %shift_left3A_1714 : i32 to vector<16xi32>
      %shift_left3A_1716 = arith.shli %and3A_1713, %shift_left3A_1715 : vector<16xi32>
      %shift_right_arithmetic3A_1717 = arith.constant 5 : i32
      %shift_right_arithmetic3A_1718 = vector.broadcast %shift_right_arithmetic3A_1717 : i32 to vector<16xi32>
      %shift_right_arithmetic3A_1719 = arith.shrsi %gather3A_1703, %shift_right_arithmetic3A_1718 : vector<16xi32>
      %and3A_1720 = arith.constant 31 : i32
      %and3A_1721 = vector.broadcast %and3A_1720 : i32 to vector<16xi32>
      %and3A_1722 = arith.andi %shift_right_arithmetic3A_1719, %and3A_1721 : vector<16xi32>
      %shift_right_arithmetic3A_1723 = arith.shrsi %or3A_1442, %and3A_1722 : vector<16xi32>
      %and3A_1724 = arith.constant 31 : i32
      %and3A_1725 = vector.broadcast %and3A_1724 : i32 to vector<16xi32>
      %and3A_1726 = arith.andi %shift_right_arithmetic3A_1723, %and3A_1725 : vector<16xi32>
      %shift_left3A_1727 = arith.constant 5 : i32
      %shift_left3A_1728 = vector.broadcast %shift_left3A_1727 : i32 to vector<16xi32>
      %shift_left3A_1729 = arith.shli %and3A_1726, %shift_left3A_1728 : vector<16xi32>
      %or3A_1730 = arith.ori %shift_left3A_1716, %shift_left3A_1729 : vector<16xi32>
      %shift_right_arithmetic3A_1731 = arith.constant 10 : i32
      %shift_right_arithmetic3A_1732 = vector.broadcast %shift_right_arithmetic3A_1731 : i32 to vector<16xi32>
      %shift_right_arithmetic3A_1733 = arith.shrsi %gather3A_1703, %shift_right_arithmetic3A_1732 : vector<16xi32>
      %and3A_1734 = arith.constant 31 : i32
      %and3A_1735 = vector.broadcast %and3A_1734 : i32 to vector<16xi32>
      %and3A_1736 = arith.andi %shift_right_arithmetic3A_1733, %and3A_1735 : vector<16xi32>
      %shift_right_arithmetic3A_1737 = arith.shrsi %or3A_1442, %and3A_1736 : vector<16xi32>
      %and3A_1738 = arith.constant 31 : i32
      %and3A_1739 = vector.broadcast %and3A_1738 : i32 to vector<16xi32>
      %and3A_1740 = arith.andi %shift_right_arithmetic3A_1737, %and3A_1739 : vector<16xi32>
      %shift_left3A_1741 = arith.constant 10 : i32
      %shift_left3A_1742 = vector.broadcast %shift_left3A_1741 : i32 to vector<16xi32>
      %shift_left3A_1743 = arith.shli %and3A_1740, %shift_left3A_1742 : vector<16xi32>
      %or3A_1744 = arith.ori %or3A_1730, %shift_left3A_1743 : vector<16xi32>
      %shift_right_arithmetic3A_1745 = arith.constant 15 : i32
      %shift_right_arithmetic3A_1746 = vector.broadcast %shift_right_arithmetic3A_1745 : i32 to vector<16xi32>
      %shift_right_arithmetic3A_1747 = arith.shrsi %gather3A_1703, %shift_right_arithmetic3A_1746 : vector<16xi32>
      %and3A_1748 = arith.constant 31 : i32
      %and3A_1749 = vector.broadcast %and3A_1748 : i32 to vector<16xi32>
      %and3A_1750 = arith.andi %shift_right_arithmetic3A_1747, %and3A_1749 : vector<16xi32>
      %shift_right_arithmetic3A_1751 = arith.shrsi %or3A_1442, %and3A_1750 : vector<16xi32>
      %and3A_1752 = arith.constant 31 : i32
      %and3A_1753 = vector.broadcast %and3A_1752 : i32 to vector<16xi32>
      %and3A_1754 = arith.andi %shift_right_arithmetic3A_1751, %and3A_1753 : vector<16xi32>
      %shift_left3A_1755 = arith.constant 15 : i32
      %shift_left3A_1756 = vector.broadcast %shift_left3A_1755 : i32 to vector<16xi32>
      %shift_left3A_1757 = arith.shli %and3A_1754, %shift_left3A_1756 : vector<16xi32>
      %or3A_1758 = arith.ori %or3A_1744, %shift_left3A_1757 : vector<16xi32>
      %shift_right_arithmetic3A_1759 = arith.constant 20 : i32
      %shift_right_arithmetic3A_1760 = vector.broadcast %shift_right_arithmetic3A_1759 : i32 to vector<16xi32>
      %shift_right_arithmetic3A_1761 = arith.shrsi %gather3A_1703, %shift_right_arithmetic3A_1760 : vector<16xi32>
      %and3A_1762 = arith.constant 31 : i32
      %and3A_1763 = vector.broadcast %and3A_1762 : i32 to vector<16xi32>
      %and3A_1764 = arith.andi %shift_right_arithmetic3A_1761, %and3A_1763 : vector<16xi32>
      %shift_right_arithmetic3A_1765 = arith.shrsi %or3A_1442, %and3A_1764 : vector<16xi32>
      %and3A_1766 = arith.constant 31 : i32
      %and3A_1767 = vector.broadcast %and3A_1766 : i32 to vector<16xi32>
      %and3A_1768 = arith.andi %shift_right_arithmetic3A_1765, %and3A_1767 : vector<16xi32>
      %shift_left3A_1769 = arith.constant 20 : i32
      %shift_left3A_1770 = vector.broadcast %shift_left3A_1769 : i32 to vector<16xi32>
      %shift_left3A_1771 = arith.shli %and3A_1768, %shift_left3A_1770 : vector<16xi32>
      %or3A_1772 = arith.ori %or3A_1758, %shift_left3A_1771 : vector<16xi32>
      %mul3A_1773 = arith.constant 16 : i32
      %mul3A_1774 = arith.muli %scan3A_1696, %mul3A_1773 : i32
      %add3A_1775 = arith.constant 0 : i32
      %add3A_1776 = arith.addi %add3A_1775, %mul3A_1774 : i32
      %swap3A_1777 = arith.index_cast %add3A_1776 : i32 to index
      %swap3A_1778 = tpu.vector_load %arg6[%swap3A_1777] {strides = array<i32>} : memref<32768xi32, #tpu.memory_space<vmem>>, vector<16xi32>,
      tpu.vector_store %arg6[%swap3A_1777], %or3A_1772 {strides = array<i32>} : memref<32768xi32, #tpu.memory_space<vmem>>, vector<16xi32>,
      %mul3A_1779 = arith.constant 16 : i32
      %mul3A_1780 = arith.muli %scan3A_1696, %mul3A_1779 : i32
      %add3A_1781 = arith.constant 8192 : i32
      %add3A_1782 = arith.addi %add3A_1781, %mul3A_1780 : i32
      %get3A_1783 = arith.index_cast %add3A_1782 : i32 to index
      %get3A_1784 = tpu.vector_load %arg6[%get3A_1783] {strides = array<i32>} : memref<32768xi32, #tpu.memory_space<vmem>>, vector<16xi32>,
      %gather3A_1785 = tpu.vector_load_idx %arg9[%get3A_1784] : memref<128xi32, #tpu.memory_space<vmem>>[vector<16xi32>], vector<16xi32>,
      %shift_right_arithmetic3A_1786 = arith.constant 0 : i32
      %shift_right_arithmetic3A_1787 = vector.broadcast %shift_right_arithmetic3A_1786 : i32 to vector<16xi32>
      %shift_right_arithmetic3A_1788 = arith.shrsi %gather3A_1785, %shift_right_arithmetic3A_1787 : vector<16xi32>
      %and3A_1789 = arith.constant 31 : i32
      %and3A_1790 = vector.broadcast %and3A_1789 : i32 to vector<16xi32>
      %and3A_1791 = arith.andi %shift_right_arithmetic3A_1788, %and3A_1790 : vector<16xi32>
      %shift_right_arithmetic3A_1792 = arith.shrsi %or3A_1524, %and3A_1791 : vector<16xi32>
      %and3A_1793 = arith.constant 31 : i32
      %and3A_1794 = vector.broadcast %and3A_1793 : i32 to vector<16xi32>
      %and3A_1795 = arith.andi %shift_right_arithmetic3A_1792, %and3A_1794 : vector<16xi32>
      %shift_left3A_1796 = arith.constant 0 : i32
      %shift_left3A_1797 = vector.broadcast %shift_left3A_1796 : i32 to vector<16xi32>
      %shift_left3A_1798 = arith.shli %and3A_1795, %shift_left3A_1797 : vector<16xi32>
      %shift_right_arithmetic3A_1799 = arith.constant 5 : i32
      %shift_right_arithmetic3A_1800 = vector.broadcast %shift_right_arithmetic3A_1799 : i32 to vector<16xi32>
      %shift_right_arithmetic3A_1801 = arith.shrsi %gather3A_1785, %shift_right_arithmetic3A_1800 : vector<16xi32>
      %and3A_1802 = arith.constant 31 : i32
      %and3A_1803 = vector.broadcast %and3A_1802 : i32 to vector<16xi32>
      %and3A_1804 = arith.andi %shift_right_arithmetic3A_1801, %and3A_1803 : vector<16xi32>
      %shift_right_arithmetic3A_1805 = arith.shrsi %or3A_1524, %and3A_1804 : vector<16xi32>
      %and3A_1806 = arith.constant 31 : i32
      %and3A_1807 = vector.broadcast %and3A_1806 : i32 to vector<16xi32>
      %and3A_1808 = arith.andi %shift_right_arithmetic3A_1805, %and3A_1807 : vector<16xi32>
      %shift_left3A_1809 = arith.constant 5 : i32
      %shift_left3A_1810 = vector.broadcast %shift_left3A_1809 : i32 to vector<16xi32>
      %shift_left3A_1811 = arith.shli %and3A_1808, %shift_left3A_1810 : vector<16xi32>
      %or3A_1812 = arith.ori %shift_left3A_1798, %shift_left3A_1811 : vector<16xi32>
      %shift_right_arithmetic3A_1813 = arith.constant 10 : i32
      %shift_right_arithmetic3A_1814 = vector.broadcast %shift_right_arithmetic3A_1813 : i32 to vector<16xi32>
      %shift_right_arithmetic3A_1815 = arith.shrsi %gather3A_1785, %shift_right_arithmetic3A_1814 : vector<16xi32>
      %and3A_1816 = arith.constant 31 : i32
      %and3A_1817 = vector.broadcast %and3A_1816 : i32 to vector<16xi32>
      %and3A_1818 = arith.andi %shift_right_arithmetic3A_1815, %and3A_1817 : vector<16xi32>
      %shift_right_arithmetic3A_1819 = arith.shrsi %or3A_1524, %and3A_1818 : vector<16xi32>
      %and3A_1820 = arith.constant 31 : i32
      %and3A_1821 = vector.broadcast %and3A_1820 : i32 to vector<16xi32>
      %and3A_1822 = arith.andi %shift_right_arithmetic3A_1819, %and3A_1821 : vector<16xi32>
      %shift_left3A_1823 = arith.constant 10 : i32
      %shift_left3A_1824 = vector.broadcast %shift_left3A_1823 : i32 to vector<16xi32>
      %shift_left3A_1825 = arith.shli %and3A_1822, %shift_left3A_1824 : vector<16xi32>
      %or3A_1826 = arith.ori %or3A_1812, %shift_left3A_1825 : vector<16xi32>
      %shift_right_arithmetic3A_1827 = arith.constant 15 : i32
      %shift_right_arithmetic3A_1828 = vector.broadcast %shift_right_arithmetic3A_1827 : i32 to vector<16xi32>
      %shift_right_arithmetic3A_1829 = arith.shrsi %gather3A_1785, %shift_right_arithmetic3A_1828 : vector<16xi32>
      %and3A_1830 = arith.constant 31 : i32
      %and3A_1831 = vector.broadcast %and3A_1830 : i32 to vector<16xi32>
      %and3A_1832 = arith.andi %shift_right_arithmetic3A_1829, %and3A_1831 : vector<16xi32>
      %shift_right_arithmetic3A_1833 = arith.shrsi %or3A_1524, %and3A_1832 : vector<16xi32>
      %and3A_1834 = arith.constant 31 : i32
      %and3A_1835 = vector.broadcast %and3A_1834 : i32 to vector<16xi32>
      %and3A_1836 = arith.andi %shift_right_arithmetic3A_1833, %and3A_1835 : vector<16xi32>
      %shift_left3A_1837 = arith.constant 15 : i32
      %shift_left3A_1838 = vector.broadcast %shift_left3A_1837 : i32 to vector<16xi32>
      %shift_left3A_1839 = arith.shli %and3A_1836, %shift_left3A_1838 : vector<16xi32>
      %or3A_1840 = arith.ori %or3A_1826, %shift_left3A_1839 : vector<16xi32>
      %shift_right_arithmetic3A_1841 = arith.constant 20 : i32
      %shift_right_arithmetic3A_1842 = vector.broadcast %shift_right_arithmetic3A_1841 : i32 to vector<16xi32>
      %shift_right_arithmetic3A_1843 = arith.shrsi %gather3A_1785, %shift_right_arithmetic3A_1842 : vector<16xi32>
      %and3A_1844 = arith.constant 31 : i32
      %and3A_1845 = vector.broadcast %and3A_1844 : i32 to vector<16xi32>
      %and3A_1846 = arith.andi %shift_right_arithmetic3A_1843, %and3A_1845 : vector<16xi32>
      %shift_right_arithmetic3A_1847 = arith.shrsi %or3A_1524, %and3A_1846 : vector<16xi32>
      %and3A_1848 = arith.constant 31 : i32
      %and3A_1849 = vector.broadcast %and3A_1848 : i32 to vector<16xi32>
      %and3A_1850 = arith.andi %shift_right_arithmetic3A_1847, %and3A_1849 : vector<16xi32>
      %shift_left3A_1851 = arith.constant 20 : i32
      %shift_left3A_1852 = vector.broadcast %shift_left3A_1851 : i32 to vector<16xi32>
      %shift_left3A_1853 = arith.shli %and3A_1850, %shift_left3A_1852 : vector<16xi32>
      %or3A_1854 = arith.ori %or3A_1840, %shift_left3A_1853 : vector<16xi32>
      %mul3A_1855 = arith.constant 16 : i32
      %mul3A_1856 = arith.muli %scan3A_1696, %mul3A_1855 : i32
      %add3A_1857 = arith.constant 8192 : i32
      %add3A_1858 = arith.addi %add3A_1857, %mul3A_1856 : i32
      %swap3A_1859 = arith.index_cast %add3A_1858 : i32 to index
      %swap3A_1860 = tpu.vector_load %arg6[%swap3A_1859] {strides = array<i32>} : memref<32768xi32, #tpu.memory_space<vmem>>, vector<16xi32>,
      tpu.vector_store %arg6[%swap3A_1859], %or3A_1854 {strides = array<i32>} : memref<32768xi32, #tpu.memory_space<vmem>>, vector<16xi32>,
      %mul3A_1861 = arith.constant 16 : i32
      %mul3A_1862 = arith.muli %scan3A_1696, %mul3A_1861 : i32
      %add3A_1863 = arith.constant 16384 : i32
      %add3A_1864 = arith.addi %add3A_1863, %mul3A_1862 : i32
      %get3A_1865 = arith.index_cast %add3A_1864 : i32 to index
      %get3A_1866 = tpu.vector_load %arg6[%get3A_1865] {strides = array<i32>} : memref<32768xi32, #tpu.memory_space<vmem>>, vector<16xi32>,
      %gather3A_1867 = tpu.vector_load_idx %arg9[%get3A_1866] : memref<128xi32, #tpu.memory_space<vmem>>[vector<16xi32>], vector<16xi32>,
      %shift_right_arithmetic3A_1868 = arith.constant 0 : i32
      %shift_right_arithmetic3A_1869 = vector.broadcast %shift_right_arithmetic3A_1868 : i32 to vector<16xi32>
      %shift_right_arithmetic3A_1870 = arith.shrsi %gather3A_1867, %shift_right_arithmetic3A_1869 : vector<16xi32>
      %and3A_1871 = arith.constant 31 : i32
      %and3A_1872 = vector.broadcast %and3A_1871 : i32 to vector<16xi32>
      %and3A_1873 = arith.andi %shift_right_arithmetic3A_1870, %and3A_1872 : vector<16xi32>
      %shift_right_arithmetic3A_1874 = arith.shrsi %or3A_1606, %and3A_1873 : vector<16xi32>
      %and3A_1875 = arith.constant 31 : i32
      %and3A_1876 = vector.broadcast %and3A_1875 : i32 to vector<16xi32>
      %and3A_1877 = arith.andi %shift_right_arithmetic3A_1874, %and3A_1876 : vector<16xi32>
      %shift_left3A_1878 = arith.constant 0 : i32
      %shift_left3A_1879 = vector.broadcast %shift_left3A_1878 : i32 to vector<16xi32>
      %shift_left3A_1880 = arith.shli %and3A_1877, %shift_left3A_1879 : vector<16xi32>
      %shift_right_arithmetic3A_1881 = arith.constant 5 : i32
      %shift_right_arithmetic3A_1882 = vector.broadcast %shift_right_arithmetic3A_1881 : i32 to vector<16xi32>
      %shift_right_arithmetic3A_1883 = arith.shrsi %gather3A_1867, %shift_right_arithmetic3A_1882 : vector<16xi32>
      %and3A_1884 = arith.constant 31 : i32
      %and3A_1885 = vector.broadcast %and3A_1884 : i32 to vector<16xi32>
      %and3A_1886 = arith.andi %shift_right_arithmetic3A_1883, %and3A_1885 : vector<16xi32>
      %shift_right_arithmetic3A_1887 = arith.shrsi %or3A_1606, %and3A_1886 : vector<16xi32>
      %and3A_1888 = arith.constant 31 : i32
      %and3A_1889 = vector.broadcast %and3A_1888 : i32 to vector<16xi32>
      %and3A_1890 = arith.andi %shift_right_arithmetic3A_1887, %and3A_1889 : vector<16xi32>
      %shift_left3A_1891 = arith.constant 5 : i32
      %shift_left3A_1892 = vector.broadcast %shift_left3A_1891 : i32 to vector<16xi32>
      %shift_left3A_1893 = arith.shli %and3A_1890, %shift_left3A_1892 : vector<16xi32>
      %or3A_1894 = arith.ori %shift_left3A_1880, %shift_left3A_1893 : vector<16xi32>
      %shift_right_arithmetic3A_1895 = arith.constant 10 : i32
      %shift_right_arithmetic3A_1896 = vector.broadcast %shift_right_arithmetic3A_1895 : i32 to vector<16xi32>
      %shift_right_arithmetic3A_1897 = arith.shrsi %gather3A_1867, %shift_right_arithmetic3A_1896 : vector<16xi32>
      %and3A_1898 = arith.constant 31 : i32
      %and3A_1899 = vector.broadcast %and3A_1898 : i32 to vector<16xi32>
      %and3A_1900 = arith.andi %shift_right_arithmetic3A_1897, %and3A_1899 : vector<16xi32>
      %shift_right_arithmetic3A_1901 = arith.shrsi %or3A_1606, %and3A_1900 : vector<16xi32>
      %and3A_1902 = arith.constant 31 : i32
      %and3A_1903 = vector.broadcast %and3A_1902 : i32 to vector<16xi32>
      %and3A_1904 = arith.andi %shift_right_arithmetic3A_1901, %and3A_1903 : vector<16xi32>
      %shift_left3A_1905 = arith.constant 10 : i32
      %shift_left3A_1906 = vector.broadcast %shift_left3A_1905 : i32 to vector<16xi32>
      %shift_left3A_1907 = arith.shli %and3A_1904, %shift_left3A_1906 : vector<16xi32>
      %or3A_1908 = arith.ori %or3A_1894, %shift_left3A_1907 : vector<16xi32>
      %shift_right_arithmetic3A_1909 = arith.constant 15 : i32
      %shift_right_arithmetic3A_1910 = vector.broadcast %shift_right_arithmetic3A_1909 : i32 to vector<16xi32>
      %shift_right_arithmetic3A_1911 = arith.shrsi %gather3A_1867, %shift_right_arithmetic3A_1910 : vector<16xi32>
      %and3A_1912 = arith.constant 31 : i32
      %and3A_1913 = vector.broadcast %and3A_1912 : i32 to vector<16xi32>
      %and3A_1914 = arith.andi %shift_right_arithmetic3A_1911, %and3A_1913 : vector<16xi32>
      %shift_right_arithmetic3A_1915 = arith.shrsi %or3A_1606, %and3A_1914 : vector<16xi32>
      %and3A_1916 = arith.constant 31 : i32
      %and3A_1917 = vector.broadcast %and3A_1916 : i32 to vector<16xi32>
      %and3A_1918 = arith.andi %shift_right_arithmetic3A_1915, %and3A_1917 : vector<16xi32>
      %shift_left3A_1919 = arith.constant 15 : i32
      %shift_left3A_1920 = vector.broadcast %shift_left3A_1919 : i32 to vector<16xi32>
      %shift_left3A_1921 = arith.shli %and3A_1918, %shift_left3A_1920 : vector<16xi32>
      %or3A_1922 = arith.ori %or3A_1908, %shift_left3A_1921 : vector<16xi32>
      %shift_right_arithmetic3A_1923 = arith.constant 20 : i32
      %shift_right_arithmetic3A_1924 = vector.broadcast %shift_right_arithmetic3A_1923 : i32 to vector<16xi32>
      %shift_right_arithmetic3A_1925 = arith.shrsi %gather3A_1867, %shift_right_arithmetic3A_1924 : vector<16xi32>
      %and3A_1926 = arith.constant 31 : i32
      %and3A_1927 = vector.broadcast %and3A_1926 : i32 to vector<16xi32>
      %and3A_1928 = arith.andi %shift_right_arithmetic3A_1925, %and3A_1927 : vector<16xi32>
      %shift_right_arithmetic3A_1929 = arith.shrsi %or3A_1606, %and3A_1928 : vector<16xi32>
      %and3A_1930 = arith.constant 31 : i32
      %and3A_1931 = vector.broadcast %and3A_1930 : i32 to vector<16xi32>
      %and3A_1932 = arith.andi %shift_right_arithmetic3A_1929, %and3A_1931 : vector<16xi32>
      %shift_left3A_1933 = arith.constant 20 : i32
      %shift_left3A_1934 = vector.broadcast %shift_left3A_1933 : i32 to vector<16xi32>
      %shift_left3A_1935 = arith.shli %and3A_1932, %shift_left3A_1934 : vector<16xi32>
      %or3A_1936 = arith.ori %or3A_1922, %shift_left3A_1935 : vector<16xi32>
      %mul3A_1937 = arith.constant 16 : i32
      %mul3A_1938 = arith.muli %scan3A_1696, %mul3A_1937 : i32
      %add3A_1939 = arith.constant 16384 : i32
      %add3A_1940 = arith.addi %add3A_1939, %mul3A_1938 : i32
      %swap3A_1941 = arith.index_cast %add3A_1940 : i32 to index
      %swap3A_1942 = tpu.vector_load %arg6[%swap3A_1941] {strides = array<i32>} : memref<32768xi32, #tpu.memory_space<vmem>>, vector<16xi32>,
      tpu.vector_store %arg6[%swap3A_1941], %or3A_1936 {strides = array<i32>} : memref<32768xi32, #tpu.memory_space<vmem>>, vector<16xi32>,
      %mul3A_1943 = arith.constant 16 : i32
      %mul3A_1944 = arith.muli %scan3A_1696, %mul3A_1943 : i32
      %add3A_1945 = arith.constant 24576 : i32
      %add3A_1946 = arith.addi %add3A_1945, %mul3A_1944 : i32
      %get3A_1947 = arith.index_cast %add3A_1946 : i32 to index
      %get3A_1948 = tpu.vector_load %arg6[%get3A_1947] {strides = array<i32>} : memref<32768xi32, #tpu.memory_space<vmem>>, vector<16xi32>,
      %gather3A_1949 = tpu.vector_load_idx %arg9[%get3A_1948] : memref<128xi32, #tpu.memory_space<vmem>>[vector<16xi32>], vector<16xi32>,
      %shift_right_arithmetic3A_1950 = arith.constant 0 : i32
      %shift_right_arithmetic3A_1951 = vector.broadcast %shift_right_arithmetic3A_1950 : i32 to vector<16xi32>
      %shift_right_arithmetic3A_1952 = arith.shrsi %gather3A_1949, %shift_right_arithmetic3A_1951 : vector<16xi32>
      %and3A_1953 = arith.constant 31 : i32
      %and3A_1954 = vector.broadcast %and3A_1953 : i32 to vector<16xi32>
      %and3A_1955 = arith.andi %shift_right_arithmetic3A_1952, %and3A_1954 : vector<16xi32>
      %shift_right_arithmetic3A_1956 = arith.shrsi %or3A_1688, %and3A_1955 : vector<16xi32>
      %and3A_1957 = arith.constant 31 : i32
      %and3A_1958 = vector.broadcast %and3A_1957 : i32 to vector<16xi32>
      %and3A_1959 = arith.andi %shift_right_arithmetic3A_1956, %and3A_1958 : vector<16xi32>
      %shift_left3A_1960 = arith.constant 0 : i32
      %shift_left3A_1961 = vector.broadcast %shift_left3A_1960 : i32 to vector<16xi32>
      %shift_left3A_1962 = arith.shli %and3A_1959, %shift_left3A_1961 : vector<16xi32>
      %shift_right_arithmetic3A_1963 = arith.constant 5 : i32
      %shift_right_arithmetic3A_1964 = vector.broadcast %shift_right_arithmetic3A_1963 : i32 to vector<16xi32>
      %shift_right_arithmetic3A_1965 = arith.shrsi %gather3A_1949, %shift_right_arithmetic3A_1964 : vector<16xi32>
      %and3A_1966 = arith.constant 31 : i32
      %and3A_1967 = vector.broadcast %and3A_1966 : i32 to vector<16xi32>
      %and3A_1968 = arith.andi %shift_right_arithmetic3A_1965, %and3A_1967 : vector<16xi32>
      %shift_right_arithmetic3A_1969 = arith.shrsi %or3A_1688, %and3A_1968 : vector<16xi32>
      %and3A_1970 = arith.constant 31 : i32
      %and3A_1971 = vector.broadcast %and3A_1970 : i32 to vector<16xi32>
      %and3A_1972 = arith.andi %shift_right_arithmetic3A_1969, %and3A_1971 : vector<16xi32>
      %shift_left3A_1973 = arith.constant 5 : i32
      %shift_left3A_1974 = vector.broadcast %shift_left3A_1973 : i32 to vector<16xi32>
      %shift_left3A_1975 = arith.shli %and3A_1972, %shift_left3A_1974 : vector<16xi32>
      %or3A_1976 = arith.ori %shift_left3A_1962, %shift_left3A_1975 : vector<16xi32>
      %shift_right_arithmetic3A_1977 = arith.constant 10 : i32
      %shift_right_arithmetic3A_1978 = vector.broadcast %shift_right_arithmetic3A_1977 : i32 to vector<16xi32>
      %shift_right_arithmetic3A_1979 = arith.shrsi %gather3A_1949, %shift_right_arithmetic3A_1978 : vector<16xi32>
      %and3A_1980 = arith.constant 31 : i32
      %and3A_1981 = vector.broadcast %and3A_1980 : i32 to vector<16xi32>
      %and3A_1982 = arith.andi %shift_right_arithmetic3A_1979, %and3A_1981 : vector<16xi32>
      %shift_right_arithmetic3A_1983 = arith.shrsi %or3A_1688, %and3A_1982 : vector<16xi32>
      %and3A_1984 = arith.constant 31 : i32
      %and3A_1985 = vector.broadcast %and3A_1984 : i32 to vector<16xi32>
      %and3A_1986 = arith.andi %shift_right_arithmetic3A_1983, %and3A_1985 : vector<16xi32>
      %shift_left3A_1987 = arith.constant 10 : i32
      %shift_left3A_1988 = vector.broadcast %shift_left3A_1987 : i32 to vector<16xi32>
      %shift_left3A_1989 = arith.shli %and3A_1986, %shift_left3A_1988 : vector<16xi32>
      %or3A_1990 = arith.ori %or3A_1976, %shift_left3A_1989 : vector<16xi32>
      %shift_right_arithmetic3A_1991 = arith.constant 15 : i32
      %shift_right_arithmetic3A_1992 = vector.broadcast %shift_right_arithmetic3A_1991 : i32 to vector<16xi32>
      %shift_right_arithmetic3A_1993 = arith.shrsi %gather3A_1949, %shift_right_arithmetic3A_1992 : vector<16xi32>
      %and3A_1994 = arith.constant 31 : i32
      %and3A_1995 = vector.broadcast %and3A_1994 : i32 to vector<16xi32>
      %and3A_1996 = arith.andi %shift_right_arithmetic3A_1993, %and3A_1995 : vector<16xi32>
      %shift_right_arithmetic3A_1997 = arith.shrsi %or3A_1688, %and3A_1996 : vector<16xi32>
      %and3A_1998 = arith.constant 31 : i32
      %and3A_1999 = vector.broadcast %and3A_1998 : i32 to vector<16xi32>
      %and3A_2000 = arith.andi %shift_right_arithmetic3A_1997, %and3A_1999 : vector<16xi32>
      %shift_left3A_2001 = arith.constant 15 : i32
      %shift_left3A_2002 = vector.broadcast %shift_left3A_2001 : i32 to vector<16xi32>
      %shift_left3A_2003 = arith.shli %and3A_2000, %shift_left3A_2002 : vector<16xi32>
      %or3A_2004 = arith.ori %or3A_1990, %shift_left3A_2003 : vector<16xi32>
      %shift_right_arithmetic3A_2005 = arith.constant 20 : i32
      %shift_right_arithmetic3A_2006 = vector.broadcast %shift_right_arithmetic3A_2005 : i32 to vector<16xi32>
      %shift_right_arithmetic3A_2007 = arith.shrsi %gather3A_1949, %shift_right_arithmetic3A_2006 : vector<16xi32>
      %and3A_2008 = arith.constant 31 : i32
      %and3A_2009 = vector.broadcast %and3A_2008 : i32 to vector<16xi32>
      %and3A_2010 = arith.andi %shift_right_arithmetic3A_2007, %and3A_2009 : vector<16xi32>
      %shift_right_arithmetic3A_2011 = arith.shrsi %or3A_1688, %and3A_2010 : vector<16xi32>
      %and3A_2012 = arith.constant 31 : i32
      %and3A_2013 = vector.broadcast %and3A_2012 : i32 to vector<16xi32>
      %and3A_2014 = arith.andi %shift_right_arithmetic3A_2011, %and3A_2013 : vector<16xi32>
      %shift_left3A_2015 = arith.constant 20 : i32
      %shift_left3A_2016 = vector.broadcast %shift_left3A_2015 : i32 to vector<16xi32>
      %shift_left3A_2017 = arith.shli %and3A_2014, %shift_left3A_2016 : vector<16xi32>
      %or3A_2018 = arith.ori %or3A_2004, %shift_left3A_2017 : vector<16xi32>
      %mul3A_2019 = arith.constant 16 : i32
      %mul3A_2020 = arith.muli %scan3A_1696, %mul3A_2019 : i32
      %add3A_2021 = arith.constant 24576 : i32
      %add3A_2022 = arith.addi %add3A_2021, %mul3A_2020 : i32
      %swap3A_2023 = arith.index_cast %add3A_2022 : i32 to index
      %swap3A_2024 = tpu.vector_load %arg6[%swap3A_2023] {strides = array<i32>} : memref<32768xi32, #tpu.memory_space<vmem>>, vector<16xi32>,
      tpu.vector_store %arg6[%swap3A_2023], %or3A_2018 {strides = array<i32>} : memref<32768xi32, #tpu.memory_space<vmem>>, vector<16xi32>,
      %scan3A_2025 = arith.constant 2 : i32
      %scan3A_2026 = arith.addi %scan3A_1363, %scan3A_2025 : i32
      %mul3A_2027 = arith.constant 16 : i32
      %mul3A_2028 = arith.muli %scan3A_2026, %mul3A_2027 : i32
      %add3A_2029 = arith.constant 0 : i32
      %add3A_2030 = arith.addi %add3A_2029, %mul3A_2028 : i32
      %get3A_2031 = arith.index_cast %add3A_2030 : i32 to index
      %get3A_2032 = tpu.vector_load %arg6[%get3A_2031] {strides = array<i32>} : memref<32768xi32, #tpu.memory_space<vmem>>, vector<16xi32>,
      %gather3A_2033 = tpu.vector_load_idx %arg9[%get3A_2032] : memref<128xi32, #tpu.memory_space<vmem>>[vector<16xi32>], vector<16xi32>,
      %shift_right_arithmetic3A_2034 = arith.constant 0 : i32
      %shift_right_arithmetic3A_2035 = vector.broadcast %shift_right_arithmetic3A_2034 : i32 to vector<16xi32>
      %shift_right_arithmetic3A_2036 = arith.shrsi %gather3A_2033, %shift_right_arithmetic3A_2035 : vector<16xi32>
      %and3A_2037 = arith.constant 31 : i32
      %and3A_2038 = vector.broadcast %and3A_2037 : i32 to vector<16xi32>
      %and3A_2039 = arith.andi %shift_right_arithmetic3A_2036, %and3A_2038 : vector<16xi32>
      %shift_right_arithmetic3A_2040 = arith.shrsi %or3A_1772, %and3A_2039 : vector<16xi32>
      %and3A_2041 = arith.constant 31 : i32
      %and3A_2042 = vector.broadcast %and3A_2041 : i32 to vector<16xi32>
      %and3A_2043 = arith.andi %shift_right_arithmetic3A_2040, %and3A_2042 : vector<16xi32>
      %shift_left3A_2044 = arith.constant 0 : i32
      %shift_left3A_2045 = vector.broadcast %shift_left3A_2044 : i32 to vector<16xi32>
      %shift_left3A_2046 = arith.shli %and3A_2043, %shift_left3A_2045 : vector<16xi32>
      %shift_right_arithmetic3A_2047 = arith.constant 5 : i32
      %shift_right_arithmetic3A_2048 = vector.broadcast %shift_right_arithmetic3A_2047 : i32 to vector<16xi32>
      %shift_right_arithmetic3A_2049 = arith.shrsi %gather3A_2033, %shift_right_arithmetic3A_2048 : vector<16xi32>
      %and3A_2050 = arith.constant 31 : i32
      %and3A_2051 = vector.broadcast %and3A_2050 : i32 to vector<16xi32>
      %and3A_2052 = arith.andi %shift_right_arithmetic3A_2049, %and3A_2051 : vector<16xi32>
      %shift_right_arithmetic3A_2053 = arith.shrsi %or3A_1772, %and3A_2052 : vector<16xi32>
      %and3A_2054 = arith.constant 31 : i32
      %and3A_2055 = vector.broadcast %and3A_2054 : i32 to vector<16xi32>
      %and3A_2056 = arith.andi %shift_right_arithmetic3A_2053, %and3A_2055 : vector<16xi32>
      %shift_left3A_2057 = arith.constant 5 : i32
      %shift_left3A_2058 = vector.broadcast %shift_left3A_2057 : i32 to vector<16xi32>
      %shift_left3A_2059 = arith.shli %and3A_2056, %shift_left3A_2058 : vector<16xi32>
      %or3A_2060 = arith.ori %shift_left3A_2046, %shift_left3A_2059 : vector<16xi32>
      %shift_right_arithmetic3A_2061 = arith.constant 10 : i32
      %shift_right_arithmetic3A_2062 = vector.broadcast %shift_right_arithmetic3A_2061 : i32 to vector<16xi32>
      %shift_right_arithmetic3A_2063 = arith.shrsi %gather3A_2033, %shift_right_arithmetic3A_2062 : vector<16xi32>
      %and3A_2064 = arith.constant 31 : i32
      %and3A_2065 = vector.broadcast %and3A_2064 : i32 to vector<16xi32>
      %and3A_2066 = arith.andi %shift_right_arithmetic3A_2063, %and3A_2065 : vector<16xi32>
      %shift_right_arithmetic3A_2067 = arith.shrsi %or3A_1772, %and3A_2066 : vector<16xi32>
      %and3A_2068 = arith.constant 31 : i32
      %and3A_2069 = vector.broadcast %and3A_2068 : i32 to vector<16xi32>
      %and3A_2070 = arith.andi %shift_right_arithmetic3A_2067, %and3A_2069 : vector<16xi32>
      %shift_left3A_2071 = arith.constant 10 : i32
      %shift_left3A_2072 = vector.broadcast %shift_left3A_2071 : i32 to vector<16xi32>
      %shift_left3A_2073 = arith.shli %and3A_2070, %shift_left3A_2072 : vector<16xi32>
      %or3A_2074 = arith.ori %or3A_2060, %shift_left3A_2073 : vector<16xi32>
      %shift_right_arithmetic3A_2075 = arith.constant 15 : i32
      %shift_right_arithmetic3A_2076 = vector.broadcast %shift_right_arithmetic3A_2075 : i32 to vector<16xi32>
      %shift_right_arithmetic3A_2077 = arith.shrsi %gather3A_2033, %shift_right_arithmetic3A_2076 : vector<16xi32>
      %and3A_2078 = arith.constant 31 : i32
      %and3A_2079 = vector.broadcast %and3A_2078 : i32 to vector<16xi32>
      %and3A_2080 = arith.andi %shift_right_arithmetic3A_2077, %and3A_2079 : vector<16xi32>
      %shift_right_arithmetic3A_2081 = arith.shrsi %or3A_1772, %and3A_2080 : vector<16xi32>
      %and3A_2082 = arith.constant 31 : i32
      %and3A_2083 = vector.broadcast %and3A_2082 : i32 to vector<16xi32>
      %and3A_2084 = arith.andi %shift_right_arithmetic3A_2081, %and3A_2083 : vector<16xi32>
      %shift_left3A_2085 = arith.constant 15 : i32
      %shift_left3A_2086 = vector.broadcast %shift_left3A_2085 : i32 to vector<16xi32>
      %shift_left3A_2087 = arith.shli %and3A_2084, %shift_left3A_2086 : vector<16xi32>
      %or3A_2088 = arith.ori %or3A_2074, %shift_left3A_2087 : vector<16xi32>
      %shift_right_arithmetic3A_2089 = arith.constant 20 : i32
      %shift_right_arithmetic3A_2090 = vector.broadcast %shift_right_arithmetic3A_2089 : i32 to vector<16xi32>
      %shift_right_arithmetic3A_2091 = arith.shrsi %gather3A_2033, %shift_right_arithmetic3A_2090 : vector<16xi32>
      %and3A_2092 = arith.constant 31 : i32
      %and3A_2093 = vector.broadcast %and3A_2092 : i32 to vector<16xi32>
      %and3A_2094 = arith.andi %shift_right_arithmetic3A_2091, %and3A_2093 : vector<16xi32>
      %shift_right_arithmetic3A_2095 = arith.shrsi %or3A_1772, %and3A_2094 : vector<16xi32>
      %and3A_2096 = arith.constant 31 : i32
      %and3A_2097 = vector.broadcast %and3A_2096 : i32 to vector<16xi32>
      %and3A_2098 = arith.andi %shift_right_arithmetic3A_2095, %and3A_2097 : vector<16xi32>
      %shift_left3A_2099 = arith.constant 20 : i32
      %shift_left3A_2100 = vector.broadcast %shift_left3A_2099 : i32 to vector<16xi32>
      %shift_left3A_2101 = arith.shli %and3A_2098, %shift_left3A_2100 : vector<16xi32>
      %or3A_2102 = arith.ori %or3A_2088, %shift_left3A_2101 : vector<16xi32>
      %mul3A_2103 = arith.constant 16 : i32
      %mul3A_2104 = arith.muli %scan3A_2026, %mul3A_2103 : i32
      %add3A_2105 = arith.constant 0 : i32
      %add3A_2106 = arith.addi %add3A_2105, %mul3A_2104 : i32
      %swap3A_2107 = arith.index_cast %add3A_2106 : i32 to index
      %swap3A_2108 = tpu.vector_load %arg6[%swap3A_2107] {strides = array<i32>} : memref<32768xi32, #tpu.memory_space<vmem>>, vector<16xi32>,
      tpu.vector_store %arg6[%swap3A_2107], %or3A_2102 {strides = array<i32>} : memref<32768xi32, #tpu.memory_space<vmem>>, vector<16xi32>,
      %mul3A_2109 = arith.constant 16 : i32
      %mul3A_2110 = arith.muli %scan3A_2026, %mul3A_2109 : i32
      %add3A_2111 = arith.constant 8192 : i32
      %add3A_2112 = arith.addi %add3A_2111, %mul3A_2110 : i32
      %get3A_2113 = arith.index_cast %add3A_2112 : i32 to index
      %get3A_2114 = tpu.vector_load %arg6[%get3A_2113] {strides = array<i32>} : memref<32768xi32, #tpu.memory_space<vmem>>, vector<16xi32>,
      %gather3A_2115 = tpu.vector_load_idx %arg9[%get3A_2114] : memref<128xi32, #tpu.memory_space<vmem>>[vector<16xi32>], vector<16xi32>,
      %shift_right_arithmetic3A_2116 = arith.constant 0 : i32
      %shift_right_arithmetic3A_2117 = vector.broadcast %shift_right_arithmetic3A_2116 : i32 to vector<16xi32>
      %shift_right_arithmetic3A_2118 = arith.shrsi %gather3A_2115, %shift_right_arithmetic3A_2117 : vector<16xi32>
      %and3A_2119 = arith.constant 31 : i32
      %and3A_2120 = vector.broadcast %and3A_2119 : i32 to vector<16xi32>
      %and3A_2121 = arith.andi %shift_right_arithmetic3A_2118, %and3A_2120 : vector<16xi32>
      %shift_right_arithmetic3A_2122 = arith.shrsi %or3A_1854, %and3A_2121 : vector<16xi32>
      %and3A_2123 = arith.constant 31 : i32
      %and3A_2124 = vector.broadcast %and3A_2123 : i32 to vector<16xi32>
      %and3A_2125 = arith.andi %shift_right_arithmetic3A_2122, %and3A_2124 : vector<16xi32>
      %shift_left3A_2126 = arith.constant 0 : i32
      %shift_left3A_2127 = vector.broadcast %shift_left3A_2126 : i32 to vector<16xi32>
      %shift_left3A_2128 = arith.shli %and3A_2125, %shift_left3A_2127 : vector<16xi32>
      %shift_right_arithmetic3A_2129 = arith.constant 5 : i32
      %shift_right_arithmetic3A_2130 = vector.broadcast %shift_right_arithmetic3A_2129 : i32 to vector<16xi32>
      %shift_right_arithmetic3A_2131 = arith.shrsi %gather3A_2115, %shift_right_arithmetic3A_2130 : vector<16xi32>
      %and3A_2132 = arith.constant 31 : i32
      %and3A_2133 = vector.broadcast %and3A_2132 : i32 to vector<16xi32>
      %and3A_2134 = arith.andi %shift_right_arithmetic3A_2131, %and3A_2133 : vector<16xi32>
      %shift_right_arithmetic3A_2135 = arith.shrsi %or3A_1854, %and3A_2134 : vector<16xi32>
      %and3A_2136 = arith.constant 31 : i32
      %and3A_2137 = vector.broadcast %and3A_2136 : i32 to vector<16xi32>
      %and3A_2138 = arith.andi %shift_right_arithmetic3A_2135, %and3A_2137 : vector<16xi32>
      %shift_left3A_2139 = arith.constant 5 : i32
      %shift_left3A_2140 = vector.broadcast %shift_left3A_2139 : i32 to vector<16xi32>
      %shift_left3A_2141 = arith.shli %and3A_2138, %shift_left3A_2140 : vector<16xi32>
      %or3A_2142 = arith.ori %shift_left3A_2128, %shift_left3A_2141 : vector<16xi32>
      %shift_right_arithmetic3A_2143 = arith.constant 10 : i32
      %shift_right_arithmetic3A_2144 = vector.broadcast %shift_right_arithmetic3A_2143 : i32 to vector<16xi32>
      %shift_right_arithmetic3A_2145 = arith.shrsi %gather3A_2115, %shift_right_arithmetic3A_2144 : vector<16xi32>
      %and3A_2146 = arith.constant 31 : i32
      %and3A_2147 = vector.broadcast %and3A_2146 : i32 to vector<16xi32>
      %and3A_2148 = arith.andi %shift_right_arithmetic3A_2145, %and3A_2147 : vector<16xi32>
      %shift_right_arithmetic3A_2149 = arith.shrsi %or3A_1854, %and3A_2148 : vector<16xi32>
      %and3A_2150 = arith.constant 31 : i32
      %and3A_2151 = vector.broadcast %and3A_2150 : i32 to vector<16xi32>
      %and3A_2152 = arith.andi %shift_right_arithmetic3A_2149, %and3A_2151 : vector<16xi32>
      %shift_left3A_2153 = arith.constant 10 : i32
      %shift_left3A_2154 = vector.broadcast %shift_left3A_2153 : i32 to vector<16xi32>
      %shift_left3A_2155 = arith.shli %and3A_2152, %shift_left3A_2154 : vector<16xi32>
      %or3A_2156 = arith.ori %or3A_2142, %shift_left3A_2155 : vector<16xi32>
      %shift_right_arithmetic3A_2157 = arith.constant 15 : i32
      %shift_right_arithmetic3A_2158 = vector.broadcast %shift_right_arithmetic3A_2157 : i32 to vector<16xi32>
      %shift_right_arithmetic3A_2159 = arith.shrsi %gather3A_2115, %shift_right_arithmetic3A_2158 : vector<16xi32>
      %and3A_2160 = arith.constant 31 : i32
      %and3A_2161 = vector.broadcast %and3A_2160 : i32 to vector<16xi32>
      %and3A_2162 = arith.andi %shift_right_arithmetic3A_2159, %and3A_2161 : vector<16xi32>
      %shift_right_arithmetic3A_2163 = arith.shrsi %or3A_1854, %and3A_2162 : vector<16xi32>
      %and3A_2164 = arith.constant 31 : i32
      %and3A_2165 = vector.broadcast %and3A_2164 : i32 to vector<16xi32>
      %and3A_2166 = arith.andi %shift_right_arithmetic3A_2163, %and3A_2165 : vector<16xi32>
      %shift_left3A_2167 = arith.constant 15 : i32
      %shift_left3A_2168 = vector.broadcast %shift_left3A_2167 : i32 to vector<16xi32>
      %shift_left3A_2169 = arith.shli %and3A_2166, %shift_left3A_2168 : vector<16xi32>
      %or3A_2170 = arith.ori %or3A_2156, %shift_left3A_2169 : vector<16xi32>
      %shift_right_arithmetic3A_2171 = arith.constant 20 : i32
      %shift_right_arithmetic3A_2172 = vector.broadcast %shift_right_arithmetic3A_2171 : i32 to vector<16xi32>
      %shift_right_arithmetic3A_2173 = arith.shrsi %gather3A_2115, %shift_right_arithmetic3A_2172 : vector<16xi32>
      %and3A_2174 = arith.constant 31 : i32
      %and3A_2175 = vector.broadcast %and3A_2174 : i32 to vector<16xi32>
      %and3A_2176 = arith.andi %shift_right_arithmetic3A_2173, %and3A_2175 : vector<16xi32>
      %shift_right_arithmetic3A_2177 = arith.shrsi %or3A_1854, %and3A_2176 : vector<16xi32>
      %and3A_2178 = arith.constant 31 : i32
      %and3A_2179 = vector.broadcast %and3A_2178 : i32 to vector<16xi32>
      %and3A_2180 = arith.andi %shift_right_arithmetic3A_2177, %and3A_2179 : vector<16xi32>
      %shift_left3A_2181 = arith.constant 20 : i32
      %shift_left3A_2182 = vector.broadcast %shift_left3A_2181 : i32 to vector<16xi32>
      %shift_left3A_2183 = arith.shli %and3A_2180, %shift_left3A_2182 : vector<16xi32>
      %or3A_2184 = arith.ori %or3A_2170, %shift_left3A_2183 : vector<16xi32>
      %mul3A_2185 = arith.constant 16 : i32
      %mul3A_2186 = arith.muli %scan3A_2026, %mul3A_2185 : i32
      %add3A_2187 = arith.constant 8192 : i32
      %add3A_2188 = arith.addi %add3A_2187, %mul3A_2186 : i32
      %swap3A_2189 = arith.index_cast %add3A_2188 : i32 to index
      %swap3A_2190 = tpu.vector_load %arg6[%swap3A_2189] {strides = array<i32>} : memref<32768xi32, #tpu.memory_space<vmem>>, vector<16xi32>,
      tpu.vector_store %arg6[%swap3A_2189], %or3A_2184 {strides = array<i32>} : memref<32768xi32, #tpu.memory_space<vmem>>, vector<16xi32>,
      %mul3A_2191 = arith.constant 16 : i32
      %mul3A_2192 = arith.muli %scan3A_2026, %mul3A_2191 : i32
      %add3A_2193 = arith.constant 16384 : i32
      %add3A_2194 = arith.addi %add3A_2193, %mul3A_2192 : i32
      %get3A_2195 = arith.index_cast %add3A_2194 : i32 to index
      %get3A_2196 = tpu.vector_load %arg6[%get3A_2195] {strides = array<i32>} : memref<32768xi32, #tpu.memory_space<vmem>>, vector<16xi32>,
      %gather3A_2197 = tpu.vector_load_idx %arg9[%get3A_2196] : memref<128xi32, #tpu.memory_space<vmem>>[vector<16xi32>], vector<16xi32>,
      %shift_right_arithmetic3A_2198 = arith.constant 0 : i32
      %shift_right_arithmetic3A_2199 = vector.broadcast %shift_right_arithmetic3A_2198 : i32 to vector<16xi32>
      %shift_right_arithmetic3A_2200 = arith.shrsi %gather3A_2197, %shift_right_arithmetic3A_2199 : vector<16xi32>
      %and3A_2201 = arith.constant 31 : i32
      %and3A_2202 = vector.broadcast %and3A_2201 : i32 to vector<16xi32>
      %and3A_2203 = arith.andi %shift_right_arithmetic3A_2200, %and3A_2202 : vector<16xi32>
      %shift_right_arithmetic3A_2204 = arith.shrsi %or3A_1936, %and3A_2203 : vector<16xi32>
      %and3A_2205 = arith.constant 31 : i32
      %and3A_2206 = vector.broadcast %and3A_2205 : i32 to vector<16xi32>
      %and3A_2207 = arith.andi %shift_right_arithmetic3A_2204, %and3A_2206 : vector<16xi32>
      %shift_left3A_2208 = arith.constant 0 : i32
      %shift_left3A_2209 = vector.broadcast %shift_left3A_2208 : i32 to vector<16xi32>
      %shift_left3A_2210 = arith.shli %and3A_2207, %shift_left3A_2209 : vector<16xi32>
      %shift_right_arithmetic3A_2211 = arith.constant 5 : i32
      %shift_right_arithmetic3A_2212 = vector.broadcast %shift_right_arithmetic3A_2211 : i32 to vector<16xi32>
      %shift_right_arithmetic3A_2213 = arith.shrsi %gather3A_2197, %shift_right_arithmetic3A_2212 : vector<16xi32>
      %and3A_2214 = arith.constant 31 : i32
      %and3A_2215 = vector.broadcast %and3A_2214 : i32 to vector<16xi32>
      %and3A_2216 = arith.andi %shift_right_arithmetic3A_2213, %and3A_2215 : vector<16xi32>
      %shift_right_arithmetic3A_2217 = arith.shrsi %or3A_1936, %and3A_2216 : vector<16xi32>
      %and3A_2218 = arith.constant 31 : i32
      %and3A_2219 = vector.broadcast %and3A_2218 : i32 to vector<16xi32>
      %and3A_2220 = arith.andi %shift_right_arithmetic3A_2217, %and3A_2219 : vector<16xi32>
      %shift_left3A_2221 = arith.constant 5 : i32
      %shift_left3A_2222 = vector.broadcast %shift_left3A_2221 : i32 to vector<16xi32>
      %shift_left3A_2223 = arith.shli %and3A_2220, %shift_left3A_2222 : vector<16xi32>
      %or3A_2224 = arith.ori %shift_left3A_2210, %shift_left3A_2223 : vector<16xi32>
      %shift_right_arithmetic3A_2225 = arith.constant 10 : i32
      %shift_right_arithmetic3A_2226 = vector.broadcast %shift_right_arithmetic3A_2225 : i32 to vector<16xi32>
      %shift_right_arithmetic3A_2227 = arith.shrsi %gather3A_2197, %shift_right_arithmetic3A_2226 : vector<16xi32>
      %and3A_2228 = arith.constant 31 : i32
      %and3A_2229 = vector.broadcast %and3A_2228 : i32 to vector<16xi32>
      %and3A_2230 = arith.andi %shift_right_arithmetic3A_2227, %and3A_2229 : vector<16xi32>
      %shift_right_arithmetic3A_2231 = arith.shrsi %or3A_1936, %and3A_2230 : vector<16xi32>
      %and3A_2232 = arith.constant 31 : i32
      %and3A_2233 = vector.broadcast %and3A_2232 : i32 to vector<16xi32>
      %and3A_2234 = arith.andi %shift_right_arithmetic3A_2231, %and3A_2233 : vector<16xi32>
      %shift_left3A_2235 = arith.constant 10 : i32
      %shift_left3A_2236 = vector.broadcast %shift_left3A_2235 : i32 to vector<16xi32>
      %shift_left3A_2237 = arith.shli %and3A_2234, %shift_left3A_2236 : vector<16xi32>
      %or3A_2238 = arith.ori %or3A_2224, %shift_left3A_2237 : vector<16xi32>
      %shift_right_arithmetic3A_2239 = arith.constant 15 : i32
      %shift_right_arithmetic3A_2240 = vector.broadcast %shift_right_arithmetic3A_2239 : i32 to vector<16xi32>
      %shift_right_arithmetic3A_2241 = arith.shrsi %gather3A_2197, %shift_right_arithmetic3A_2240 : vector<16xi32>
      %and3A_2242 = arith.constant 31 : i32
      %and3A_2243 = vector.broadcast %and3A_2242 : i32 to vector<16xi32>
      %and3A_2244 = arith.andi %shift_right_arithmetic3A_2241, %and3A_2243 : vector<16xi32>
      %shift_right_arithmetic3A_2245 = arith.shrsi %or3A_1936, %and3A_2244 : vector<16xi32>
      %and3A_2246 = arith.constant 31 : i32
      %and3A_2247 = vector.broadcast %and3A_2246 : i32 to vector<16xi32>
      %and3A_2248 = arith.andi %shift_right_arithmetic3A_2245, %and3A_2247 : vector<16xi32>
      %shift_left3A_2249 = arith.constant 15 : i32
      %shift_left3A_2250 = vector.broadcast %shift_left3A_2249 : i32 to vector<16xi32>
      %shift_left3A_2251 = arith.shli %and3A_2248, %shift_left3A_2250 : vector<16xi32>
      %or3A_2252 = arith.ori %or3A_2238, %shift_left3A_2251 : vector<16xi32>
      %shift_right_arithmetic3A_2253 = arith.constant 20 : i32
      %shift_right_arithmetic3A_2254 = vector.broadcast %shift_right_arithmetic3A_2253 : i32 to vector<16xi32>
      %shift_right_arithmetic3A_2255 = arith.shrsi %gather3A_2197, %shift_right_arithmetic3A_2254 : vector<16xi32>
      %and3A_2256 = arith.constant 31 : i32
      %and3A_2257 = vector.broadcast %and3A_2256 : i32 to vector<16xi32>
      %and3A_2258 = arith.andi %shift_right_arithmetic3A_2255, %and3A_2257 : vector<16xi32>
      %shift_right_arithmetic3A_2259 = arith.shrsi %or3A_1936, %and3A_2258 : vector<16xi32>
      %and3A_2260 = arith.constant 31 : i32
      %and3A_2261 = vector.broadcast %and3A_2260 : i32 to vector<16xi32>
      %and3A_2262 = arith.andi %shift_right_arithmetic3A_2259, %and3A_2261 : vector<16xi32>
      %shift_left3A_2263 = arith.constant 20 : i32
      %shift_left3A_2264 = vector.broadcast %shift_left3A_2263 : i32 to vector<16xi32>
      %shift_left3A_2265 = arith.shli %and3A_2262, %shift_left3A_2264 : vector<16xi32>
      %or3A_2266 = arith.ori %or3A_2252, %shift_left3A_2265 : vector<16xi32>
      %mul3A_2267 = arith.constant 16 : i32
      %mul3A_2268 = arith.muli %scan3A_2026, %mul3A_2267 : i32
      %add3A_2269 = arith.constant 16384 : i32
      %add3A_2270 = arith.addi %add3A_2269, %mul3A_2268 : i32
      %swap3A_2271 = arith.index_cast %add3A_2270 : i32 to index
      %swap3A_2272 = tpu.vector_load %arg6[%swap3A_2271] {strides = array<i32>} : memref<32768xi32, #tpu.memory_space<vmem>>, vector<16xi32>,
      tpu.vector_store %arg6[%swap3A_2271], %or3A_2266 {strides = array<i32>} : memref<32768xi32, #tpu.memory_space<vmem>>, vector<16xi32>,
      %mul3A_2273 = arith.constant 16 : i32
      %mul3A_2274 = arith.muli %scan3A_2026, %mul3A_2273 : i32
      %add3A_2275 = arith.constant 24576 : i32
      %add3A_2276 = arith.addi %add3A_2275, %mul3A_2274 : i32
      %get3A_2277 = arith.index_cast %add3A_2276 : i32 to index
      %get3A_2278 = tpu.vector_load %arg6[%get3A_2277] {strides = array<i32>} : memref<32768xi32, #tpu.memory_space<vmem>>, vector<16xi32>,
      %gather3A_2279 = tpu.vector_load_idx %arg9[%get3A_2278] : memref<128xi32, #tpu.memory_space<vmem>>[vector<16xi32>], vector<16xi32>,
      %shift_right_arithmetic3A_2280 = arith.constant 0 : i32
      %shift_right_arithmetic3A_2281 = vector.broadcast %shift_right_arithmetic3A_2280 : i32 to vector<16xi32>
      %shift_right_arithmetic3A_2282 = arith.shrsi %gather3A_2279, %shift_right_arithmetic3A_2281 : vector<16xi32>
      %and3A_2283 = arith.constant 31 : i32
      %and3A_2284 = vector.broadcast %and3A_2283 : i32 to vector<16xi32>
      %and3A_2285 = arith.andi %shift_right_arithmetic3A_2282, %and3A_2284 : vector<16xi32>
      %shift_right_arithmetic3A_2286 = arith.shrsi %or3A_2018, %and3A_2285 : vector<16xi32>
      %and3A_2287 = arith.constant 31 : i32
      %and3A_2288 = vector.broadcast %and3A_2287 : i32 to vector<16xi32>
      %and3A_2289 = arith.andi %shift_right_arithmetic3A_2286, %and3A_2288 : vector<16xi32>
      %shift_left3A_2290 = arith.constant 0 : i32
      %shift_left3A_2291 = vector.broadcast %shift_left3A_2290 : i32 to vector<16xi32>
      %shift_left3A_2292 = arith.shli %and3A_2289, %shift_left3A_2291 : vector<16xi32>
      %shift_right_arithmetic3A_2293 = arith.constant 5 : i32
      %shift_right_arithmetic3A_2294 = vector.broadcast %shift_right_arithmetic3A_2293 : i32 to vector<16xi32>
      %shift_right_arithmetic3A_2295 = arith.shrsi %gather3A_2279, %shift_right_arithmetic3A_2294 : vector<16xi32>
      %and3A_2296 = arith.constant 31 : i32
      %and3A_2297 = vector.broadcast %and3A_2296 : i32 to vector<16xi32>
      %and3A_2298 = arith.andi %shift_right_arithmetic3A_2295, %and3A_2297 : vector<16xi32>
      %shift_right_arithmetic3A_2299 = arith.shrsi %or3A_2018, %and3A_2298 : vector<16xi32>
      %and3A_2300 = arith.constant 31 : i32
      %and3A_2301 = vector.broadcast %and3A_2300 : i32 to vector<16xi32>
      %and3A_2302 = arith.andi %shift_right_arithmetic3A_2299, %and3A_2301 : vector<16xi32>
      %shift_left3A_2303 = arith.constant 5 : i32
      %shift_left3A_2304 = vector.broadcast %shift_left3A_2303 : i32 to vector<16xi32>
      %shift_left3A_2305 = arith.shli %and3A_2302, %shift_left3A_2304 : vector<16xi32>
      %or3A_2306 = arith.ori %shift_left3A_2292, %shift_left3A_2305 : vector<16xi32>
      %shift_right_arithmetic3A_2307 = arith.constant 10 : i32
      %shift_right_arithmetic3A_2308 = vector.broadcast %shift_right_arithmetic3A_2307 : i32 to vector<16xi32>
      %shift_right_arithmetic3A_2309 = arith.shrsi %gather3A_2279, %shift_right_arithmetic3A_2308 : vector<16xi32>
      %and3A_2310 = arith.constant 31 : i32
      %and3A_2311 = vector.broadcast %and3A_2310 : i32 to vector<16xi32>
      %and3A_2312 = arith.andi %shift_right_arithmetic3A_2309, %and3A_2311 : vector<16xi32>
      %shift_right_arithmetic3A_2313 = arith.shrsi %or3A_2018, %and3A_2312 : vector<16xi32>
      %and3A_2314 = arith.constant 31 : i32
      %and3A_2315 = vector.broadcast %and3A_2314 : i32 to vector<16xi32>
      %and3A_2316 = arith.andi %shift_right_arithmetic3A_2313, %and3A_2315 : vector<16xi32>
      %shift_left3A_2317 = arith.constant 10 : i32
      %shift_left3A_2318 = vector.broadcast %shift_left3A_2317 : i32 to vector<16xi32>
      %shift_left3A_2319 = arith.shli %and3A_2316, %shift_left3A_2318 : vector<16xi32>
      %or3A_2320 = arith.ori %or3A_2306, %shift_left3A_2319 : vector<16xi32>
      %shift_right_arithmetic3A_2321 = arith.constant 15 : i32
      %shift_right_arithmetic3A_2322 = vector.broadcast %shift_right_arithmetic3A_2321 : i32 to vector<16xi32>
      %shift_right_arithmetic3A_2323 = arith.shrsi %gather3A_2279, %shift_right_arithmetic3A_2322 : vector<16xi32>
      %and3A_2324 = arith.constant 31 : i32
      %and3A_2325 = vector.broadcast %and3A_2324 : i32 to vector<16xi32>
      %and3A_2326 = arith.andi %shift_right_arithmetic3A_2323, %and3A_2325 : vector<16xi32>
      %shift_right_arithmetic3A_2327 = arith.shrsi %or3A_2018, %and3A_2326 : vector<16xi32>
      %and3A_2328 = arith.constant 31 : i32
      %and3A_2329 = vector.broadcast %and3A_2328 : i32 to vector<16xi32>
      %and3A_2330 = arith.andi %shift_right_arithmetic3A_2327, %and3A_2329 : vector<16xi32>
      %shift_left3A_2331 = arith.constant 15 : i32
      %shift_left3A_2332 = vector.broadcast %shift_left3A_2331 : i32 to vector<16xi32>
      %shift_left3A_2333 = arith.shli %and3A_2330, %shift_left3A_2332 : vector<16xi32>
      %or3A_2334 = arith.ori %or3A_2320, %shift_left3A_2333 : vector<16xi32>
      %shift_right_arithmetic3A_2335 = arith.constant 20 : i32
      %shift_right_arithmetic3A_2336 = vector.broadcast %shift_right_arithmetic3A_2335 : i32 to vector<16xi32>
      %shift_right_arithmetic3A_2337 = arith.shrsi %gather3A_2279, %shift_right_arithmetic3A_2336 : vector<16xi32>
      %and3A_2338 = arith.constant 31 : i32
      %and3A_2339 = vector.broadcast %and3A_2338 : i32 to vector<16xi32>
      %and3A_2340 = arith.andi %shift_right_arithmetic3A_2337, %and3A_2339 : vector<16xi32>
      %shift_right_arithmetic3A_2341 = arith.shrsi %or3A_2018, %and3A_2340 : vector<16xi32>
      %and3A_2342 = arith.constant 31 : i32
      %and3A_2343 = vector.broadcast %and3A_2342 : i32 to vector<16xi32>
      %and3A_2344 = arith.andi %shift_right_arithmetic3A_2341, %and3A_2343 : vector<16xi32>
      %shift_left3A_2345 = arith.constant 20 : i32
      %shift_left3A_2346 = vector.broadcast %shift_left3A_2345 : i32 to vector<16xi32>
      %shift_left3A_2347 = arith.shli %and3A_2344, %shift_left3A_2346 : vector<16xi32>
      %or3A_2348 = arith.ori %or3A_2334, %shift_left3A_2347 : vector<16xi32>
      %mul3A_2349 = arith.constant 16 : i32
      %mul3A_2350 = arith.muli %scan3A_2026, %mul3A_2349 : i32
      %add3A_2351 = arith.constant 24576 : i32
      %add3A_2352 = arith.addi %add3A_2351, %mul3A_2350 : i32
      %swap3A_2353 = arith.index_cast %add3A_2352 : i32 to index
      %swap3A_2354 = tpu.vector_load %arg6[%swap3A_2353] {strides = array<i32>} : memref<32768xi32, #tpu.memory_space<vmem>>, vector<16xi32>,
      tpu.vector_store %arg6[%swap3A_2353], %or3A_2348 {strides = array<i32>} : memref<32768xi32, #tpu.memory_space<vmem>>, vector<16xi32>,
      %scan3A_2355 = arith.constant 3 : i32
      %scan3A_2356 = arith.addi %scan3A_1363, %scan3A_2355 : i32
      %mul3A_2357 = arith.constant 16 : i32
      %mul3A_2358 = arith.muli %scan3A_2356, %mul3A_2357 : i32
      %add3A_2359 = arith.constant 0 : i32
      %add3A_2360 = arith.addi %add3A_2359, %mul3A_2358 : i32
      %get3A_2361 = arith.index_cast %add3A_2360 : i32 to index
      %get3A_2362 = tpu.vector_load %arg6[%get3A_2361] {strides = array<i32>} : memref<32768xi32, #tpu.memory_space<vmem>>, vector<16xi32>,
      %gather3A_2363 = tpu.vector_load_idx %arg9[%get3A_2362] : memref<128xi32, #tpu.memory_space<vmem>>[vector<16xi32>], vector<16xi32>,
      %shift_right_arithmetic3A_2364 = arith.constant 0 : i32
      %shift_right_arithmetic3A_2365 = vector.broadcast %shift_right_arithmetic3A_2364 : i32 to vector<16xi32>
      %shift_right_arithmetic3A_2366 = arith.shrsi %gather3A_2363, %shift_right_arithmetic3A_2365 : vector<16xi32>
      %and3A_2367 = arith.constant 31 : i32
      %and3A_2368 = vector.broadcast %and3A_2367 : i32 to vector<16xi32>
      %and3A_2369 = arith.andi %shift_right_arithmetic3A_2366, %and3A_2368 : vector<16xi32>
      %shift_right_arithmetic3A_2370 = arith.shrsi %or3A_2102, %and3A_2369 : vector<16xi32>
      %and3A_2371 = arith.constant 31 : i32
      %and3A_2372 = vector.broadcast %and3A_2371 : i32 to vector<16xi32>
      %and3A_2373 = arith.andi %shift_right_arithmetic3A_2370, %and3A_2372 : vector<16xi32>
      %shift_left3A_2374 = arith.constant 0 : i32
      %shift_left3A_2375 = vector.broadcast %shift_left3A_2374 : i32 to vector<16xi32>
      %shift_left3A_2376 = arith.shli %and3A_2373, %shift_left3A_2375 : vector<16xi32>
      %shift_right_arithmetic3A_2377 = arith.constant 5 : i32
      %shift_right_arithmetic3A_2378 = vector.broadcast %shift_right_arithmetic3A_2377 : i32 to vector<16xi32>
      %shift_right_arithmetic3A_2379 = arith.shrsi %gather3A_2363, %shift_right_arithmetic3A_2378 : vector<16xi32>
      %and3A_2380 = arith.constant 31 : i32
      %and3A_2381 = vector.broadcast %and3A_2380 : i32 to vector<16xi32>
      %and3A_2382 = arith.andi %shift_right_arithmetic3A_2379, %and3A_2381 : vector<16xi32>
      %shift_right_arithmetic3A_2383 = arith.shrsi %or3A_2102, %and3A_2382 : vector<16xi32>
      %and3A_2384 = arith.constant 31 : i32
      %and3A_2385 = vector.broadcast %and3A_2384 : i32 to vector<16xi32>
      %and3A_2386 = arith.andi %shift_right_arithmetic3A_2383, %and3A_2385 : vector<16xi32>
      %shift_left3A_2387 = arith.constant 5 : i32
      %shift_left3A_2388 = vector.broadcast %shift_left3A_2387 : i32 to vector<16xi32>
      %shift_left3A_2389 = arith.shli %and3A_2386, %shift_left3A_2388 : vector<16xi32>
      %or3A_2390 = arith.ori %shift_left3A_2376, %shift_left3A_2389 : vector<16xi32>
      %shift_right_arithmetic3A_2391 = arith.constant 10 : i32
      %shift_right_arithmetic3A_2392 = vector.broadcast %shift_right_arithmetic3A_2391 : i32 to vector<16xi32>
      %shift_right_arithmetic3A_2393 = arith.shrsi %gather3A_2363, %shift_right_arithmetic3A_2392 : vector<16xi32>
      %and3A_2394 = arith.constant 31 : i32
      %and3A_2395 = vector.broadcast %and3A_2394 : i32 to vector<16xi32>
      %and3A_2396 = arith.andi %shift_right_arithmetic3A_2393, %and3A_2395 : vector<16xi32>
      %shift_right_arithmetic3A_2397 = arith.shrsi %or3A_2102, %and3A_2396 : vector<16xi32>
      %and3A_2398 = arith.constant 31 : i32
      %and3A_2399 = vector.broadcast %and3A_2398 : i32 to vector<16xi32>
      %and3A_2400 = arith.andi %shift_right_arithmetic3A_2397, %and3A_2399 : vector<16xi32>
      %shift_left3A_2401 = arith.constant 10 : i32
      %shift_left3A_2402 = vector.broadcast %shift_left3A_2401 : i32 to vector<16xi32>
      %shift_left3A_2403 = arith.shli %and3A_2400, %shift_left3A_2402 : vector<16xi32>
      %or3A_2404 = arith.ori %or3A_2390, %shift_left3A_2403 : vector<16xi32>
      %shift_right_arithmetic3A_2405 = arith.constant 15 : i32
      %shift_right_arithmetic3A_2406 = vector.broadcast %shift_right_arithmetic3A_2405 : i32 to vector<16xi32>
      %shift_right_arithmetic3A_2407 = arith.shrsi %gather3A_2363, %shift_right_arithmetic3A_2406 : vector<16xi32>
      %and3A_2408 = arith.constant 31 : i32
      %and3A_2409 = vector.broadcast %and3A_2408 : i32 to vector<16xi32>
      %and3A_2410 = arith.andi %shift_right_arithmetic3A_2407, %and3A_2409 : vector<16xi32>
      %shift_right_arithmetic3A_2411 = arith.shrsi %or3A_2102, %and3A_2410 : vector<16xi32>
      %and3A_2412 = arith.constant 31 : i32
      %and3A_2413 = vector.broadcast %and3A_2412 : i32 to vector<16xi32>
      %and3A_2414 = arith.andi %shift_right_arithmetic3A_2411, %and3A_2413 : vector<16xi32>
      %shift_left3A_2415 = arith.constant 15 : i32
      %shift_left3A_2416 = vector.broadcast %shift_left3A_2415 : i32 to vector<16xi32>
      %shift_left3A_2417 = arith.shli %and3A_2414, %shift_left3A_2416 : vector<16xi32>
      %or3A_2418 = arith.ori %or3A_2404, %shift_left3A_2417 : vector<16xi32>
      %shift_right_arithmetic3A_2419 = arith.constant 20 : i32
      %shift_right_arithmetic3A_2420 = vector.broadcast %shift_right_arithmetic3A_2419 : i32 to vector<16xi32>
      %shift_right_arithmetic3A_2421 = arith.shrsi %gather3A_2363, %shift_right_arithmetic3A_2420 : vector<16xi32>
      %and3A_2422 = arith.constant 31 : i32
      %and3A_2423 = vector.broadcast %and3A_2422 : i32 to vector<16xi32>
      %and3A_2424 = arith.andi %shift_right_arithmetic3A_2421, %and3A_2423 : vector<16xi32>
      %shift_right_arithmetic3A_2425 = arith.shrsi %or3A_2102, %and3A_2424 : vector<16xi32>
      %and3A_2426 = arith.constant 31 : i32
      %and3A_2427 = vector.broadcast %and3A_2426 : i32 to vector<16xi32>
      %and3A_2428 = arith.andi %shift_right_arithmetic3A_2425, %and3A_2427 : vector<16xi32>
      %shift_left3A_2429 = arith.constant 20 : i32
      %shift_left3A_2430 = vector.broadcast %shift_left3A_2429 : i32 to vector<16xi32>
      %shift_left3A_2431 = arith.shli %and3A_2428, %shift_left3A_2430 : vector<16xi32>
      %or3A_2432 = arith.ori %or3A_2418, %shift_left3A_2431 : vector<16xi32>
      %mul3A_2433 = arith.constant 16 : i32
      %mul3A_2434 = arith.muli %scan3A_2356, %mul3A_2433 : i32
      %add3A_2435 = arith.constant 0 : i32
      %add3A_2436 = arith.addi %add3A_2435, %mul3A_2434 : i32
      %swap3A_2437 = arith.index_cast %add3A_2436 : i32 to index
      %swap3A_2438 = tpu.vector_load %arg6[%swap3A_2437] {strides = array<i32>} : memref<32768xi32, #tpu.memory_space<vmem>>, vector<16xi32>,
      tpu.vector_store %arg6[%swap3A_2437], %or3A_2432 {strides = array<i32>} : memref<32768xi32, #tpu.memory_space<vmem>>, vector<16xi32>,
      %mul3A_2439 = arith.constant 16 : i32
      %mul3A_2440 = arith.muli %scan3A_2356, %mul3A_2439 : i32
      %add3A_2441 = arith.constant 8192 : i32
      %add3A_2442 = arith.addi %add3A_2441, %mul3A_2440 : i32
      %get3A_2443 = arith.index_cast %add3A_2442 : i32 to index
      %get3A_2444 = tpu.vector_load %arg6[%get3A_2443] {strides = array<i32>} : memref<32768xi32, #tpu.memory_space<vmem>>, vector<16xi32>,
      %gather3A_2445 = tpu.vector_load_idx %arg9[%get3A_2444] : memref<128xi32, #tpu.memory_space<vmem>>[vector<16xi32>], vector<16xi32>,
      %shift_right_arithmetic3A_2446 = arith.constant 0 : i32
      %shift_right_arithmetic3A_2447 = vector.broadcast %shift_right_arithmetic3A_2446 : i32 to vector<16xi32>
      %shift_right_arithmetic3A_2448 = arith.shrsi %gather3A_2445, %shift_right_arithmetic3A_2447 : vector<16xi32>
      %and3A_2449 = arith.constant 31 : i32
      %and3A_2450 = vector.broadcast %and3A_2449 : i32 to vector<16xi32>
      %and3A_2451 = arith.andi %shift_right_arithmetic3A_2448, %and3A_2450 : vector<16xi32>
      %shift_right_arithmetic3A_2452 = arith.shrsi %or3A_2184, %and3A_2451 : vector<16xi32>
      %and3A_2453 = arith.constant 31 : i32
      %and3A_2454 = vector.broadcast %and3A_2453 : i32 to vector<16xi32>
      %and3A_2455 = arith.andi %shift_right_arithmetic3A_2452, %and3A_2454 : vector<16xi32>
      %shift_left3A_2456 = arith.constant 0 : i32
      %shift_left3A_2457 = vector.broadcast %shift_left3A_2456 : i32 to vector<16xi32>
      %shift_left3A_2458 = arith.shli %and3A_2455, %shift_left3A_2457 : vector<16xi32>
      %shift_right_arithmetic3A_2459 = arith.constant 5 : i32
      %shift_right_arithmetic3A_2460 = vector.broadcast %shift_right_arithmetic3A_2459 : i32 to vector<16xi32>
      %shift_right_arithmetic3A_2461 = arith.shrsi %gather3A_2445, %shift_right_arithmetic3A_2460 : vector<16xi32>
      %and3A_2462 = arith.constant 31 : i32
      %and3A_2463 = vector.broadcast %and3A_2462 : i32 to vector<16xi32>
      %and3A_2464 = arith.andi %shift_right_arithmetic3A_2461, %and3A_2463 : vector<16xi32>
      %shift_right_arithmetic3A_2465 = arith.shrsi %or3A_2184, %and3A_2464 : vector<16xi32>
      %and3A_2466 = arith.constant 31 : i32
      %and3A_2467 = vector.broadcast %and3A_2466 : i32 to vector<16xi32>
      %and3A_2468 = arith.andi %shift_right_arithmetic3A_2465, %and3A_2467 : vector<16xi32>
      %shift_left3A_2469 = arith.constant 5 : i32
      %shift_left3A_2470 = vector.broadcast %shift_left3A_2469 : i32 to vector<16xi32>
      %shift_left3A_2471 = arith.shli %and3A_2468, %shift_left3A_2470 : vector<16xi32>
      %or3A_2472 = arith.ori %shift_left3A_2458, %shift_left3A_2471 : vector<16xi32>
      %shift_right_arithmetic3A_2473 = arith.constant 10 : i32
      %shift_right_arithmetic3A_2474 = vector.broadcast %shift_right_arithmetic3A_2473 : i32 to vector<16xi32>
      %shift_right_arithmetic3A_2475 = arith.shrsi %gather3A_2445, %shift_right_arithmetic3A_2474 : vector<16xi32>
      %and3A_2476 = arith.constant 31 : i32
      %and3A_2477 = vector.broadcast %and3A_2476 : i32 to vector<16xi32>
      %and3A_2478 = arith.andi %shift_right_arithmetic3A_2475, %and3A_2477 : vector<16xi32>
      %shift_right_arithmetic3A_2479 = arith.shrsi %or3A_2184, %and3A_2478 : vector<16xi32>
      %and3A_2480 = arith.constant 31 : i32
      %and3A_2481 = vector.broadcast %and3A_2480 : i32 to vector<16xi32>
      %and3A_2482 = arith.andi %shift_right_arithmetic3A_2479, %and3A_2481 : vector<16xi32>
      %shift_left3A_2483 = arith.constant 10 : i32
      %shift_left3A_2484 = vector.broadcast %shift_left3A_2483 : i32 to vector<16xi32>
      %shift_left3A_2485 = arith.shli %and3A_2482, %shift_left3A_2484 : vector<16xi32>
      %or3A_2486 = arith.ori %or3A_2472, %shift_left3A_2485 : vector<16xi32>
      %shift_right_arithmetic3A_2487 = arith.constant 15 : i32
      %shift_right_arithmetic3A_2488 = vector.broadcast %shift_right_arithmetic3A_2487 : i32 to vector<16xi32>
      %shift_right_arithmetic3A_2489 = arith.shrsi %gather3A_2445, %shift_right_arithmetic3A_2488 : vector<16xi32>
      %and3A_2490 = arith.constant 31 : i32
      %and3A_2491 = vector.broadcast %and3A_2490 : i32 to vector<16xi32>
      %and3A_2492 = arith.andi %shift_right_arithmetic3A_2489, %and3A_2491 : vector<16xi32>
      %shift_right_arithmetic3A_2493 = arith.shrsi %or3A_2184, %and3A_2492 : vector<16xi32>
      %and3A_2494 = arith.constant 31 : i32
      %and3A_2495 = vector.broadcast %and3A_2494 : i32 to vector<16xi32>
      %and3A_2496 = arith.andi %shift_right_arithmetic3A_2493, %and3A_2495 : vector<16xi32>
      %shift_left3A_2497 = arith.constant 15 : i32
      %shift_left3A_2498 = vector.broadcast %shift_left3A_2497 : i32 to vector<16xi32>
      %shift_left3A_2499 = arith.shli %and3A_2496, %shift_left3A_2498 : vector<16xi32>
      %or3A_2500 = arith.ori %or3A_2486, %shift_left3A_2499 : vector<16xi32>
      %shift_right_arithmetic3A_2501 = arith.constant 20 : i32
      %shift_right_arithmetic3A_2502 = vector.broadcast %shift_right_arithmetic3A_2501 : i32 to vector<16xi32>
      %shift_right_arithmetic3A_2503 = arith.shrsi %gather3A_2445, %shift_right_arithmetic3A_2502 : vector<16xi32>
      %and3A_2504 = arith.constant 31 : i32
      %and3A_2505 = vector.broadcast %and3A_2504 : i32 to vector<16xi32>
      %and3A_2506 = arith.andi %shift_right_arithmetic3A_2503, %and3A_2505 : vector<16xi32>
      %shift_right_arithmetic3A_2507 = arith.shrsi %or3A_2184, %and3A_2506 : vector<16xi32>
      %and3A_2508 = arith.constant 31 : i32
      %and3A_2509 = vector.broadcast %and3A_2508 : i32 to vector<16xi32>
      %and3A_2510 = arith.andi %shift_right_arithmetic3A_2507, %and3A_2509 : vector<16xi32>
      %shift_left3A_2511 = arith.constant 20 : i32
      %shift_left3A_2512 = vector.broadcast %shift_left3A_2511 : i32 to vector<16xi32>
      %shift_left3A_2513 = arith.shli %and3A_2510, %shift_left3A_2512 : vector<16xi32>
      %or3A_2514 = arith.ori %or3A_2500, %shift_left3A_2513 : vector<16xi32>
      %mul3A_2515 = arith.constant 16 : i32
      %mul3A_2516 = arith.muli %scan3A_2356, %mul3A_2515 : i32
      %add3A_2517 = arith.constant 8192 : i32
      %add3A_2518 = arith.addi %add3A_2517, %mul3A_2516 : i32
      %swap3A_2519 = arith.index_cast %add3A_2518 : i32 to index
      %swap3A_2520 = tpu.vector_load %arg6[%swap3A_2519] {strides = array<i32>} : memref<32768xi32, #tpu.memory_space<vmem>>, vector<16xi32>,
      tpu.vector_store %arg6[%swap3A_2519], %or3A_2514 {strides = array<i32>} : memref<32768xi32, #tpu.memory_space<vmem>>, vector<16xi32>,
      %mul3A_2521 = arith.constant 16 : i32
      %mul3A_2522 = arith.muli %scan3A_2356, %mul3A_2521 : i32
      %add3A_2523 = arith.constant 16384 : i32
      %add3A_2524 = arith.addi %add3A_2523, %mul3A_2522 : i32
      %get3A_2525 = arith.index_cast %add3A_2524 : i32 to index
      %get3A_2526 = tpu.vector_load %arg6[%get3A_2525] {strides = array<i32>} : memref<32768xi32, #tpu.memory_space<vmem>>, vector<16xi32>,
      %gather3A_2527 = tpu.vector_load_idx %arg9[%get3A_2526] : memref<128xi32, #tpu.memory_space<vmem>>[vector<16xi32>], vector<16xi32>,
      %shift_right_arithmetic3A_2528 = arith.constant 0 : i32
      %shift_right_arithmetic3A_2529 = vector.broadcast %shift_right_arithmetic3A_2528 : i32 to vector<16xi32>
      %shift_right_arithmetic3A_2530 = arith.shrsi %gather3A_2527, %shift_right_arithmetic3A_2529 : vector<16xi32>
      %and3A_2531 = arith.constant 31 : i32
      %and3A_2532 = vector.broadcast %and3A_2531 : i32 to vector<16xi32>
      %and3A_2533 = arith.andi %shift_right_arithmetic3A_2530, %and3A_2532 : vector<16xi32>
      %shift_right_arithmetic3A_2534 = arith.shrsi %or3A_2266, %and3A_2533 : vector<16xi32>
      %and3A_2535 = arith.constant 31 : i32
      %and3A_2536 = vector.broadcast %and3A_2535 : i32 to vector<16xi32>
      %and3A_2537 = arith.andi %shift_right_arithmetic3A_2534, %and3A_2536 : vector<16xi32>
      %shift_left3A_2538 = arith.constant 0 : i32
      %shift_left3A_2539 = vector.broadcast %shift_left3A_2538 : i32 to vector<16xi32>
      %shift_left3A_2540 = arith.shli %and3A_2537, %shift_left3A_2539 : vector<16xi32>
      %shift_right_arithmetic3A_2541 = arith.constant 5 : i32
      %shift_right_arithmetic3A_2542 = vector.broadcast %shift_right_arithmetic3A_2541 : i32 to vector<16xi32>
      %shift_right_arithmetic3A_2543 = arith.shrsi %gather3A_2527, %shift_right_arithmetic3A_2542 : vector<16xi32>
      %and3A_2544 = arith.constant 31 : i32
      %and3A_2545 = vector.broadcast %and3A_2544 : i32 to vector<16xi32>
      %and3A_2546 = arith.andi %shift_right_arithmetic3A_2543, %and3A_2545 : vector<16xi32>
      %shift_right_arithmetic3A_2547 = arith.shrsi %or3A_2266, %and3A_2546 : vector<16xi32>
      %and3A_2548 = arith.constant 31 : i32
      %and3A_2549 = vector.broadcast %and3A_2548 : i32 to vector<16xi32>
      %and3A_2550 = arith.andi %shift_right_arithmetic3A_2547, %and3A_2549 : vector<16xi32>
      %shift_left3A_2551 = arith.constant 5 : i32
      %shift_left3A_2552 = vector.broadcast %shift_left3A_2551 : i32 to vector<16xi32>
      %shift_left3A_2553 = arith.shli %and3A_2550, %shift_left3A_2552 : vector<16xi32>
      %or3A_2554 = arith.ori %shift_left3A_2540, %shift_left3A_2553 : vector<16xi32>
      %shift_right_arithmetic3A_2555 = arith.constant 10 : i32
      %shift_right_arithmetic3A_2556 = vector.broadcast %shift_right_arithmetic3A_2555 : i32 to vector<16xi32>
      %shift_right_arithmetic3A_2557 = arith.shrsi %gather3A_2527, %shift_right_arithmetic3A_2556 : vector<16xi32>
      %and3A_2558 = arith.constant 31 : i32
      %and3A_2559 = vector.broadcast %and3A_2558 : i32 to vector<16xi32>
      %and3A_2560 = arith.andi %shift_right_arithmetic3A_2557, %and3A_2559 : vector<16xi32>
      %shift_right_arithmetic3A_2561 = arith.shrsi %or3A_2266, %and3A_2560 : vector<16xi32>
      %and3A_2562 = arith.constant 31 : i32
      %and3A_2563 = vector.broadcast %and3A_2562 : i32 to vector<16xi32>
      %and3A_2564 = arith.andi %shift_right_arithmetic3A_2561, %and3A_2563 : vector<16xi32>
      %shift_left3A_2565 = arith.constant 10 : i32
      %shift_left3A_2566 = vector.broadcast %shift_left3A_2565 : i32 to vector<16xi32>
      %shift_left3A_2567 = arith.shli %and3A_2564, %shift_left3A_2566 : vector<16xi32>
      %or3A_2568 = arith.ori %or3A_2554, %shift_left3A_2567 : vector<16xi32>
      %shift_right_arithmetic3A_2569 = arith.constant 15 : i32
      %shift_right_arithmetic3A_2570 = vector.broadcast %shift_right_arithmetic3A_2569 : i32 to vector<16xi32>
      %shift_right_arithmetic3A_2571 = arith.shrsi %gather3A_2527, %shift_right_arithmetic3A_2570 : vector<16xi32>
      %and3A_2572 = arith.constant 31 : i32
      %and3A_2573 = vector.broadcast %and3A_2572 : i32 to vector<16xi32>
      %and3A_2574 = arith.andi %shift_right_arithmetic3A_2571, %and3A_2573 : vector<16xi32>
      %shift_right_arithmetic3A_2575 = arith.shrsi %or3A_2266, %and3A_2574 : vector<16xi32>
      %and3A_2576 = arith.constant 31 : i32
      %and3A_2577 = vector.broadcast %and3A_2576 : i32 to vector<16xi32>
      %and3A_2578 = arith.andi %shift_right_arithmetic3A_2575, %and3A_2577 : vector<16xi32>
      %shift_left3A_2579 = arith.constant 15 : i32
      %shift_left3A_2580 = vector.broadcast %shift_left3A_2579 : i32 to vector<16xi32>
      %shift_left3A_2581 = arith.shli %and3A_2578, %shift_left3A_2580 : vector<16xi32>
      %or3A_2582 = arith.ori %or3A_2568, %shift_left3A_2581 : vector<16xi32>
      %shift_right_arithmetic3A_2583 = arith.constant 20 : i32
      %shift_right_arithmetic3A_2584 = vector.broadcast %shift_right_arithmetic3A_2583 : i32 to vector<16xi32>
      %shift_right_arithmetic3A_2585 = arith.shrsi %gather3A_2527, %shift_right_arithmetic3A_2584 : vector<16xi32>
      %and3A_2586 = arith.constant 31 : i32
      %and3A_2587 = vector.broadcast %and3A_2586 : i32 to vector<16xi32>
      %and3A_2588 = arith.andi %shift_right_arithmetic3A_2585, %and3A_2587 : vector<16xi32>
      %shift_right_arithmetic3A_2589 = arith.shrsi %or3A_2266, %and3A_2588 : vector<16xi32>
      %and3A_2590 = arith.constant 31 : i32
      %and3A_2591 = vector.broadcast %and3A_2590 : i32 to vector<16xi32>
      %and3A_2592 = arith.andi %shift_right_arithmetic3A_2589, %and3A_2591 : vector<16xi32>
      %shift_left3A_2593 = arith.constant 20 : i32
      %shift_left3A_2594 = vector.broadcast %shift_left3A_2593 : i32 to vector<16xi32>
      %shift_left3A_2595 = arith.shli %and3A_2592, %shift_left3A_2594 : vector<16xi32>
      %or3A_2596 = arith.ori %or3A_2582, %shift_left3A_2595 : vector<16xi32>
      %mul3A_2597 = arith.constant 16 : i32
      %mul3A_2598 = arith.muli %scan3A_2356, %mul3A_2597 : i32
      %add3A_2599 = arith.constant 16384 : i32
      %add3A_2600 = arith.addi %add3A_2599, %mul3A_2598 : i32
      %swap3A_2601 = arith.index_cast %add3A_2600 : i32 to index
      %swap3A_2602 = tpu.vector_load %arg6[%swap3A_2601] {strides = array<i32>} : memref<32768xi32, #tpu.memory_space<vmem>>, vector<16xi32>,
      tpu.vector_store %arg6[%swap3A_2601], %or3A_2596 {strides = array<i32>} : memref<32768xi32, #tpu.memory_space<vmem>>, vector<16xi32>,
      %mul3A_2603 = arith.constant 16 : i32
      %mul3A_2604 = arith.muli %scan3A_2356, %mul3A_2603 : i32
      %add3A_2605 = arith.constant 24576 : i32
      %add3A_2606 = arith.addi %add3A_2605, %mul3A_2604 : i32
      %get3A_2607 = arith.index_cast %add3A_2606 : i32 to index
      %get3A_2608 = tpu.vector_load %arg6[%get3A_2607] {strides = array<i32>} : memref<32768xi32, #tpu.memory_space<vmem>>, vector<16xi32>,
      %gather3A_2609 = tpu.vector_load_idx %arg9[%get3A_2608] : memref<128xi32, #tpu.memory_space<vmem>>[vector<16xi32>], vector<16xi32>,
      %shift_right_arithmetic3A_2610 = arith.constant 0 : i32
      %shift_right_arithmetic3A_2611 = vector.broadcast %shift_right_arithmetic3A_2610 : i32 to vector<16xi32>
      %shift_right_arithmetic3A_2612 = arith.shrsi %gather3A_2609, %shift_right_arithmetic3A_2611 : vector<16xi32>
      %and3A_2613 = arith.constant 31 : i32
      %and3A_2614 = vector.broadcast %and3A_2613 : i32 to vector<16xi32>
      %and3A_2615 = arith.andi %shift_right_arithmetic3A_2612, %and3A_2614 : vector<16xi32>
      %shift_right_arithmetic3A_2616 = arith.shrsi %or3A_2348, %and3A_2615 : vector<16xi32>
      %and3A_2617 = arith.constant 31 : i32
      %and3A_2618 = vector.broadcast %and3A_2617 : i32 to vector<16xi32>
      %and3A_2619 = arith.andi %shift_right_arithmetic3A_2616, %and3A_2618 : vector<16xi32>
      %shift_left3A_2620 = arith.constant 0 : i32
      %shift_left3A_2621 = vector.broadcast %shift_left3A_2620 : i32 to vector<16xi32>
      %shift_left3A_2622 = arith.shli %and3A_2619, %shift_left3A_2621 : vector<16xi32>
      %shift_right_arithmetic3A_2623 = arith.constant 5 : i32
      %shift_right_arithmetic3A_2624 = vector.broadcast %shift_right_arithmetic3A_2623 : i32 to vector<16xi32>
      %shift_right_arithmetic3A_2625 = arith.shrsi %gather3A_2609, %shift_right_arithmetic3A_2624 : vector<16xi32>
      %and3A_2626 = arith.constant 31 : i32
      %and3A_2627 = vector.broadcast %and3A_2626 : i32 to vector<16xi32>
      %and3A_2628 = arith.andi %shift_right_arithmetic3A_2625, %and3A_2627 : vector<16xi32>
      %shift_right_arithmetic3A_2629 = arith.shrsi %or3A_2348, %and3A_2628 : vector<16xi32>
      %and3A_2630 = arith.constant 31 : i32
      %and3A_2631 = vector.broadcast %and3A_2630 : i32 to vector<16xi32>
      %and3A_2632 = arith.andi %shift_right_arithmetic3A_2629, %and3A_2631 : vector<16xi32>
      %shift_left3A_2633 = arith.constant 5 : i32
      %shift_left3A_2634 = vector.broadcast %shift_left3A_2633 : i32 to vector<16xi32>
      %shift_left3A_2635 = arith.shli %and3A_2632, %shift_left3A_2634 : vector<16xi32>
      %or3A_2636 = arith.ori %shift_left3A_2622, %shift_left3A_2635 : vector<16xi32>
      %shift_right_arithmetic3A_2637 = arith.constant 10 : i32
      %shift_right_arithmetic3A_2638 = vector.broadcast %shift_right_arithmetic3A_2637 : i32 to vector<16xi32>
      %shift_right_arithmetic3A_2639 = arith.shrsi %gather3A_2609, %shift_right_arithmetic3A_2638 : vector<16xi32>
      %and3A_2640 = arith.constant 31 : i32
      %and3A_2641 = vector.broadcast %and3A_2640 : i32 to vector<16xi32>
      %and3A_2642 = arith.andi %shift_right_arithmetic3A_2639, %and3A_2641 : vector<16xi32>
      %shift_right_arithmetic3A_2643 = arith.shrsi %or3A_2348, %and3A_2642 : vector<16xi32>
      %and3A_2644 = arith.constant 31 : i32
      %and3A_2645 = vector.broadcast %and3A_2644 : i32 to vector<16xi32>
      %and3A_2646 = arith.andi %shift_right_arithmetic3A_2643, %and3A_2645 : vector<16xi32>
      %shift_left3A_2647 = arith.constant 10 : i32
      %shift_left3A_2648 = vector.broadcast %shift_left3A_2647 : i32 to vector<16xi32>
      %shift_left3A_2649 = arith.shli %and3A_2646, %shift_left3A_2648 : vector<16xi32>
      %or3A_2650 = arith.ori %or3A_2636, %shift_left3A_2649 : vector<16xi32>
      %shift_right_arithmetic3A_2651 = arith.constant 15 : i32
      %shift_right_arithmetic3A_2652 = vector.broadcast %shift_right_arithmetic3A_2651 : i32 to vector<16xi32>
      %shift_right_arithmetic3A_2653 = arith.shrsi %gather3A_2609, %shift_right_arithmetic3A_2652 : vector<16xi32>
      %and3A_2654 = arith.constant 31 : i32
      %and3A_2655 = vector.broadcast %and3A_2654 : i32 to vector<16xi32>
      %and3A_2656 = arith.andi %shift_right_arithmetic3A_2653, %and3A_2655 : vector<16xi32>
      %shift_right_arithmetic3A_2657 = arith.shrsi %or3A_2348, %and3A_2656 : vector<16xi32>
      %and3A_2658 = arith.constant 31 : i32
      %and3A_2659 = vector.broadcast %and3A_2658 : i32 to vector<16xi32>
      %and3A_2660 = arith.andi %shift_right_arithmetic3A_2657, %and3A_2659 : vector<16xi32>
      %shift_left3A_2661 = arith.constant 15 : i32
      %shift_left3A_2662 = vector.broadcast %shift_left3A_2661 : i32 to vector<16xi32>
      %shift_left3A_2663 = arith.shli %and3A_2660, %shift_left3A_2662 : vector<16xi32>
      %or3A_2664 = arith.ori %or3A_2650, %shift_left3A_2663 : vector<16xi32>
      %shift_right_arithmetic3A_2665 = arith.constant 20 : i32
      %shift_right_arithmetic3A_2666 = vector.broadcast %shift_right_arithmetic3A_2665 : i32 to vector<16xi32>
      %shift_right_arithmetic3A_2667 = arith.shrsi %gather3A_2609, %shift_right_arithmetic3A_2666 : vector<16xi32>
      %and3A_2668 = arith.constant 31 : i32
      %and3A_2669 = vector.broadcast %and3A_2668 : i32 to vector<16xi32>
      %and3A_2670 = arith.andi %shift_right_arithmetic3A_2667, %and3A_2669 : vector<16xi32>
      %shift_right_arithmetic3A_2671 = arith.shrsi %or3A_2348, %and3A_2670 : vector<16xi32>
      %and3A_2672 = arith.constant 31 : i32
      %and3A_2673 = vector.broadcast %and3A_2672 : i32 to vector<16xi32>
      %and3A_2674 = arith.andi %shift_right_arithmetic3A_2671, %and3A_2673 : vector<16xi32>
      %shift_left3A_2675 = arith.constant 20 : i32
      %shift_left3A_2676 = vector.broadcast %shift_left3A_2675 : i32 to vector<16xi32>
      %shift_left3A_2677 = arith.shli %and3A_2674, %shift_left3A_2676 : vector<16xi32>
      %or3A_2678 = arith.ori %or3A_2664, %shift_left3A_2677 : vector<16xi32>
      %mul3A_2679 = arith.constant 16 : i32
      %mul3A_2680 = arith.muli %scan3A_2356, %mul3A_2679 : i32
      %add3A_2681 = arith.constant 24576 : i32
      %add3A_2682 = arith.addi %add3A_2681, %mul3A_2680 : i32
      %swap3A_2683 = arith.index_cast %add3A_2682 : i32 to index
      %swap3A_2684 = tpu.vector_load %arg6[%swap3A_2683] {strides = array<i32>} : memref<32768xi32, #tpu.memory_space<vmem>>, vector<16xi32>,
      tpu.vector_store %arg6[%swap3A_2683], %or3A_2678 {strides = array<i32>} : memref<32768xi32, #tpu.memory_space<vmem>>, vector<16xi32>,
      scf.yield %or3A_2432, %or3A_2514, %or3A_2596, %or3A_2678 : vector<16xi32>, vector<16xi32>, vector<16xi32>, vector<16xi32>
    }
    %scan3A_22 = arith.constant 512 : i32
    %swap3A_23 = arith.constant 16 : index
    %swap3A_24 = tpu.vector_load %arg10[%swap3A_23] {strides = array<i32>} : memref<32xi32, #tpu.memory_space<vmem>>, vector<16xi32>,
    tpu.vector_store %arg10[%swap3A_23], %scan3A_21#0 {strides = array<i32>} : memref<32xi32, #tpu.memory_space<vmem>>, vector<16xi32>,
    %add3A_25 = arith.constant 15 : i32
    %add3A_26 = vector.broadcast %add3A_25 : i32 to vector<16xi32>
    %add3A_27 = arith.addi %iota3A, %add3A_26 : vector<16xi32>
    %gather3A = tpu.vector_load_idx %arg10[%add3A_27] : memref<32xi32, #tpu.memory_space<vmem>>[vector<16xi32>], vector<16xi32>,
    %shift_right_arithmetic3A = arith.constant 0 : i32
    %shift_right_arithmetic3A_28 = vector.broadcast %shift_right_arithmetic3A : i32 to vector<16xi32>
    %shift_right_arithmetic3A_29 = arith.shrsi %scan3A_21#0, %shift_right_arithmetic3A_28 : vector<16xi32>
    %and3A = arith.constant 31 : i32
    %and3A_30 = vector.broadcast %and3A : i32 to vector<16xi32>
    %and3A_31 = arith.andi %shift_right_arithmetic3A_29, %and3A_30 : vector<16xi32>
    %shift_right_arithmetic3A_32 = arith.shrsi %gather3A, %and3A_31 : vector<16xi32>
    %and3A_33 = arith.constant 31 : i32
    %and3A_34 = vector.broadcast %and3A_33 : i32 to vector<16xi32>
    %and3A_35 = arith.andi %shift_right_arithmetic3A_32, %and3A_34 : vector<16xi32>
    %shift_left3A = arith.constant 0 : i32
    %shift_left3A_36 = vector.broadcast %shift_left3A : i32 to vector<16xi32>
    %shift_left3A_37 = arith.shli %and3A_35, %shift_left3A_36 : vector<16xi32>
    %shift_right_arithmetic3A_38 = arith.constant 5 : i32
    %shift_right_arithmetic3A_39 = vector.broadcast %shift_right_arithmetic3A_38 : i32 to vector<16xi32>
    %shift_right_arithmetic3A_40 = arith.shrsi %scan3A_21#0, %shift_right_arithmetic3A_39 : vector<16xi32>
    %and3A_41 = arith.constant 31 : i32
    %and3A_42 = vector.broadcast %and3A_41 : i32 to vector<16xi32>
    %and3A_43 = arith.andi %shift_right_arithmetic3A_40, %and3A_42 : vector<16xi32>
    %shift_right_arithmetic3A_44 = arith.shrsi %gather3A, %and3A_43 : vector<16xi32>
    %and3A_45 = arith.constant 31 : i32
    %and3A_46 = vector.broadcast %and3A_45 : i32 to vector<16xi32>
    %and3A_47 = arith.andi %shift_right_arithmetic3A_44, %and3A_46 : vector<16xi32>
    %shift_left3A_48 = arith.constant 5 : i32
    %shift_left3A_49 = vector.broadcast %shift_left3A_48 : i32 to vector<16xi32>
    %shift_left3A_50 = arith.shli %and3A_47, %shift_left3A_49 : vector<16xi32>
    %or3A = arith.ori %shift_left3A_37, %shift_left3A_50 : vector<16xi32>
    %shift_right_arithmetic3A_51 = arith.constant 10 : i32
    %shift_right_arithmetic3A_52 = vector.broadcast %shift_right_arithmetic3A_51 : i32 to vector<16xi32>
    %shift_right_arithmetic3A_53 = arith.shrsi %scan3A_21#0, %shift_right_arithmetic3A_52 : vector<16xi32>
    %and3A_54 = arith.constant 31 : i32
    %and3A_55 = vector.broadcast %and3A_54 : i32 to vector<16xi32>
    %and3A_56 = arith.andi %shift_right_arithmetic3A_53, %and3A_55 : vector<16xi32>
    %shift_right_arithmetic3A_57 = arith.shrsi %gather3A, %and3A_56 : vector<16xi32>
    %and3A_58 = arith.constant 31 : i32
    %and3A_59 = vector.broadcast %and3A_58 : i32 to vector<16xi32>
    %and3A_60 = arith.andi %shift_right_arithmetic3A_57, %and3A_59 : vector<16xi32>
    %shift_left3A_61 = arith.constant 10 : i32
    %shift_left3A_62 = vector.broadcast %shift_left3A_61 : i32 to vector<16xi32>
    %shift_left3A_63 = arith.shli %and3A_60, %shift_left3A_62 : vector<16xi32>
    %or3A_64 = arith.ori %or3A, %shift_left3A_63 : vector<16xi32>
    %shift_right_arithmetic3A_65 = arith.constant 15 : i32
    %shift_right_arithmetic3A_66 = vector.broadcast %shift_right_arithmetic3A_65 : i32 to vector<16xi32>
    %shift_right_arithmetic3A_67 = arith.shrsi %scan3A_21#0, %shift_right_arithmetic3A_66 : vector<16xi32>
    %and3A_68 = arith.constant 31 : i32
    %and3A_69 = vector.broadcast %and3A_68 : i32 to vector<16xi32>
    %and3A_70 = arith.andi %shift_right_arithmetic3A_67, %and3A_69 : vector<16xi32>
    %shift_right_arithmetic3A_71 = arith.shrsi %gather3A, %and3A_70 : vector<16xi32>
    %and3A_72 = arith.constant 31 : i32
    %and3A_73 = vector.broadcast %and3A_72 : i32 to vector<16xi32>
    %and3A_74 = arith.andi %shift_right_arithmetic3A_71, %and3A_73 : vector<16xi32>
    %shift_left3A_75 = arith.constant 15 : i32
    %shift_left3A_76 = vector.broadcast %shift_left3A_75 : i32 to vector<16xi32>
    %shift_left3A_77 = arith.shli %and3A_74, %shift_left3A_76 : vector<16xi32>
    %or3A_78 = arith.ori %or3A_64, %shift_left3A_77 : vector<16xi32>
    %shift_right_arithmetic3A_79 = arith.constant 20 : i32
    %shift_right_arithmetic3A_80 = vector.broadcast %shift_right_arithmetic3A_79 : i32 to vector<16xi32>
    %shift_right_arithmetic3A_81 = arith.shrsi %scan3A_21#0, %shift_right_arithmetic3A_80 : vector<16xi32>
    %and3A_82 = arith.constant 31 : i32
    %and3A_83 = vector.broadcast %and3A_82 : i32 to vector<16xi32>
    %and3A_84 = arith.andi %shift_right_arithmetic3A_81, %and3A_83 : vector<16xi32>
    %shift_right_arithmetic3A_85 = arith.shrsi %gather3A, %and3A_84 : vector<16xi32>
    %and3A_86 = arith.constant 31 : i32
    %and3A_87 = vector.broadcast %and3A_86 : i32 to vector<16xi32>
    %and3A_88 = arith.andi %shift_right_arithmetic3A_85, %and3A_87 : vector<16xi32>
    %shift_left3A_89 = arith.constant 20 : i32
    %shift_left3A_90 = vector.broadcast %shift_left3A_89 : i32 to vector<16xi32>
    %shift_left3A_91 = arith.shli %and3A_88, %shift_left3A_90 : vector<16xi32>
    %or3A_92 = arith.ori %or3A_78, %shift_left3A_91 : vector<16xi32>
    %swap3A_93 = arith.constant 16 : index
    %swap3A_94 = tpu.vector_load %arg10[%swap3A_93] {strides = array<i32>} : memref<32xi32, #tpu.memory_space<vmem>>, vector<16xi32>,
    tpu.vector_store %arg10[%swap3A_93], %or3A_92 {strides = array<i32>} : memref<32xi32, #tpu.memory_space<vmem>>, vector<16xi32>,
    %add3A_95 = arith.constant 14 : i32
    %add3A_96 = vector.broadcast %add3A_95 : i32 to vector<16xi32>
    %add3A_97 = arith.addi %iota3A, %add3A_96 : vector<16xi32>
    %gather3A_98 = tpu.vector_load_idx %arg10[%add3A_97] : memref<32xi32, #tpu.memory_space<vmem>>[vector<16xi32>], vector<16xi32>,
    %shift_right_arithmetic3A_99 = arith.constant 0 : i32
    %shift_right_arithmetic3A_100 = vector.broadcast %shift_right_arithmetic3A_99 : i32 to vector<16xi32>
    %shift_right_arithmetic3A_101 = arith.shrsi %or3A_92, %shift_right_arithmetic3A_100 : vector<16xi32>
    %and3A_102 = arith.constant 31 : i32
    %and3A_103 = vector.broadcast %and3A_102 : i32 to vector<16xi32>
    %and3A_104 = arith.andi %shift_right_arithmetic3A_101, %and3A_103 : vector<16xi32>
    %shift_right_arithmetic3A_105 = arith.shrsi %gather3A_98, %and3A_104 : vector<16xi32>
    %and3A_106 = arith.constant 31 : i32
    %and3A_107 = vector.broadcast %and3A_106 : i32 to vector<16xi32>
    %and3A_108 = arith.andi %shift_right_arithmetic3A_105, %and3A_107 : vector<16xi32>
    %shift_left3A_109 = arith.constant 0 : i32
    %shift_left3A_110 = vector.broadcast %shift_left3A_109 : i32 to vector<16xi32>
    %shift_left3A_111 = arith.shli %and3A_108, %shift_left3A_110 : vector<16xi32>
    %shift_right_arithmetic3A_112 = arith.constant 5 : i32
    %shift_right_arithmetic3A_113 = vector.broadcast %shift_right_arithmetic3A_112 : i32 to vector<16xi32>
    %shift_right_arithmetic3A_114 = arith.shrsi %or3A_92, %shift_right_arithmetic3A_113 : vector<16xi32>
    %and3A_115 = arith.constant 31 : i32
    %and3A_116 = vector.broadcast %and3A_115 : i32 to vector<16xi32>
    %and3A_117 = arith.andi %shift_right_arithmetic3A_114, %and3A_116 : vector<16xi32>
    %shift_right_arithmetic3A_118 = arith.shrsi %gather3A_98, %and3A_117 : vector<16xi32>
    %and3A_119 = arith.constant 31 : i32
    %and3A_120 = vector.broadcast %and3A_119 : i32 to vector<16xi32>
    %and3A_121 = arith.andi %shift_right_arithmetic3A_118, %and3A_120 : vector<16xi32>
    %shift_left3A_122 = arith.constant 5 : i32
    %shift_left3A_123 = vector.broadcast %shift_left3A_122 : i32 to vector<16xi32>
    %shift_left3A_124 = arith.shli %and3A_121, %shift_left3A_123 : vector<16xi32>
    %or3A_125 = arith.ori %shift_left3A_111, %shift_left3A_124 : vector<16xi32>
    %shift_right_arithmetic3A_126 = arith.constant 10 : i32
    %shift_right_arithmetic3A_127 = vector.broadcast %shift_right_arithmetic3A_126 : i32 to vector<16xi32>
    %shift_right_arithmetic3A_128 = arith.shrsi %or3A_92, %shift_right_arithmetic3A_127 : vector<16xi32>
    %and3A_129 = arith.constant 31 : i32
    %and3A_130 = vector.broadcast %and3A_129 : i32 to vector<16xi32>
    %and3A_131 = arith.andi %shift_right_arithmetic3A_128, %and3A_130 : vector<16xi32>
    %shift_right_arithmetic3A_132 = arith.shrsi %gather3A_98, %and3A_131 : vector<16xi32>
    %and3A_133 = arith.constant 31 : i32
    %and3A_134 = vector.broadcast %and3A_133 : i32 to vector<16xi32>
    %and3A_135 = arith.andi %shift_right_arithmetic3A_132, %and3A_134 : vector<16xi32>
    %shift_left3A_136 = arith.constant 10 : i32
    %shift_left3A_137 = vector.broadcast %shift_left3A_136 : i32 to vector<16xi32>
    %shift_left3A_138 = arith.shli %and3A_135, %shift_left3A_137 : vector<16xi32>
    %or3A_139 = arith.ori %or3A_125, %shift_left3A_138 : vector<16xi32>
    %shift_right_arithmetic3A_140 = arith.constant 15 : i32
    %shift_right_arithmetic3A_141 = vector.broadcast %shift_right_arithmetic3A_140 : i32 to vector<16xi32>
    %shift_right_arithmetic3A_142 = arith.shrsi %or3A_92, %shift_right_arithmetic3A_141 : vector<16xi32>
    %and3A_143 = arith.constant 31 : i32
    %and3A_144 = vector.broadcast %and3A_143 : i32 to vector<16xi32>
    %and3A_145 = arith.andi %shift_right_arithmetic3A_142, %and3A_144 : vector<16xi32>
    %shift_right_arithmetic3A_146 = arith.shrsi %gather3A_98, %and3A_145 : vector<16xi32>
    %and3A_147 = arith.constant 31 : i32
    %and3A_148 = vector.broadcast %and3A_147 : i32 to vector<16xi32>
    %and3A_149 = arith.andi %shift_right_arithmetic3A_146, %and3A_148 : vector<16xi32>
    %shift_left3A_150 = arith.constant 15 : i32
    %shift_left3A_151 = vector.broadcast %shift_left3A_150 : i32 to vector<16xi32>
    %shift_left3A_152 = arith.shli %and3A_149, %shift_left3A_151 : vector<16xi32>
    %or3A_153 = arith.ori %or3A_139, %shift_left3A_152 : vector<16xi32>
    %shift_right_arithmetic3A_154 = arith.constant 20 : i32
    %shift_right_arithmetic3A_155 = vector.broadcast %shift_right_arithmetic3A_154 : i32 to vector<16xi32>
    %shift_right_arithmetic3A_156 = arith.shrsi %or3A_92, %shift_right_arithmetic3A_155 : vector<16xi32>
    %and3A_157 = arith.constant 31 : i32
    %and3A_158 = vector.broadcast %and3A_157 : i32 to vector<16xi32>
    %and3A_159 = arith.andi %shift_right_arithmetic3A_156, %and3A_158 : vector<16xi32>
    %shift_right_arithmetic3A_160 = arith.shrsi %gather3A_98, %and3A_159 : vector<16xi32>
    %and3A_161 = arith.constant 31 : i32
    %and3A_162 = vector.broadcast %and3A_161 : i32 to vector<16xi32>
    %and3A_163 = arith.andi %shift_right_arithmetic3A_160, %and3A_162 : vector<16xi32>
    %shift_left3A_164 = arith.constant 20 : i32
    %shift_left3A_165 = vector.broadcast %shift_left3A_164 : i32 to vector<16xi32>
    %shift_left3A_166 = arith.shli %and3A_163, %shift_left3A_165 : vector<16xi32>
    %or3A_167 = arith.ori %or3A_153, %shift_left3A_166 : vector<16xi32>
    %swap3A_168 = arith.constant 16 : index
    %swap3A_169 = tpu.vector_load %arg10[%swap3A_168] {strides = array<i32>} : memref<32xi32, #tpu.memory_space<vmem>>, vector<16xi32>,
    tpu.vector_store %arg10[%swap3A_168], %or3A_167 {strides = array<i32>} : memref<32xi32, #tpu.memory_space<vmem>>, vector<16xi32>,
    %add3A_170 = arith.constant 12 : i32
    %add3A_171 = vector.broadcast %add3A_170 : i32 to vector<16xi32>
    %add3A_172 = arith.addi %iota3A, %add3A_171 : vector<16xi32>
    %gather3A_173 = tpu.vector_load_idx %arg10[%add3A_172] : memref<32xi32, #tpu.memory_space<vmem>>[vector<16xi32>], vector<16xi32>,
    %shift_right_arithmetic3A_174 = arith.constant 0 : i32
    %shift_right_arithmetic3A_175 = vector.broadcast %shift_right_arithmetic3A_174 : i32 to vector<16xi32>
    %shift_right_arithmetic3A_176 = arith.shrsi %or3A_167, %shift_right_arithmetic3A_175 : vector<16xi32>
    %and3A_177 = arith.constant 31 : i32
    %and3A_178 = vector.broadcast %and3A_177 : i32 to vector<16xi32>
    %and3A_179 = arith.andi %shift_right_arithmetic3A_176, %and3A_178 : vector<16xi32>
    %shift_right_arithmetic3A_180 = arith.shrsi %gather3A_173, %and3A_179 : vector<16xi32>
    %and3A_181 = arith.constant 31 : i32
    %and3A_182 = vector.broadcast %and3A_181 : i32 to vector<16xi32>
    %and3A_183 = arith.andi %shift_right_arithmetic3A_180, %and3A_182 : vector<16xi32>
    %shift_left3A_184 = arith.constant 0 : i32
    %shift_left3A_185 = vector.broadcast %shift_left3A_184 : i32 to vector<16xi32>
    %shift_left3A_186 = arith.shli %and3A_183, %shift_left3A_185 : vector<16xi32>
    %shift_right_arithmetic3A_187 = arith.constant 5 : i32
    %shift_right_arithmetic3A_188 = vector.broadcast %shift_right_arithmetic3A_187 : i32 to vector<16xi32>
    %shift_right_arithmetic3A_189 = arith.shrsi %or3A_167, %shift_right_arithmetic3A_188 : vector<16xi32>
    %and3A_190 = arith.constant 31 : i32
    %and3A_191 = vector.broadcast %and3A_190 : i32 to vector<16xi32>
    %and3A_192 = arith.andi %shift_right_arithmetic3A_189, %and3A_191 : vector<16xi32>
    %shift_right_arithmetic3A_193 = arith.shrsi %gather3A_173, %and3A_192 : vector<16xi32>
    %and3A_194 = arith.constant 31 : i32
    %and3A_195 = vector.broadcast %and3A_194 : i32 to vector<16xi32>
    %and3A_196 = arith.andi %shift_right_arithmetic3A_193, %and3A_195 : vector<16xi32>
    %shift_left3A_197 = arith.constant 5 : i32
    %shift_left3A_198 = vector.broadcast %shift_left3A_197 : i32 to vector<16xi32>
    %shift_left3A_199 = arith.shli %and3A_196, %shift_left3A_198 : vector<16xi32>
    %or3A_200 = arith.ori %shift_left3A_186, %shift_left3A_199 : vector<16xi32>
    %shift_right_arithmetic3A_201 = arith.constant 10 : i32
    %shift_right_arithmetic3A_202 = vector.broadcast %shift_right_arithmetic3A_201 : i32 to vector<16xi32>
    %shift_right_arithmetic3A_203 = arith.shrsi %or3A_167, %shift_right_arithmetic3A_202 : vector<16xi32>
    %and3A_204 = arith.constant 31 : i32
    %and3A_205 = vector.broadcast %and3A_204 : i32 to vector<16xi32>
    %and3A_206 = arith.andi %shift_right_arithmetic3A_203, %and3A_205 : vector<16xi32>
    %shift_right_arithmetic3A_207 = arith.shrsi %gather3A_173, %and3A_206 : vector<16xi32>
    %and3A_208 = arith.constant 31 : i32
    %and3A_209 = vector.broadcast %and3A_208 : i32 to vector<16xi32>
    %and3A_210 = arith.andi %shift_right_arithmetic3A_207, %and3A_209 : vector<16xi32>
    %shift_left3A_211 = arith.constant 10 : i32
    %shift_left3A_212 = vector.broadcast %shift_left3A_211 : i32 to vector<16xi32>
    %shift_left3A_213 = arith.shli %and3A_210, %shift_left3A_212 : vector<16xi32>
    %or3A_214 = arith.ori %or3A_200, %shift_left3A_213 : vector<16xi32>
    %shift_right_arithmetic3A_215 = arith.constant 15 : i32
    %shift_right_arithmetic3A_216 = vector.broadcast %shift_right_arithmetic3A_215 : i32 to vector<16xi32>
    %shift_right_arithmetic3A_217 = arith.shrsi %or3A_167, %shift_right_arithmetic3A_216 : vector<16xi32>
    %and3A_218 = arith.constant 31 : i32
    %and3A_219 = vector.broadcast %and3A_218 : i32 to vector<16xi32>
    %and3A_220 = arith.andi %shift_right_arithmetic3A_217, %and3A_219 : vector<16xi32>
    %shift_right_arithmetic3A_221 = arith.shrsi %gather3A_173, %and3A_220 : vector<16xi32>
    %and3A_222 = arith.constant 31 : i32
    %and3A_223 = vector.broadcast %and3A_222 : i32 to vector<16xi32>
    %and3A_224 = arith.andi %shift_right_arithmetic3A_221, %and3A_223 : vector<16xi32>
    %shift_left3A_225 = arith.constant 15 : i32
    %shift_left3A_226 = vector.broadcast %shift_left3A_225 : i32 to vector<16xi32>
    %shift_left3A_227 = arith.shli %and3A_224, %shift_left3A_226 : vector<16xi32>
    %or3A_228 = arith.ori %or3A_214, %shift_left3A_227 : vector<16xi32>
    %shift_right_arithmetic3A_229 = arith.constant 20 : i32
    %shift_right_arithmetic3A_230 = vector.broadcast %shift_right_arithmetic3A_229 : i32 to vector<16xi32>
    %shift_right_arithmetic3A_231 = arith.shrsi %or3A_167, %shift_right_arithmetic3A_230 : vector<16xi32>
    %and3A_232 = arith.constant 31 : i32
    %and3A_233 = vector.broadcast %and3A_232 : i32 to vector<16xi32>
    %and3A_234 = arith.andi %shift_right_arithmetic3A_231, %and3A_233 : vector<16xi32>
    %shift_right_arithmetic3A_235 = arith.shrsi %gather3A_173, %and3A_234 : vector<16xi32>
    %and3A_236 = arith.constant 31 : i32
    %and3A_237 = vector.broadcast %and3A_236 : i32 to vector<16xi32>
    %and3A_238 = arith.andi %shift_right_arithmetic3A_235, %and3A_237 : vector<16xi32>
    %shift_left3A_239 = arith.constant 20 : i32
    %shift_left3A_240 = vector.broadcast %shift_left3A_239 : i32 to vector<16xi32>
    %shift_left3A_241 = arith.shli %and3A_238, %shift_left3A_240 : vector<16xi32>
    %or3A_242 = arith.ori %or3A_228, %shift_left3A_241 : vector<16xi32>
    %swap3A_243 = arith.constant 16 : index
    %swap3A_244 = tpu.vector_load %arg10[%swap3A_243] {strides = array<i32>} : memref<32xi32, #tpu.memory_space<vmem>>, vector<16xi32>,
    tpu.vector_store %arg10[%swap3A_243], %or3A_242 {strides = array<i32>} : memref<32xi32, #tpu.memory_space<vmem>>, vector<16xi32>,
    %add3A_245 = arith.constant 8 : i32
    %add3A_246 = vector.broadcast %add3A_245 : i32 to vector<16xi32>
    %add3A_247 = arith.addi %iota3A, %add3A_246 : vector<16xi32>
    %gather3A_248 = tpu.vector_load_idx %arg10[%add3A_247] : memref<32xi32, #tpu.memory_space<vmem>>[vector<16xi32>], vector<16xi32>,
    %shift_right_arithmetic3A_249 = arith.constant 0 : i32
    %shift_right_arithmetic3A_250 = vector.broadcast %shift_right_arithmetic3A_249 : i32 to vector<16xi32>
    %shift_right_arithmetic3A_251 = arith.shrsi %or3A_242, %shift_right_arithmetic3A_250 : vector<16xi32>
    %and3A_252 = arith.constant 31 : i32
    %and3A_253 = vector.broadcast %and3A_252 : i32 to vector<16xi32>
    %and3A_254 = arith.andi %shift_right_arithmetic3A_251, %and3A_253 : vector<16xi32>
    %shift_right_arithmetic3A_255 = arith.shrsi %gather3A_248, %and3A_254 : vector<16xi32>
    %and3A_256 = arith.constant 31 : i32
    %and3A_257 = vector.broadcast %and3A_256 : i32 to vector<16xi32>
    %and3A_258 = arith.andi %shift_right_arithmetic3A_255, %and3A_257 : vector<16xi32>
    %shift_left3A_259 = arith.constant 0 : i32
    %shift_left3A_260 = vector.broadcast %shift_left3A_259 : i32 to vector<16xi32>
    %shift_left3A_261 = arith.shli %and3A_258, %shift_left3A_260 : vector<16xi32>
    %shift_right_arithmetic3A_262 = arith.constant 5 : i32
    %shift_right_arithmetic3A_263 = vector.broadcast %shift_right_arithmetic3A_262 : i32 to vector<16xi32>
    %shift_right_arithmetic3A_264 = arith.shrsi %or3A_242, %shift_right_arithmetic3A_263 : vector<16xi32>
    %and3A_265 = arith.constant 31 : i32
    %and3A_266 = vector.broadcast %and3A_265 : i32 to vector<16xi32>
    %and3A_267 = arith.andi %shift_right_arithmetic3A_264, %and3A_266 : vector<16xi32>
    %shift_right_arithmetic3A_268 = arith.shrsi %gather3A_248, %and3A_267 : vector<16xi32>
    %and3A_269 = arith.constant 31 : i32
    %and3A_270 = vector.broadcast %and3A_269 : i32 to vector<16xi32>
    %and3A_271 = arith.andi %shift_right_arithmetic3A_268, %and3A_270 : vector<16xi32>
    %shift_left3A_272 = arith.constant 5 : i32
    %shift_left3A_273 = vector.broadcast %shift_left3A_272 : i32 to vector<16xi32>
    %shift_left3A_274 = arith.shli %and3A_271, %shift_left3A_273 : vector<16xi32>
    %or3A_275 = arith.ori %shift_left3A_261, %shift_left3A_274 : vector<16xi32>
    %shift_right_arithmetic3A_276 = arith.constant 10 : i32
    %shift_right_arithmetic3A_277 = vector.broadcast %shift_right_arithmetic3A_276 : i32 to vector<16xi32>
    %shift_right_arithmetic3A_278 = arith.shrsi %or3A_242, %shift_right_arithmetic3A_277 : vector<16xi32>
    %and3A_279 = arith.constant 31 : i32
    %and3A_280 = vector.broadcast %and3A_279 : i32 to vector<16xi32>
    %and3A_281 = arith.andi %shift_right_arithmetic3A_278, %and3A_280 : vector<16xi32>
    %shift_right_arithmetic3A_282 = arith.shrsi %gather3A_248, %and3A_281 : vector<16xi32>
    %and3A_283 = arith.constant 31 : i32
    %and3A_284 = vector.broadcast %and3A_283 : i32 to vector<16xi32>
    %and3A_285 = arith.andi %shift_right_arithmetic3A_282, %and3A_284 : vector<16xi32>
    %shift_left3A_286 = arith.constant 10 : i32
    %shift_left3A_287 = vector.broadcast %shift_left3A_286 : i32 to vector<16xi32>
    %shift_left3A_288 = arith.shli %and3A_285, %shift_left3A_287 : vector<16xi32>
    %or3A_289 = arith.ori %or3A_275, %shift_left3A_288 : vector<16xi32>
    %shift_right_arithmetic3A_290 = arith.constant 15 : i32
    %shift_right_arithmetic3A_291 = vector.broadcast %shift_right_arithmetic3A_290 : i32 to vector<16xi32>
    %shift_right_arithmetic3A_292 = arith.shrsi %or3A_242, %shift_right_arithmetic3A_291 : vector<16xi32>
    %and3A_293 = arith.constant 31 : i32
    %and3A_294 = vector.broadcast %and3A_293 : i32 to vector<16xi32>
    %and3A_295 = arith.andi %shift_right_arithmetic3A_292, %and3A_294 : vector<16xi32>
    %shift_right_arithmetic3A_296 = arith.shrsi %gather3A_248, %and3A_295 : vector<16xi32>
    %and3A_297 = arith.constant 31 : i32
    %and3A_298 = vector.broadcast %and3A_297 : i32 to vector<16xi32>
    %and3A_299 = arith.andi %shift_right_arithmetic3A_296, %and3A_298 : vector<16xi32>
    %shift_left3A_300 = arith.constant 15 : i32
    %shift_left3A_301 = vector.broadcast %shift_left3A_300 : i32 to vector<16xi32>
    %shift_left3A_302 = arith.shli %and3A_299, %shift_left3A_301 : vector<16xi32>
    %or3A_303 = arith.ori %or3A_289, %shift_left3A_302 : vector<16xi32>
    %shift_right_arithmetic3A_304 = arith.constant 20 : i32
    %shift_right_arithmetic3A_305 = vector.broadcast %shift_right_arithmetic3A_304 : i32 to vector<16xi32>
    %shift_right_arithmetic3A_306 = arith.shrsi %or3A_242, %shift_right_arithmetic3A_305 : vector<16xi32>
    %and3A_307 = arith.constant 31 : i32
    %and3A_308 = vector.broadcast %and3A_307 : i32 to vector<16xi32>
    %and3A_309 = arith.andi %shift_right_arithmetic3A_306, %and3A_308 : vector<16xi32>
    %shift_right_arithmetic3A_310 = arith.shrsi %gather3A_248, %and3A_309 : vector<16xi32>
    %and3A_311 = arith.constant 31 : i32
    %and3A_312 = vector.broadcast %and3A_311 : i32 to vector<16xi32>
    %and3A_313 = arith.andi %shift_right_arithmetic3A_310, %and3A_312 : vector<16xi32>
    %shift_left3A_314 = arith.constant 20 : i32
    %shift_left3A_315 = vector.broadcast %shift_left3A_314 : i32 to vector<16xi32>
    %shift_left3A_316 = arith.shli %and3A_313, %shift_left3A_315 : vector<16xi32>
    %or3A_317 = arith.ori %or3A_303, %shift_left3A_316 : vector<16xi32>
    %swap3A_318 = arith.constant 16 : index
    %swap3A_319 = tpu.vector_load %arg10[%swap3A_318] {strides = array<i32>} : memref<32xi32, #tpu.memory_space<vmem>>, vector<16xi32>,
    tpu.vector_store %arg10[%swap3A_318], %or3A_317 {strides = array<i32>} : memref<32xi32, #tpu.memory_space<vmem>>, vector<16xi32>,
    %add3A_320 = arith.constant 15 : i32
    %add3A_321 = vector.broadcast %add3A_320 : i32 to vector<16xi32>
    %add3A_322 = arith.addi %iota3A, %add3A_321 : vector<16xi32>
    %gather3A_323 = tpu.vector_load_idx %arg10[%add3A_322] : memref<32xi32, #tpu.memory_space<vmem>>[vector<16xi32>], vector<16xi32>,
    %scan3A_324 = arith.constant 0 : i32
    %scan3A_325 = arith.constant 0 : i32
    %scan3A_326 = arith.constant 512 : i32
    %scan3A_327 = arith.addi %scan3A_325, %scan3A_326 : i32
    %scan3A_328 = arith.constant 4 : i32
    scf.for %scan3A_1363 = %scan3A_325 to %scan3A_327 step %scan3A_328  : i32 {
      %mul3A_1364 = arith.constant 16 : i32
      %mul3A_1365 = arith.muli %scan3A_1363, %mul3A_1364 : i32
      %add3A_1366 = arith.constant 0 : i32
      %add3A_1367 = arith.addi %add3A_1366, %mul3A_1365 : i32
      %get3A = arith.index_cast %add3A_1367 : i32 to index
      %get3A_1368 = tpu.vector_load %arg6[%get3A] {strides = array<i32>} : memref<32768xi32, #tpu.memory_space<vmem>>, vector<16xi32>,
      %shift_right_arithmetic3A_1369 = arith.constant 0 : i32
      %shift_right_arithmetic3A_1370 = vector.broadcast %shift_right_arithmetic3A_1369 : i32 to vector<16xi32>
      %shift_right_arithmetic3A_1371 = arith.shrsi %get3A_1368, %shift_right_arithmetic3A_1370 : vector<16xi32>
      %and3A_1372 = arith.constant 31 : i32
      %and3A_1373 = vector.broadcast %and3A_1372 : i32 to vector<16xi32>
      %and3A_1374 = arith.andi %shift_right_arithmetic3A_1371, %and3A_1373 : vector<16xi32>
      %shift_right_arithmetic3A_1375 = arith.shrsi %gather3A_323, %and3A_1374 : vector<16xi32>
      %and3A_1376 = arith.constant 31 : i32
      %and3A_1377 = vector.broadcast %and3A_1376 : i32 to vector<16xi32>
      %and3A_1378 = arith.andi %shift_right_arithmetic3A_1375, %and3A_1377 : vector<16xi32>
      %shift_left3A_1379 = arith.constant 0 : i32
      %shift_left3A_1380 = vector.broadcast %shift_left3A_1379 : i32 to vector<16xi32>
      %shift_left3A_1381 = arith.shli %and3A_1378, %shift_left3A_1380 : vector<16xi32>
      %shift_right_arithmetic3A_1382 = arith.constant 5 : i32
      %shift_right_arithmetic3A_1383 = vector.broadcast %shift_right_arithmetic3A_1382 : i32 to vector<16xi32>
      %shift_right_arithmetic3A_1384 = arith.shrsi %get3A_1368, %shift_right_arithmetic3A_1383 : vector<16xi32>
      %and3A_1385 = arith.constant 31 : i32
      %and3A_1386 = vector.broadcast %and3A_1385 : i32 to vector<16xi32>
      %and3A_1387 = arith.andi %shift_right_arithmetic3A_1384, %and3A_1386 : vector<16xi32>
      %shift_right_arithmetic3A_1388 = arith.shrsi %gather3A_323, %and3A_1387 : vector<16xi32>
      %and3A_1389 = arith.constant 31 : i32
      %and3A_1390 = vector.broadcast %and3A_1389 : i32 to vector<16xi32>
      %and3A_1391 = arith.andi %shift_right_arithmetic3A_1388, %and3A_1390 : vector<16xi32>
      %shift_left3A_1392 = arith.constant 5 : i32
      %shift_left3A_1393 = vector.broadcast %shift_left3A_1392 : i32 to vector<16xi32>
      %shift_left3A_1394 = arith.shli %and3A_1391, %shift_left3A_1393 : vector<16xi32>
      %or3A_1395 = arith.ori %shift_left3A_1381, %shift_left3A_1394 : vector<16xi32>
      %shift_right_arithmetic3A_1396 = arith.constant 10 : i32
      %shift_right_arithmetic3A_1397 = vector.broadcast %shift_right_arithmetic3A_1396 : i32 to vector<16xi32>
      %shift_right_arithmetic3A_1398 = arith.shrsi %get3A_1368, %shift_right_arithmetic3A_1397 : vector<16xi32>
      %and3A_1399 = arith.constant 31 : i32
      %and3A_1400 = vector.broadcast %and3A_1399 : i32 to vector<16xi32>
      %and3A_1401 = arith.andi %shift_right_arithmetic3A_1398, %and3A_1400 : vector<16xi32>
      %shift_right_arithmetic3A_1402 = arith.shrsi %gather3A_323, %and3A_1401 : vector<16xi32>
      %and3A_1403 = arith.constant 31 : i32
      %and3A_1404 = vector.broadcast %and3A_1403 : i32 to vector<16xi32>
      %and3A_1405 = arith.andi %shift_right_arithmetic3A_1402, %and3A_1404 : vector<16xi32>
      %shift_left3A_1406 = arith.constant 10 : i32
      %shift_left3A_1407 = vector.broadcast %shift_left3A_1406 : i32 to vector<16xi32>
      %shift_left3A_1408 = arith.shli %and3A_1405, %shift_left3A_1407 : vector<16xi32>
      %or3A_1409 = arith.ori %or3A_1395, %shift_left3A_1408 : vector<16xi32>
      %shift_right_arithmetic3A_1410 = arith.constant 15 : i32
      %shift_right_arithmetic3A_1411 = vector.broadcast %shift_right_arithmetic3A_1410 : i32 to vector<16xi32>
      %shift_right_arithmetic3A_1412 = arith.shrsi %get3A_1368, %shift_right_arithmetic3A_1411 : vector<16xi32>
      %and3A_1413 = arith.constant 31 : i32
      %and3A_1414 = vector.broadcast %and3A_1413 : i32 to vector<16xi32>
      %and3A_1415 = arith.andi %shift_right_arithmetic3A_1412, %and3A_1414 : vector<16xi32>
      %shift_right_arithmetic3A_1416 = arith.shrsi %gather3A_323, %and3A_1415 : vector<16xi32>
      %and3A_1417 = arith.constant 31 : i32
      %and3A_1418 = vector.broadcast %and3A_1417 : i32 to vector<16xi32>
      %and3A_1419 = arith.andi %shift_right_arithmetic3A_1416, %and3A_1418 : vector<16xi32>
      %shift_left3A_1420 = arith.constant 15 : i32
      %shift_left3A_1421 = vector.broadcast %shift_left3A_1420 : i32 to vector<16xi32>
      %shift_left3A_1422 = arith.shli %and3A_1419, %shift_left3A_1421 : vector<16xi32>
      %or3A_1423 = arith.ori %or3A_1409, %shift_left3A_1422 : vector<16xi32>
      %shift_right_arithmetic3A_1424 = arith.constant 20 : i32
      %shift_right_arithmetic3A_1425 = vector.broadcast %shift_right_arithmetic3A_1424 : i32 to vector<16xi32>
      %shift_right_arithmetic3A_1426 = arith.shrsi %get3A_1368, %shift_right_arithmetic3A_1425 : vector<16xi32>
      %and3A_1427 = arith.constant 31 : i32
      %and3A_1428 = vector.broadcast %and3A_1427 : i32 to vector<16xi32>
      %and3A_1429 = arith.andi %shift_right_arithmetic3A_1426, %and3A_1428 : vector<16xi32>
      %shift_right_arithmetic3A_1430 = arith.shrsi %gather3A_323, %and3A_1429 : vector<16xi32>
      %and3A_1431 = arith.constant 31 : i32
      %and3A_1432 = vector.broadcast %and3A_1431 : i32 to vector<16xi32>
      %and3A_1433 = arith.andi %shift_right_arithmetic3A_1430, %and3A_1432 : vector<16xi32>
      %shift_left3A_1434 = arith.constant 20 : i32
      %shift_left3A_1435 = vector.broadcast %shift_left3A_1434 : i32 to vector<16xi32>
      %shift_left3A_1436 = arith.shli %and3A_1433, %shift_left3A_1435 : vector<16xi32>
      %or3A_1437 = arith.ori %or3A_1423, %shift_left3A_1436 : vector<16xi32>
      %shift_right_arithmetic3A_1438 = arith.constant 0 : i32
      %shift_right_arithmetic3A_1439 = vector.broadcast %shift_right_arithmetic3A_1438 : i32 to vector<16xi32>
      %shift_right_arithmetic3A_1440 = arith.shrsi %or3A_1437, %shift_right_arithmetic3A_1439 : vector<16xi32>
      %and3A_1441 = arith.constant 31 : i32
      %and3A_1442 = vector.broadcast %and3A_1441 : i32 to vector<16xi32>
      %and3A_1443 = arith.andi %shift_right_arithmetic3A_1440, %and3A_1442 : vector<16xi32>
      %add3A_1444 = arith.constant 0 : i32
      %add3A_1445 = vector.broadcast %add3A_1444 : i32 to vector<16xi32>
      %add3A_1446 = arith.addi %and3A_1443, %add3A_1445 : vector<16xi32>
      %gather3A_1447 = tpu.vector_load_idx %arg8[%add3A_1446] : memref<128xf32, #tpu.memory_space<vmem>>[vector<16xi32>], vector<16xf32>,
      %mul3A_1448 = arith.constant 80 : i32
      %mul3A_1449 = arith.muli %scan3A_1363, %mul3A_1448 : i32
      %add3A_1450 = arith.constant 0 : i32
      %add3A_1451 = arith.addi %mul3A_1449, %add3A_1450 : i32
      %add3A_1452 = arith.constant 0 : i32
      %add3A_1453 = arith.addi %add3A_1452, %add3A_1451 : i32
      %add3A_1454 = vector.broadcast %add3A_1453 : i32 to vector<16xi32>
      %add3A_1455 = arith.addi %mul3A_4, %add3A_1454 : vector<16xi32>
      tpu.vector_store_idx %arg7[%add3A_1455], %gather3A_1447 : memref<81920xf32, #tpu.memory_space<vmem>>[vector<16xi32>], vector<16xf32>,
      %shift_right_arithmetic3A_1456 = arith.constant 5 : i32
      %shift_right_arithmetic3A_1457 = vector.broadcast %shift_right_arithmetic3A_1456 : i32 to vector<16xi32>
      %shift_right_arithmetic3A_1458 = arith.shrsi %or3A_1437, %shift_right_arithmetic3A_1457 : vector<16xi32>
      %and3A_1459 = arith.constant 31 : i32
      %and3A_1460 = vector.broadcast %and3A_1459 : i32 to vector<16xi32>
      %and3A_1461 = arith.andi %shift_right_arithmetic3A_1458, %and3A_1460 : vector<16xi32>
      %add3A_1462 = arith.constant 0 : i32
      %add3A_1463 = vector.broadcast %add3A_1462 : i32 to vector<16xi32>
      %add3A_1464 = arith.addi %and3A_1461, %add3A_1463 : vector<16xi32>
      %gather3A_1465 = tpu.vector_load_idx %arg8[%add3A_1464] : memref<128xf32, #tpu.memory_space<vmem>>[vector<16xi32>], vector<16xf32>,
      %mul3A_1466 = arith.constant 80 : i32
      %mul3A_1467 = arith.muli %scan3A_1363, %mul3A_1466 : i32
      %add3A_1468 = arith.constant 1 : i32
      %add3A_1469 = arith.addi %mul3A_1467, %add3A_1468 : i32
      %add3A_1470 = arith.constant 0 : i32
      %add3A_1471 = arith.addi %add3A_1470, %add3A_1469 : i32
      %add3A_1472 = vector.broadcast %add3A_1471 : i32 to vector<16xi32>
      %add3A_1473 = arith.addi %mul3A_4, %add3A_1472 : vector<16xi32>
      tpu.vector_store_idx %arg7[%add3A_1473], %gather3A_1465 : memref<81920xf32, #tpu.memory_space<vmem>>[vector<16xi32>], vector<16xf32>,
      %shift_right_arithmetic3A_1474 = arith.constant 10 : i32
      %shift_right_arithmetic3A_1475 = vector.broadcast %shift_right_arithmetic3A_1474 : i32 to vector<16xi32>
      %shift_right_arithmetic3A_1476 = arith.shrsi %or3A_1437, %shift_right_arithmetic3A_1475 : vector<16xi32>
      %and3A_1477 = arith.constant 31 : i32
      %and3A_1478 = vector.broadcast %and3A_1477 : i32 to vector<16xi32>
      %and3A_1479 = arith.andi %shift_right_arithmetic3A_1476, %and3A_1478 : vector<16xi32>
      %add3A_1480 = arith.constant 0 : i32
      %add3A_1481 = vector.broadcast %add3A_1480 : i32 to vector<16xi32>
      %add3A_1482 = arith.addi %and3A_1479, %add3A_1481 : vector<16xi32>
      %gather3A_1483 = tpu.vector_load_idx %arg8[%add3A_1482] : memref<128xf32, #tpu.memory_space<vmem>>[vector<16xi32>], vector<16xf32>,
      %mul3A_1484 = arith.constant 80 : i32
      %mul3A_1485 = arith.muli %scan3A_1363, %mul3A_1484 : i32
      %add3A_1486 = arith.constant 2 : i32
      %add3A_1487 = arith.addi %mul3A_1485, %add3A_1486 : i32
      %add3A_1488 = arith.constant 0 : i32
      %add3A_1489 = arith.addi %add3A_1488, %add3A_1487 : i32
      %add3A_1490 = vector.broadcast %add3A_1489 : i32 to vector<16xi32>
      %add3A_1491 = arith.addi %mul3A_4, %add3A_1490 : vector<16xi32>
      tpu.vector_store_idx %arg7[%add3A_1491], %gather3A_1483 : memref<81920xf32, #tpu.memory_space<vmem>>[vector<16xi32>], vector<16xf32>,
      %shift_right_arithmetic3A_1492 = arith.constant 15 : i32
      %shift_right_arithmetic3A_1493 = vector.broadcast %shift_right_arithmetic3A_1492 : i32 to vector<16xi32>
      %shift_right_arithmetic3A_1494 = arith.shrsi %or3A_1437, %shift_right_arithmetic3A_1493 : vector<16xi32>
      %and3A_1495 = arith.constant 31 : i32
      %and3A_1496 = vector.broadcast %and3A_1495 : i32 to vector<16xi32>
      %and3A_1497 = arith.andi %shift_right_arithmetic3A_1494, %and3A_1496 : vector<16xi32>
      %add3A_1498 = arith.constant 0 : i32
      %add3A_1499 = vector.broadcast %add3A_1498 : i32 to vector<16xi32>
      %add3A_1500 = arith.addi %and3A_1497, %add3A_1499 : vector<16xi32>
      %gather3A_1501 = tpu.vector_load_idx %arg8[%add3A_1500] : memref<128xf32, #tpu.memory_space<vmem>>[vector<16xi32>], vector<16xf32>,
      %mul3A_1502 = arith.constant 80 : i32
      %mul3A_1503 = arith.muli %scan3A_1363, %mul3A_1502 : i32
      %add3A_1504 = arith.constant 3 : i32
      %add3A_1505 = arith.addi %mul3A_1503, %add3A_1504 : i32
      %add3A_1506 = arith.constant 0 : i32
      %add3A_1507 = arith.addi %add3A_1506, %add3A_1505 : i32
      %add3A_1508 = vector.broadcast %add3A_1507 : i32 to vector<16xi32>
      %add3A_1509 = arith.addi %mul3A_4, %add3A_1508 : vector<16xi32>
      tpu.vector_store_idx %arg7[%add3A_1509], %gather3A_1501 : memref<81920xf32, #tpu.memory_space<vmem>>[vector<16xi32>], vector<16xf32>,
      %shift_right_arithmetic3A_1510 = arith.constant 20 : i32
      %shift_right_arithmetic3A_1511 = vector.broadcast %shift_right_arithmetic3A_1510 : i32 to vector<16xi32>
      %shift_right_arithmetic3A_1512 = arith.shrsi %or3A_1437, %shift_right_arithmetic3A_1511 : vector<16xi32>
      %and3A_1513 = arith.constant 31 : i32
      %and3A_1514 = vector.broadcast %and3A_1513 : i32 to vector<16xi32>
      %and3A_1515 = arith.andi %shift_right_arithmetic3A_1512, %and3A_1514 : vector<16xi32>
      %add3A_1516 = arith.constant 0 : i32
      %add3A_1517 = vector.broadcast %add3A_1516 : i32 to vector<16xi32>
      %add3A_1518 = arith.addi %and3A_1515, %add3A_1517 : vector<16xi32>
      %gather3A_1519 = tpu.vector_load_idx %arg8[%add3A_1518] : memref<128xf32, #tpu.memory_space<vmem>>[vector<16xi32>], vector<16xf32>,
      %mul3A_1520 = arith.constant 80 : i32
      %mul3A_1521 = arith.muli %scan3A_1363, %mul3A_1520 : i32
      %add3A_1522 = arith.constant 4 : i32
      %add3A_1523 = arith.addi %mul3A_1521, %add3A_1522 : i32
      %add3A_1524 = arith.constant 0 : i32
      %add3A_1525 = arith.addi %add3A_1524, %add3A_1523 : i32
      %add3A_1526 = vector.broadcast %add3A_1525 : i32 to vector<16xi32>
      %add3A_1527 = arith.addi %mul3A_4, %add3A_1526 : vector<16xi32>
      tpu.vector_store_idx %arg7[%add3A_1527], %gather3A_1519 : memref<81920xf32, #tpu.memory_space<vmem>>[vector<16xi32>], vector<16xf32>,
      %scan3A_1528 = arith.constant 1 : i32
      %scan3A_1529 = arith.addi %scan3A_1363, %scan3A_1528 : i32
      %mul3A_1530 = arith.constant 16 : i32
      %mul3A_1531 = arith.muli %scan3A_1529, %mul3A_1530 : i32
      %add3A_1532 = arith.constant 0 : i32
      %add3A_1533 = arith.addi %add3A_1532, %mul3A_1531 : i32
      %get3A_1534 = arith.index_cast %add3A_1533 : i32 to index
      %get3A_1535 = tpu.vector_load %arg6[%get3A_1534] {strides = array<i32>} : memref<32768xi32, #tpu.memory_space<vmem>>, vector<16xi32>,
      %shift_right_arithmetic3A_1536 = arith.constant 0 : i32
      %shift_right_arithmetic3A_1537 = vector.broadcast %shift_right_arithmetic3A_1536 : i32 to vector<16xi32>
      %shift_right_arithmetic3A_1538 = arith.shrsi %get3A_1535, %shift_right_arithmetic3A_1537 : vector<16xi32>
      %and3A_1539 = arith.constant 31 : i32
      %and3A_1540 = vector.broadcast %and3A_1539 : i32 to vector<16xi32>
      %and3A_1541 = arith.andi %shift_right_arithmetic3A_1538, %and3A_1540 : vector<16xi32>
      %shift_right_arithmetic3A_1542 = arith.shrsi %gather3A_323, %and3A_1541 : vector<16xi32>
      %and3A_1543 = arith.constant 31 : i32
      %and3A_1544 = vector.broadcast %and3A_1543 : i32 to vector<16xi32>
      %and3A_1545 = arith.andi %shift_right_arithmetic3A_1542, %and3A_1544 : vector<16xi32>
      %shift_left3A_1546 = arith.constant 0 : i32
      %shift_left3A_1547 = vector.broadcast %shift_left3A_1546 : i32 to vector<16xi32>
      %shift_left3A_1548 = arith.shli %and3A_1545, %shift_left3A_1547 : vector<16xi32>
      %shift_right_arithmetic3A_1549 = arith.constant 5 : i32
      %shift_right_arithmetic3A_1550 = vector.broadcast %shift_right_arithmetic3A_1549 : i32 to vector<16xi32>
      %shift_right_arithmetic3A_1551 = arith.shrsi %get3A_1535, %shift_right_arithmetic3A_1550 : vector<16xi32>
      %and3A_1552 = arith.constant 31 : i32
      %and3A_1553 = vector.broadcast %and3A_1552 : i32 to vector<16xi32>
      %and3A_1554 = arith.andi %shift_right_arithmetic3A_1551, %and3A_1553 : vector<16xi32>
      %shift_right_arithmetic3A_1555 = arith.shrsi %gather3A_323, %and3A_1554 : vector<16xi32>
      %and3A_1556 = arith.constant 31 : i32
      %and3A_1557 = vector.broadcast %and3A_1556 : i32 to vector<16xi32>
      %and3A_1558 = arith.andi %shift_right_arithmetic3A_1555, %and3A_1557 : vector<16xi32>
      %shift_left3A_1559 = arith.constant 5 : i32
      %shift_left3A_1560 = vector.broadcast %shift_left3A_1559 : i32 to vector<16xi32>
      %shift_left3A_1561 = arith.shli %and3A_1558, %shift_left3A_1560 : vector<16xi32>
      %or3A_1562 = arith.ori %shift_left3A_1548, %shift_left3A_1561 : vector<16xi32>
      %shift_right_arithmetic3A_1563 = arith.constant 10 : i32
      %shift_right_arithmetic3A_1564 = vector.broadcast %shift_right_arithmetic3A_1563 : i32 to vector<16xi32>
      %shift_right_arithmetic3A_1565 = arith.shrsi %get3A_1535, %shift_right_arithmetic3A_1564 : vector<16xi32>
      %and3A_1566 = arith.constant 31 : i32
      %and3A_1567 = vector.broadcast %and3A_1566 : i32 to vector<16xi32>
      %and3A_1568 = arith.andi %shift_right_arithmetic3A_1565, %and3A_1567 : vector<16xi32>
      %shift_right_arithmetic3A_1569 = arith.shrsi %gather3A_323, %and3A_1568 : vector<16xi32>
      %and3A_1570 = arith.constant 31 : i32
      %and3A_1571 = vector.broadcast %and3A_1570 : i32 to vector<16xi32>
      %and3A_1572 = arith.andi %shift_right_arithmetic3A_1569, %and3A_1571 : vector<16xi32>
      %shift_left3A_1573 = arith.constant 10 : i32
      %shift_left3A_1574 = vector.broadcast %shift_left3A_1573 : i32 to vector<16xi32>
      %shift_left3A_1575 = arith.shli %and3A_1572, %shift_left3A_1574 : vector<16xi32>
      %or3A_1576 = arith.ori %or3A_1562, %shift_left3A_1575 : vector<16xi32>
      %shift_right_arithmetic3A_1577 = arith.constant 15 : i32
      %shift_right_arithmetic3A_1578 = vector.broadcast %shift_right_arithmetic3A_1577 : i32 to vector<16xi32>
      %shift_right_arithmetic3A_1579 = arith.shrsi %get3A_1535, %shift_right_arithmetic3A_1578 : vector<16xi32>
      %and3A_1580 = arith.constant 31 : i32
      %and3A_1581 = vector.broadcast %and3A_1580 : i32 to vector<16xi32>
      %and3A_1582 = arith.andi %shift_right_arithmetic3A_1579, %and3A_1581 : vector<16xi32>
      %shift_right_arithmetic3A_1583 = arith.shrsi %gather3A_323, %and3A_1582 : vector<16xi32>
      %and3A_1584 = arith.constant 31 : i32
      %and3A_1585 = vector.broadcast %and3A_1584 : i32 to vector<16xi32>
      %and3A_1586 = arith.andi %shift_right_arithmetic3A_1583, %and3A_1585 : vector<16xi32>
      %shift_left3A_1587 = arith.constant 15 : i32
      %shift_left3A_1588 = vector.broadcast %shift_left3A_1587 : i32 to vector<16xi32>
      %shift_left3A_1589 = arith.shli %and3A_1586, %shift_left3A_1588 : vector<16xi32>
      %or3A_1590 = arith.ori %or3A_1576, %shift_left3A_1589 : vector<16xi32>
      %shift_right_arithmetic3A_1591 = arith.constant 20 : i32
      %shift_right_arithmetic3A_1592 = vector.broadcast %shift_right_arithmetic3A_1591 : i32 to vector<16xi32>
      %shift_right_arithmetic3A_1593 = arith.shrsi %get3A_1535, %shift_right_arithmetic3A_1592 : vector<16xi32>
      %and3A_1594 = arith.constant 31 : i32
      %and3A_1595 = vector.broadcast %and3A_1594 : i32 to vector<16xi32>
      %and3A_1596 = arith.andi %shift_right_arithmetic3A_1593, %and3A_1595 : vector<16xi32>
      %shift_right_arithmetic3A_1597 = arith.shrsi %gather3A_323, %and3A_1596 : vector<16xi32>
      %and3A_1598 = arith.constant 31 : i32
      %and3A_1599 = vector.broadcast %and3A_1598 : i32 to vector<16xi32>
      %and3A_1600 = arith.andi %shift_right_arithmetic3A_1597, %and3A_1599 : vector<16xi32>
      %shift_left3A_1601 = arith.constant 20 : i32
      %shift_left3A_1602 = vector.broadcast %shift_left3A_1601 : i32 to vector<16xi32>
      %shift_left3A_1603 = arith.shli %and3A_1600, %shift_left3A_1602 : vector<16xi32>
      %or3A_1604 = arith.ori %or3A_1590, %shift_left3A_1603 : vector<16xi32>
      %shift_right_arithmetic3A_1605 = arith.constant 0 : i32
      %shift_right_arithmetic3A_1606 = vector.broadcast %shift_right_arithmetic3A_1605 : i32 to vector<16xi32>
      %shift_right_arithmetic3A_1607 = arith.shrsi %or3A_1604, %shift_right_arithmetic3A_1606 : vector<16xi32>
      %and3A_1608 = arith.constant 31 : i32
      %and3A_1609 = vector.broadcast %and3A_1608 : i32 to vector<16xi32>
      %and3A_1610 = arith.andi %shift_right_arithmetic3A_1607, %and3A_1609 : vector<16xi32>
      %add3A_1611 = arith.constant 0 : i32
      %add3A_1612 = vector.broadcast %add3A_1611 : i32 to vector<16xi32>
      %add3A_1613 = arith.addi %and3A_1610, %add3A_1612 : vector<16xi32>
      %gather3A_1614 = tpu.vector_load_idx %arg8[%add3A_1613] : memref<128xf32, #tpu.memory_space<vmem>>[vector<16xi32>], vector<16xf32>,
      %mul3A_1615 = arith.constant 80 : i32
      %mul3A_1616 = arith.muli %scan3A_1529, %mul3A_1615 : i32
      %add3A_1617 = arith.constant 0 : i32
      %add3A_1618 = arith.addi %mul3A_1616, %add3A_1617 : i32
      %add3A_1619 = arith.constant 0 : i32
      %add3A_1620 = arith.addi %add3A_1619, %add3A_1618 : i32
      %add3A_1621 = vector.broadcast %add3A_1620 : i32 to vector<16xi32>
      %add3A_1622 = arith.addi %mul3A_4, %add3A_1621 : vector<16xi32>
      tpu.vector_store_idx %arg7[%add3A_1622], %gather3A_1614 : memref<81920xf32, #tpu.memory_space<vmem>>[vector<16xi32>], vector<16xf32>,
      %shift_right_arithmetic3A_1623 = arith.constant 5 : i32
      %shift_right_arithmetic3A_1624 = vector.broadcast %shift_right_arithmetic3A_1623 : i32 to vector<16xi32>
      %shift_right_arithmetic3A_1625 = arith.shrsi %or3A_1604, %shift_right_arithmetic3A_1624 : vector<16xi32>
      %and3A_1626 = arith.constant 31 : i32
      %and3A_1627 = vector.broadcast %and3A_1626 : i32 to vector<16xi32>
      %and3A_1628 = arith.andi %shift_right_arithmetic3A_1625, %and3A_1627 : vector<16xi32>
      %add3A_1629 = arith.constant 0 : i32
      %add3A_1630 = vector.broadcast %add3A_1629 : i32 to vector<16xi32>
      %add3A_1631 = arith.addi %and3A_1628, %add3A_1630 : vector<16xi32>
      %gather3A_1632 = tpu.vector_load_idx %arg8[%add3A_1631] : memref<128xf32, #tpu.memory_space<vmem>>[vector<16xi32>], vector<16xf32>,
      %mul3A_1633 = arith.constant 80 : i32
      %mul3A_1634 = arith.muli %scan3A_1529, %mul3A_1633 : i32
      %add3A_1635 = arith.constant 1 : i32
      %add3A_1636 = arith.addi %mul3A_1634, %add3A_1635 : i32
      %add3A_1637 = arith.constant 0 : i32
      %add3A_1638 = arith.addi %add3A_1637, %add3A_1636 : i32
      %add3A_1639 = vector.broadcast %add3A_1638 : i32 to vector<16xi32>
      %add3A_1640 = arith.addi %mul3A_4, %add3A_1639 : vector<16xi32>
      tpu.vector_store_idx %arg7[%add3A_1640], %gather3A_1632 : memref<81920xf32, #tpu.memory_space<vmem>>[vector<16xi32>], vector<16xf32>,
      %shift_right_arithmetic3A_1641 = arith.constant 10 : i32
      %shift_right_arithmetic3A_1642 = vector.broadcast %shift_right_arithmetic3A_1641 : i32 to vector<16xi32>
      %shift_right_arithmetic3A_1643 = arith.shrsi %or3A_1604, %shift_right_arithmetic3A_1642 : vector<16xi32>
      %and3A_1644 = arith.constant 31 : i32
      %and3A_1645 = vector.broadcast %and3A_1644 : i32 to vector<16xi32>
      %and3A_1646 = arith.andi %shift_right_arithmetic3A_1643, %and3A_1645 : vector<16xi32>
      %add3A_1647 = arith.constant 0 : i32
      %add3A_1648 = vector.broadcast %add3A_1647 : i32 to vector<16xi32>
      %add3A_1649 = arith.addi %and3A_1646, %add3A_1648 : vector<16xi32>
      %gather3A_1650 = tpu.vector_load_idx %arg8[%add3A_1649] : memref<128xf32, #tpu.memory_space<vmem>>[vector<16xi32>], vector<16xf32>,
      %mul3A_1651 = arith.constant 80 : i32
      %mul3A_1652 = arith.muli %scan3A_1529, %mul3A_1651 : i32
      %add3A_1653 = arith.constant 2 : i32
      %add3A_1654 = arith.addi %mul3A_1652, %add3A_1653 : i32
      %add3A_1655 = arith.constant 0 : i32
      %add3A_1656 = arith.addi %add3A_1655, %add3A_1654 : i32
      %add3A_1657 = vector.broadcast %add3A_1656 : i32 to vector<16xi32>
      %add3A_1658 = arith.addi %mul3A_4, %add3A_1657 : vector<16xi32>
      tpu.vector_store_idx %arg7[%add3A_1658], %gather3A_1650 : memref<81920xf32, #tpu.memory_space<vmem>>[vector<16xi32>], vector<16xf32>,
      %shift_right_arithmetic3A_1659 = arith.constant 15 : i32
      %shift_right_arithmetic3A_1660 = vector.broadcast %shift_right_arithmetic3A_1659 : i32 to vector<16xi32>
      %shift_right_arithmetic3A_1661 = arith.shrsi %or3A_1604, %shift_right_arithmetic3A_1660 : vector<16xi32>
      %and3A_1662 = arith.constant 31 : i32
      %and3A_1663 = vector.broadcast %and3A_1662 : i32 to vector<16xi32>
      %and3A_1664 = arith.andi %shift_right_arithmetic3A_1661, %and3A_1663 : vector<16xi32>
      %add3A_1665 = arith.constant 0 : i32
      %add3A_1666 = vector.broadcast %add3A_1665 : i32 to vector<16xi32>
      %add3A_1667 = arith.addi %and3A_1664, %add3A_1666 : vector<16xi32>
      %gather3A_1668 = tpu.vector_load_idx %arg8[%add3A_1667] : memref<128xf32, #tpu.memory_space<vmem>>[vector<16xi32>], vector<16xf32>,
      %mul3A_1669 = arith.constant 80 : i32
      %mul3A_1670 = arith.muli %scan3A_1529, %mul3A_1669 : i32
      %add3A_1671 = arith.constant 3 : i32
      %add3A_1672 = arith.addi %mul3A_1670, %add3A_1671 : i32
      %add3A_1673 = arith.constant 0 : i32
      %add3A_1674 = arith.addi %add3A_1673, %add3A_1672 : i32
      %add3A_1675 = vector.broadcast %add3A_1674 : i32 to vector<16xi32>
      %add3A_1676 = arith.addi %mul3A_4, %add3A_1675 : vector<16xi32>
      tpu.vector_store_idx %arg7[%add3A_1676], %gather3A_1668 : memref<81920xf32, #tpu.memory_space<vmem>>[vector<16xi32>], vector<16xf32>,
      %shift_right_arithmetic3A_1677 = arith.constant 20 : i32
      %shift_right_arithmetic3A_1678 = vector.broadcast %shift_right_arithmetic3A_1677 : i32 to vector<16xi32>
      %shift_right_arithmetic3A_1679 = arith.shrsi %or3A_1604, %shift_right_arithmetic3A_1678 : vector<16xi32>
      %and3A_1680 = arith.constant 31 : i32
      %and3A_1681 = vector.broadcast %and3A_1680 : i32 to vector<16xi32>
      %and3A_1682 = arith.andi %shift_right_arithmetic3A_1679, %and3A_1681 : vector<16xi32>
      %add3A_1683 = arith.constant 0 : i32
      %add3A_1684 = vector.broadcast %add3A_1683 : i32 to vector<16xi32>
      %add3A_1685 = arith.addi %and3A_1682, %add3A_1684 : vector<16xi32>
      %gather3A_1686 = tpu.vector_load_idx %arg8[%add3A_1685] : memref<128xf32, #tpu.memory_space<vmem>>[vector<16xi32>], vector<16xf32>,
      %mul3A_1687 = arith.constant 80 : i32
      %mul3A_1688 = arith.muli %scan3A_1529, %mul3A_1687 : i32
      %add3A_1689 = arith.constant 4 : i32
      %add3A_1690 = arith.addi %mul3A_1688, %add3A_1689 : i32
      %add3A_1691 = arith.constant 0 : i32
      %add3A_1692 = arith.addi %add3A_1691, %add3A_1690 : i32
      %add3A_1693 = vector.broadcast %add3A_1692 : i32 to vector<16xi32>
      %add3A_1694 = arith.addi %mul3A_4, %add3A_1693 : vector<16xi32>
      tpu.vector_store_idx %arg7[%add3A_1694], %gather3A_1686 : memref<81920xf32, #tpu.memory_space<vmem>>[vector<16xi32>], vector<16xf32>,
      %scan3A_1695 = arith.constant 2 : i32
      %scan3A_1696 = arith.addi %scan3A_1363, %scan3A_1695 : i32
      %mul3A_1697 = arith.constant 16 : i32
      %mul3A_1698 = arith.muli %scan3A_1696, %mul3A_1697 : i32
      %add3A_1699 = arith.constant 0 : i32
      %add3A_1700 = arith.addi %add3A_1699, %mul3A_1698 : i32
      %get3A_1701 = arith.index_cast %add3A_1700 : i32 to index
      %get3A_1702 = tpu.vector_load %arg6[%get3A_1701] {strides = array<i32>} : memref<32768xi32, #tpu.memory_space<vmem>>, vector<16xi32>,
      %shift_right_arithmetic3A_1703 = arith.constant 0 : i32
      %shift_right_arithmetic3A_1704 = vector.broadcast %shift_right_arithmetic3A_1703 : i32 to vector<16xi32>
      %shift_right_arithmetic3A_1705 = arith.shrsi %get3A_1702, %shift_right_arithmetic3A_1704 : vector<16xi32>
      %and3A_1706 = arith.constant 31 : i32
      %and3A_1707 = vector.broadcast %and3A_1706 : i32 to vector<16xi32>
      %and3A_1708 = arith.andi %shift_right_arithmetic3A_1705, %and3A_1707 : vector<16xi32>
      %shift_right_arithmetic3A_1709 = arith.shrsi %gather3A_323, %and3A_1708 : vector<16xi32>
      %and3A_1710 = arith.constant 31 : i32
      %and3A_1711 = vector.broadcast %and3A_1710 : i32 to vector<16xi32>
      %and3A_1712 = arith.andi %shift_right_arithmetic3A_1709, %and3A_1711 : vector<16xi32>
      %shift_left3A_1713 = arith.constant 0 : i32
      %shift_left3A_1714 = vector.broadcast %shift_left3A_1713 : i32 to vector<16xi32>
      %shift_left3A_1715 = arith.shli %and3A_1712, %shift_left3A_1714 : vector<16xi32>
      %shift_right_arithmetic3A_1716 = arith.constant 5 : i32
      %shift_right_arithmetic3A_1717 = vector.broadcast %shift_right_arithmetic3A_1716 : i32 to vector<16xi32>
      %shift_right_arithmetic3A_1718 = arith.shrsi %get3A_1702, %shift_right_arithmetic3A_1717 : vector<16xi32>
      %and3A_1719 = arith.constant 31 : i32
      %and3A_1720 = vector.broadcast %and3A_1719 : i32 to vector<16xi32>
      %and3A_1721 = arith.andi %shift_right_arithmetic3A_1718, %and3A_1720 : vector<16xi32>
      %shift_right_arithmetic3A_1722 = arith.shrsi %gather3A_323, %and3A_1721 : vector<16xi32>
      %and3A_1723 = arith.constant 31 : i32
      %and3A_1724 = vector.broadcast %and3A_1723 : i32 to vector<16xi32>
      %and3A_1725 = arith.andi %shift_right_arithmetic3A_1722, %and3A_1724 : vector<16xi32>
      %shift_left3A_1726 = arith.constant 5 : i32
      %shift_left3A_1727 = vector.broadcast %shift_left3A_1726 : i32 to vector<16xi32>
      %shift_left3A_1728 = arith.shli %and3A_1725, %shift_left3A_1727 : vector<16xi32>
      %or3A_1729 = arith.ori %shift_left3A_1715, %shift_left3A_1728 : vector<16xi32>
      %shift_right_arithmetic3A_1730 = arith.constant 10 : i32
      %shift_right_arithmetic3A_1731 = vector.broadcast %shift_right_arithmetic3A_1730 : i32 to vector<16xi32>
      %shift_right_arithmetic3A_1732 = arith.shrsi %get3A_1702, %shift_right_arithmetic3A_1731 : vector<16xi32>
      %and3A_1733 = arith.constant 31 : i32
      %and3A_1734 = vector.broadcast %and3A_1733 : i32 to vector<16xi32>
      %and3A_1735 = arith.andi %shift_right_arithmetic3A_1732, %and3A_1734 : vector<16xi32>
      %shift_right_arithmetic3A_1736 = arith.shrsi %gather3A_323, %and3A_1735 : vector<16xi32>
      %and3A_1737 = arith.constant 31 : i32
      %and3A_1738 = vector.broadcast %and3A_1737 : i32 to vector<16xi32>
      %and3A_1739 = arith.andi %shift_right_arithmetic3A_1736, %and3A_1738 : vector<16xi32>
      %shift_left3A_1740 = arith.constant 10 : i32
      %shift_left3A_1741 = vector.broadcast %shift_left3A_1740 : i32 to vector<16xi32>
      %shift_left3A_1742 = arith.shli %and3A_1739, %shift_left3A_1741 : vector<16xi32>
      %or3A_1743 = arith.ori %or3A_1729, %shift_left3A_1742 : vector<16xi32>
      %shift_right_arithmetic3A_1744 = arith.constant 15 : i32
      %shift_right_arithmetic3A_1745 = vector.broadcast %shift_right_arithmetic3A_1744 : i32 to vector<16xi32>
      %shift_right_arithmetic3A_1746 = arith.shrsi %get3A_1702, %shift_right_arithmetic3A_1745 : vector<16xi32>
      %and3A_1747 = arith.constant 31 : i32
      %and3A_1748 = vector.broadcast %and3A_1747 : i32 to vector<16xi32>
      %and3A_1749 = arith.andi %shift_right_arithmetic3A_1746, %and3A_1748 : vector<16xi32>
      %shift_right_arithmetic3A_1750 = arith.shrsi %gather3A_323, %and3A_1749 : vector<16xi32>
      %and3A_1751 = arith.constant 31 : i32
      %and3A_1752 = vector.broadcast %and3A_1751 : i32 to vector<16xi32>
      %and3A_1753 = arith.andi %shift_right_arithmetic3A_1750, %and3A_1752 : vector<16xi32>
      %shift_left3A_1754 = arith.constant 15 : i32
      %shift_left3A_1755 = vector.broadcast %shift_left3A_1754 : i32 to vector<16xi32>
      %shift_left3A_1756 = arith.shli %and3A_1753, %shift_left3A_1755 : vector<16xi32>
      %or3A_1757 = arith.ori %or3A_1743, %shift_left3A_1756 : vector<16xi32>
      %shift_right_arithmetic3A_1758 = arith.constant 20 : i32
      %shift_right_arithmetic3A_1759 = vector.broadcast %shift_right_arithmetic3A_1758 : i32 to vector<16xi32>
      %shift_right_arithmetic3A_1760 = arith.shrsi %get3A_1702, %shift_right_arithmetic3A_1759 : vector<16xi32>
      %and3A_1761 = arith.constant 31 : i32
      %and3A_1762 = vector.broadcast %and3A_1761 : i32 to vector<16xi32>
      %and3A_1763 = arith.andi %shift_right_arithmetic3A_1760, %and3A_1762 : vector<16xi32>
      %shift_right_arithmetic3A_1764 = arith.shrsi %gather3A_323, %and3A_1763 : vector<16xi32>
      %and3A_1765 = arith.constant 31 : i32
      %and3A_1766 = vector.broadcast %and3A_1765 : i32 to vector<16xi32>
      %and3A_1767 = arith.andi %shift_right_arithmetic3A_1764, %and3A_1766 : vector<16xi32>
      %shift_left3A_1768 = arith.constant 20 : i32
      %shift_left3A_1769 = vector.broadcast %shift_left3A_1768 : i32 to vector<16xi32>
      %shift_left3A_1770 = arith.shli %and3A_1767, %shift_left3A_1769 : vector<16xi32>
      %or3A_1771 = arith.ori %or3A_1757, %shift_left3A_1770 : vector<16xi32>
      %shift_right_arithmetic3A_1772 = arith.constant 0 : i32
      %shift_right_arithmetic3A_1773 = vector.broadcast %shift_right_arithmetic3A_1772 : i32 to vector<16xi32>
      %shift_right_arithmetic3A_1774 = arith.shrsi %or3A_1771, %shift_right_arithmetic3A_1773 : vector<16xi32>
      %and3A_1775 = arith.constant 31 : i32
      %and3A_1776 = vector.broadcast %and3A_1775 : i32 to vector<16xi32>
      %and3A_1777 = arith.andi %shift_right_arithmetic3A_1774, %and3A_1776 : vector<16xi32>
      %add3A_1778 = arith.constant 0 : i32
      %add3A_1779 = vector.broadcast %add3A_1778 : i32 to vector<16xi32>
      %add3A_1780 = arith.addi %and3A_1777, %add3A_1779 : vector<16xi32>
      %gather3A_1781 = tpu.vector_load_idx %arg8[%add3A_1780] : memref<128xf32, #tpu.memory_space<vmem>>[vector<16xi32>], vector<16xf32>,
      %mul3A_1782 = arith.constant 80 : i32
      %mul3A_1783 = arith.muli %scan3A_1696, %mul3A_1782 : i32
      %add3A_1784 = arith.constant 0 : i32
      %add3A_1785 = arith.addi %mul3A_1783, %add3A_1784 : i32
      %add3A_1786 = arith.constant 0 : i32
      %add3A_1787 = arith.addi %add3A_1786, %add3A_1785 : i32
      %add3A_1788 = vector.broadcast %add3A_1787 : i32 to vector<16xi32>
      %add3A_1789 = arith.addi %mul3A_4, %add3A_1788 : vector<16xi32>
      tpu.vector_store_idx %arg7[%add3A_1789], %gather3A_1781 : memref<81920xf32, #tpu.memory_space<vmem>>[vector<16xi32>], vector<16xf32>,
      %shift_right_arithmetic3A_1790 = arith.constant 5 : i32
      %shift_right_arithmetic3A_1791 = vector.broadcast %shift_right_arithmetic3A_1790 : i32 to vector<16xi32>
      %shift_right_arithmetic3A_1792 = arith.shrsi %or3A_1771, %shift_right_arithmetic3A_1791 : vector<16xi32>
      %and3A_1793 = arith.constant 31 : i32
      %and3A_1794 = vector.broadcast %and3A_1793 : i32 to vector<16xi32>
      %and3A_1795 = arith.andi %shift_right_arithmetic3A_1792, %and3A_1794 : vector<16xi32>
      %add3A_1796 = arith.constant 0 : i32
      %add3A_1797 = vector.broadcast %add3A_1796 : i32 to vector<16xi32>
      %add3A_1798 = arith.addi %and3A_1795, %add3A_1797 : vector<16xi32>
      %gather3A_1799 = tpu.vector_load_idx %arg8[%add3A_1798] : memref<128xf32, #tpu.memory_space<vmem>>[vector<16xi32>], vector<16xf32>,
      %mul3A_1800 = arith.constant 80 : i32
      %mul3A_1801 = arith.muli %scan3A_1696, %mul3A_1800 : i32
      %add3A_1802 = arith.constant 1 : i32
      %add3A_1803 = arith.addi %mul3A_1801, %add3A_1802 : i32
      %add3A_1804 = arith.constant 0 : i32
      %add3A_1805 = arith.addi %add3A_1804, %add3A_1803 : i32
      %add3A_1806 = vector.broadcast %add3A_1805 : i32 to vector<16xi32>
      %add3A_1807 = arith.addi %mul3A_4, %add3A_1806 : vector<16xi32>
      tpu.vector_store_idx %arg7[%add3A_1807], %gather3A_1799 : memref<81920xf32, #tpu.memory_space<vmem>>[vector<16xi32>], vector<16xf32>,
      %shift_right_arithmetic3A_1808 = arith.constant 10 : i32
      %shift_right_arithmetic3A_1809 = vector.broadcast %shift_right_arithmetic3A_1808 : i32 to vector<16xi32>
      %shift_right_arithmetic3A_1810 = arith.shrsi %or3A_1771, %shift_right_arithmetic3A_1809 : vector<16xi32>
      %and3A_1811 = arith.constant 31 : i32
      %and3A_1812 = vector.broadcast %and3A_1811 : i32 to vector<16xi32>
      %and3A_1813 = arith.andi %shift_right_arithmetic3A_1810, %and3A_1812 : vector<16xi32>
      %add3A_1814 = arith.constant 0 : i32
      %add3A_1815 = vector.broadcast %add3A_1814 : i32 to vector<16xi32>
      %add3A_1816 = arith.addi %and3A_1813, %add3A_1815 : vector<16xi32>
      %gather3A_1817 = tpu.vector_load_idx %arg8[%add3A_1816] : memref<128xf32, #tpu.memory_space<vmem>>[vector<16xi32>], vector<16xf32>,
      %mul3A_1818 = arith.constant 80 : i32
      %mul3A_1819 = arith.muli %scan3A_1696, %mul3A_1818 : i32
      %add3A_1820 = arith.constant 2 : i32
      %add3A_1821 = arith.addi %mul3A_1819, %add3A_1820 : i32
      %add3A_1822 = arith.constant 0 : i32
      %add3A_1823 = arith.addi %add3A_1822, %add3A_1821 : i32
      %add3A_1824 = vector.broadcast %add3A_1823 : i32 to vector<16xi32>
      %add3A_1825 = arith.addi %mul3A_4, %add3A_1824 : vector<16xi32>
      tpu.vector_store_idx %arg7[%add3A_1825], %gather3A_1817 : memref<81920xf32, #tpu.memory_space<vmem>>[vector<16xi32>], vector<16xf32>,
      %shift_right_arithmetic3A_1826 = arith.constant 15 : i32
      %shift_right_arithmetic3A_1827 = vector.broadcast %shift_right_arithmetic3A_1826 : i32 to vector<16xi32>
      %shift_right_arithmetic3A_1828 = arith.shrsi %or3A_1771, %shift_right_arithmetic3A_1827 : vector<16xi32>
      %and3A_1829 = arith.constant 31 : i32
      %and3A_1830 = vector.broadcast %and3A_1829 : i32 to vector<16xi32>
      %and3A_1831 = arith.andi %shift_right_arithmetic3A_1828, %and3A_1830 : vector<16xi32>
      %add3A_1832 = arith.constant 0 : i32
      %add3A_1833 = vector.broadcast %add3A_1832 : i32 to vector<16xi32>
      %add3A_1834 = arith.addi %and3A_1831, %add3A_1833 : vector<16xi32>
      %gather3A_1835 = tpu.vector_load_idx %arg8[%add3A_1834] : memref<128xf32, #tpu.memory_space<vmem>>[vector<16xi32>], vector<16xf32>,
      %mul3A_1836 = arith.constant 80 : i32
      %mul3A_1837 = arith.muli %scan3A_1696, %mul3A_1836 : i32
      %add3A_1838 = arith.constant 3 : i32
      %add3A_1839 = arith.addi %mul3A_1837, %add3A_1838 : i32
      %add3A_1840 = arith.constant 0 : i32
      %add3A_1841 = arith.addi %add3A_1840, %add3A_1839 : i32
      %add3A_1842 = vector.broadcast %add3A_1841 : i32 to vector<16xi32>
      %add3A_1843 = arith.addi %mul3A_4, %add3A_1842 : vector<16xi32>
      tpu.vector_store_idx %arg7[%add3A_1843], %gather3A_1835 : memref<81920xf32, #tpu.memory_space<vmem>>[vector<16xi32>], vector<16xf32>,
      %shift_right_arithmetic3A_1844 = arith.constant 20 : i32
      %shift_right_arithmetic3A_1845 = vector.broadcast %shift_right_arithmetic3A_1844 : i32 to vector<16xi32>
      %shift_right_arithmetic3A_1846 = arith.shrsi %or3A_1771, %shift_right_arithmetic3A_1845 : vector<16xi32>
      %and3A_1847 = arith.constant 31 : i32
      %and3A_1848 = vector.broadcast %and3A_1847 : i32 to vector<16xi32>
      %and3A_1849 = arith.andi %shift_right_arithmetic3A_1846, %and3A_1848 : vector<16xi32>
      %add3A_1850 = arith.constant 0 : i32
      %add3A_1851 = vector.broadcast %add3A_1850 : i32 to vector<16xi32>
      %add3A_1852 = arith.addi %and3A_1849, %add3A_1851 : vector<16xi32>
      %gather3A_1853 = tpu.vector_load_idx %arg8[%add3A_1852] : memref<128xf32, #tpu.memory_space<vmem>>[vector<16xi32>], vector<16xf32>,
      %mul3A_1854 = arith.constant 80 : i32
      %mul3A_1855 = arith.muli %scan3A_1696, %mul3A_1854 : i32
      %add3A_1856 = arith.constant 4 : i32
      %add3A_1857 = arith.addi %mul3A_1855, %add3A_1856 : i32
      %add3A_1858 = arith.constant 0 : i32
      %add3A_1859 = arith.addi %add3A_1858, %add3A_1857 : i32
      %add3A_1860 = vector.broadcast %add3A_1859 : i32 to vector<16xi32>
      %add3A_1861 = arith.addi %mul3A_4, %add3A_1860 : vector<16xi32>
      tpu.vector_store_idx %arg7[%add3A_1861], %gather3A_1853 : memref<81920xf32, #tpu.memory_space<vmem>>[vector<16xi32>], vector<16xf32>,
      %scan3A_1862 = arith.constant 3 : i32
      %scan3A_1863 = arith.addi %scan3A_1363, %scan3A_1862 : i32
      %mul3A_1864 = arith.constant 16 : i32
      %mul3A_1865 = arith.muli %scan3A_1863, %mul3A_1864 : i32
      %add3A_1866 = arith.constant 0 : i32
      %add3A_1867 = arith.addi %add3A_1866, %mul3A_1865 : i32
      %get3A_1868 = arith.index_cast %add3A_1867 : i32 to index
      %get3A_1869 = tpu.vector_load %arg6[%get3A_1868] {strides = array<i32>} : memref<32768xi32, #tpu.memory_space<vmem>>, vector<16xi32>,
      %shift_right_arithmetic3A_1870 = arith.constant 0 : i32
      %shift_right_arithmetic3A_1871 = vector.broadcast %shift_right_arithmetic3A_1870 : i32 to vector<16xi32>
      %shift_right_arithmetic3A_1872 = arith.shrsi %get3A_1869, %shift_right_arithmetic3A_1871 : vector<16xi32>
      %and3A_1873 = arith.constant 31 : i32
      %and3A_1874 = vector.broadcast %and3A_1873 : i32 to vector<16xi32>
      %and3A_1875 = arith.andi %shift_right_arithmetic3A_1872, %and3A_1874 : vector<16xi32>
      %shift_right_arithmetic3A_1876 = arith.shrsi %gather3A_323, %and3A_1875 : vector<16xi32>
      %and3A_1877 = arith.constant 31 : i32
      %and3A_1878 = vector.broadcast %and3A_1877 : i32 to vector<16xi32>
      %and3A_1879 = arith.andi %shift_right_arithmetic3A_1876, %and3A_1878 : vector<16xi32>
      %shift_left3A_1880 = arith.constant 0 : i32
      %shift_left3A_1881 = vector.broadcast %shift_left3A_1880 : i32 to vector<16xi32>
      %shift_left3A_1882 = arith.shli %and3A_1879, %shift_left3A_1881 : vector<16xi32>
      %shift_right_arithmetic3A_1883 = arith.constant 5 : i32
      %shift_right_arithmetic3A_1884 = vector.broadcast %shift_right_arithmetic3A_1883 : i32 to vector<16xi32>
      %shift_right_arithmetic3A_1885 = arith.shrsi %get3A_1869, %shift_right_arithmetic3A_1884 : vector<16xi32>
      %and3A_1886 = arith.constant 31 : i32
      %and3A_1887 = vector.broadcast %and3A_1886 : i32 to vector<16xi32>
      %and3A_1888 = arith.andi %shift_right_arithmetic3A_1885, %and3A_1887 : vector<16xi32>
      %shift_right_arithmetic3A_1889 = arith.shrsi %gather3A_323, %and3A_1888 : vector<16xi32>
      %and3A_1890 = arith.constant 31 : i32
      %and3A_1891 = vector.broadcast %and3A_1890 : i32 to vector<16xi32>
      %and3A_1892 = arith.andi %shift_right_arithmetic3A_1889, %and3A_1891 : vector<16xi32>
      %shift_left3A_1893 = arith.constant 5 : i32
      %shift_left3A_1894 = vector.broadcast %shift_left3A_1893 : i32 to vector<16xi32>
      %shift_left3A_1895 = arith.shli %and3A_1892, %shift_left3A_1894 : vector<16xi32>
      %or3A_1896 = arith.ori %shift_left3A_1882, %shift_left3A_1895 : vector<16xi32>
      %shift_right_arithmetic3A_1897 = arith.constant 10 : i32
      %shift_right_arithmetic3A_1898 = vector.broadcast %shift_right_arithmetic3A_1897 : i32 to vector<16xi32>
      %shift_right_arithmetic3A_1899 = arith.shrsi %get3A_1869, %shift_right_arithmetic3A_1898 : vector<16xi32>
      %and3A_1900 = arith.constant 31 : i32
      %and3A_1901 = vector.broadcast %and3A_1900 : i32 to vector<16xi32>
      %and3A_1902 = arith.andi %shift_right_arithmetic3A_1899, %and3A_1901 : vector<16xi32>
      %shift_right_arithmetic3A_1903 = arith.shrsi %gather3A_323, %and3A_1902 : vector<16xi32>
      %and3A_1904 = arith.constant 31 : i32
      %and3A_1905 = vector.broadcast %and3A_1904 : i32 to vector<16xi32>
      %and3A_1906 = arith.andi %shift_right_arithmetic3A_1903, %and3A_1905 : vector<16xi32>
      %shift_left3A_1907 = arith.constant 10 : i32
      %shift_left3A_1908 = vector.broadcast %shift_left3A_1907 : i32 to vector<16xi32>
      %shift_left3A_1909 = arith.shli %and3A_1906, %shift_left3A_1908 : vector<16xi32>
      %or3A_1910 = arith.ori %or3A_1896, %shift_left3A_1909 : vector<16xi32>
      %shift_right_arithmetic3A_1911 = arith.constant 15 : i32
      %shift_right_arithmetic3A_1912 = vector.broadcast %shift_right_arithmetic3A_1911 : i32 to vector<16xi32>
      %shift_right_arithmetic3A_1913 = arith.shrsi %get3A_1869, %shift_right_arithmetic3A_1912 : vector<16xi32>
      %and3A_1914 = arith.constant 31 : i32
      %and3A_1915 = vector.broadcast %and3A_1914 : i32 to vector<16xi32>
      %and3A_1916 = arith.andi %shift_right_arithmetic3A_1913, %and3A_1915 : vector<16xi32>
      %shift_right_arithmetic3A_1917 = arith.shrsi %gather3A_323, %and3A_1916 : vector<16xi32>
      %and3A_1918 = arith.constant 31 : i32
      %and3A_1919 = vector.broadcast %and3A_1918 : i32 to vector<16xi32>
      %and3A_1920 = arith.andi %shift_right_arithmetic3A_1917, %and3A_1919 : vector<16xi32>
      %shift_left3A_1921 = arith.constant 15 : i32
      %shift_left3A_1922 = vector.broadcast %shift_left3A_1921 : i32 to vector<16xi32>
      %shift_left3A_1923 = arith.shli %and3A_1920, %shift_left3A_1922 : vector<16xi32>
      %or3A_1924 = arith.ori %or3A_1910, %shift_left3A_1923 : vector<16xi32>
      %shift_right_arithmetic3A_1925 = arith.constant 20 : i32
      %shift_right_arithmetic3A_1926 = vector.broadcast %shift_right_arithmetic3A_1925 : i32 to vector<16xi32>
      %shift_right_arithmetic3A_1927 = arith.shrsi %get3A_1869, %shift_right_arithmetic3A_1926 : vector<16xi32>
      %and3A_1928 = arith.constant 31 : i32
      %and3A_1929 = vector.broadcast %and3A_1928 : i32 to vector<16xi32>
      %and3A_1930 = arith.andi %shift_right_arithmetic3A_1927, %and3A_1929 : vector<16xi32>
      %shift_right_arithmetic3A_1931 = arith.shrsi %gather3A_323, %and3A_1930 : vector<16xi32>
      %and3A_1932 = arith.constant 31 : i32
      %and3A_1933 = vector.broadcast %and3A_1932 : i32 to vector<16xi32>
      %and3A_1934 = arith.andi %shift_right_arithmetic3A_1931, %and3A_1933 : vector<16xi32>
      %shift_left3A_1935 = arith.constant 20 : i32
      %shift_left3A_1936 = vector.broadcast %shift_left3A_1935 : i32 to vector<16xi32>
      %shift_left3A_1937 = arith.shli %and3A_1934, %shift_left3A_1936 : vector<16xi32>
      %or3A_1938 = arith.ori %or3A_1924, %shift_left3A_1937 : vector<16xi32>
      %shift_right_arithmetic3A_1939 = arith.constant 0 : i32
      %shift_right_arithmetic3A_1940 = vector.broadcast %shift_right_arithmetic3A_1939 : i32 to vector<16xi32>
      %shift_right_arithmetic3A_1941 = arith.shrsi %or3A_1938, %shift_right_arithmetic3A_1940 : vector<16xi32>
      %and3A_1942 = arith.constant 31 : i32
      %and3A_1943 = vector.broadcast %and3A_1942 : i32 to vector<16xi32>
      %and3A_1944 = arith.andi %shift_right_arithmetic3A_1941, %and3A_1943 : vector<16xi32>
      %add3A_1945 = arith.constant 0 : i32
      %add3A_1946 = vector.broadcast %add3A_1945 : i32 to vector<16xi32>
      %add3A_1947 = arith.addi %and3A_1944, %add3A_1946 : vector<16xi32>
      %gather3A_1948 = tpu.vector_load_idx %arg8[%add3A_1947] : memref<128xf32, #tpu.memory_space<vmem>>[vector<16xi32>], vector<16xf32>,
      %mul3A_1949 = arith.constant 80 : i32
      %mul3A_1950 = arith.muli %scan3A_1863, %mul3A_1949 : i32
      %add3A_1951 = arith.constant 0 : i32
      %add3A_1952 = arith.addi %mul3A_1950, %add3A_1951 : i32
      %add3A_1953 = arith.constant 0 : i32
      %add3A_1954 = arith.addi %add3A_1953, %add3A_1952 : i32
      %add3A_1955 = vector.broadcast %add3A_1954 : i32 to vector<16xi32>
      %add3A_1956 = arith.addi %mul3A_4, %add3A_1955 : vector<16xi32>
      tpu.vector_store_idx %arg7[%add3A_1956], %gather3A_1948 : memref<81920xf32, #tpu.memory_space<vmem>>[vector<16xi32>], vector<16xf32>,
      %shift_right_arithmetic3A_1957 = arith.constant 5 : i32
      %shift_right_arithmetic3A_1958 = vector.broadcast %shift_right_arithmetic3A_1957 : i32 to vector<16xi32>
      %shift_right_arithmetic3A_1959 = arith.shrsi %or3A_1938, %shift_right_arithmetic3A_1958 : vector<16xi32>
      %and3A_1960 = arith.constant 31 : i32
      %and3A_1961 = vector.broadcast %and3A_1960 : i32 to vector<16xi32>
      %and3A_1962 = arith.andi %shift_right_arithmetic3A_1959, %and3A_1961 : vector<16xi32>
      %add3A_1963 = arith.constant 0 : i32
      %add3A_1964 = vector.broadcast %add3A_1963 : i32 to vector<16xi32>
      %add3A_1965 = arith.addi %and3A_1962, %add3A_1964 : vector<16xi32>
      %gather3A_1966 = tpu.vector_load_idx %arg8[%add3A_1965] : memref<128xf32, #tpu.memory_space<vmem>>[vector<16xi32>], vector<16xf32>,
      %mul3A_1967 = arith.constant 80 : i32
      %mul3A_1968 = arith.muli %scan3A_1863, %mul3A_1967 : i32
      %add3A_1969 = arith.constant 1 : i32
      %add3A_1970 = arith.addi %mul3A_1968, %add3A_1969 : i32
      %add3A_1971 = arith.constant 0 : i32
      %add3A_1972 = arith.addi %add3A_1971, %add3A_1970 : i32
      %add3A_1973 = vector.broadcast %add3A_1972 : i32 to vector<16xi32>
      %add3A_1974 = arith.addi %mul3A_4, %add3A_1973 : vector<16xi32>
      tpu.vector_store_idx %arg7[%add3A_1974], %gather3A_1966 : memref<81920xf32, #tpu.memory_space<vmem>>[vector<16xi32>], vector<16xf32>,
      %shift_right_arithmetic3A_1975 = arith.constant 10 : i32
      %shift_right_arithmetic3A_1976 = vector.broadcast %shift_right_arithmetic3A_1975 : i32 to vector<16xi32>
      %shift_right_arithmetic3A_1977 = arith.shrsi %or3A_1938, %shift_right_arithmetic3A_1976 : vector<16xi32>
      %and3A_1978 = arith.constant 31 : i32
      %and3A_1979 = vector.broadcast %and3A_1978 : i32 to vector<16xi32>
      %and3A_1980 = arith.andi %shift_right_arithmetic3A_1977, %and3A_1979 : vector<16xi32>
      %add3A_1981 = arith.constant 0 : i32
      %add3A_1982 = vector.broadcast %add3A_1981 : i32 to vector<16xi32>
      %add3A_1983 = arith.addi %and3A_1980, %add3A_1982 : vector<16xi32>
      %gather3A_1984 = tpu.vector_load_idx %arg8[%add3A_1983] : memref<128xf32, #tpu.memory_space<vmem>>[vector<16xi32>], vector<16xf32>,
      %mul3A_1985 = arith.constant 80 : i32
      %mul3A_1986 = arith.muli %scan3A_1863, %mul3A_1985 : i32
      %add3A_1987 = arith.constant 2 : i32
      %add3A_1988 = arith.addi %mul3A_1986, %add3A_1987 : i32
      %add3A_1989 = arith.constant 0 : i32
      %add3A_1990 = arith.addi %add3A_1989, %add3A_1988 : i32
      %add3A_1991 = vector.broadcast %add3A_1990 : i32 to vector<16xi32>
      %add3A_1992 = arith.addi %mul3A_4, %add3A_1991 : vector<16xi32>
      tpu.vector_store_idx %arg7[%add3A_1992], %gather3A_1984 : memref<81920xf32, #tpu.memory_space<vmem>>[vector<16xi32>], vector<16xf32>,
      %shift_right_arithmetic3A_1993 = arith.constant 15 : i32
      %shift_right_arithmetic3A_1994 = vector.broadcast %shift_right_arithmetic3A_1993 : i32 to vector<16xi32>
      %shift_right_arithmetic3A_1995 = arith.shrsi %or3A_1938, %shift_right_arithmetic3A_1994 : vector<16xi32>
      %and3A_1996 = arith.constant 31 : i32
      %and3A_1997 = vector.broadcast %and3A_1996 : i32 to vector<16xi32>
      %and3A_1998 = arith.andi %shift_right_arithmetic3A_1995, %and3A_1997 : vector<16xi32>
      %add3A_1999 = arith.constant 0 : i32
      %add3A_2000 = vector.broadcast %add3A_1999 : i32 to vector<16xi32>
      %add3A_2001 = arith.addi %and3A_1998, %add3A_2000 : vector<16xi32>
      %gather3A_2002 = tpu.vector_load_idx %arg8[%add3A_2001] : memref<128xf32, #tpu.memory_space<vmem>>[vector<16xi32>], vector<16xf32>,
      %mul3A_2003 = arith.constant 80 : i32
      %mul3A_2004 = arith.muli %scan3A_1863, %mul3A_2003 : i32
      %add3A_2005 = arith.constant 3 : i32
      %add3A_2006 = arith.addi %mul3A_2004, %add3A_2005 : i32
      %add3A_2007 = arith.constant 0 : i32
      %add3A_2008 = arith.addi %add3A_2007, %add3A_2006 : i32
      %add3A_2009 = vector.broadcast %add3A_2008 : i32 to vector<16xi32>
      %add3A_2010 = arith.addi %mul3A_4, %add3A_2009 : vector<16xi32>
      tpu.vector_store_idx %arg7[%add3A_2010], %gather3A_2002 : memref<81920xf32, #tpu.memory_space<vmem>>[vector<16xi32>], vector<16xf32>,
      %shift_right_arithmetic3A_2011 = arith.constant 20 : i32
      %shift_right_arithmetic3A_2012 = vector.broadcast %shift_right_arithmetic3A_2011 : i32 to vector<16xi32>
      %shift_right_arithmetic3A_2013 = arith.shrsi %or3A_1938, %shift_right_arithmetic3A_2012 : vector<16xi32>
      %and3A_2014 = arith.constant 31 : i32
      %and3A_2015 = vector.broadcast %and3A_2014 : i32 to vector<16xi32>
      %and3A_2016 = arith.andi %shift_right_arithmetic3A_2013, %and3A_2015 : vector<16xi32>
      %add3A_2017 = arith.constant 0 : i32
      %add3A_2018 = vector.broadcast %add3A_2017 : i32 to vector<16xi32>
      %add3A_2019 = arith.addi %and3A_2016, %add3A_2018 : vector<16xi32>
      %gather3A_2020 = tpu.vector_load_idx %arg8[%add3A_2019] : memref<128xf32, #tpu.memory_space<vmem>>[vector<16xi32>], vector<16xf32>,
      %mul3A_2021 = arith.constant 80 : i32
      %mul3A_2022 = arith.muli %scan3A_1863, %mul3A_2021 : i32
      %add3A_2023 = arith.constant 4 : i32
      %add3A_2024 = arith.addi %mul3A_2022, %add3A_2023 : i32
      %add3A_2025 = arith.constant 0 : i32
      %add3A_2026 = arith.addi %add3A_2025, %add3A_2024 : i32
      %add3A_2027 = vector.broadcast %add3A_2026 : i32 to vector<16xi32>
      %add3A_2028 = arith.addi %mul3A_4, %add3A_2027 : vector<16xi32>
      tpu.vector_store_idx %arg7[%add3A_2028], %gather3A_2020 : memref<81920xf32, #tpu.memory_space<vmem>>[vector<16xi32>], vector<16xf32>,
    }
    %scan3A_329 = arith.constant 512 : i32
    %add3A_330 = arith.constant 0 : i32
    %add3A_331 = arith.addi %mul3A_7, %add3A_330 : i32
    %dma_start3A = arith.constant 0 : i32
    %dma_start3A_332 = tpu.memref_slice %arg7[%dma_start3A] : memref<81920xf32, #tpu.memory_space<vmem>> -> memref<40960xf32, #tpu.memory_space<vmem>>
    %dma_start3A_333 = arith.constant 0 : i32
    %dma_start3A_334 = tpu.memref_slice %arg5[%add3A_331, %dma_start3A_333] : memref<128x40960xf32, #tpu.memory_space<hbm>> -> memref<1x40960xf32, #tpu.memory_space<hbm>>
    %dma_start3A_335 = tpu.memref_squeeze %dma_start3A_334 : memref<1x40960xf32, #tpu.memory_space<hbm>> -> memref<40960xf32, #tpu.memory_space<hbm>>
    %dma_start3A_336 = arith.constant 0 : i32
    %dma_start3A_337 = tpu.memref_slice %arg5[%add3A_331, %dma_start3A_336] : memref<128x40960xf32, #tpu.memory_space<hbm>> -> memref<1x40960xf32, #tpu.memory_space<hbm>>
    %dma_start3A_338 = tpu.memref_squeeze %dma_start3A_337 : memref<1x40960xf32, #tpu.memory_space<hbm>> -> memref<40960xf32, #tpu.memory_space<hbm>>
    %dma_start3A_339 = arith.constant 0 : i32
    %dma_start3A_340 = tpu.memref_slice %arg7[%dma_start3A_339] : memref<81920xf32, #tpu.memory_space<vmem>> -> memref<40960xf32, #tpu.memory_space<vmem>>
    tpu.enqueue_dma source(%dma_start3A_340 : memref<40960xf32, #tpu.memory_space<vmem>>) target(%dma_start3A_338 : memref<40960xf32, #tpu.memory_space<hbm>>) target_semaphore(%arg11 : memref<!tpu.dma_semaphore, #tpu.memory_space<semaphore_mem>>)
    %swap3A_341 = arith.constant 16 : index
    %swap3A_342 = tpu.vector_load %arg10[%swap3A_341] {strides = array<i32>} : memref<32xi32, #tpu.memory_space<vmem>>, vector<16xi32>,
    tpu.vector_store %arg10[%swap3A_341], %scan3A_21#1 {strides = array<i32>} : memref<32xi32, #tpu.memory_space<vmem>>, vector<16xi32>,
    %add3A_343 = arith.constant 15 : i32
    %add3A_344 = vector.broadcast %add3A_343 : i32 to vector<16xi32>
    %add3A_345 = arith.addi %iota3A, %add3A_344 : vector<16xi32>
    %gather3A_346 = tpu.vector_load_idx %arg10[%add3A_345] : memref<32xi32, #tpu.memory_space<vmem>>[vector<16xi32>], vector<16xi32>,
    %shift_right_arithmetic3A_347 = arith.constant 0 : i32
    %shift_right_arithmetic3A_348 = vector.broadcast %shift_right_arithmetic3A_347 : i32 to vector<16xi32>
    %shift_right_arithmetic3A_349 = arith.shrsi %scan3A_21#1, %shift_right_arithmetic3A_348 : vector<16xi32>
    %and3A_350 = arith.constant 31 : i32
    %and3A_351 = vector.broadcast %and3A_350 : i32 to vector<16xi32>
    %and3A_352 = arith.andi %shift_right_arithmetic3A_349, %and3A_351 : vector<16xi32>
    %shift_right_arithmetic3A_353 = arith.shrsi %gather3A_346, %and3A_352 : vector<16xi32>
    %and3A_354 = arith.constant 31 : i32
    %and3A_355 = vector.broadcast %and3A_354 : i32 to vector<16xi32>
    %and3A_356 = arith.andi %shift_right_arithmetic3A_353, %and3A_355 : vector<16xi32>
    %shift_left3A_357 = arith.constant 0 : i32
    %shift_left3A_358 = vector.broadcast %shift_left3A_357 : i32 to vector<16xi32>
    %shift_left3A_359 = arith.shli %and3A_356, %shift_left3A_358 : vector<16xi32>
    %shift_right_arithmetic3A_360 = arith.constant 5 : i32
    %shift_right_arithmetic3A_361 = vector.broadcast %shift_right_arithmetic3A_360 : i32 to vector<16xi32>
    %shift_right_arithmetic3A_362 = arith.shrsi %scan3A_21#1, %shift_right_arithmetic3A_361 : vector<16xi32>
    %and3A_363 = arith.constant 31 : i32
    %and3A_364 = vector.broadcast %and3A_363 : i32 to vector<16xi32>
    %and3A_365 = arith.andi %shift_right_arithmetic3A_362, %and3A_364 : vector<16xi32>
    %shift_right_arithmetic3A_366 = arith.shrsi %gather3A_346, %and3A_365 : vector<16xi32>
    %and3A_367 = arith.constant 31 : i32
    %and3A_368 = vector.broadcast %and3A_367 : i32 to vector<16xi32>
    %and3A_369 = arith.andi %shift_right_arithmetic3A_366, %and3A_368 : vector<16xi32>
    %shift_left3A_370 = arith.constant 5 : i32
    %shift_left3A_371 = vector.broadcast %shift_left3A_370 : i32 to vector<16xi32>
    %shift_left3A_372 = arith.shli %and3A_369, %shift_left3A_371 : vector<16xi32>
    %or3A_373 = arith.ori %shift_left3A_359, %shift_left3A_372 : vector<16xi32>
    %shift_right_arithmetic3A_374 = arith.constant 10 : i32
    %shift_right_arithmetic3A_375 = vector.broadcast %shift_right_arithmetic3A_374 : i32 to vector<16xi32>
    %shift_right_arithmetic3A_376 = arith.shrsi %scan3A_21#1, %shift_right_arithmetic3A_375 : vector<16xi32>
    %and3A_377 = arith.constant 31 : i32
    %and3A_378 = vector.broadcast %and3A_377 : i32 to vector<16xi32>
    %and3A_379 = arith.andi %shift_right_arithmetic3A_376, %and3A_378 : vector<16xi32>
    %shift_right_arithmetic3A_380 = arith.shrsi %gather3A_346, %and3A_379 : vector<16xi32>
    %and3A_381 = arith.constant 31 : i32
    %and3A_382 = vector.broadcast %and3A_381 : i32 to vector<16xi32>
    %and3A_383 = arith.andi %shift_right_arithmetic3A_380, %and3A_382 : vector<16xi32>
    %shift_left3A_384 = arith.constant 10 : i32
    %shift_left3A_385 = vector.broadcast %shift_left3A_384 : i32 to vector<16xi32>
    %shift_left3A_386 = arith.shli %and3A_383, %shift_left3A_385 : vector<16xi32>
    %or3A_387 = arith.ori %or3A_373, %shift_left3A_386 : vector<16xi32>
    %shift_right_arithmetic3A_388 = arith.constant 15 : i32
    %shift_right_arithmetic3A_389 = vector.broadcast %shift_right_arithmetic3A_388 : i32 to vector<16xi32>
    %shift_right_arithmetic3A_390 = arith.shrsi %scan3A_21#1, %shift_right_arithmetic3A_389 : vector<16xi32>
    %and3A_391 = arith.constant 31 : i32
    %and3A_392 = vector.broadcast %and3A_391 : i32 to vector<16xi32>
    %and3A_393 = arith.andi %shift_right_arithmetic3A_390, %and3A_392 : vector<16xi32>
    %shift_right_arithmetic3A_394 = arith.shrsi %gather3A_346, %and3A_393 : vector<16xi32>
    %and3A_395 = arith.constant 31 : i32
    %and3A_396 = vector.broadcast %and3A_395 : i32 to vector<16xi32>
    %and3A_397 = arith.andi %shift_right_arithmetic3A_394, %and3A_396 : vector<16xi32>
    %shift_left3A_398 = arith.constant 15 : i32
    %shift_left3A_399 = vector.broadcast %shift_left3A_398 : i32 to vector<16xi32>
    %shift_left3A_400 = arith.shli %and3A_397, %shift_left3A_399 : vector<16xi32>
    %or3A_401 = arith.ori %or3A_387, %shift_left3A_400 : vector<16xi32>
    %shift_right_arithmetic3A_402 = arith.constant 20 : i32
    %shift_right_arithmetic3A_403 = vector.broadcast %shift_right_arithmetic3A_402 : i32 to vector<16xi32>
    %shift_right_arithmetic3A_404 = arith.shrsi %scan3A_21#1, %shift_right_arithmetic3A_403 : vector<16xi32>
    %and3A_405 = arith.constant 31 : i32
    %and3A_406 = vector.broadcast %and3A_405 : i32 to vector<16xi32>
    %and3A_407 = arith.andi %shift_right_arithmetic3A_404, %and3A_406 : vector<16xi32>
    %shift_right_arithmetic3A_408 = arith.shrsi %gather3A_346, %and3A_407 : vector<16xi32>
    %and3A_409 = arith.constant 31 : i32
    %and3A_410 = vector.broadcast %and3A_409 : i32 to vector<16xi32>
    %and3A_411 = arith.andi %shift_right_arithmetic3A_408, %and3A_410 : vector<16xi32>
    %shift_left3A_412 = arith.constant 20 : i32
    %shift_left3A_413 = vector.broadcast %shift_left3A_412 : i32 to vector<16xi32>
    %shift_left3A_414 = arith.shli %and3A_411, %shift_left3A_413 : vector<16xi32>
    %or3A_415 = arith.ori %or3A_401, %shift_left3A_414 : vector<16xi32>
    %swap3A_416 = arith.constant 16 : index
    %swap3A_417 = tpu.vector_load %arg10[%swap3A_416] {strides = array<i32>} : memref<32xi32, #tpu.memory_space<vmem>>, vector<16xi32>,
    tpu.vector_store %arg10[%swap3A_416], %or3A_415 {strides = array<i32>} : memref<32xi32, #tpu.memory_space<vmem>>, vector<16xi32>,
    %add3A_418 = arith.constant 14 : i32
    %add3A_419 = vector.broadcast %add3A_418 : i32 to vector<16xi32>
    %add3A_420 = arith.addi %iota3A, %add3A_419 : vector<16xi32>
    %gather3A_421 = tpu.vector_load_idx %arg10[%add3A_420] : memref<32xi32, #tpu.memory_space<vmem>>[vector<16xi32>], vector<16xi32>,
    %shift_right_arithmetic3A_422 = arith.constant 0 : i32
    %shift_right_arithmetic3A_423 = vector.broadcast %shift_right_arithmetic3A_422 : i32 to vector<16xi32>
    %shift_right_arithmetic3A_424 = arith.shrsi %or3A_415, %shift_right_arithmetic3A_423 : vector<16xi32>
    %and3A_425 = arith.constant 31 : i32
    %and3A_426 = vector.broadcast %and3A_425 : i32 to vector<16xi32>
    %and3A_427 = arith.andi %shift_right_arithmetic3A_424, %and3A_426 : vector<16xi32>
    %shift_right_arithmetic3A_428 = arith.shrsi %gather3A_421, %and3A_427 : vector<16xi32>
    %and3A_429 = arith.constant 31 : i32
    %and3A_430 = vector.broadcast %and3A_429 : i32 to vector<16xi32>
    %and3A_431 = arith.andi %shift_right_arithmetic3A_428, %and3A_430 : vector<16xi32>
    %shift_left3A_432 = arith.constant 0 : i32
    %shift_left3A_433 = vector.broadcast %shift_left3A_432 : i32 to vector<16xi32>
    %shift_left3A_434 = arith.shli %and3A_431, %shift_left3A_433 : vector<16xi32>
    %shift_right_arithmetic3A_435 = arith.constant 5 : i32
    %shift_right_arithmetic3A_436 = vector.broadcast %shift_right_arithmetic3A_435 : i32 to vector<16xi32>
    %shift_right_arithmetic3A_437 = arith.shrsi %or3A_415, %shift_right_arithmetic3A_436 : vector<16xi32>
    %and3A_438 = arith.constant 31 : i32
    %and3A_439 = vector.broadcast %and3A_438 : i32 to vector<16xi32>
    %and3A_440 = arith.andi %shift_right_arithmetic3A_437, %and3A_439 : vector<16xi32>
    %shift_right_arithmetic3A_441 = arith.shrsi %gather3A_421, %and3A_440 : vector<16xi32>
    %and3A_442 = arith.constant 31 : i32
    %and3A_443 = vector.broadcast %and3A_442 : i32 to vector<16xi32>
    %and3A_444 = arith.andi %shift_right_arithmetic3A_441, %and3A_443 : vector<16xi32>
    %shift_left3A_445 = arith.constant 5 : i32
    %shift_left3A_446 = vector.broadcast %shift_left3A_445 : i32 to vector<16xi32>
    %shift_left3A_447 = arith.shli %and3A_444, %shift_left3A_446 : vector<16xi32>
    %or3A_448 = arith.ori %shift_left3A_434, %shift_left3A_447 : vector<16xi32>
    %shift_right_arithmetic3A_449 = arith.constant 10 : i32
    %shift_right_arithmetic3A_450 = vector.broadcast %shift_right_arithmetic3A_449 : i32 to vector<16xi32>
    %shift_right_arithmetic3A_451 = arith.shrsi %or3A_415, %shift_right_arithmetic3A_450 : vector<16xi32>
    %and3A_452 = arith.constant 31 : i32
    %and3A_453 = vector.broadcast %and3A_452 : i32 to vector<16xi32>
    %and3A_454 = arith.andi %shift_right_arithmetic3A_451, %and3A_453 : vector<16xi32>
    %shift_right_arithmetic3A_455 = arith.shrsi %gather3A_421, %and3A_454 : vector<16xi32>
    %and3A_456 = arith.constant 31 : i32
    %and3A_457 = vector.broadcast %and3A_456 : i32 to vector<16xi32>
    %and3A_458 = arith.andi %shift_right_arithmetic3A_455, %and3A_457 : vector<16xi32>
    %shift_left3A_459 = arith.constant 10 : i32
    %shift_left3A_460 = vector.broadcast %shift_left3A_459 : i32 to vector<16xi32>
    %shift_left3A_461 = arith.shli %and3A_458, %shift_left3A_460 : vector<16xi32>
    %or3A_462 = arith.ori %or3A_448, %shift_left3A_461 : vector<16xi32>
    %shift_right_arithmetic3A_463 = arith.constant 15 : i32
    %shift_right_arithmetic3A_464 = vector.broadcast %shift_right_arithmetic3A_463 : i32 to vector<16xi32>
    %shift_right_arithmetic3A_465 = arith.shrsi %or3A_415, %shift_right_arithmetic3A_464 : vector<16xi32>
    %and3A_466 = arith.constant 31 : i32
    %and3A_467 = vector.broadcast %and3A_466 : i32 to vector<16xi32>
    %and3A_468 = arith.andi %shift_right_arithmetic3A_465, %and3A_467 : vector<16xi32>
    %shift_right_arithmetic3A_469 = arith.shrsi %gather3A_421, %and3A_468 : vector<16xi32>
    %and3A_470 = arith.constant 31 : i32
    %and3A_471 = vector.broadcast %and3A_470 : i32 to vector<16xi32>
    %and3A_472 = arith.andi %shift_right_arithmetic3A_469, %and3A_471 : vector<16xi32>
    %shift_left3A_473 = arith.constant 15 : i32
    %shift_left3A_474 = vector.broadcast %shift_left3A_473 : i32 to vector<16xi32>
    %shift_left3A_475 = arith.shli %and3A_472, %shift_left3A_474 : vector<16xi32>
    %or3A_476 = arith.ori %or3A_462, %shift_left3A_475 : vector<16xi32>
    %shift_right_arithmetic3A_477 = arith.constant 20 : i32
    %shift_right_arithmetic3A_478 = vector.broadcast %shift_right_arithmetic3A_477 : i32 to vector<16xi32>
    %shift_right_arithmetic3A_479 = arith.shrsi %or3A_415, %shift_right_arithmetic3A_478 : vector<16xi32>
    %and3A_480 = arith.constant 31 : i32
    %and3A_481 = vector.broadcast %and3A_480 : i32 to vector<16xi32>
    %and3A_482 = arith.andi %shift_right_arithmetic3A_479, %and3A_481 : vector<16xi32>
    %shift_right_arithmetic3A_483 = arith.shrsi %gather3A_421, %and3A_482 : vector<16xi32>
    %and3A_484 = arith.constant 31 : i32
    %and3A_485 = vector.broadcast %and3A_484 : i32 to vector<16xi32>
    %and3A_486 = arith.andi %shift_right_arithmetic3A_483, %and3A_485 : vector<16xi32>
    %shift_left3A_487 = arith.constant 20 : i32
    %shift_left3A_488 = vector.broadcast %shift_left3A_487 : i32 to vector<16xi32>
    %shift_left3A_489 = arith.shli %and3A_486, %shift_left3A_488 : vector<16xi32>
    %or3A_490 = arith.ori %or3A_476, %shift_left3A_489 : vector<16xi32>
    %swap3A_491 = arith.constant 16 : index
    %swap3A_492 = tpu.vector_load %arg10[%swap3A_491] {strides = array<i32>} : memref<32xi32, #tpu.memory_space<vmem>>, vector<16xi32>,
    tpu.vector_store %arg10[%swap3A_491], %or3A_490 {strides = array<i32>} : memref<32xi32, #tpu.memory_space<vmem>>, vector<16xi32>,
    %add3A_493 = arith.constant 12 : i32
    %add3A_494 = vector.broadcast %add3A_493 : i32 to vector<16xi32>
    %add3A_495 = arith.addi %iota3A, %add3A_494 : vector<16xi32>
    %gather3A_496 = tpu.vector_load_idx %arg10[%add3A_495] : memref<32xi32, #tpu.memory_space<vmem>>[vector<16xi32>], vector<16xi32>,
    %shift_right_arithmetic3A_497 = arith.constant 0 : i32
    %shift_right_arithmetic3A_498 = vector.broadcast %shift_right_arithmetic3A_497 : i32 to vector<16xi32>
    %shift_right_arithmetic3A_499 = arith.shrsi %or3A_490, %shift_right_arithmetic3A_498 : vector<16xi32>
    %and3A_500 = arith.constant 31 : i32
    %and3A_501 = vector.broadcast %and3A_500 : i32 to vector<16xi32>
    %and3A_502 = arith.andi %shift_right_arithmetic3A_499, %and3A_501 : vector<16xi32>
    %shift_right_arithmetic3A_503 = arith.shrsi %gather3A_496, %and3A_502 : vector<16xi32>
    %and3A_504 = arith.constant 31 : i32
    %and3A_505 = vector.broadcast %and3A_504 : i32 to vector<16xi32>
    %and3A_506 = arith.andi %shift_right_arithmetic3A_503, %and3A_505 : vector<16xi32>
    %shift_left3A_507 = arith.constant 0 : i32
    %shift_left3A_508 = vector.broadcast %shift_left3A_507 : i32 to vector<16xi32>
    %shift_left3A_509 = arith.shli %and3A_506, %shift_left3A_508 : vector<16xi32>
    %shift_right_arithmetic3A_510 = arith.constant 5 : i32
    %shift_right_arithmetic3A_511 = vector.broadcast %shift_right_arithmetic3A_510 : i32 to vector<16xi32>
    %shift_right_arithmetic3A_512 = arith.shrsi %or3A_490, %shift_right_arithmetic3A_511 : vector<16xi32>
    %and3A_513 = arith.constant 31 : i32
    %and3A_514 = vector.broadcast %and3A_513 : i32 to vector<16xi32>
    %and3A_515 = arith.andi %shift_right_arithmetic3A_512, %and3A_514 : vector<16xi32>
    %shift_right_arithmetic3A_516 = arith.shrsi %gather3A_496, %and3A_515 : vector<16xi32>
    %and3A_517 = arith.constant 31 : i32
    %and3A_518 = vector.broadcast %and3A_517 : i32 to vector<16xi32>
    %and3A_519 = arith.andi %shift_right_arithmetic3A_516, %and3A_518 : vector<16xi32>
    %shift_left3A_520 = arith.constant 5 : i32
    %shift_left3A_521 = vector.broadcast %shift_left3A_520 : i32 to vector<16xi32>
    %shift_left3A_522 = arith.shli %and3A_519, %shift_left3A_521 : vector<16xi32>
    %or3A_523 = arith.ori %shift_left3A_509, %shift_left3A_522 : vector<16xi32>
    %shift_right_arithmetic3A_524 = arith.constant 10 : i32
    %shift_right_arithmetic3A_525 = vector.broadcast %shift_right_arithmetic3A_524 : i32 to vector<16xi32>
    %shift_right_arithmetic3A_526 = arith.shrsi %or3A_490, %shift_right_arithmetic3A_525 : vector<16xi32>
    %and3A_527 = arith.constant 31 : i32
    %and3A_528 = vector.broadcast %and3A_527 : i32 to vector<16xi32>
    %and3A_529 = arith.andi %shift_right_arithmetic3A_526, %and3A_528 : vector<16xi32>
    %shift_right_arithmetic3A_530 = arith.shrsi %gather3A_496, %and3A_529 : vector<16xi32>
    %and3A_531 = arith.constant 31 : i32
    %and3A_532 = vector.broadcast %and3A_531 : i32 to vector<16xi32>
    %and3A_533 = arith.andi %shift_right_arithmetic3A_530, %and3A_532 : vector<16xi32>
    %shift_left3A_534 = arith.constant 10 : i32
    %shift_left3A_535 = vector.broadcast %shift_left3A_534 : i32 to vector<16xi32>
    %shift_left3A_536 = arith.shli %and3A_533, %shift_left3A_535 : vector<16xi32>
    %or3A_537 = arith.ori %or3A_523, %shift_left3A_536 : vector<16xi32>
    %shift_right_arithmetic3A_538 = arith.constant 15 : i32
    %shift_right_arithmetic3A_539 = vector.broadcast %shift_right_arithmetic3A_538 : i32 to vector<16xi32>
    %shift_right_arithmetic3A_540 = arith.shrsi %or3A_490, %shift_right_arithmetic3A_539 : vector<16xi32>
    %and3A_541 = arith.constant 31 : i32
    %and3A_542 = vector.broadcast %and3A_541 : i32 to vector<16xi32>
    %and3A_543 = arith.andi %shift_right_arithmetic3A_540, %and3A_542 : vector<16xi32>
    %shift_right_arithmetic3A_544 = arith.shrsi %gather3A_496, %and3A_543 : vector<16xi32>
    %and3A_545 = arith.constant 31 : i32
    %and3A_546 = vector.broadcast %and3A_545 : i32 to vector<16xi32>
    %and3A_547 = arith.andi %shift_right_arithmetic3A_544, %and3A_546 : vector<16xi32>
    %shift_left3A_548 = arith.constant 15 : i32
    %shift_left3A_549 = vector.broadcast %shift_left3A_548 : i32 to vector<16xi32>
    %shift_left3A_550 = arith.shli %and3A_547, %shift_left3A_549 : vector<16xi32>
    %or3A_551 = arith.ori %or3A_537, %shift_left3A_550 : vector<16xi32>
    %shift_right_arithmetic3A_552 = arith.constant 20 : i32
    %shift_right_arithmetic3A_553 = vector.broadcast %shift_right_arithmetic3A_552 : i32 to vector<16xi32>
    %shift_right_arithmetic3A_554 = arith.shrsi %or3A_490, %shift_right_arithmetic3A_553 : vector<16xi32>
    %and3A_555 = arith.constant 31 : i32
    %and3A_556 = vector.broadcast %and3A_555 : i32 to vector<16xi32>
    %and3A_557 = arith.andi %shift_right_arithmetic3A_554, %and3A_556 : vector<16xi32>
    %shift_right_arithmetic3A_558 = arith.shrsi %gather3A_496, %and3A_557 : vector<16xi32>
    %and3A_559 = arith.constant 31 : i32
    %and3A_560 = vector.broadcast %and3A_559 : i32 to vector<16xi32>
    %and3A_561 = arith.andi %shift_right_arithmetic3A_558, %and3A_560 : vector<16xi32>
    %shift_left3A_562 = arith.constant 20 : i32
    %shift_left3A_563 = vector.broadcast %shift_left3A_562 : i32 to vector<16xi32>
    %shift_left3A_564 = arith.shli %and3A_561, %shift_left3A_563 : vector<16xi32>
    %or3A_565 = arith.ori %or3A_551, %shift_left3A_564 : vector<16xi32>
    %swap3A_566 = arith.constant 16 : index
    %swap3A_567 = tpu.vector_load %arg10[%swap3A_566] {strides = array<i32>} : memref<32xi32, #tpu.memory_space<vmem>>, vector<16xi32>,
    tpu.vector_store %arg10[%swap3A_566], %or3A_565 {strides = array<i32>} : memref<32xi32, #tpu.memory_space<vmem>>, vector<16xi32>,
    %add3A_568 = arith.constant 8 : i32
    %add3A_569 = vector.broadcast %add3A_568 : i32 to vector<16xi32>
    %add3A_570 = arith.addi %iota3A, %add3A_569 : vector<16xi32>
    %gather3A_571 = tpu.vector_load_idx %arg10[%add3A_570] : memref<32xi32, #tpu.memory_space<vmem>>[vector<16xi32>], vector<16xi32>,
    %shift_right_arithmetic3A_572 = arith.constant 0 : i32
    %shift_right_arithmetic3A_573 = vector.broadcast %shift_right_arithmetic3A_572 : i32 to vector<16xi32>
    %shift_right_arithmetic3A_574 = arith.shrsi %or3A_565, %shift_right_arithmetic3A_573 : vector<16xi32>
    %and3A_575 = arith.constant 31 : i32
    %and3A_576 = vector.broadcast %and3A_575 : i32 to vector<16xi32>
    %and3A_577 = arith.andi %shift_right_arithmetic3A_574, %and3A_576 : vector<16xi32>
    %shift_right_arithmetic3A_578 = arith.shrsi %gather3A_571, %and3A_577 : vector<16xi32>
    %and3A_579 = arith.constant 31 : i32
    %and3A_580 = vector.broadcast %and3A_579 : i32 to vector<16xi32>
    %and3A_581 = arith.andi %shift_right_arithmetic3A_578, %and3A_580 : vector<16xi32>
    %shift_left3A_582 = arith.constant 0 : i32
    %shift_left3A_583 = vector.broadcast %shift_left3A_582 : i32 to vector<16xi32>
    %shift_left3A_584 = arith.shli %and3A_581, %shift_left3A_583 : vector<16xi32>
    %shift_right_arithmetic3A_585 = arith.constant 5 : i32
    %shift_right_arithmetic3A_586 = vector.broadcast %shift_right_arithmetic3A_585 : i32 to vector<16xi32>
    %shift_right_arithmetic3A_587 = arith.shrsi %or3A_565, %shift_right_arithmetic3A_586 : vector<16xi32>
    %and3A_588 = arith.constant 31 : i32
    %and3A_589 = vector.broadcast %and3A_588 : i32 to vector<16xi32>
    %and3A_590 = arith.andi %shift_right_arithmetic3A_587, %and3A_589 : vector<16xi32>
    %shift_right_arithmetic3A_591 = arith.shrsi %gather3A_571, %and3A_590 : vector<16xi32>
    %and3A_592 = arith.constant 31 : i32
    %and3A_593 = vector.broadcast %and3A_592 : i32 to vector<16xi32>
    %and3A_594 = arith.andi %shift_right_arithmetic3A_591, %and3A_593 : vector<16xi32>
    %shift_left3A_595 = arith.constant 5 : i32
    %shift_left3A_596 = vector.broadcast %shift_left3A_595 : i32 to vector<16xi32>
    %shift_left3A_597 = arith.shli %and3A_594, %shift_left3A_596 : vector<16xi32>
    %or3A_598 = arith.ori %shift_left3A_584, %shift_left3A_597 : vector<16xi32>
    %shift_right_arithmetic3A_599 = arith.constant 10 : i32
    %shift_right_arithmetic3A_600 = vector.broadcast %shift_right_arithmetic3A_599 : i32 to vector<16xi32>
    %shift_right_arithmetic3A_601 = arith.shrsi %or3A_565, %shift_right_arithmetic3A_600 : vector<16xi32>
    %and3A_602 = arith.constant 31 : i32
    %and3A_603 = vector.broadcast %and3A_602 : i32 to vector<16xi32>
    %and3A_604 = arith.andi %shift_right_arithmetic3A_601, %and3A_603 : vector<16xi32>
    %shift_right_arithmetic3A_605 = arith.shrsi %gather3A_571, %and3A_604 : vector<16xi32>
    %and3A_606 = arith.constant 31 : i32
    %and3A_607 = vector.broadcast %and3A_606 : i32 to vector<16xi32>
    %and3A_608 = arith.andi %shift_right_arithmetic3A_605, %and3A_607 : vector<16xi32>
    %shift_left3A_609 = arith.constant 10 : i32
    %shift_left3A_610 = vector.broadcast %shift_left3A_609 : i32 to vector<16xi32>
    %shift_left3A_611 = arith.shli %and3A_608, %shift_left3A_610 : vector<16xi32>
    %or3A_612 = arith.ori %or3A_598, %shift_left3A_611 : vector<16xi32>
    %shift_right_arithmetic3A_613 = arith.constant 15 : i32
    %shift_right_arithmetic3A_614 = vector.broadcast %shift_right_arithmetic3A_613 : i32 to vector<16xi32>
    %shift_right_arithmetic3A_615 = arith.shrsi %or3A_565, %shift_right_arithmetic3A_614 : vector<16xi32>
    %and3A_616 = arith.constant 31 : i32
    %and3A_617 = vector.broadcast %and3A_616 : i32 to vector<16xi32>
    %and3A_618 = arith.andi %shift_right_arithmetic3A_615, %and3A_617 : vector<16xi32>
    %shift_right_arithmetic3A_619 = arith.shrsi %gather3A_571, %and3A_618 : vector<16xi32>
    %and3A_620 = arith.constant 31 : i32
    %and3A_621 = vector.broadcast %and3A_620 : i32 to vector<16xi32>
    %and3A_622 = arith.andi %shift_right_arithmetic3A_619, %and3A_621 : vector<16xi32>
    %shift_left3A_623 = arith.constant 15 : i32
    %shift_left3A_624 = vector.broadcast %shift_left3A_623 : i32 to vector<16xi32>
    %shift_left3A_625 = arith.shli %and3A_622, %shift_left3A_624 : vector<16xi32>
    %or3A_626 = arith.ori %or3A_612, %shift_left3A_625 : vector<16xi32>
    %shift_right_arithmetic3A_627 = arith.constant 20 : i32
    %shift_right_arithmetic3A_628 = vector.broadcast %shift_right_arithmetic3A_627 : i32 to vector<16xi32>
    %shift_right_arithmetic3A_629 = arith.shrsi %or3A_565, %shift_right_arithmetic3A_628 : vector<16xi32>
    %and3A_630 = arith.constant 31 : i32
    %and3A_631 = vector.broadcast %and3A_630 : i32 to vector<16xi32>
    %and3A_632 = arith.andi %shift_right_arithmetic3A_629, %and3A_631 : vector<16xi32>
    %shift_right_arithmetic3A_633 = arith.shrsi %gather3A_571, %and3A_632 : vector<16xi32>
    %and3A_634 = arith.constant 31 : i32
    %and3A_635 = vector.broadcast %and3A_634 : i32 to vector<16xi32>
    %and3A_636 = arith.andi %shift_right_arithmetic3A_633, %and3A_635 : vector<16xi32>
    %shift_left3A_637 = arith.constant 20 : i32
    %shift_left3A_638 = vector.broadcast %shift_left3A_637 : i32 to vector<16xi32>
    %shift_left3A_639 = arith.shli %and3A_636, %shift_left3A_638 : vector<16xi32>
    %or3A_640 = arith.ori %or3A_626, %shift_left3A_639 : vector<16xi32>
    %swap3A_641 = arith.constant 16 : index
    %swap3A_642 = tpu.vector_load %arg10[%swap3A_641] {strides = array<i32>} : memref<32xi32, #tpu.memory_space<vmem>>, vector<16xi32>,
    tpu.vector_store %arg10[%swap3A_641], %or3A_640 {strides = array<i32>} : memref<32xi32, #tpu.memory_space<vmem>>, vector<16xi32>,
    %add3A_643 = arith.constant 15 : i32
    %add3A_644 = vector.broadcast %add3A_643 : i32 to vector<16xi32>
    %add3A_645 = arith.addi %iota3A, %add3A_644 : vector<16xi32>
    %gather3A_646 = tpu.vector_load_idx %arg10[%add3A_645] : memref<32xi32, #tpu.memory_space<vmem>>[vector<16xi32>], vector<16xi32>,
    %scan3A_647 = arith.constant 0 : i32
    %scan3A_648 = arith.constant 0 : i32
    %scan3A_649 = arith.constant 512 : i32
    %scan3A_650 = arith.addi %scan3A_648, %scan3A_649 : i32
    %scan3A_651 = arith.constant 4 : i32
    scf.for %scan3A_1363 = %scan3A_648 to %scan3A_650 step %scan3A_651  : i32 {
      %mul3A_1364 = arith.constant 16 : i32
      %mul3A_1365 = arith.muli %scan3A_1363, %mul3A_1364 : i32
      %add3A_1366 = arith.constant 8192 : i32
      %add3A_1367 = arith.addi %add3A_1366, %mul3A_1365 : i32
      %get3A = arith.index_cast %add3A_1367 : i32 to index
      %get3A_1368 = tpu.vector_load %arg6[%get3A] {strides = array<i32>} : memref<32768xi32, #tpu.memory_space<vmem>>, vector<16xi32>,
      %shift_right_arithmetic3A_1369 = arith.constant 0 : i32
      %shift_right_arithmetic3A_1370 = vector.broadcast %shift_right_arithmetic3A_1369 : i32 to vector<16xi32>
      %shift_right_arithmetic3A_1371 = arith.shrsi %get3A_1368, %shift_right_arithmetic3A_1370 : vector<16xi32>
      %and3A_1372 = arith.constant 31 : i32
      %and3A_1373 = vector.broadcast %and3A_1372 : i32 to vector<16xi32>
      %and3A_1374 = arith.andi %shift_right_arithmetic3A_1371, %and3A_1373 : vector<16xi32>
      %shift_right_arithmetic3A_1375 = arith.shrsi %gather3A_646, %and3A_1374 : vector<16xi32>
      %and3A_1376 = arith.constant 31 : i32
      %and3A_1377 = vector.broadcast %and3A_1376 : i32 to vector<16xi32>
      %and3A_1378 = arith.andi %shift_right_arithmetic3A_1375, %and3A_1377 : vector<16xi32>
      %shift_left3A_1379 = arith.constant 0 : i32
      %shift_left3A_1380 = vector.broadcast %shift_left3A_1379 : i32 to vector<16xi32>
      %shift_left3A_1381 = arith.shli %and3A_1378, %shift_left3A_1380 : vector<16xi32>
      %shift_right_arithmetic3A_1382 = arith.constant 5 : i32
      %shift_right_arithmetic3A_1383 = vector.broadcast %shift_right_arithmetic3A_1382 : i32 to vector<16xi32>
      %shift_right_arithmetic3A_1384 = arith.shrsi %get3A_1368, %shift_right_arithmetic3A_1383 : vector<16xi32>
      %and3A_1385 = arith.constant 31 : i32
      %and3A_1386 = vector.broadcast %and3A_1385 : i32 to vector<16xi32>
      %and3A_1387 = arith.andi %shift_right_arithmetic3A_1384, %and3A_1386 : vector<16xi32>
      %shift_right_arithmetic3A_1388 = arith.shrsi %gather3A_646, %and3A_1387 : vector<16xi32>
      %and3A_1389 = arith.constant 31 : i32
      %and3A_1390 = vector.broadcast %and3A_1389 : i32 to vector<16xi32>
      %and3A_1391 = arith.andi %shift_right_arithmetic3A_1388, %and3A_1390 : vector<16xi32>
      %shift_left3A_1392 = arith.constant 5 : i32
      %shift_left3A_1393 = vector.broadcast %shift_left3A_1392 : i32 to vector<16xi32>
      %shift_left3A_1394 = arith.shli %and3A_1391, %shift_left3A_1393 : vector<16xi32>
      %or3A_1395 = arith.ori %shift_left3A_1381, %shift_left3A_1394 : vector<16xi32>
      %shift_right_arithmetic3A_1396 = arith.constant 10 : i32
      %shift_right_arithmetic3A_1397 = vector.broadcast %shift_right_arithmetic3A_1396 : i32 to vector<16xi32>
      %shift_right_arithmetic3A_1398 = arith.shrsi %get3A_1368, %shift_right_arithmetic3A_1397 : vector<16xi32>
      %and3A_1399 = arith.constant 31 : i32
      %and3A_1400 = vector.broadcast %and3A_1399 : i32 to vector<16xi32>
      %and3A_1401 = arith.andi %shift_right_arithmetic3A_1398, %and3A_1400 : vector<16xi32>
      %shift_right_arithmetic3A_1402 = arith.shrsi %gather3A_646, %and3A_1401 : vector<16xi32>
      %and3A_1403 = arith.constant 31 : i32
      %and3A_1404 = vector.broadcast %and3A_1403 : i32 to vector<16xi32>
      %and3A_1405 = arith.andi %shift_right_arithmetic3A_1402, %and3A_1404 : vector<16xi32>
      %shift_left3A_1406 = arith.constant 10 : i32
      %shift_left3A_1407 = vector.broadcast %shift_left3A_1406 : i32 to vector<16xi32>
      %shift_left3A_1408 = arith.shli %and3A_1405, %shift_left3A_1407 : vector<16xi32>
      %or3A_1409 = arith.ori %or3A_1395, %shift_left3A_1408 : vector<16xi32>
      %shift_right_arithmetic3A_1410 = arith.constant 15 : i32
      %shift_right_arithmetic3A_1411 = vector.broadcast %shift_right_arithmetic3A_1410 : i32 to vector<16xi32>
      %shift_right_arithmetic3A_1412 = arith.shrsi %get3A_1368, %shift_right_arithmetic3A_1411 : vector<16xi32>
      %and3A_1413 = arith.constant 31 : i32
      %and3A_1414 = vector.broadcast %and3A_1413 : i32 to vector<16xi32>
      %and3A_1415 = arith.andi %shift_right_arithmetic3A_1412, %and3A_1414 : vector<16xi32>
      %shift_right_arithmetic3A_1416 = arith.shrsi %gather3A_646, %and3A_1415 : vector<16xi32>
      %and3A_1417 = arith.constant 31 : i32
      %and3A_1418 = vector.broadcast %and3A_1417 : i32 to vector<16xi32>
      %and3A_1419 = arith.andi %shift_right_arithmetic3A_1416, %and3A_1418 : vector<16xi32>
      %shift_left3A_1420 = arith.constant 15 : i32
      %shift_left3A_1421 = vector.broadcast %shift_left3A_1420 : i32 to vector<16xi32>
      %shift_left3A_1422 = arith.shli %and3A_1419, %shift_left3A_1421 : vector<16xi32>
      %or3A_1423 = arith.ori %or3A_1409, %shift_left3A_1422 : vector<16xi32>
      %shift_right_arithmetic3A_1424 = arith.constant 20 : i32
      %shift_right_arithmetic3A_1425 = vector.broadcast %shift_right_arithmetic3A_1424 : i32 to vector<16xi32>
      %shift_right_arithmetic3A_1426 = arith.shrsi %get3A_1368, %shift_right_arithmetic3A_1425 : vector<16xi32>
      %and3A_1427 = arith.constant 31 : i32
      %and3A_1428 = vector.broadcast %and3A_1427 : i32 to vector<16xi32>
      %and3A_1429 = arith.andi %shift_right_arithmetic3A_1426, %and3A_1428 : vector<16xi32>
      %shift_right_arithmetic3A_1430 = arith.shrsi %gather3A_646, %and3A_1429 : vector<16xi32>
      %and3A_1431 = arith.constant 31 : i32
      %and3A_1432 = vector.broadcast %and3A_1431 : i32 to vector<16xi32>
      %and3A_1433 = arith.andi %shift_right_arithmetic3A_1430, %and3A_1432 : vector<16xi32>
      %shift_left3A_1434 = arith.constant 20 : i32
      %shift_left3A_1435 = vector.broadcast %shift_left3A_1434 : i32 to vector<16xi32>
      %shift_left3A_1436 = arith.shli %and3A_1433, %shift_left3A_1435 : vector<16xi32>
      %or3A_1437 = arith.ori %or3A_1423, %shift_left3A_1436 : vector<16xi32>
      %shift_right_arithmetic3A_1438 = arith.constant 0 : i32
      %shift_right_arithmetic3A_1439 = vector.broadcast %shift_right_arithmetic3A_1438 : i32 to vector<16xi32>
      %shift_right_arithmetic3A_1440 = arith.shrsi %or3A_1437, %shift_right_arithmetic3A_1439 : vector<16xi32>
      %and3A_1441 = arith.constant 31 : i32
      %and3A_1442 = vector.broadcast %and3A_1441 : i32 to vector<16xi32>
      %and3A_1443 = arith.andi %shift_right_arithmetic3A_1440, %and3A_1442 : vector<16xi32>
      %add3A_1444 = arith.constant 32 : i32
      %add3A_1445 = vector.broadcast %add3A_1444 : i32 to vector<16xi32>
      %add3A_1446 = arith.addi %and3A_1443, %add3A_1445 : vector<16xi32>
      %gather3A_1447 = tpu.vector_load_idx %arg8[%add3A_1446] : memref<128xf32, #tpu.memory_space<vmem>>[vector<16xi32>], vector<16xf32>,
      %mul3A_1448 = arith.constant 80 : i32
      %mul3A_1449 = arith.muli %scan3A_1363, %mul3A_1448 : i32
      %add3A_1450 = arith.constant 0 : i32
      %add3A_1451 = arith.addi %mul3A_1449, %add3A_1450 : i32
      %add3A_1452 = arith.constant 40960 : i32
      %add3A_1453 = arith.addi %add3A_1452, %add3A_1451 : i32
      %add3A_1454 = vector.broadcast %add3A_1453 : i32 to vector<16xi32>
      %add3A_1455 = arith.addi %mul3A_4, %add3A_1454 : vector<16xi32>
      tpu.vector_store_idx %arg7[%add3A_1455], %gather3A_1447 : memref<81920xf32, #tpu.memory_space<vmem>>[vector<16xi32>], vector<16xf32>,
      %shift_right_arithmetic3A_1456 = arith.constant 5 : i32
      %shift_right_arithmetic3A_1457 = vector.broadcast %shift_right_arithmetic3A_1456 : i32 to vector<16xi32>
      %shift_right_arithmetic3A_1458 = arith.shrsi %or3A_1437, %shift_right_arithmetic3A_1457 : vector<16xi32>
      %and3A_1459 = arith.constant 31 : i32
      %and3A_1460 = vector.broadcast %and3A_1459 : i32 to vector<16xi32>
      %and3A_1461 = arith.andi %shift_right_arithmetic3A_1458, %and3A_1460 : vector<16xi32>
      %add3A_1462 = arith.constant 32 : i32
      %add3A_1463 = vector.broadcast %add3A_1462 : i32 to vector<16xi32>
      %add3A_1464 = arith.addi %and3A_1461, %add3A_1463 : vector<16xi32>
      %gather3A_1465 = tpu.vector_load_idx %arg8[%add3A_1464] : memref<128xf32, #tpu.memory_space<vmem>>[vector<16xi32>], vector<16xf32>,
      %mul3A_1466 = arith.constant 80 : i32
      %mul3A_1467 = arith.muli %scan3A_1363, %mul3A_1466 : i32
      %add3A_1468 = arith.constant 1 : i32
      %add3A_1469 = arith.addi %mul3A_1467, %add3A_1468 : i32
      %add3A_1470 = arith.constant 40960 : i32
      %add3A_1471 = arith.addi %add3A_1470, %add3A_1469 : i32
      %add3A_1472 = vector.broadcast %add3A_1471 : i32 to vector<16xi32>
      %add3A_1473 = arith.addi %mul3A_4, %add3A_1472 : vector<16xi32>
      tpu.vector_store_idx %arg7[%add3A_1473], %gather3A_1465 : memref<81920xf32, #tpu.memory_space<vmem>>[vector<16xi32>], vector<16xf32>,
      %shift_right_arithmetic3A_1474 = arith.constant 10 : i32
      %shift_right_arithmetic3A_1475 = vector.broadcast %shift_right_arithmetic3A_1474 : i32 to vector<16xi32>
      %shift_right_arithmetic3A_1476 = arith.shrsi %or3A_1437, %shift_right_arithmetic3A_1475 : vector<16xi32>
      %and3A_1477 = arith.constant 31 : i32
      %and3A_1478 = vector.broadcast %and3A_1477 : i32 to vector<16xi32>
      %and3A_1479 = arith.andi %shift_right_arithmetic3A_1476, %and3A_1478 : vector<16xi32>
      %add3A_1480 = arith.constant 32 : i32
      %add3A_1481 = vector.broadcast %add3A_1480 : i32 to vector<16xi32>
      %add3A_1482 = arith.addi %and3A_1479, %add3A_1481 : vector<16xi32>
      %gather3A_1483 = tpu.vector_load_idx %arg8[%add3A_1482] : memref<128xf32, #tpu.memory_space<vmem>>[vector<16xi32>], vector<16xf32>,
      %mul3A_1484 = arith.constant 80 : i32
      %mul3A_1485 = arith.muli %scan3A_1363, %mul3A_1484 : i32
      %add3A_1486 = arith.constant 2 : i32
      %add3A_1487 = arith.addi %mul3A_1485, %add3A_1486 : i32
      %add3A_1488 = arith.constant 40960 : i32
      %add3A_1489 = arith.addi %add3A_1488, %add3A_1487 : i32
      %add3A_1490 = vector.broadcast %add3A_1489 : i32 to vector<16xi32>
      %add3A_1491 = arith.addi %mul3A_4, %add3A_1490 : vector<16xi32>
      tpu.vector_store_idx %arg7[%add3A_1491], %gather3A_1483 : memref<81920xf32, #tpu.memory_space<vmem>>[vector<16xi32>], vector<16xf32>,
      %shift_right_arithmetic3A_1492 = arith.constant 15 : i32
      %shift_right_arithmetic3A_1493 = vector.broadcast %shift_right_arithmetic3A_1492 : i32 to vector<16xi32>
      %shift_right_arithmetic3A_1494 = arith.shrsi %or3A_1437, %shift_right_arithmetic3A_1493 : vector<16xi32>
      %and3A_1495 = arith.constant 31 : i32
      %and3A_1496 = vector.broadcast %and3A_1495 : i32 to vector<16xi32>
      %and3A_1497 = arith.andi %shift_right_arithmetic3A_1494, %and3A_1496 : vector<16xi32>
      %add3A_1498 = arith.constant 32 : i32
      %add3A_1499 = vector.broadcast %add3A_1498 : i32 to vector<16xi32>
      %add3A_1500 = arith.addi %and3A_1497, %add3A_1499 : vector<16xi32>
      %gather3A_1501 = tpu.vector_load_idx %arg8[%add3A_1500] : memref<128xf32, #tpu.memory_space<vmem>>[vector<16xi32>], vector<16xf32>,
      %mul3A_1502 = arith.constant 80 : i32
      %mul3A_1503 = arith.muli %scan3A_1363, %mul3A_1502 : i32
      %add3A_1504 = arith.constant 3 : i32
      %add3A_1505 = arith.addi %mul3A_1503, %add3A_1504 : i32
      %add3A_1506 = arith.constant 40960 : i32
      %add3A_1507 = arith.addi %add3A_1506, %add3A_1505 : i32
      %add3A_1508 = vector.broadcast %add3A_1507 : i32 to vector<16xi32>
      %add3A_1509 = arith.addi %mul3A_4, %add3A_1508 : vector<16xi32>
      tpu.vector_store_idx %arg7[%add3A_1509], %gather3A_1501 : memref<81920xf32, #tpu.memory_space<vmem>>[vector<16xi32>], vector<16xf32>,
      %shift_right_arithmetic3A_1510 = arith.constant 20 : i32
      %shift_right_arithmetic3A_1511 = vector.broadcast %shift_right_arithmetic3A_1510 : i32 to vector<16xi32>
      %shift_right_arithmetic3A_1512 = arith.shrsi %or3A_1437, %shift_right_arithmetic3A_1511 : vector<16xi32>
      %and3A_1513 = arith.constant 31 : i32
      %and3A_1514 = vector.broadcast %and3A_1513 : i32 to vector<16xi32>
      %and3A_1515 = arith.andi %shift_right_arithmetic3A_1512, %and3A_1514 : vector<16xi32>
      %add3A_1516 = arith.constant 32 : i32
      %add3A_1517 = vector.broadcast %add3A_1516 : i32 to vector<16xi32>
      %add3A_1518 = arith.addi %and3A_1515, %add3A_1517 : vector<16xi32>
      %gather3A_1519 = tpu.vector_load_idx %arg8[%add3A_1518] : memref<128xf32, #tpu.memory_space<vmem>>[vector<16xi32>], vector<16xf32>,
      %mul3A_1520 = arith.constant 80 : i32
      %mul3A_1521 = arith.muli %scan3A_1363, %mul3A_1520 : i32
      %add3A_1522 = arith.constant 4 : i32
      %add3A_1523 = arith.addi %mul3A_1521, %add3A_1522 : i32
      %add3A_1524 = arith.constant 40960 : i32
      %add3A_1525 = arith.addi %add3A_1524, %add3A_1523 : i32
      %add3A_1526 = vector.broadcast %add3A_1525 : i32 to vector<16xi32>
      %add3A_1527 = arith.addi %mul3A_4, %add3A_1526 : vector<16xi32>
      tpu.vector_store_idx %arg7[%add3A_1527], %gather3A_1519 : memref<81920xf32, #tpu.memory_space<vmem>>[vector<16xi32>], vector<16xf32>,
      %scan3A_1528 = arith.constant 1 : i32
      %scan3A_1529 = arith.addi %scan3A_1363, %scan3A_1528 : i32
      %mul3A_1530 = arith.constant 16 : i32
      %mul3A_1531 = arith.muli %scan3A_1529, %mul3A_1530 : i32
      %add3A_1532 = arith.constant 8192 : i32
      %add3A_1533 = arith.addi %add3A_1532, %mul3A_1531 : i32
      %get3A_1534 = arith.index_cast %add3A_1533 : i32 to index
      %get3A_1535 = tpu.vector_load %arg6[%get3A_1534] {strides = array<i32>} : memref<32768xi32, #tpu.memory_space<vmem>>, vector<16xi32>,
      %shift_right_arithmetic3A_1536 = arith.constant 0 : i32
      %shift_right_arithmetic3A_1537 = vector.broadcast %shift_right_arithmetic3A_1536 : i32 to vector<16xi32>
      %shift_right_arithmetic3A_1538 = arith.shrsi %get3A_1535, %shift_right_arithmetic3A_1537 : vector<16xi32>
      %and3A_1539 = arith.constant 31 : i32
      %and3A_1540 = vector.broadcast %and3A_1539 : i32 to vector<16xi32>
      %and3A_1541 = arith.andi %shift_right_arithmetic3A_1538, %and3A_1540 : vector<16xi32>
      %shift_right_arithmetic3A_1542 = arith.shrsi %gather3A_646, %and3A_1541 : vector<16xi32>
      %and3A_1543 = arith.constant 31 : i32
      %and3A_1544 = vector.broadcast %and3A_1543 : i32 to vector<16xi32>
      %and3A_1545 = arith.andi %shift_right_arithmetic3A_1542, %and3A_1544 : vector<16xi32>
      %shift_left3A_1546 = arith.constant 0 : i32
      %shift_left3A_1547 = vector.broadcast %shift_left3A_1546 : i32 to vector<16xi32>
      %shift_left3A_1548 = arith.shli %and3A_1545, %shift_left3A_1547 : vector<16xi32>
      %shift_right_arithmetic3A_1549 = arith.constant 5 : i32
      %shift_right_arithmetic3A_1550 = vector.broadcast %shift_right_arithmetic3A_1549 : i32 to vector<16xi32>
      %shift_right_arithmetic3A_1551 = arith.shrsi %get3A_1535, %shift_right_arithmetic3A_1550 : vector<16xi32>
      %and3A_1552 = arith.constant 31 : i32
      %and3A_1553 = vector.broadcast %and3A_1552 : i32 to vector<16xi32>
      %and3A_1554 = arith.andi %shift_right_arithmetic3A_1551, %and3A_1553 : vector<16xi32>
      %shift_right_arithmetic3A_1555 = arith.shrsi %gather3A_646, %and3A_1554 : vector<16xi32>
      %and3A_1556 = arith.constant 31 : i32
      %and3A_1557 = vector.broadcast %and3A_1556 : i32 to vector<16xi32>
      %and3A_1558 = arith.andi %shift_right_arithmetic3A_1555, %and3A_1557 : vector<16xi32>
      %shift_left3A_1559 = arith.constant 5 : i32
      %shift_left3A_1560 = vector.broadcast %shift_left3A_1559 : i32 to vector<16xi32>
      %shift_left3A_1561 = arith.shli %and3A_1558, %shift_left3A_1560 : vector<16xi32>
      %or3A_1562 = arith.ori %shift_left3A_1548, %shift_left3A_1561 : vector<16xi32>
      %shift_right_arithmetic3A_1563 = arith.constant 10 : i32
      %shift_right_arithmetic3A_1564 = vector.broadcast %shift_right_arithmetic3A_1563 : i32 to vector<16xi32>
      %shift_right_arithmetic3A_1565 = arith.shrsi %get3A_1535, %shift_right_arithmetic3A_1564 : vector<16xi32>
      %and3A_1566 = arith.constant 31 : i32
      %and3A_1567 = vector.broadcast %and3A_1566 : i32 to vector<16xi32>
      %and3A_1568 = arith.andi %shift_right_arithmetic3A_1565, %and3A_1567 : vector<16xi32>
      %shift_right_arithmetic3A_1569 = arith.shrsi %gather3A_646, %and3A_1568 : vector<16xi32>
      %and3A_1570 = arith.constant 31 : i32
      %and3A_1571 = vector.broadcast %and3A_1570 : i32 to vector<16xi32>
      %and3A_1572 = arith.andi %shift_right_arithmetic3A_1569, %and3A_1571 : vector<16xi32>
      %shift_left3A_1573 = arith.constant 10 : i32
      %shift_left3A_1574 = vector.broadcast %shift_left3A_1573 : i32 to vector<16xi32>
      %shift_left3A_1575 = arith.shli %and3A_1572, %shift_left3A_1574 : vector<16xi32>
      %or3A_1576 = arith.ori %or3A_1562, %shift_left3A_1575 : vector<16xi32>
      %shift_right_arithmetic3A_1577 = arith.constant 15 : i32
      %shift_right_arithmetic3A_1578 = vector.broadcast %shift_right_arithmetic3A_1577 : i32 to vector<16xi32>
      %shift_right_arithmetic3A_1579 = arith.shrsi %get3A_1535, %shift_right_arithmetic3A_1578 : vector<16xi32>
      %and3A_1580 = arith.constant 31 : i32
      %and3A_1581 = vector.broadcast %and3A_1580 : i32 to vector<16xi32>
      %and3A_1582 = arith.andi %shift_right_arithmetic3A_1579, %and3A_1581 : vector<16xi32>
      %shift_right_arithmetic3A_1583 = arith.shrsi %gather3A_646, %and3A_1582 : vector<16xi32>
      %and3A_1584 = arith.constant 31 : i32
      %and3A_1585 = vector.broadcast %and3A_1584 : i32 to vector<16xi32>
      %and3A_1586 = arith.andi %shift_right_arithmetic3A_1583, %and3A_1585 : vector<16xi32>
      %shift_left3A_1587 = arith.constant 15 : i32
      %shift_left3A_1588 = vector.broadcast %shift_left3A_1587 : i32 to vector<16xi32>
      %shift_left3A_1589 = arith.shli %and3A_1586, %shift_left3A_1588 : vector<16xi32>
      %or3A_1590 = arith.ori %or3A_1576, %shift_left3A_1589 : vector<16xi32>
      %shift_right_arithmetic3A_1591 = arith.constant 20 : i32
      %shift_right_arithmetic3A_1592 = vector.broadcast %shift_right_arithmetic3A_1591 : i32 to vector<16xi32>
      %shift_right_arithmetic3A_1593 = arith.shrsi %get3A_1535, %shift_right_arithmetic3A_1592 : vector<16xi32>
      %and3A_1594 = arith.constant 31 : i32
      %and3A_1595 = vector.broadcast %and3A_1594 : i32 to vector<16xi32>
      %and3A_1596 = arith.andi %shift_right_arithmetic3A_1593, %and3A_1595 : vector<16xi32>
      %shift_right_arithmetic3A_1597 = arith.shrsi %gather3A_646, %and3A_1596 : vector<16xi32>
      %and3A_1598 = arith.constant 31 : i32
      %and3A_1599 = vector.broadcast %and3A_1598 : i32 to vector<16xi32>
      %and3A_1600 = arith.andi %shift_right_arithmetic3A_1597, %and3A_1599 : vector<16xi32>
      %shift_left3A_1601 = arith.constant 20 : i32
      %shift_left3A_1602 = vector.broadcast %shift_left3A_1601 : i32 to vector<16xi32>
      %shift_left3A_1603 = arith.shli %and3A_1600, %shift_left3A_1602 : vector<16xi32>
      %or3A_1604 = arith.ori %or3A_1590, %shift_left3A_1603 : vector<16xi32>
      %shift_right_arithmetic3A_1605 = arith.constant 0 : i32
      %shift_right_arithmetic3A_1606 = vector.broadcast %shift_right_arithmetic3A_1605 : i32 to vector<16xi32>
      %shift_right_arithmetic3A_1607 = arith.shrsi %or3A_1604, %shift_right_arithmetic3A_1606 : vector<16xi32>
      %and3A_1608 = arith.constant 31 : i32
      %and3A_1609 = vector.broadcast %and3A_1608 : i32 to vector<16xi32>
      %and3A_1610 = arith.andi %shift_right_arithmetic3A_1607, %and3A_1609 : vector<16xi32>
      %add3A_1611 = arith.constant 32 : i32
      %add3A_1612 = vector.broadcast %add3A_1611 : i32 to vector<16xi32>
      %add3A_1613 = arith.addi %and3A_1610, %add3A_1612 : vector<16xi32>
      %gather3A_1614 = tpu.vector_load_idx %arg8[%add3A_1613] : memref<128xf32, #tpu.memory_space<vmem>>[vector<16xi32>], vector<16xf32>,
      %mul3A_1615 = arith.constant 80 : i32
      %mul3A_1616 = arith.muli %scan3A_1529, %mul3A_1615 : i32
      %add3A_1617 = arith.constant 0 : i32
      %add3A_1618 = arith.addi %mul3A_1616, %add3A_1617 : i32
      %add3A_1619 = arith.constant 40960 : i32
      %add3A_1620 = arith.addi %add3A_1619, %add3A_1618 : i32
      %add3A_1621 = vector.broadcast %add3A_1620 : i32 to vector<16xi32>
      %add3A_1622 = arith.addi %mul3A_4, %add3A_1621 : vector<16xi32>
      tpu.vector_store_idx %arg7[%add3A_1622], %gather3A_1614 : memref<81920xf32, #tpu.memory_space<vmem>>[vector<16xi32>], vector<16xf32>,
      %shift_right_arithmetic3A_1623 = arith.constant 5 : i32
      %shift_right_arithmetic3A_1624 = vector.broadcast %shift_right_arithmetic3A_1623 : i32 to vector<16xi32>
      %shift_right_arithmetic3A_1625 = arith.shrsi %or3A_1604, %shift_right_arithmetic3A_1624 : vector<16xi32>
      %and3A_1626 = arith.constant 31 : i32
      %and3A_1627 = vector.broadcast %and3A_1626 : i32 to vector<16xi32>
      %and3A_1628 = arith.andi %shift_right_arithmetic3A_1625, %and3A_1627 : vector<16xi32>
      %add3A_1629 = arith.constant 32 : i32
      %add3A_1630 = vector.broadcast %add3A_1629 : i32 to vector<16xi32>
      %add3A_1631 = arith.addi %and3A_1628, %add3A_1630 : vector<16xi32>
      %gather3A_1632 = tpu.vector_load_idx %arg8[%add3A_1631] : memref<128xf32, #tpu.memory_space<vmem>>[vector<16xi32>], vector<16xf32>,
      %mul3A_1633 = arith.constant 80 : i32
      %mul3A_1634 = arith.muli %scan3A_1529, %mul3A_1633 : i32
      %add3A_1635 = arith.constant 1 : i32
      %add3A_1636 = arith.addi %mul3A_1634, %add3A_1635 : i32
      %add3A_1637 = arith.constant 40960 : i32
      %add3A_1638 = arith.addi %add3A_1637, %add3A_1636 : i32
      %add3A_1639 = vector.broadcast %add3A_1638 : i32 to vector<16xi32>
      %add3A_1640 = arith.addi %mul3A_4, %add3A_1639 : vector<16xi32>
      tpu.vector_store_idx %arg7[%add3A_1640], %gather3A_1632 : memref<81920xf32, #tpu.memory_space<vmem>>[vector<16xi32>], vector<16xf32>,
      %shift_right_arithmetic3A_1641 = arith.constant 10 : i32
      %shift_right_arithmetic3A_1642 = vector.broadcast %shift_right_arithmetic3A_1641 : i32 to vector<16xi32>
      %shift_right_arithmetic3A_1643 = arith.shrsi %or3A_1604, %shift_right_arithmetic3A_1642 : vector<16xi32>
      %and3A_1644 = arith.constant 31 : i32
      %and3A_1645 = vector.broadcast %and3A_1644 : i32 to vector<16xi32>
      %and3A_1646 = arith.andi %shift_right_arithmetic3A_1643, %and3A_1645 : vector<16xi32>
      %add3A_1647 = arith.constant 32 : i32
      %add3A_1648 = vector.broadcast %add3A_1647 : i32 to vector<16xi32>
      %add3A_1649 = arith.addi %and3A_1646, %add3A_1648 : vector<16xi32>
      %gather3A_1650 = tpu.vector_load_idx %arg8[%add3A_1649] : memref<128xf32, #tpu.memory_space<vmem>>[vector<16xi32>], vector<16xf32>,
      %mul3A_1651 = arith.constant 80 : i32
      %mul3A_1652 = arith.muli %scan3A_1529, %mul3A_1651 : i32
      %add3A_1653 = arith.constant 2 : i32
      %add3A_1654 = arith.addi %mul3A_1652, %add3A_1653 : i32
      %add3A_1655 = arith.constant 40960 : i32
      %add3A_1656 = arith.addi %add3A_1655, %add3A_1654 : i32
      %add3A_1657 = vector.broadcast %add3A_1656 : i32 to vector<16xi32>
      %add3A_1658 = arith.addi %mul3A_4, %add3A_1657 : vector<16xi32>
      tpu.vector_store_idx %arg7[%add3A_1658], %gather3A_1650 : memref<81920xf32, #tpu.memory_space<vmem>>[vector<16xi32>], vector<16xf32>,
      %shift_right_arithmetic3A_1659 = arith.constant 15 : i32
      %shift_right_arithmetic3A_1660 = vector.broadcast %shift_right_arithmetic3A_1659 : i32 to vector<16xi32>
      %shift_right_arithmetic3A_1661 = arith.shrsi %or3A_1604, %shift_right_arithmetic3A_1660 : vector<16xi32>
      %and3A_1662 = arith.constant 31 : i32
      %and3A_1663 = vector.broadcast %and3A_1662 : i32 to vector<16xi32>
      %and3A_1664 = arith.andi %shift_right_arithmetic3A_1661, %and3A_1663 : vector<16xi32>
      %add3A_1665 = arith.constant 32 : i32
      %add3A_1666 = vector.broadcast %add3A_1665 : i32 to vector<16xi32>
      %add3A_1667 = arith.addi %and3A_1664, %add3A_1666 : vector<16xi32>
      %gather3A_1668 = tpu.vector_load_idx %arg8[%add3A_1667] : memref<128xf32, #tpu.memory_space<vmem>>[vector<16xi32>], vector<16xf32>,
      %mul3A_1669 = arith.constant 80 : i32
      %mul3A_1670 = arith.muli %scan3A_1529, %mul3A_1669 : i32
      %add3A_1671 = arith.constant 3 : i32
      %add3A_1672 = arith.addi %mul3A_1670, %add3A_1671 : i32
      %add3A_1673 = arith.constant 40960 : i32
      %add3A_1674 = arith.addi %add3A_1673, %add3A_1672 : i32
      %add3A_1675 = vector.broadcast %add3A_1674 : i32 to vector<16xi32>
      %add3A_1676 = arith.addi %mul3A_4, %add3A_1675 : vector<16xi32>
      tpu.vector_store_idx %arg7[%add3A_1676], %gather3A_1668 : memref<81920xf32, #tpu.memory_space<vmem>>[vector<16xi32>], vector<16xf32>,
      %shift_right_arithmetic3A_1677 = arith.constant 20 : i32
      %shift_right_arithmetic3A_1678 = vector.broadcast %shift_right_arithmetic3A_1677 : i32 to vector<16xi32>
      %shift_right_arithmetic3A_1679 = arith.shrsi %or3A_1604, %shift_right_arithmetic3A_1678 : vector<16xi32>
      %and3A_1680 = arith.constant 31 : i32
      %and3A_1681 = vector.broadcast %and3A_1680 : i32 to vector<16xi32>
      %and3A_1682 = arith.andi %shift_right_arithmetic3A_1679, %and3A_1681 : vector<16xi32>
      %add3A_1683 = arith.constant 32 : i32
      %add3A_1684 = vector.broadcast %add3A_1683 : i32 to vector<16xi32>
      %add3A_1685 = arith.addi %and3A_1682, %add3A_1684 : vector<16xi32>
      %gather3A_1686 = tpu.vector_load_idx %arg8[%add3A_1685] : memref<128xf32, #tpu.memory_space<vmem>>[vector<16xi32>], vector<16xf32>,
      %mul3A_1687 = arith.constant 80 : i32
      %mul3A_1688 = arith.muli %scan3A_1529, %mul3A_1687 : i32
      %add3A_1689 = arith.constant 4 : i32
      %add3A_1690 = arith.addi %mul3A_1688, %add3A_1689 : i32
      %add3A_1691 = arith.constant 40960 : i32
      %add3A_1692 = arith.addi %add3A_1691, %add3A_1690 : i32
      %add3A_1693 = vector.broadcast %add3A_1692 : i32 to vector<16xi32>
      %add3A_1694 = arith.addi %mul3A_4, %add3A_1693 : vector<16xi32>
      tpu.vector_store_idx %arg7[%add3A_1694], %gather3A_1686 : memref<81920xf32, #tpu.memory_space<vmem>>[vector<16xi32>], vector<16xf32>,
      %scan3A_1695 = arith.constant 2 : i32
      %scan3A_1696 = arith.addi %scan3A_1363, %scan3A_1695 : i32
      %mul3A_1697 = arith.constant 16 : i32
      %mul3A_1698 = arith.muli %scan3A_1696, %mul3A_1697 : i32
      %add3A_1699 = arith.constant 8192 : i32
      %add3A_1700 = arith.addi %add3A_1699, %mul3A_1698 : i32
      %get3A_1701 = arith.index_cast %add3A_1700 : i32 to index
      %get3A_1702 = tpu.vector_load %arg6[%get3A_1701] {strides = array<i32>} : memref<32768xi32, #tpu.memory_space<vmem>>, vector<16xi32>,
      %shift_right_arithmetic3A_1703 = arith.constant 0 : i32
      %shift_right_arithmetic3A_1704 = vector.broadcast %shift_right_arithmetic3A_1703 : i32 to vector<16xi32>
      %shift_right_arithmetic3A_1705 = arith.shrsi %get3A_1702, %shift_right_arithmetic3A_1704 : vector<16xi32>
      %and3A_1706 = arith.constant 31 : i32
      %and3A_1707 = vector.broadcast %and3A_1706 : i32 to vector<16xi32>
      %and3A_1708 = arith.andi %shift_right_arithmetic3A_1705, %and3A_1707 : vector<16xi32>
      %shift_right_arithmetic3A_1709 = arith.shrsi %gather3A_646, %and3A_1708 : vector<16xi32>
      %and3A_1710 = arith.constant 31 : i32
      %and3A_1711 = vector.broadcast %and3A_1710 : i32 to vector<16xi32>
      %and3A_1712 = arith.andi %shift_right_arithmetic3A_1709, %and3A_1711 : vector<16xi32>
      %shift_left3A_1713 = arith.constant 0 : i32
      %shift_left3A_1714 = vector.broadcast %shift_left3A_1713 : i32 to vector<16xi32>
      %shift_left3A_1715 = arith.shli %and3A_1712, %shift_left3A_1714 : vector<16xi32>
      %shift_right_arithmetic3A_1716 = arith.constant 5 : i32
      %shift_right_arithmetic3A_1717 = vector.broadcast %shift_right_arithmetic3A_1716 : i32 to vector<16xi32>
      %shift_right_arithmetic3A_1718 = arith.shrsi %get3A_1702, %shift_right_arithmetic3A_1717 : vector<16xi32>
      %and3A_1719 = arith.constant 31 : i32
      %and3A_1720 = vector.broadcast %and3A_1719 : i32 to vector<16xi32>
      %and3A_1721 = arith.andi %shift_right_arithmetic3A_1718, %and3A_1720 : vector<16xi32>
      %shift_right_arithmetic3A_1722 = arith.shrsi %gather3A_646, %and3A_1721 : vector<16xi32>
      %and3A_1723 = arith.constant 31 : i32
      %and3A_1724 = vector.broadcast %and3A_1723 : i32 to vector<16xi32>
      %and3A_1725 = arith.andi %shift_right_arithmetic3A_1722, %and3A_1724 : vector<16xi32>
      %shift_left3A_1726 = arith.constant 5 : i32
      %shift_left3A_1727 = vector.broadcast %shift_left3A_1726 : i32 to vector<16xi32>
      %shift_left3A_1728 = arith.shli %and3A_1725, %shift_left3A_1727 : vector<16xi32>
      %or3A_1729 = arith.ori %shift_left3A_1715, %shift_left3A_1728 : vector<16xi32>
      %shift_right_arithmetic3A_1730 = arith.constant 10 : i32
      %shift_right_arithmetic3A_1731 = vector.broadcast %shift_right_arithmetic3A_1730 : i32 to vector<16xi32>
      %shift_right_arithmetic3A_1732 = arith.shrsi %get3A_1702, %shift_right_arithmetic3A_1731 : vector<16xi32>
      %and3A_1733 = arith.constant 31 : i32
      %and3A_1734 = vector.broadcast %and3A_1733 : i32 to vector<16xi32>
      %and3A_1735 = arith.andi %shift_right_arithmetic3A_1732, %and3A_1734 : vector<16xi32>
      %shift_right_arithmetic3A_1736 = arith.shrsi %gather3A_646, %and3A_1735 : vector<16xi32>
      %and3A_1737 = arith.constant 31 : i32
      %and3A_1738 = vector.broadcast %and3A_1737 : i32 to vector<16xi32>
      %and3A_1739 = arith.andi %shift_right_arithmetic3A_1736, %and3A_1738 : vector<16xi32>
      %shift_left3A_1740 = arith.constant 10 : i32
      %shift_left3A_1741 = vector.broadcast %shift_left3A_1740 : i32 to vector<16xi32>
      %shift_left3A_1742 = arith.shli %and3A_1739, %shift_left3A_1741 : vector<16xi32>
      %or3A_1743 = arith.ori %or3A_1729, %shift_left3A_1742 : vector<16xi32>
      %shift_right_arithmetic3A_1744 = arith.constant 15 : i32
      %shift_right_arithmetic3A_1745 = vector.broadcast %shift_right_arithmetic3A_1744 : i32 to vector<16xi32>
      %shift_right_arithmetic3A_1746 = arith.shrsi %get3A_1702, %shift_right_arithmetic3A_1745 : vector<16xi32>
      %and3A_1747 = arith.constant 31 : i32
      %and3A_1748 = vector.broadcast %and3A_1747 : i32 to vector<16xi32>
      %and3A_1749 = arith.andi %shift_right_arithmetic3A_1746, %and3A_1748 : vector<16xi32>
      %shift_right_arithmetic3A_1750 = arith.shrsi %gather3A_646, %and3A_1749 : vector<16xi32>
      %and3A_1751 = arith.constant 31 : i32
      %and3A_1752 = vector.broadcast %and3A_1751 : i32 to vector<16xi32>
      %and3A_1753 = arith.andi %shift_right_arithmetic3A_1750, %and3A_1752 : vector<16xi32>
      %shift_left3A_1754 = arith.constant 15 : i32
      %shift_left3A_1755 = vector.broadcast %shift_left3A_1754 : i32 to vector<16xi32>
      %shift_left3A_1756 = arith.shli %and3A_1753, %shift_left3A_1755 : vector<16xi32>
      %or3A_1757 = arith.ori %or3A_1743, %shift_left3A_1756 : vector<16xi32>
      %shift_right_arithmetic3A_1758 = arith.constant 20 : i32
      %shift_right_arithmetic3A_1759 = vector.broadcast %shift_right_arithmetic3A_1758 : i32 to vector<16xi32>
      %shift_right_arithmetic3A_1760 = arith.shrsi %get3A_1702, %shift_right_arithmetic3A_1759 : vector<16xi32>
      %and3A_1761 = arith.constant 31 : i32
      %and3A_1762 = vector.broadcast %and3A_1761 : i32 to vector<16xi32>
      %and3A_1763 = arith.andi %shift_right_arithmetic3A_1760, %and3A_1762 : vector<16xi32>
      %shift_right_arithmetic3A_1764 = arith.shrsi %gather3A_646, %and3A_1763 : vector<16xi32>
      %and3A_1765 = arith.constant 31 : i32
      %and3A_1766 = vector.broadcast %and3A_1765 : i32 to vector<16xi32>
      %and3A_1767 = arith.andi %shift_right_arithmetic3A_1764, %and3A_1766 : vector<16xi32>
      %shift_left3A_1768 = arith.constant 20 : i32
      %shift_left3A_1769 = vector.broadcast %shift_left3A_1768 : i32 to vector<16xi32>
      %shift_left3A_1770 = arith.shli %and3A_1767, %shift_left3A_1769 : vector<16xi32>
      %or3A_1771 = arith.ori %or3A_1757, %shift_left3A_1770 : vector<16xi32>
      %shift_right_arithmetic3A_1772 = arith.constant 0 : i32
      %shift_right_arithmetic3A_1773 = vector.broadcast %shift_right_arithmetic3A_1772 : i32 to vector<16xi32>
      %shift_right_arithmetic3A_1774 = arith.shrsi %or3A_1771, %shift_right_arithmetic3A_1773 : vector<16xi32>
      %and3A_1775 = arith.constant 31 : i32
      %and3A_1776 = vector.broadcast %and3A_1775 : i32 to vector<16xi32>
      %and3A_1777 = arith.andi %shift_right_arithmetic3A_1774, %and3A_1776 : vector<16xi32>
      %add3A_1778 = arith.constant 32 : i32
      %add3A_1779 = vector.broadcast %add3A_1778 : i32 to vector<16xi32>
      %add3A_1780 = arith.addi %and3A_1777, %add3A_1779 : vector<16xi32>
      %gather3A_1781 = tpu.vector_load_idx %arg8[%add3A_1780] : memref<128xf32, #tpu.memory_space<vmem>>[vector<16xi32>], vector<16xf32>,
      %mul3A_1782 = arith.constant 80 : i32
      %mul3A_1783 = arith.muli %scan3A_1696, %mul3A_1782 : i32
      %add3A_1784 = arith.constant 0 : i32
      %add3A_1785 = arith.addi %mul3A_1783, %add3A_1784 : i32
      %add3A_1786 = arith.constant 40960 : i32
      %add3A_1787 = arith.addi %add3A_1786, %add3A_1785 : i32
      %add3A_1788 = vector.broadcast %add3A_1787 : i32 to vector<16xi32>
      %add3A_1789 = arith.addi %mul3A_4, %add3A_1788 : vector<16xi32>
      tpu.vector_store_idx %arg7[%add3A_1789], %gather3A_1781 : memref<81920xf32, #tpu.memory_space<vmem>>[vector<16xi32>], vector<16xf32>,
      %shift_right_arithmetic3A_1790 = arith.constant 5 : i32
      %shift_right_arithmetic3A_1791 = vector.broadcast %shift_right_arithmetic3A_1790 : i32 to vector<16xi32>
      %shift_right_arithmetic3A_1792 = arith.shrsi %or3A_1771, %shift_right_arithmetic3A_1791 : vector<16xi32>
      %and3A_1793 = arith.constant 31 : i32
      %and3A_1794 = vector.broadcast %and3A_1793 : i32 to vector<16xi32>
      %and3A_1795 = arith.andi %shift_right_arithmetic3A_1792, %and3A_1794 : vector<16xi32>
      %add3A_1796 = arith.constant 32 : i32
      %add3A_1797 = vector.broadcast %add3A_1796 : i32 to vector<16xi32>
      %add3A_1798 = arith.addi %and3A_1795, %add3A_1797 : vector<16xi32>
      %gather3A_1799 = tpu.vector_load_idx %arg8[%add3A_1798] : memref<128xf32, #tpu.memory_space<vmem>>[vector<16xi32>], vector<16xf32>,
      %mul3A_1800 = arith.constant 80 : i32
      %mul3A_1801 = arith.muli %scan3A_1696, %mul3A_1800 : i32
      %add3A_1802 = arith.constant 1 : i32
      %add3A_1803 = arith.addi %mul3A_1801, %add3A_1802 : i32
      %add3A_1804 = arith.constant 40960 : i32
      %add3A_1805 = arith.addi %add3A_1804, %add3A_1803 : i32
      %add3A_1806 = vector.broadcast %add3A_1805 : i32 to vector<16xi32>
      %add3A_1807 = arith.addi %mul3A_4, %add3A_1806 : vector<16xi32>
      tpu.vector_store_idx %arg7[%add3A_1807], %gather3A_1799 : memref<81920xf32, #tpu.memory_space<vmem>>[vector<16xi32>], vector<16xf32>,
      %shift_right_arithmetic3A_1808 = arith.constant 10 : i32
      %shift_right_arithmetic3A_1809 = vector.broadcast %shift_right_arithmetic3A_1808 : i32 to vector<16xi32>
      %shift_right_arithmetic3A_1810 = arith.shrsi %or3A_1771, %shift_right_arithmetic3A_1809 : vector<16xi32>
      %and3A_1811 = arith.constant 31 : i32
      %and3A_1812 = vector.broadcast %and3A_1811 : i32 to vector<16xi32>
      %and3A_1813 = arith.andi %shift_right_arithmetic3A_1810, %and3A_1812 : vector<16xi32>
      %add3A_1814 = arith.constant 32 : i32
      %add3A_1815 = vector.broadcast %add3A_1814 : i32 to vector<16xi32>
      %add3A_1816 = arith.addi %and3A_1813, %add3A_1815 : vector<16xi32>
      %gather3A_1817 = tpu.vector_load_idx %arg8[%add3A_1816] : memref<128xf32, #tpu.memory_space<vmem>>[vector<16xi32>], vector<16xf32>,
      %mul3A_1818 = arith.constant 80 : i32
      %mul3A_1819 = arith.muli %scan3A_1696, %mul3A_1818 : i32
      %add3A_1820 = arith.constant 2 : i32
      %add3A_1821 = arith.addi %mul3A_1819, %add3A_1820 : i32
      %add3A_1822 = arith.constant 40960 : i32
      %add3A_1823 = arith.addi %add3A_1822, %add3A_1821 : i32
      %add3A_1824 = vector.broadcast %add3A_1823 : i32 to vector<16xi32>
      %add3A_1825 = arith.addi %mul3A_4, %add3A_1824 : vector<16xi32>
      tpu.vector_store_idx %arg7[%add3A_1825], %gather3A_1817 : memref<81920xf32, #tpu.memory_space<vmem>>[vector<16xi32>], vector<16xf32>,
      %shift_right_arithmetic3A_1826 = arith.constant 15 : i32
      %shift_right_arithmetic3A_1827 = vector.broadcast %shift_right_arithmetic3A_1826 : i32 to vector<16xi32>
      %shift_right_arithmetic3A_1828 = arith.shrsi %or3A_1771, %shift_right_arithmetic3A_1827 : vector<16xi32>
      %and3A_1829 = arith.constant 31 : i32
      %and3A_1830 = vector.broadcast %and3A_1829 : i32 to vector<16xi32>
      %and3A_1831 = arith.andi %shift_right_arithmetic3A_1828, %and3A_1830 : vector<16xi32>
      %add3A_1832 = arith.constant 32 : i32
      %add3A_1833 = vector.broadcast %add3A_1832 : i32 to vector<16xi32>
      %add3A_1834 = arith.addi %and3A_1831, %add3A_1833 : vector<16xi32>
      %gather3A_1835 = tpu.vector_load_idx %arg8[%add3A_1834] : memref<128xf32, #tpu.memory_space<vmem>>[vector<16xi32>], vector<16xf32>,
      %mul3A_1836 = arith.constant 80 : i32
      %mul3A_1837 = arith.muli %scan3A_1696, %mul3A_1836 : i32
      %add3A_1838 = arith.constant 3 : i32
      %add3A_1839 = arith.addi %mul3A_1837, %add3A_1838 : i32
      %add3A_1840 = arith.constant 40960 : i32
      %add3A_1841 = arith.addi %add3A_1840, %add3A_1839 : i32
      %add3A_1842 = vector.broadcast %add3A_1841 : i32 to vector<16xi32>
      %add3A_1843 = arith.addi %mul3A_4, %add3A_1842 : vector<16xi32>
      tpu.vector_store_idx %arg7[%add3A_1843], %gather3A_1835 : memref<81920xf32, #tpu.memory_space<vmem>>[vector<16xi32>], vector<16xf32>,
      %shift_right_arithmetic3A_1844 = arith.constant 20 : i32
      %shift_right_arithmetic3A_1845 = vector.broadcast %shift_right_arithmetic3A_1844 : i32 to vector<16xi32>
      %shift_right_arithmetic3A_1846 = arith.shrsi %or3A_1771, %shift_right_arithmetic3A_1845 : vector<16xi32>
      %and3A_1847 = arith.constant 31 : i32
      %and3A_1848 = vector.broadcast %and3A_1847 : i32 to vector<16xi32>
      %and3A_1849 = arith.andi %shift_right_arithmetic3A_1846, %and3A_1848 : vector<16xi32>
      %add3A_1850 = arith.constant 32 : i32
      %add3A_1851 = vector.broadcast %add3A_1850 : i32 to vector<16xi32>
      %add3A_1852 = arith.addi %and3A_1849, %add3A_1851 : vector<16xi32>
      %gather3A_1853 = tpu.vector_load_idx %arg8[%add3A_1852] : memref<128xf32, #tpu.memory_space<vmem>>[vector<16xi32>], vector<16xf32>,
      %mul3A_1854 = arith.constant 80 : i32
      %mul3A_1855 = arith.muli %scan3A_1696, %mul3A_1854 : i32
      %add3A_1856 = arith.constant 4 : i32
      %add3A_1857 = arith.addi %mul3A_1855, %add3A_1856 : i32
      %add3A_1858 = arith.constant 40960 : i32
      %add3A_1859 = arith.addi %add3A_1858, %add3A_1857 : i32
      %add3A_1860 = vector.broadcast %add3A_1859 : i32 to vector<16xi32>
      %add3A_1861 = arith.addi %mul3A_4, %add3A_1860 : vector<16xi32>
      tpu.vector_store_idx %arg7[%add3A_1861], %gather3A_1853 : memref<81920xf32, #tpu.memory_space<vmem>>[vector<16xi32>], vector<16xf32>,
      %scan3A_1862 = arith.constant 3 : i32
      %scan3A_1863 = arith.addi %scan3A_1363, %scan3A_1862 : i32
      %mul3A_1864 = arith.constant 16 : i32
      %mul3A_1865 = arith.muli %scan3A_1863, %mul3A_1864 : i32
      %add3A_1866 = arith.constant 8192 : i32
      %add3A_1867 = arith.addi %add3A_1866, %mul3A_1865 : i32
      %get3A_1868 = arith.index_cast %add3A_1867 : i32 to index
      %get3A_1869 = tpu.vector_load %arg6[%get3A_1868] {strides = array<i32>} : memref<32768xi32, #tpu.memory_space<vmem>>, vector<16xi32>,
      %shift_right_arithmetic3A_1870 = arith.constant 0 : i32
      %shift_right_arithmetic3A_1871 = vector.broadcast %shift_right_arithmetic3A_1870 : i32 to vector<16xi32>
      %shift_right_arithmetic3A_1872 = arith.shrsi %get3A_1869, %shift_right_arithmetic3A_1871 : vector<16xi32>
      %and3A_1873 = arith.constant 31 : i32
      %and3A_1874 = vector.broadcast %and3A_1873 : i32 to vector<16xi32>
      %and3A_1875 = arith.andi %shift_right_arithmetic3A_1872, %and3A_1874 : vector<16xi32>
      %shift_right_arithmetic3A_1876 = arith.shrsi %gather3A_646, %and3A_1875 : vector<16xi32>
      %and3A_1877 = arith.constant 31 : i32
      %and3A_1878 = vector.broadcast %and3A_1877 : i32 to vector<16xi32>
      %and3A_1879 = arith.andi %shift_right_arithmetic3A_1876, %and3A_1878 : vector<16xi32>
      %shift_left3A_1880 = arith.constant 0 : i32
      %shift_left3A_1881 = vector.broadcast %shift_left3A_1880 : i32 to vector<16xi32>
      %shift_left3A_1882 = arith.shli %and3A_1879, %shift_left3A_1881 : vector<16xi32>
      %shift_right_arithmetic3A_1883 = arith.constant 5 : i32
      %shift_right_arithmetic3A_1884 = vector.broadcast %shift_right_arithmetic3A_1883 : i32 to vector<16xi32>
      %shift_right_arithmetic3A_1885 = arith.shrsi %get3A_1869, %shift_right_arithmetic3A_1884 : vector<16xi32>
      %and3A_1886 = arith.constant 31 : i32
      %and3A_1887 = vector.broadcast %and3A_1886 : i32 to vector<16xi32>
      %and3A_1888 = arith.andi %shift_right_arithmetic3A_1885, %and3A_1887 : vector<16xi32>
      %shift_right_arithmetic3A_1889 = arith.shrsi %gather3A_646, %and3A_1888 : vector<16xi32>
      %and3A_1890 = arith.constant 31 : i32
      %and3A_1891 = vector.broadcast %and3A_1890 : i32 to vector<16xi32>
      %and3A_1892 = arith.andi %shift_right_arithmetic3A_1889, %and3A_1891 : vector<16xi32>
      %shift_left3A_1893 = arith.constant 5 : i32
      %shift_left3A_1894 = vector.broadcast %shift_left3A_1893 : i32 to vector<16xi32>
      %shift_left3A_1895 = arith.shli %and3A_1892, %shift_left3A_1894 : vector<16xi32>
      %or3A_1896 = arith.ori %shift_left3A_1882, %shift_left3A_1895 : vector<16xi32>
      %shift_right_arithmetic3A_1897 = arith.constant 10 : i32
      %shift_right_arithmetic3A_1898 = vector.broadcast %shift_right_arithmetic3A_1897 : i32 to vector<16xi32>
      %shift_right_arithmetic3A_1899 = arith.shrsi %get3A_1869, %shift_right_arithmetic3A_1898 : vector<16xi32>
      %and3A_1900 = arith.constant 31 : i32
      %and3A_1901 = vector.broadcast %and3A_1900 : i32 to vector<16xi32>
      %and3A_1902 = arith.andi %shift_right_arithmetic3A_1899, %and3A_1901 : vector<16xi32>
      %shift_right_arithmetic3A_1903 = arith.shrsi %gather3A_646, %and3A_1902 : vector<16xi32>
      %and3A_1904 = arith.constant 31 : i32
      %and3A_1905 = vector.broadcast %and3A_1904 : i32 to vector<16xi32>
      %and3A_1906 = arith.andi %shift_right_arithmetic3A_1903, %and3A_1905 : vector<16xi32>
      %shift_left3A_1907 = arith.constant 10 : i32
      %shift_left3A_1908 = vector.broadcast %shift_left3A_1907 : i32 to vector<16xi32>
      %shift_left3A_1909 = arith.shli %and3A_1906, %shift_left3A_1908 : vector<16xi32>
      %or3A_1910 = arith.ori %or3A_1896, %shift_left3A_1909 : vector<16xi32>
      %shift_right_arithmetic3A_1911 = arith.constant 15 : i32
      %shift_right_arithmetic3A_1912 = vector.broadcast %shift_right_arithmetic3A_1911 : i32 to vector<16xi32>
      %shift_right_arithmetic3A_1913 = arith.shrsi %get3A_1869, %shift_right_arithmetic3A_1912 : vector<16xi32>
      %and3A_1914 = arith.constant 31 : i32
      %and3A_1915 = vector.broadcast %and3A_1914 : i32 to vector<16xi32>
      %and3A_1916 = arith.andi %shift_right_arithmetic3A_1913, %and3A_1915 : vector<16xi32>
      %shift_right_arithmetic3A_1917 = arith.shrsi %gather3A_646, %and3A_1916 : vector<16xi32>
      %and3A_1918 = arith.constant 31 : i32
      %and3A_1919 = vector.broadcast %and3A_1918 : i32 to vector<16xi32>
      %and3A_1920 = arith.andi %shift_right_arithmetic3A_1917, %and3A_1919 : vector<16xi32>
      %shift_left3A_1921 = arith.constant 15 : i32
      %shift_left3A_1922 = vector.broadcast %shift_left3A_1921 : i32 to vector<16xi32>
      %shift_left3A_1923 = arith.shli %and3A_1920, %shift_left3A_1922 : vector<16xi32>
      %or3A_1924 = arith.ori %or3A_1910, %shift_left3A_1923 : vector<16xi32>
      %shift_right_arithmetic3A_1925 = arith.constant 20 : i32
      %shift_right_arithmetic3A_1926 = vector.broadcast %shift_right_arithmetic3A_1925 : i32 to vector<16xi32>
      %shift_right_arithmetic3A_1927 = arith.shrsi %get3A_1869, %shift_right_arithmetic3A_1926 : vector<16xi32>
      %and3A_1928 = arith.constant 31 : i32
      %and3A_1929 = vector.broadcast %and3A_1928 : i32 to vector<16xi32>
      %and3A_1930 = arith.andi %shift_right_arithmetic3A_1927, %and3A_1929 : vector<16xi32>
      %shift_right_arithmetic3A_1931 = arith.shrsi %gather3A_646, %and3A_1930 : vector<16xi32>
      %and3A_1932 = arith.constant 31 : i32
      %and3A_1933 = vector.broadcast %and3A_1932 : i32 to vector<16xi32>
      %and3A_1934 = arith.andi %shift_right_arithmetic3A_1931, %and3A_1933 : vector<16xi32>
      %shift_left3A_1935 = arith.constant 20 : i32
      %shift_left3A_1936 = vector.broadcast %shift_left3A_1935 : i32 to vector<16xi32>
      %shift_left3A_1937 = arith.shli %and3A_1934, %shift_left3A_1936 : vector<16xi32>
      %or3A_1938 = arith.ori %or3A_1924, %shift_left3A_1937 : vector<16xi32>
      %shift_right_arithmetic3A_1939 = arith.constant 0 : i32
      %shift_right_arithmetic3A_1940 = vector.broadcast %shift_right_arithmetic3A_1939 : i32 to vector<16xi32>
      %shift_right_arithmetic3A_1941 = arith.shrsi %or3A_1938, %shift_right_arithmetic3A_1940 : vector<16xi32>
      %and3A_1942 = arith.constant 31 : i32
      %and3A_1943 = vector.broadcast %and3A_1942 : i32 to vector<16xi32>
      %and3A_1944 = arith.andi %shift_right_arithmetic3A_1941, %and3A_1943 : vector<16xi32>
      %add3A_1945 = arith.constant 32 : i32
      %add3A_1946 = vector.broadcast %add3A_1945 : i32 to vector<16xi32>
      %add3A_1947 = arith.addi %and3A_1944, %add3A_1946 : vector<16xi32>
      %gather3A_1948 = tpu.vector_load_idx %arg8[%add3A_1947] : memref<128xf32, #tpu.memory_space<vmem>>[vector<16xi32>], vector<16xf32>,
      %mul3A_1949 = arith.constant 80 : i32
      %mul3A_1950 = arith.muli %scan3A_1863, %mul3A_1949 : i32
      %add3A_1951 = arith.constant 0 : i32
      %add3A_1952 = arith.addi %mul3A_1950, %add3A_1951 : i32
      %add3A_1953 = arith.constant 40960 : i32
      %add3A_1954 = arith.addi %add3A_1953, %add3A_1952 : i32
      %add3A_1955 = vector.broadcast %add3A_1954 : i32 to vector<16xi32>
      %add3A_1956 = arith.addi %mul3A_4, %add3A_1955 : vector<16xi32>
      tpu.vector_store_idx %arg7[%add3A_1956], %gather3A_1948 : memref<81920xf32, #tpu.memory_space<vmem>>[vector<16xi32>], vector<16xf32>,
      %shift_right_arithmetic3A_1957 = arith.constant 5 : i32
      %shift_right_arithmetic3A_1958 = vector.broadcast %shift_right_arithmetic3A_1957 : i32 to vector<16xi32>
      %shift_right_arithmetic3A_1959 = arith.shrsi %or3A_1938, %shift_right_arithmetic3A_1958 : vector<16xi32>
      %and3A_1960 = arith.constant 31 : i32
      %and3A_1961 = vector.broadcast %and3A_1960 : i32 to vector<16xi32>
      %and3A_1962 = arith.andi %shift_right_arithmetic3A_1959, %and3A_1961 : vector<16xi32>
      %add3A_1963 = arith.constant 32 : i32
      %add3A_1964 = vector.broadcast %add3A_1963 : i32 to vector<16xi32>
      %add3A_1965 = arith.addi %and3A_1962, %add3A_1964 : vector<16xi32>
      %gather3A_1966 = tpu.vector_load_idx %arg8[%add3A_1965] : memref<128xf32, #tpu.memory_space<vmem>>[vector<16xi32>], vector<16xf32>,
      %mul3A_1967 = arith.constant 80 : i32
      %mul3A_1968 = arith.muli %scan3A_1863, %mul3A_1967 : i32
      %add3A_1969 = arith.constant 1 : i32
      %add3A_1970 = arith.addi %mul3A_1968, %add3A_1969 : i32
      %add3A_1971 = arith.constant 40960 : i32
      %add3A_1972 = arith.addi %add3A_1971, %add3A_1970 : i32
      %add3A_1973 = vector.broadcast %add3A_1972 : i32 to vector<16xi32>
      %add3A_1974 = arith.addi %mul3A_4, %add3A_1973 : vector<16xi32>
      tpu.vector_store_idx %arg7[%add3A_1974], %gather3A_1966 : memref<81920xf32, #tpu.memory_space<vmem>>[vector<16xi32>], vector<16xf32>,
      %shift_right_arithmetic3A_1975 = arith.constant 10 : i32
      %shift_right_arithmetic3A_1976 = vector.broadcast %shift_right_arithmetic3A_1975 : i32 to vector<16xi32>
      %shift_right_arithmetic3A_1977 = arith.shrsi %or3A_1938, %shift_right_arithmetic3A_1976 : vector<16xi32>
      %and3A_1978 = arith.constant 31 : i32
      %and3A_1979 = vector.broadcast %and3A_1978 : i32 to vector<16xi32>
      %and3A_1980 = arith.andi %shift_right_arithmetic3A_1977, %and3A_1979 : vector<16xi32>
      %add3A_1981 = arith.constant 32 : i32
      %add3A_1982 = vector.broadcast %add3A_1981 : i32 to vector<16xi32>
      %add3A_1983 = arith.addi %and3A_1980, %add3A_1982 : vector<16xi32>
      %gather3A_1984 = tpu.vector_load_idx %arg8[%add3A_1983] : memref<128xf32, #tpu.memory_space<vmem>>[vector<16xi32>], vector<16xf32>,
      %mul3A_1985 = arith.constant 80 : i32
      %mul3A_1986 = arith.muli %scan3A_1863, %mul3A_1985 : i32
      %add3A_1987 = arith.constant 2 : i32
      %add3A_1988 = arith.addi %mul3A_1986, %add3A_1987 : i32
      %add3A_1989 = arith.constant 40960 : i32
      %add3A_1990 = arith.addi %add3A_1989, %add3A_1988 : i32
      %add3A_1991 = vector.broadcast %add3A_1990 : i32 to vector<16xi32>
      %add3A_1992 = arith.addi %mul3A_4, %add3A_1991 : vector<16xi32>
      tpu.vector_store_idx %arg7[%add3A_1992], %gather3A_1984 : memref<81920xf32, #tpu.memory_space<vmem>>[vector<16xi32>], vector<16xf32>,
      %shift_right_arithmetic3A_1993 = arith.constant 15 : i32
      %shift_right_arithmetic3A_1994 = vector.broadcast %shift_right_arithmetic3A_1993 : i32 to vector<16xi32>
      %shift_right_arithmetic3A_1995 = arith.shrsi %or3A_1938, %shift_right_arithmetic3A_1994 : vector<16xi32>
      %and3A_1996 = arith.constant 31 : i32
      %and3A_1997 = vector.broadcast %and3A_1996 : i32 to vector<16xi32>
      %and3A_1998 = arith.andi %shift_right_arithmetic3A_1995, %and3A_1997 : vector<16xi32>
      %add3A_1999 = arith.constant 32 : i32
      %add3A_2000 = vector.broadcast %add3A_1999 : i32 to vector<16xi32>
      %add3A_2001 = arith.addi %and3A_1998, %add3A_2000 : vector<16xi32>
      %gather3A_2002 = tpu.vector_load_idx %arg8[%add3A_2001] : memref<128xf32, #tpu.memory_space<vmem>>[vector<16xi32>], vector<16xf32>,
      %mul3A_2003 = arith.constant 80 : i32
      %mul3A_2004 = arith.muli %scan3A_1863, %mul3A_2003 : i32
      %add3A_2005 = arith.constant 3 : i32
      %add3A_2006 = arith.addi %mul3A_2004, %add3A_2005 : i32
      %add3A_2007 = arith.constant 40960 : i32
      %add3A_2008 = arith.addi %add3A_2007, %add3A_2006 : i32
      %add3A_2009 = vector.broadcast %add3A_2008 : i32 to vector<16xi32>
      %add3A_2010 = arith.addi %mul3A_4, %add3A_2009 : vector<16xi32>
      tpu.vector_store_idx %arg7[%add3A_2010], %gather3A_2002 : memref<81920xf32, #tpu.memory_space<vmem>>[vector<16xi32>], vector<16xf32>,
      %shift_right_arithmetic3A_2011 = arith.constant 20 : i32
      %shift_right_arithmetic3A_2012 = vector.broadcast %shift_right_arithmetic3A_2011 : i32 to vector<16xi32>
      %shift_right_arithmetic3A_2013 = arith.shrsi %or3A_1938, %shift_right_arithmetic3A_2012 : vector<16xi32>
      %and3A_2014 = arith.constant 31 : i32
      %and3A_2015 = vector.broadcast %and3A_2014 : i32 to vector<16xi32>
      %and3A_2016 = arith.andi %shift_right_arithmetic3A_2013, %and3A_2015 : vector<16xi32>
      %add3A_2017 = arith.constant 32 : i32
      %add3A_2018 = vector.broadcast %add3A_2017 : i32 to vector<16xi32>
      %add3A_2019 = arith.addi %and3A_2016, %add3A_2018 : vector<16xi32>
      %gather3A_2020 = tpu.vector_load_idx %arg8[%add3A_2019] : memref<128xf32, #tpu.memory_space<vmem>>[vector<16xi32>], vector<16xf32>,
      %mul3A_2021 = arith.constant 80 : i32
      %mul3A_2022 = arith.muli %scan3A_1863, %mul3A_2021 : i32
      %add3A_2023 = arith.constant 4 : i32
      %add3A_2024 = arith.addi %mul3A_2022, %add3A_2023 : i32
      %add3A_2025 = arith.constant 40960 : i32
      %add3A_2026 = arith.addi %add3A_2025, %add3A_2024 : i32
      %add3A_2027 = vector.broadcast %add3A_2026 : i32 to vector<16xi32>
      %add3A_2028 = arith.addi %mul3A_4, %add3A_2027 : vector<16xi32>
      tpu.vector_store_idx %arg7[%add3A_2028], %gather3A_2020 : memref<81920xf32, #tpu.memory_space<vmem>>[vector<16xi32>], vector<16xf32>,
    }
    %scan3A_652 = arith.constant 512 : i32
    %add3A_653 = arith.constant 1 : i32
    %add3A_654 = arith.addi %mul3A_7, %add3A_653 : i32
    %dma_start3A_655 = arith.constant 40960 : i32
    %dma_start3A_656 = tpu.memref_slice %arg7[%dma_start3A_655] : memref<81920xf32, #tpu.memory_space<vmem>> -> memref<40960xf32, #tpu.memory_space<vmem>>
    %dma_start3A_657 = arith.constant 0 : i32
    %dma_start3A_658 = tpu.memref_slice %arg5[%add3A_654, %dma_start3A_657] : memref<128x40960xf32, #tpu.memory_space<hbm>> -> memref<1x40960xf32, #tpu.memory_space<hbm>>
    %dma_start3A_659 = tpu.memref_squeeze %dma_start3A_658 : memref<1x40960xf32, #tpu.memory_space<hbm>> -> memref<40960xf32, #tpu.memory_space<hbm>>
    %dma_start3A_660 = arith.constant 0 : i32
    %dma_start3A_661 = tpu.memref_slice %arg5[%add3A_654, %dma_start3A_660] : memref<128x40960xf32, #tpu.memory_space<hbm>> -> memref<1x40960xf32, #tpu.memory_space<hbm>>
    %dma_start3A_662 = tpu.memref_squeeze %dma_start3A_661 : memref<1x40960xf32, #tpu.memory_space<hbm>> -> memref<40960xf32, #tpu.memory_space<hbm>>
    %dma_start3A_663 = arith.constant 40960 : i32
    %dma_start3A_664 = tpu.memref_slice %arg7[%dma_start3A_663] : memref<81920xf32, #tpu.memory_space<vmem>> -> memref<40960xf32, #tpu.memory_space<vmem>>
    tpu.enqueue_dma source(%dma_start3A_664 : memref<40960xf32, #tpu.memory_space<vmem>>) target(%dma_start3A_662 : memref<40960xf32, #tpu.memory_space<hbm>>) target_semaphore(%arg12 : memref<!tpu.dma_semaphore, #tpu.memory_space<semaphore_mem>>)
    %swap3A_665 = arith.constant 16 : index
    %swap3A_666 = tpu.vector_load %arg10[%swap3A_665] {strides = array<i32>} : memref<32xi32, #tpu.memory_space<vmem>>, vector<16xi32>,
    tpu.vector_store %arg10[%swap3A_665], %scan3A_21#2 {strides = array<i32>} : memref<32xi32, #tpu.memory_space<vmem>>, vector<16xi32>,
    %add3A_667 = arith.constant 15 : i32
    %add3A_668 = vector.broadcast %add3A_667 : i32 to vector<16xi32>
    %add3A_669 = arith.addi %iota3A, %add3A_668 : vector<16xi32>
    %gather3A_670 = tpu.vector_load_idx %arg10[%add3A_669] : memref<32xi32, #tpu.memory_space<vmem>>[vector<16xi32>], vector<16xi32>,
    %shift_right_arithmetic3A_671 = arith.constant 0 : i32
    %shift_right_arithmetic3A_672 = vector.broadcast %shift_right_arithmetic3A_671 : i32 to vector<16xi32>
    %shift_right_arithmetic3A_673 = arith.shrsi %scan3A_21#2, %shift_right_arithmetic3A_672 : vector<16xi32>
    %and3A_674 = arith.constant 31 : i32
    %and3A_675 = vector.broadcast %and3A_674 : i32 to vector<16xi32>
    %and3A_676 = arith.andi %shift_right_arithmetic3A_673, %and3A_675 : vector<16xi32>
    %shift_right_arithmetic3A_677 = arith.shrsi %gather3A_670, %and3A_676 : vector<16xi32>
    %and3A_678 = arith.constant 31 : i32
    %and3A_679 = vector.broadcast %and3A_678 : i32 to vector<16xi32>
    %and3A_680 = arith.andi %shift_right_arithmetic3A_677, %and3A_679 : vector<16xi32>
    %shift_left3A_681 = arith.constant 0 : i32
    %shift_left3A_682 = vector.broadcast %shift_left3A_681 : i32 to vector<16xi32>
    %shift_left3A_683 = arith.shli %and3A_680, %shift_left3A_682 : vector<16xi32>
    %shift_right_arithmetic3A_684 = arith.constant 5 : i32
    %shift_right_arithmetic3A_685 = vector.broadcast %shift_right_arithmetic3A_684 : i32 to vector<16xi32>
    %shift_right_arithmetic3A_686 = arith.shrsi %scan3A_21#2, %shift_right_arithmetic3A_685 : vector<16xi32>
    %and3A_687 = arith.constant 31 : i32
    %and3A_688 = vector.broadcast %and3A_687 : i32 to vector<16xi32>
    %and3A_689 = arith.andi %shift_right_arithmetic3A_686, %and3A_688 : vector<16xi32>
    %shift_right_arithmetic3A_690 = arith.shrsi %gather3A_670, %and3A_689 : vector<16xi32>
    %and3A_691 = arith.constant 31 : i32
    %and3A_692 = vector.broadcast %and3A_691 : i32 to vector<16xi32>
    %and3A_693 = arith.andi %shift_right_arithmetic3A_690, %and3A_692 : vector<16xi32>
    %shift_left3A_694 = arith.constant 5 : i32
    %shift_left3A_695 = vector.broadcast %shift_left3A_694 : i32 to vector<16xi32>
    %shift_left3A_696 = arith.shli %and3A_693, %shift_left3A_695 : vector<16xi32>
    %or3A_697 = arith.ori %shift_left3A_683, %shift_left3A_696 : vector<16xi32>
    %shift_right_arithmetic3A_698 = arith.constant 10 : i32
    %shift_right_arithmetic3A_699 = vector.broadcast %shift_right_arithmetic3A_698 : i32 to vector<16xi32>
    %shift_right_arithmetic3A_700 = arith.shrsi %scan3A_21#2, %shift_right_arithmetic3A_699 : vector<16xi32>
    %and3A_701 = arith.constant 31 : i32
    %and3A_702 = vector.broadcast %and3A_701 : i32 to vector<16xi32>
    %and3A_703 = arith.andi %shift_right_arithmetic3A_700, %and3A_702 : vector<16xi32>
    %shift_right_arithmetic3A_704 = arith.shrsi %gather3A_670, %and3A_703 : vector<16xi32>
    %and3A_705 = arith.constant 31 : i32
    %and3A_706 = vector.broadcast %and3A_705 : i32 to vector<16xi32>
    %and3A_707 = arith.andi %shift_right_arithmetic3A_704, %and3A_706 : vector<16xi32>
    %shift_left3A_708 = arith.constant 10 : i32
    %shift_left3A_709 = vector.broadcast %shift_left3A_708 : i32 to vector<16xi32>
    %shift_left3A_710 = arith.shli %and3A_707, %shift_left3A_709 : vector<16xi32>
    %or3A_711 = arith.ori %or3A_697, %shift_left3A_710 : vector<16xi32>
    %shift_right_arithmetic3A_712 = arith.constant 15 : i32
    %shift_right_arithmetic3A_713 = vector.broadcast %shift_right_arithmetic3A_712 : i32 to vector<16xi32>
    %shift_right_arithmetic3A_714 = arith.shrsi %scan3A_21#2, %shift_right_arithmetic3A_713 : vector<16xi32>
    %and3A_715 = arith.constant 31 : i32
    %and3A_716 = vector.broadcast %and3A_715 : i32 to vector<16xi32>
    %and3A_717 = arith.andi %shift_right_arithmetic3A_714, %and3A_716 : vector<16xi32>
    %shift_right_arithmetic3A_718 = arith.shrsi %gather3A_670, %and3A_717 : vector<16xi32>
    %and3A_719 = arith.constant 31 : i32
    %and3A_720 = vector.broadcast %and3A_719 : i32 to vector<16xi32>
    %and3A_721 = arith.andi %shift_right_arithmetic3A_718, %and3A_720 : vector<16xi32>
    %shift_left3A_722 = arith.constant 15 : i32
    %shift_left3A_723 = vector.broadcast %shift_left3A_722 : i32 to vector<16xi32>
    %shift_left3A_724 = arith.shli %and3A_721, %shift_left3A_723 : vector<16xi32>
    %or3A_725 = arith.ori %or3A_711, %shift_left3A_724 : vector<16xi32>
    %shift_right_arithmetic3A_726 = arith.constant 20 : i32
    %shift_right_arithmetic3A_727 = vector.broadcast %shift_right_arithmetic3A_726 : i32 to vector<16xi32>
    %shift_right_arithmetic3A_728 = arith.shrsi %scan3A_21#2, %shift_right_arithmetic3A_727 : vector<16xi32>
    %and3A_729 = arith.constant 31 : i32
    %and3A_730 = vector.broadcast %and3A_729 : i32 to vector<16xi32>
    %and3A_731 = arith.andi %shift_right_arithmetic3A_728, %and3A_730 : vector<16xi32>
    %shift_right_arithmetic3A_732 = arith.shrsi %gather3A_670, %and3A_731 : vector<16xi32>
    %and3A_733 = arith.constant 31 : i32
    %and3A_734 = vector.broadcast %and3A_733 : i32 to vector<16xi32>
    %and3A_735 = arith.andi %shift_right_arithmetic3A_732, %and3A_734 : vector<16xi32>
    %shift_left3A_736 = arith.constant 20 : i32
    %shift_left3A_737 = vector.broadcast %shift_left3A_736 : i32 to vector<16xi32>
    %shift_left3A_738 = arith.shli %and3A_735, %shift_left3A_737 : vector<16xi32>
    %or3A_739 = arith.ori %or3A_725, %shift_left3A_738 : vector<16xi32>
    %swap3A_740 = arith.constant 16 : index
    %swap3A_741 = tpu.vector_load %arg10[%swap3A_740] {strides = array<i32>} : memref<32xi32, #tpu.memory_space<vmem>>, vector<16xi32>,
    tpu.vector_store %arg10[%swap3A_740], %or3A_739 {strides = array<i32>} : memref<32xi32, #tpu.memory_space<vmem>>, vector<16xi32>,
    %add3A_742 = arith.constant 14 : i32
    %add3A_743 = vector.broadcast %add3A_742 : i32 to vector<16xi32>
    %add3A_744 = arith.addi %iota3A, %add3A_743 : vector<16xi32>
    %gather3A_745 = tpu.vector_load_idx %arg10[%add3A_744] : memref<32xi32, #tpu.memory_space<vmem>>[vector<16xi32>], vector<16xi32>,
    %shift_right_arithmetic3A_746 = arith.constant 0 : i32
    %shift_right_arithmetic3A_747 = vector.broadcast %shift_right_arithmetic3A_746 : i32 to vector<16xi32>
    %shift_right_arithmetic3A_748 = arith.shrsi %or3A_739, %shift_right_arithmetic3A_747 : vector<16xi32>
    %and3A_749 = arith.constant 31 : i32
    %and3A_750 = vector.broadcast %and3A_749 : i32 to vector<16xi32>
    %and3A_751 = arith.andi %shift_right_arithmetic3A_748, %and3A_750 : vector<16xi32>
    %shift_right_arithmetic3A_752 = arith.shrsi %gather3A_745, %and3A_751 : vector<16xi32>
    %and3A_753 = arith.constant 31 : i32
    %and3A_754 = vector.broadcast %and3A_753 : i32 to vector<16xi32>
    %and3A_755 = arith.andi %shift_right_arithmetic3A_752, %and3A_754 : vector<16xi32>
    %shift_left3A_756 = arith.constant 0 : i32
    %shift_left3A_757 = vector.broadcast %shift_left3A_756 : i32 to vector<16xi32>
    %shift_left3A_758 = arith.shli %and3A_755, %shift_left3A_757 : vector<16xi32>
    %shift_right_arithmetic3A_759 = arith.constant 5 : i32
    %shift_right_arithmetic3A_760 = vector.broadcast %shift_right_arithmetic3A_759 : i32 to vector<16xi32>
    %shift_right_arithmetic3A_761 = arith.shrsi %or3A_739, %shift_right_arithmetic3A_760 : vector<16xi32>
    %and3A_762 = arith.constant 31 : i32
    %and3A_763 = vector.broadcast %and3A_762 : i32 to vector<16xi32>
    %and3A_764 = arith.andi %shift_right_arithmetic3A_761, %and3A_763 : vector<16xi32>
    %shift_right_arithmetic3A_765 = arith.shrsi %gather3A_745, %and3A_764 : vector<16xi32>
    %and3A_766 = arith.constant 31 : i32
    %and3A_767 = vector.broadcast %and3A_766 : i32 to vector<16xi32>
    %and3A_768 = arith.andi %shift_right_arithmetic3A_765, %and3A_767 : vector<16xi32>
    %shift_left3A_769 = arith.constant 5 : i32
    %shift_left3A_770 = vector.broadcast %shift_left3A_769 : i32 to vector<16xi32>
    %shift_left3A_771 = arith.shli %and3A_768, %shift_left3A_770 : vector<16xi32>
    %or3A_772 = arith.ori %shift_left3A_758, %shift_left3A_771 : vector<16xi32>
    %shift_right_arithmetic3A_773 = arith.constant 10 : i32
    %shift_right_arithmetic3A_774 = vector.broadcast %shift_right_arithmetic3A_773 : i32 to vector<16xi32>
    %shift_right_arithmetic3A_775 = arith.shrsi %or3A_739, %shift_right_arithmetic3A_774 : vector<16xi32>
    %and3A_776 = arith.constant 31 : i32
    %and3A_777 = vector.broadcast %and3A_776 : i32 to vector<16xi32>
    %and3A_778 = arith.andi %shift_right_arithmetic3A_775, %and3A_777 : vector<16xi32>
    %shift_right_arithmetic3A_779 = arith.shrsi %gather3A_745, %and3A_778 : vector<16xi32>
    %and3A_780 = arith.constant 31 : i32
    %and3A_781 = vector.broadcast %and3A_780 : i32 to vector<16xi32>
    %and3A_782 = arith.andi %shift_right_arithmetic3A_779, %and3A_781 : vector<16xi32>
    %shift_left3A_783 = arith.constant 10 : i32
    %shift_left3A_784 = vector.broadcast %shift_left3A_783 : i32 to vector<16xi32>
    %shift_left3A_785 = arith.shli %and3A_782, %shift_left3A_784 : vector<16xi32>
    %or3A_786 = arith.ori %or3A_772, %shift_left3A_785 : vector<16xi32>
    %shift_right_arithmetic3A_787 = arith.constant 15 : i32
    %shift_right_arithmetic3A_788 = vector.broadcast %shift_right_arithmetic3A_787 : i32 to vector<16xi32>
    %shift_right_arithmetic3A_789 = arith.shrsi %or3A_739, %shift_right_arithmetic3A_788 : vector<16xi32>
    %and3A_790 = arith.constant 31 : i32
    %and3A_791 = vector.broadcast %and3A_790 : i32 to vector<16xi32>
    %and3A_792 = arith.andi %shift_right_arithmetic3A_789, %and3A_791 : vector<16xi32>
    %shift_right_arithmetic3A_793 = arith.shrsi %gather3A_745, %and3A_792 : vector<16xi32>
    %and3A_794 = arith.constant 31 : i32
    %and3A_795 = vector.broadcast %and3A_794 : i32 to vector<16xi32>
    %and3A_796 = arith.andi %shift_right_arithmetic3A_793, %and3A_795 : vector<16xi32>
    %shift_left3A_797 = arith.constant 15 : i32
    %shift_left3A_798 = vector.broadcast %shift_left3A_797 : i32 to vector<16xi32>
    %shift_left3A_799 = arith.shli %and3A_796, %shift_left3A_798 : vector<16xi32>
    %or3A_800 = arith.ori %or3A_786, %shift_left3A_799 : vector<16xi32>
    %shift_right_arithmetic3A_801 = arith.constant 20 : i32
    %shift_right_arithmetic3A_802 = vector.broadcast %shift_right_arithmetic3A_801 : i32 to vector<16xi32>
    %shift_right_arithmetic3A_803 = arith.shrsi %or3A_739, %shift_right_arithmetic3A_802 : vector<16xi32>
    %and3A_804 = arith.constant 31 : i32
    %and3A_805 = vector.broadcast %and3A_804 : i32 to vector<16xi32>
    %and3A_806 = arith.andi %shift_right_arithmetic3A_803, %and3A_805 : vector<16xi32>
    %shift_right_arithmetic3A_807 = arith.shrsi %gather3A_745, %and3A_806 : vector<16xi32>
    %and3A_808 = arith.constant 31 : i32
    %and3A_809 = vector.broadcast %and3A_808 : i32 to vector<16xi32>
    %and3A_810 = arith.andi %shift_right_arithmetic3A_807, %and3A_809 : vector<16xi32>
    %shift_left3A_811 = arith.constant 20 : i32
    %shift_left3A_812 = vector.broadcast %shift_left3A_811 : i32 to vector<16xi32>
    %shift_left3A_813 = arith.shli %and3A_810, %shift_left3A_812 : vector<16xi32>
    %or3A_814 = arith.ori %or3A_800, %shift_left3A_813 : vector<16xi32>
    %swap3A_815 = arith.constant 16 : index
    %swap3A_816 = tpu.vector_load %arg10[%swap3A_815] {strides = array<i32>} : memref<32xi32, #tpu.memory_space<vmem>>, vector<16xi32>,
    tpu.vector_store %arg10[%swap3A_815], %or3A_814 {strides = array<i32>} : memref<32xi32, #tpu.memory_space<vmem>>, vector<16xi32>,
    %add3A_817 = arith.constant 12 : i32
    %add3A_818 = vector.broadcast %add3A_817 : i32 to vector<16xi32>
    %add3A_819 = arith.addi %iota3A, %add3A_818 : vector<16xi32>
    %gather3A_820 = tpu.vector_load_idx %arg10[%add3A_819] : memref<32xi32, #tpu.memory_space<vmem>>[vector<16xi32>], vector<16xi32>,
    %shift_right_arithmetic3A_821 = arith.constant 0 : i32
    %shift_right_arithmetic3A_822 = vector.broadcast %shift_right_arithmetic3A_821 : i32 to vector<16xi32>
    %shift_right_arithmetic3A_823 = arith.shrsi %or3A_814, %shift_right_arithmetic3A_822 : vector<16xi32>
    %and3A_824 = arith.constant 31 : i32
    %and3A_825 = vector.broadcast %and3A_824 : i32 to vector<16xi32>
    %and3A_826 = arith.andi %shift_right_arithmetic3A_823, %and3A_825 : vector<16xi32>
    %shift_right_arithmetic3A_827 = arith.shrsi %gather3A_820, %and3A_826 : vector<16xi32>
    %and3A_828 = arith.constant 31 : i32
    %and3A_829 = vector.broadcast %and3A_828 : i32 to vector<16xi32>
    %and3A_830 = arith.andi %shift_right_arithmetic3A_827, %and3A_829 : vector<16xi32>
    %shift_left3A_831 = arith.constant 0 : i32
    %shift_left3A_832 = vector.broadcast %shift_left3A_831 : i32 to vector<16xi32>
    %shift_left3A_833 = arith.shli %and3A_830, %shift_left3A_832 : vector<16xi32>
    %shift_right_arithmetic3A_834 = arith.constant 5 : i32
    %shift_right_arithmetic3A_835 = vector.broadcast %shift_right_arithmetic3A_834 : i32 to vector<16xi32>
    %shift_right_arithmetic3A_836 = arith.shrsi %or3A_814, %shift_right_arithmetic3A_835 : vector<16xi32>
    %and3A_837 = arith.constant 31 : i32
    %and3A_838 = vector.broadcast %and3A_837 : i32 to vector<16xi32>
    %and3A_839 = arith.andi %shift_right_arithmetic3A_836, %and3A_838 : vector<16xi32>
    %shift_right_arithmetic3A_840 = arith.shrsi %gather3A_820, %and3A_839 : vector<16xi32>
    %and3A_841 = arith.constant 31 : i32
    %and3A_842 = vector.broadcast %and3A_841 : i32 to vector<16xi32>
    %and3A_843 = arith.andi %shift_right_arithmetic3A_840, %and3A_842 : vector<16xi32>
    %shift_left3A_844 = arith.constant 5 : i32
    %shift_left3A_845 = vector.broadcast %shift_left3A_844 : i32 to vector<16xi32>
    %shift_left3A_846 = arith.shli %and3A_843, %shift_left3A_845 : vector<16xi32>
    %or3A_847 = arith.ori %shift_left3A_833, %shift_left3A_846 : vector<16xi32>
    %shift_right_arithmetic3A_848 = arith.constant 10 : i32
    %shift_right_arithmetic3A_849 = vector.broadcast %shift_right_arithmetic3A_848 : i32 to vector<16xi32>
    %shift_right_arithmetic3A_850 = arith.shrsi %or3A_814, %shift_right_arithmetic3A_849 : vector<16xi32>
    %and3A_851 = arith.constant 31 : i32
    %and3A_852 = vector.broadcast %and3A_851 : i32 to vector<16xi32>
    %and3A_853 = arith.andi %shift_right_arithmetic3A_850, %and3A_852 : vector<16xi32>
    %shift_right_arithmetic3A_854 = arith.shrsi %gather3A_820, %and3A_853 : vector<16xi32>
    %and3A_855 = arith.constant 31 : i32
    %and3A_856 = vector.broadcast %and3A_855 : i32 to vector<16xi32>
    %and3A_857 = arith.andi %shift_right_arithmetic3A_854, %and3A_856 : vector<16xi32>
    %shift_left3A_858 = arith.constant 10 : i32
    %shift_left3A_859 = vector.broadcast %shift_left3A_858 : i32 to vector<16xi32>
    %shift_left3A_860 = arith.shli %and3A_857, %shift_left3A_859 : vector<16xi32>
    %or3A_861 = arith.ori %or3A_847, %shift_left3A_860 : vector<16xi32>
    %shift_right_arithmetic3A_862 = arith.constant 15 : i32
    %shift_right_arithmetic3A_863 = vector.broadcast %shift_right_arithmetic3A_862 : i32 to vector<16xi32>
    %shift_right_arithmetic3A_864 = arith.shrsi %or3A_814, %shift_right_arithmetic3A_863 : vector<16xi32>
    %and3A_865 = arith.constant 31 : i32
    %and3A_866 = vector.broadcast %and3A_865 : i32 to vector<16xi32>
    %and3A_867 = arith.andi %shift_right_arithmetic3A_864, %and3A_866 : vector<16xi32>
    %shift_right_arithmetic3A_868 = arith.shrsi %gather3A_820, %and3A_867 : vector<16xi32>
    %and3A_869 = arith.constant 31 : i32
    %and3A_870 = vector.broadcast %and3A_869 : i32 to vector<16xi32>
    %and3A_871 = arith.andi %shift_right_arithmetic3A_868, %and3A_870 : vector<16xi32>
    %shift_left3A_872 = arith.constant 15 : i32
    %shift_left3A_873 = vector.broadcast %shift_left3A_872 : i32 to vector<16xi32>
    %shift_left3A_874 = arith.shli %and3A_871, %shift_left3A_873 : vector<16xi32>
    %or3A_875 = arith.ori %or3A_861, %shift_left3A_874 : vector<16xi32>
    %shift_right_arithmetic3A_876 = arith.constant 20 : i32
    %shift_right_arithmetic3A_877 = vector.broadcast %shift_right_arithmetic3A_876 : i32 to vector<16xi32>
    %shift_right_arithmetic3A_878 = arith.shrsi %or3A_814, %shift_right_arithmetic3A_877 : vector<16xi32>
    %and3A_879 = arith.constant 31 : i32
    %and3A_880 = vector.broadcast %and3A_879 : i32 to vector<16xi32>
    %and3A_881 = arith.andi %shift_right_arithmetic3A_878, %and3A_880 : vector<16xi32>
    %shift_right_arithmetic3A_882 = arith.shrsi %gather3A_820, %and3A_881 : vector<16xi32>
    %and3A_883 = arith.constant 31 : i32
    %and3A_884 = vector.broadcast %and3A_883 : i32 to vector<16xi32>
    %and3A_885 = arith.andi %shift_right_arithmetic3A_882, %and3A_884 : vector<16xi32>
    %shift_left3A_886 = arith.constant 20 : i32
    %shift_left3A_887 = vector.broadcast %shift_left3A_886 : i32 to vector<16xi32>
    %shift_left3A_888 = arith.shli %and3A_885, %shift_left3A_887 : vector<16xi32>
    %or3A_889 = arith.ori %or3A_875, %shift_left3A_888 : vector<16xi32>
    %swap3A_890 = arith.constant 16 : index
    %swap3A_891 = tpu.vector_load %arg10[%swap3A_890] {strides = array<i32>} : memref<32xi32, #tpu.memory_space<vmem>>, vector<16xi32>,
    tpu.vector_store %arg10[%swap3A_890], %or3A_889 {strides = array<i32>} : memref<32xi32, #tpu.memory_space<vmem>>, vector<16xi32>,
    %add3A_892 = arith.constant 8 : i32
    %add3A_893 = vector.broadcast %add3A_892 : i32 to vector<16xi32>
    %add3A_894 = arith.addi %iota3A, %add3A_893 : vector<16xi32>
    %gather3A_895 = tpu.vector_load_idx %arg10[%add3A_894] : memref<32xi32, #tpu.memory_space<vmem>>[vector<16xi32>], vector<16xi32>,
    %shift_right_arithmetic3A_896 = arith.constant 0 : i32
    %shift_right_arithmetic3A_897 = vector.broadcast %shift_right_arithmetic3A_896 : i32 to vector<16xi32>
    %shift_right_arithmetic3A_898 = arith.shrsi %or3A_889, %shift_right_arithmetic3A_897 : vector<16xi32>
    %and3A_899 = arith.constant 31 : i32
    %and3A_900 = vector.broadcast %and3A_899 : i32 to vector<16xi32>
    %and3A_901 = arith.andi %shift_right_arithmetic3A_898, %and3A_900 : vector<16xi32>
    %shift_right_arithmetic3A_902 = arith.shrsi %gather3A_895, %and3A_901 : vector<16xi32>
    %and3A_903 = arith.constant 31 : i32
    %and3A_904 = vector.broadcast %and3A_903 : i32 to vector<16xi32>
    %and3A_905 = arith.andi %shift_right_arithmetic3A_902, %and3A_904 : vector<16xi32>
    %shift_left3A_906 = arith.constant 0 : i32
    %shift_left3A_907 = vector.broadcast %shift_left3A_906 : i32 to vector<16xi32>
    %shift_left3A_908 = arith.shli %and3A_905, %shift_left3A_907 : vector<16xi32>
    %shift_right_arithmetic3A_909 = arith.constant 5 : i32
    %shift_right_arithmetic3A_910 = vector.broadcast %shift_right_arithmetic3A_909 : i32 to vector<16xi32>
    %shift_right_arithmetic3A_911 = arith.shrsi %or3A_889, %shift_right_arithmetic3A_910 : vector<16xi32>
    %and3A_912 = arith.constant 31 : i32
    %and3A_913 = vector.broadcast %and3A_912 : i32 to vector<16xi32>
    %and3A_914 = arith.andi %shift_right_arithmetic3A_911, %and3A_913 : vector<16xi32>
    %shift_right_arithmetic3A_915 = arith.shrsi %gather3A_895, %and3A_914 : vector<16xi32>
    %and3A_916 = arith.constant 31 : i32
    %and3A_917 = vector.broadcast %and3A_916 : i32 to vector<16xi32>
    %and3A_918 = arith.andi %shift_right_arithmetic3A_915, %and3A_917 : vector<16xi32>
    %shift_left3A_919 = arith.constant 5 : i32
    %shift_left3A_920 = vector.broadcast %shift_left3A_919 : i32 to vector<16xi32>
    %shift_left3A_921 = arith.shli %and3A_918, %shift_left3A_920 : vector<16xi32>
    %or3A_922 = arith.ori %shift_left3A_908, %shift_left3A_921 : vector<16xi32>
    %shift_right_arithmetic3A_923 = arith.constant 10 : i32
    %shift_right_arithmetic3A_924 = vector.broadcast %shift_right_arithmetic3A_923 : i32 to vector<16xi32>
    %shift_right_arithmetic3A_925 = arith.shrsi %or3A_889, %shift_right_arithmetic3A_924 : vector<16xi32>
    %and3A_926 = arith.constant 31 : i32
    %and3A_927 = vector.broadcast %and3A_926 : i32 to vector<16xi32>
    %and3A_928 = arith.andi %shift_right_arithmetic3A_925, %and3A_927 : vector<16xi32>
    %shift_right_arithmetic3A_929 = arith.shrsi %gather3A_895, %and3A_928 : vector<16xi32>
    %and3A_930 = arith.constant 31 : i32
    %and3A_931 = vector.broadcast %and3A_930 : i32 to vector<16xi32>
    %and3A_932 = arith.andi %shift_right_arithmetic3A_929, %and3A_931 : vector<16xi32>
    %shift_left3A_933 = arith.constant 10 : i32
    %shift_left3A_934 = vector.broadcast %shift_left3A_933 : i32 to vector<16xi32>
    %shift_left3A_935 = arith.shli %and3A_932, %shift_left3A_934 : vector<16xi32>
    %or3A_936 = arith.ori %or3A_922, %shift_left3A_935 : vector<16xi32>
    %shift_right_arithmetic3A_937 = arith.constant 15 : i32
    %shift_right_arithmetic3A_938 = vector.broadcast %shift_right_arithmetic3A_937 : i32 to vector<16xi32>
    %shift_right_arithmetic3A_939 = arith.shrsi %or3A_889, %shift_right_arithmetic3A_938 : vector<16xi32>
    %and3A_940 = arith.constant 31 : i32
    %and3A_941 = vector.broadcast %and3A_940 : i32 to vector<16xi32>
    %and3A_942 = arith.andi %shift_right_arithmetic3A_939, %and3A_941 : vector<16xi32>
    %shift_right_arithmetic3A_943 = arith.shrsi %gather3A_895, %and3A_942 : vector<16xi32>
    %and3A_944 = arith.constant 31 : i32
    %and3A_945 = vector.broadcast %and3A_944 : i32 to vector<16xi32>
    %and3A_946 = arith.andi %shift_right_arithmetic3A_943, %and3A_945 : vector<16xi32>
    %shift_left3A_947 = arith.constant 15 : i32
    %shift_left3A_948 = vector.broadcast %shift_left3A_947 : i32 to vector<16xi32>
    %shift_left3A_949 = arith.shli %and3A_946, %shift_left3A_948 : vector<16xi32>
    %or3A_950 = arith.ori %or3A_936, %shift_left3A_949 : vector<16xi32>
    %shift_right_arithmetic3A_951 = arith.constant 20 : i32
    %shift_right_arithmetic3A_952 = vector.broadcast %shift_right_arithmetic3A_951 : i32 to vector<16xi32>
    %shift_right_arithmetic3A_953 = arith.shrsi %or3A_889, %shift_right_arithmetic3A_952 : vector<16xi32>
    %and3A_954 = arith.constant 31 : i32
    %and3A_955 = vector.broadcast %and3A_954 : i32 to vector<16xi32>
    %and3A_956 = arith.andi %shift_right_arithmetic3A_953, %and3A_955 : vector<16xi32>
    %shift_right_arithmetic3A_957 = arith.shrsi %gather3A_895, %and3A_956 : vector<16xi32>
    %and3A_958 = arith.constant 31 : i32
    %and3A_959 = vector.broadcast %and3A_958 : i32 to vector<16xi32>
    %and3A_960 = arith.andi %shift_right_arithmetic3A_957, %and3A_959 : vector<16xi32>
    %shift_left3A_961 = arith.constant 20 : i32
    %shift_left3A_962 = vector.broadcast %shift_left3A_961 : i32 to vector<16xi32>
    %shift_left3A_963 = arith.shli %and3A_960, %shift_left3A_962 : vector<16xi32>
    %or3A_964 = arith.ori %or3A_950, %shift_left3A_963 : vector<16xi32>
    %swap3A_965 = arith.constant 16 : index
    %swap3A_966 = tpu.vector_load %arg10[%swap3A_965] {strides = array<i32>} : memref<32xi32, #tpu.memory_space<vmem>>, vector<16xi32>,
    tpu.vector_store %arg10[%swap3A_965], %or3A_964 {strides = array<i32>} : memref<32xi32, #tpu.memory_space<vmem>>, vector<16xi32>,
    %add3A_967 = arith.constant 15 : i32
    %add3A_968 = vector.broadcast %add3A_967 : i32 to vector<16xi32>
    %add3A_969 = arith.addi %iota3A, %add3A_968 : vector<16xi32>
    %gather3A_970 = tpu.vector_load_idx %arg10[%add3A_969] : memref<32xi32, #tpu.memory_space<vmem>>[vector<16xi32>], vector<16xi32>,
    %add3A_971 = arith.constant 2 : i32
    %add3A_972 = arith.addi %mul3A_7, %add3A_971 : i32
    %sub3A = arith.constant 2 : i32
    %sub3A_973 = arith.subi %add3A_972, %sub3A : i32
    %dma_wait3A = arith.constant 0 : i32
    %dma_wait3A_974 = tpu.memref_slice %arg7[%dma_wait3A] : memref<81920xf32, #tpu.memory_space<vmem>> -> memref<40960xf32, #tpu.memory_space<vmem>>
    %dma_wait3A_975 = arith.constant 0 : i32
    %dma_wait3A_976 = tpu.memref_slice %arg5[%sub3A_973, %dma_wait3A_975] : memref<128x40960xf32, #tpu.memory_space<hbm>> -> memref<1x40960xf32, #tpu.memory_space<hbm>>
    %dma_wait3A_977 = tpu.memref_squeeze %dma_wait3A_976 : memref<1x40960xf32, #tpu.memory_space<hbm>> -> memref<40960xf32, #tpu.memory_space<hbm>>
    %dma_wait3A_978 = arith.constant 0 : i32
    %dma_wait3A_979 = tpu.memref_slice %arg5[%sub3A_973, %dma_wait3A_978] : memref<128x40960xf32, #tpu.memory_space<hbm>> -> memref<1x40960xf32, #tpu.memory_space<hbm>>
    %dma_wait3A_980 = tpu.memref_squeeze %dma_wait3A_979 : memref<1x40960xf32, #tpu.memory_space<hbm>> -> memref<40960xf32, #tpu.memory_space<hbm>>
    %dma_wait3A_981 = arith.constant 0 : i32
    %dma_wait3A_982 = tpu.memref_slice %arg7[%dma_wait3A_981] : memref<81920xf32, #tpu.memory_space<vmem>> -> memref<40960xf32, #tpu.memory_space<vmem>>
    tpu.wait_dma2 semaphore(%arg11 : memref<!tpu.dma_semaphore, #tpu.memory_space<semaphore_mem>>) src(%dma_wait3A_982 : memref<40960xf32, #tpu.memory_space<vmem>>) dst(%dma_wait3A_980 : memref<40960xf32, #tpu.memory_space<hbm>>)
    %scan3A_983 = arith.constant 0 : i32
    %scan3A_984 = arith.constant 0 : i32
    %scan3A_985 = arith.constant 512 : i32
    %scan3A_986 = arith.addi %scan3A_984, %scan3A_985 : i32
    %scan3A_987 = arith.constant 4 : i32
    scf.for %scan3A_1363 = %scan3A_984 to %scan3A_986 step %scan3A_987  : i32 {
      %mul3A_1364 = arith.constant 16 : i32
      %mul3A_1365 = arith.muli %scan3A_1363, %mul3A_1364 : i32
      %add3A_1366 = arith.constant 16384 : i32
      %add3A_1367 = arith.addi %add3A_1366, %mul3A_1365 : i32
      %get3A = arith.index_cast %add3A_1367 : i32 to index
      %get3A_1368 = tpu.vector_load %arg6[%get3A] {strides = array<i32>} : memref<32768xi32, #tpu.memory_space<vmem>>, vector<16xi32>,
      %shift_right_arithmetic3A_1369 = arith.constant 0 : i32
      %shift_right_arithmetic3A_1370 = vector.broadcast %shift_right_arithmetic3A_1369 : i32 to vector<16xi32>
      %shift_right_arithmetic3A_1371 = arith.shrsi %get3A_1368, %shift_right_arithmetic3A_1370 : vector<16xi32>
      %and3A_1372 = arith.constant 31 : i32
      %and3A_1373 = vector.broadcast %and3A_1372 : i32 to vector<16xi32>
      %and3A_1374 = arith.andi %shift_right_arithmetic3A_1371, %and3A_1373 : vector<16xi32>
      %shift_right_arithmetic3A_1375 = arith.shrsi %gather3A_970, %and3A_1374 : vector<16xi32>
      %and3A_1376 = arith.constant 31 : i32
      %and3A_1377 = vector.broadcast %and3A_1376 : i32 to vector<16xi32>
      %and3A_1378 = arith.andi %shift_right_arithmetic3A_1375, %and3A_1377 : vector<16xi32>
      %shift_left3A_1379 = arith.constant 0 : i32
      %shift_left3A_1380 = vector.broadcast %shift_left3A_1379 : i32 to vector<16xi32>
      %shift_left3A_1381 = arith.shli %and3A_1378, %shift_left3A_1380 : vector<16xi32>
      %shift_right_arithmetic3A_1382 = arith.constant 5 : i32
      %shift_right_arithmetic3A_1383 = vector.broadcast %shift_right_arithmetic3A_1382 : i32 to vector<16xi32>
      %shift_right_arithmetic3A_1384 = arith.shrsi %get3A_1368, %shift_right_arithmetic3A_1383 : vector<16xi32>
      %and3A_1385 = arith.constant 31 : i32
      %and3A_1386 = vector.broadcast %and3A_1385 : i32 to vector<16xi32>
      %and3A_1387 = arith.andi %shift_right_arithmetic3A_1384, %and3A_1386 : vector<16xi32>
      %shift_right_arithmetic3A_1388 = arith.shrsi %gather3A_970, %and3A_1387 : vector<16xi32>
      %and3A_1389 = arith.constant 31 : i32
      %and3A_1390 = vector.broadcast %and3A_1389 : i32 to vector<16xi32>
      %and3A_1391 = arith.andi %shift_right_arithmetic3A_1388, %and3A_1390 : vector<16xi32>
      %shift_left3A_1392 = arith.constant 5 : i32
      %shift_left3A_1393 = vector.broadcast %shift_left3A_1392 : i32 to vector<16xi32>
      %shift_left3A_1394 = arith.shli %and3A_1391, %shift_left3A_1393 : vector<16xi32>
      %or3A_1395 = arith.ori %shift_left3A_1381, %shift_left3A_1394 : vector<16xi32>
      %shift_right_arithmetic3A_1396 = arith.constant 10 : i32
      %shift_right_arithmetic3A_1397 = vector.broadcast %shift_right_arithmetic3A_1396 : i32 to vector<16xi32>
      %shift_right_arithmetic3A_1398 = arith.shrsi %get3A_1368, %shift_right_arithmetic3A_1397 : vector<16xi32>
      %and3A_1399 = arith.constant 31 : i32
      %and3A_1400 = vector.broadcast %and3A_1399 : i32 to vector<16xi32>
      %and3A_1401 = arith.andi %shift_right_arithmetic3A_1398, %and3A_1400 : vector<16xi32>
      %shift_right_arithmetic3A_1402 = arith.shrsi %gather3A_970, %and3A_1401 : vector<16xi32>
      %and3A_1403 = arith.constant 31 : i32
      %and3A_1404 = vector.broadcast %and3A_1403 : i32 to vector<16xi32>
      %and3A_1405 = arith.andi %shift_right_arithmetic3A_1402, %and3A_1404 : vector<16xi32>
      %shift_left3A_1406 = arith.constant 10 : i32
      %shift_left3A_1407 = vector.broadcast %shift_left3A_1406 : i32 to vector<16xi32>
      %shift_left3A_1408 = arith.shli %and3A_1405, %shift_left3A_1407 : vector<16xi32>
      %or3A_1409 = arith.ori %or3A_1395, %shift_left3A_1408 : vector<16xi32>
      %shift_right_arithmetic3A_1410 = arith.constant 15 : i32
      %shift_right_arithmetic3A_1411 = vector.broadcast %shift_right_arithmetic3A_1410 : i32 to vector<16xi32>
      %shift_right_arithmetic3A_1412 = arith.shrsi %get3A_1368, %shift_right_arithmetic3A_1411 : vector<16xi32>
      %and3A_1413 = arith.constant 31 : i32
      %and3A_1414 = vector.broadcast %and3A_1413 : i32 to vector<16xi32>
      %and3A_1415 = arith.andi %shift_right_arithmetic3A_1412, %and3A_1414 : vector<16xi32>
      %shift_right_arithmetic3A_1416 = arith.shrsi %gather3A_970, %and3A_1415 : vector<16xi32>
      %and3A_1417 = arith.constant 31 : i32
      %and3A_1418 = vector.broadcast %and3A_1417 : i32 to vector<16xi32>
      %and3A_1419 = arith.andi %shift_right_arithmetic3A_1416, %and3A_1418 : vector<16xi32>
      %shift_left3A_1420 = arith.constant 15 : i32
      %shift_left3A_1421 = vector.broadcast %shift_left3A_1420 : i32 to vector<16xi32>
      %shift_left3A_1422 = arith.shli %and3A_1419, %shift_left3A_1421 : vector<16xi32>
      %or3A_1423 = arith.ori %or3A_1409, %shift_left3A_1422 : vector<16xi32>
      %shift_right_arithmetic3A_1424 = arith.constant 20 : i32
      %shift_right_arithmetic3A_1425 = vector.broadcast %shift_right_arithmetic3A_1424 : i32 to vector<16xi32>
      %shift_right_arithmetic3A_1426 = arith.shrsi %get3A_1368, %shift_right_arithmetic3A_1425 : vector<16xi32>
      %and3A_1427 = arith.constant 31 : i32
      %and3A_1428 = vector.broadcast %and3A_1427 : i32 to vector<16xi32>
      %and3A_1429 = arith.andi %shift_right_arithmetic3A_1426, %and3A_1428 : vector<16xi32>
      %shift_right_arithmetic3A_1430 = arith.shrsi %gather3A_970, %and3A_1429 : vector<16xi32>
      %and3A_1431 = arith.constant 31 : i32
      %and3A_1432 = vector.broadcast %and3A_1431 : i32 to vector<16xi32>
      %and3A_1433 = arith.andi %shift_right_arithmetic3A_1430, %and3A_1432 : vector<16xi32>
      %shift_left3A_1434 = arith.constant 20 : i32
      %shift_left3A_1435 = vector.broadcast %shift_left3A_1434 : i32 to vector<16xi32>
      %shift_left3A_1436 = arith.shli %and3A_1433, %shift_left3A_1435 : vector<16xi32>
      %or3A_1437 = arith.ori %or3A_1423, %shift_left3A_1436 : vector<16xi32>
      %shift_right_arithmetic3A_1438 = arith.constant 0 : i32
      %shift_right_arithmetic3A_1439 = vector.broadcast %shift_right_arithmetic3A_1438 : i32 to vector<16xi32>
      %shift_right_arithmetic3A_1440 = arith.shrsi %or3A_1437, %shift_right_arithmetic3A_1439 : vector<16xi32>
      %and3A_1441 = arith.constant 31 : i32
      %and3A_1442 = vector.broadcast %and3A_1441 : i32 to vector<16xi32>
      %and3A_1443 = arith.andi %shift_right_arithmetic3A_1440, %and3A_1442 : vector<16xi32>
      %add3A_1444 = arith.constant 64 : i32
      %add3A_1445 = vector.broadcast %add3A_1444 : i32 to vector<16xi32>
      %add3A_1446 = arith.addi %and3A_1443, %add3A_1445 : vector<16xi32>
      %gather3A_1447 = tpu.vector_load_idx %arg8[%add3A_1446] : memref<128xf32, #tpu.memory_space<vmem>>[vector<16xi32>], vector<16xf32>,
      %mul3A_1448 = arith.constant 80 : i32
      %mul3A_1449 = arith.muli %scan3A_1363, %mul3A_1448 : i32
      %add3A_1450 = arith.constant 0 : i32
      %add3A_1451 = arith.addi %mul3A_1449, %add3A_1450 : i32
      %add3A_1452 = arith.constant 0 : i32
      %add3A_1453 = arith.addi %add3A_1452, %add3A_1451 : i32
      %add3A_1454 = vector.broadcast %add3A_1453 : i32 to vector<16xi32>
      %add3A_1455 = arith.addi %mul3A_4, %add3A_1454 : vector<16xi32>
      tpu.vector_store_idx %arg7[%add3A_1455], %gather3A_1447 : memref<81920xf32, #tpu.memory_space<vmem>>[vector<16xi32>], vector<16xf32>,
      %shift_right_arithmetic3A_1456 = arith.constant 5 : i32
      %shift_right_arithmetic3A_1457 = vector.broadcast %shift_right_arithmetic3A_1456 : i32 to vector<16xi32>
      %shift_right_arithmetic3A_1458 = arith.shrsi %or3A_1437, %shift_right_arithmetic3A_1457 : vector<16xi32>
      %and3A_1459 = arith.constant 31 : i32
      %and3A_1460 = vector.broadcast %and3A_1459 : i32 to vector<16xi32>
      %and3A_1461 = arith.andi %shift_right_arithmetic3A_1458, %and3A_1460 : vector<16xi32>
      %add3A_1462 = arith.constant 64 : i32
      %add3A_1463 = vector.broadcast %add3A_1462 : i32 to vector<16xi32>
      %add3A_1464 = arith.addi %and3A_1461, %add3A_1463 : vector<16xi32>
      %gather3A_1465 = tpu.vector_load_idx %arg8[%add3A_1464] : memref<128xf32, #tpu.memory_space<vmem>>[vector<16xi32>], vector<16xf32>,
      %mul3A_1466 = arith.constant 80 : i32
      %mul3A_1467 = arith.muli %scan3A_1363, %mul3A_1466 : i32
      %add3A_1468 = arith.constant 1 : i32
      %add3A_1469 = arith.addi %mul3A_1467, %add3A_1468 : i32
      %add3A_1470 = arith.constant 0 : i32
      %add3A_1471 = arith.addi %add3A_1470, %add3A_1469 : i32
      %add3A_1472 = vector.broadcast %add3A_1471 : i32 to vector<16xi32>
      %add3A_1473 = arith.addi %mul3A_4, %add3A_1472 : vector<16xi32>
      tpu.vector_store_idx %arg7[%add3A_1473], %gather3A_1465 : memref<81920xf32, #tpu.memory_space<vmem>>[vector<16xi32>], vector<16xf32>,
      %shift_right_arithmetic3A_1474 = arith.constant 10 : i32
      %shift_right_arithmetic3A_1475 = vector.broadcast %shift_right_arithmetic3A_1474 : i32 to vector<16xi32>
      %shift_right_arithmetic3A_1476 = arith.shrsi %or3A_1437, %shift_right_arithmetic3A_1475 : vector<16xi32>
      %and3A_1477 = arith.constant 31 : i32
      %and3A_1478 = vector.broadcast %and3A_1477 : i32 to vector<16xi32>
      %and3A_1479 = arith.andi %shift_right_arithmetic3A_1476, %and3A_1478 : vector<16xi32>
      %add3A_1480 = arith.constant 64 : i32
      %add3A_1481 = vector.broadcast %add3A_1480 : i32 to vector<16xi32>
      %add3A_1482 = arith.addi %and3A_1479, %add3A_1481 : vector<16xi32>
      %gather3A_1483 = tpu.vector_load_idx %arg8[%add3A_1482] : memref<128xf32, #tpu.memory_space<vmem>>[vector<16xi32>], vector<16xf32>,
      %mul3A_1484 = arith.constant 80 : i32
      %mul3A_1485 = arith.muli %scan3A_1363, %mul3A_1484 : i32
      %add3A_1486 = arith.constant 2 : i32
      %add3A_1487 = arith.addi %mul3A_1485, %add3A_1486 : i32
      %add3A_1488 = arith.constant 0 : i32
      %add3A_1489 = arith.addi %add3A_1488, %add3A_1487 : i32
      %add3A_1490 = vector.broadcast %add3A_1489 : i32 to vector<16xi32>
      %add3A_1491 = arith.addi %mul3A_4, %add3A_1490 : vector<16xi32>
      tpu.vector_store_idx %arg7[%add3A_1491], %gather3A_1483 : memref<81920xf32, #tpu.memory_space<vmem>>[vector<16xi32>], vector<16xf32>,
      %shift_right_arithmetic3A_1492 = arith.constant 15 : i32
      %shift_right_arithmetic3A_1493 = vector.broadcast %shift_right_arithmetic3A_1492 : i32 to vector<16xi32>
      %shift_right_arithmetic3A_1494 = arith.shrsi %or3A_1437, %shift_right_arithmetic3A_1493 : vector<16xi32>
      %and3A_1495 = arith.constant 31 : i32
      %and3A_1496 = vector.broadcast %and3A_1495 : i32 to vector<16xi32>
      %and3A_1497 = arith.andi %shift_right_arithmetic3A_1494, %and3A_1496 : vector<16xi32>
      %add3A_1498 = arith.constant 64 : i32
      %add3A_1499 = vector.broadcast %add3A_1498 : i32 to vector<16xi32>
      %add3A_1500 = arith.addi %and3A_1497, %add3A_1499 : vector<16xi32>
      %gather3A_1501 = tpu.vector_load_idx %arg8[%add3A_1500] : memref<128xf32, #tpu.memory_space<vmem>>[vector<16xi32>], vector<16xf32>,
      %mul3A_1502 = arith.constant 80 : i32
      %mul3A_1503 = arith.muli %scan3A_1363, %mul3A_1502 : i32
      %add3A_1504 = arith.constant 3 : i32
      %add3A_1505 = arith.addi %mul3A_1503, %add3A_1504 : i32
      %add3A_1506 = arith.constant 0 : i32
      %add3A_1507 = arith.addi %add3A_1506, %add3A_1505 : i32
      %add3A_1508 = vector.broadcast %add3A_1507 : i32 to vector<16xi32>
      %add3A_1509 = arith.addi %mul3A_4, %add3A_1508 : vector<16xi32>
      tpu.vector_store_idx %arg7[%add3A_1509], %gather3A_1501 : memref<81920xf32, #tpu.memory_space<vmem>>[vector<16xi32>], vector<16xf32>,
      %shift_right_arithmetic3A_1510 = arith.constant 20 : i32
      %shift_right_arithmetic3A_1511 = vector.broadcast %shift_right_arithmetic3A_1510 : i32 to vector<16xi32>
      %shift_right_arithmetic3A_1512 = arith.shrsi %or3A_1437, %shift_right_arithmetic3A_1511 : vector<16xi32>
      %and3A_1513 = arith.constant 31 : i32
      %and3A_1514 = vector.broadcast %and3A_1513 : i32 to vector<16xi32>
      %and3A_1515 = arith.andi %shift_right_arithmetic3A_1512, %and3A_1514 : vector<16xi32>
      %add3A_1516 = arith.constant 64 : i32
      %add3A_1517 = vector.broadcast %add3A_1516 : i32 to vector<16xi32>
      %add3A_1518 = arith.addi %and3A_1515, %add3A_1517 : vector<16xi32>
      %gather3A_1519 = tpu.vector_load_idx %arg8[%add3A_1518] : memref<128xf32, #tpu.memory_space<vmem>>[vector<16xi32>], vector<16xf32>,
      %mul3A_1520 = arith.constant 80 : i32
      %mul3A_1521 = arith.muli %scan3A_1363, %mul3A_1520 : i32
      %add3A_1522 = arith.constant 4 : i32
      %add3A_1523 = arith.addi %mul3A_1521, %add3A_1522 : i32
      %add3A_1524 = arith.constant 0 : i32
      %add3A_1525 = arith.addi %add3A_1524, %add3A_1523 : i32
      %add3A_1526 = vector.broadcast %add3A_1525 : i32 to vector<16xi32>
      %add3A_1527 = arith.addi %mul3A_4, %add3A_1526 : vector<16xi32>
      tpu.vector_store_idx %arg7[%add3A_1527], %gather3A_1519 : memref<81920xf32, #tpu.memory_space<vmem>>[vector<16xi32>], vector<16xf32>,
      %scan3A_1528 = arith.constant 1 : i32
      %scan3A_1529 = arith.addi %scan3A_1363, %scan3A_1528 : i32
      %mul3A_1530 = arith.constant 16 : i32
      %mul3A_1531 = arith.muli %scan3A_1529, %mul3A_1530 : i32
      %add3A_1532 = arith.constant 16384 : i32
      %add3A_1533 = arith.addi %add3A_1532, %mul3A_1531 : i32
      %get3A_1534 = arith.index_cast %add3A_1533 : i32 to index
      %get3A_1535 = tpu.vector_load %arg6[%get3A_1534] {strides = array<i32>} : memref<32768xi32, #tpu.memory_space<vmem>>, vector<16xi32>,
      %shift_right_arithmetic3A_1536 = arith.constant 0 : i32
      %shift_right_arithmetic3A_1537 = vector.broadcast %shift_right_arithmetic3A_1536 : i32 to vector<16xi32>
      %shift_right_arithmetic3A_1538 = arith.shrsi %get3A_1535, %shift_right_arithmetic3A_1537 : vector<16xi32>
      %and3A_1539 = arith.constant 31 : i32
      %and3A_1540 = vector.broadcast %and3A_1539 : i32 to vector<16xi32>
      %and3A_1541 = arith.andi %shift_right_arithmetic3A_1538, %and3A_1540 : vector<16xi32>
      %shift_right_arithmetic3A_1542 = arith.shrsi %gather3A_970, %and3A_1541 : vector<16xi32>
      %and3A_1543 = arith.constant 31 : i32
      %and3A_1544 = vector.broadcast %and3A_1543 : i32 to vector<16xi32>
      %and3A_1545 = arith.andi %shift_right_arithmetic3A_1542, %and3A_1544 : vector<16xi32>
      %shift_left3A_1546 = arith.constant 0 : i32
      %shift_left3A_1547 = vector.broadcast %shift_left3A_1546 : i32 to vector<16xi32>
      %shift_left3A_1548 = arith.shli %and3A_1545, %shift_left3A_1547 : vector<16xi32>
      %shift_right_arithmetic3A_1549 = arith.constant 5 : i32
      %shift_right_arithmetic3A_1550 = vector.broadcast %shift_right_arithmetic3A_1549 : i32 to vector<16xi32>
      %shift_right_arithmetic3A_1551 = arith.shrsi %get3A_1535, %shift_right_arithmetic3A_1550 : vector<16xi32>
      %and3A_1552 = arith.constant 31 : i32
      %and3A_1553 = vector.broadcast %and3A_1552 : i32 to vector<16xi32>
      %and3A_1554 = arith.andi %shift_right_arithmetic3A_1551, %and3A_1553 : vector<16xi32>
      %shift_right_arithmetic3A_1555 = arith.shrsi %gather3A_970, %and3A_1554 : vector<16xi32>
      %and3A_1556 = arith.constant 31 : i32
      %and3A_1557 = vector.broadcast %and3A_1556 : i32 to vector<16xi32>
      %and3A_1558 = arith.andi %shift_right_arithmetic3A_1555, %and3A_1557 : vector<16xi32>
      %shift_left3A_1559 = arith.constant 5 : i32
      %shift_left3A_1560 = vector.broadcast %shift_left3A_1559 : i32 to vector<16xi32>
      %shift_left3A_1561 = arith.shli %and3A_1558, %shift_left3A_1560 : vector<16xi32>
      %or3A_1562 = arith.ori %shift_left3A_1548, %shift_left3A_1561 : vector<16xi32>
      %shift_right_arithmetic3A_1563 = arith.constant 10 : i32
      %shift_right_arithmetic3A_1564 = vector.broadcast %shift_right_arithmetic3A_1563 : i32 to vector<16xi32>
      %shift_right_arithmetic3A_1565 = arith.shrsi %get3A_1535, %shift_right_arithmetic3A_1564 : vector<16xi32>
      %and3A_1566 = arith.constant 31 : i32
      %and3A_1567 = vector.broadcast %and3A_1566 : i32 to vector<16xi32>
      %and3A_1568 = arith.andi %shift_right_arithmetic3A_1565, %and3A_1567 : vector<16xi32>
      %shift_right_arithmetic3A_1569 = arith.shrsi %gather3A_970, %and3A_1568 : vector<16xi32>
      %and3A_1570 = arith.constant 31 : i32
      %and3A_1571 = vector.broadcast %and3A_1570 : i32 to vector<16xi32>
      %and3A_1572 = arith.andi %shift_right_arithmetic3A_1569, %and3A_1571 : vector<16xi32>
      %shift_left3A_1573 = arith.constant 10 : i32
      %shift_left3A_1574 = vector.broadcast %shift_left3A_1573 : i32 to vector<16xi32>
      %shift_left3A_1575 = arith.shli %and3A_1572, %shift_left3A_1574 : vector<16xi32>
      %or3A_1576 = arith.ori %or3A_1562, %shift_left3A_1575 : vector<16xi32>
      %shift_right_arithmetic3A_1577 = arith.constant 15 : i32
      %shift_right_arithmetic3A_1578 = vector.broadcast %shift_right_arithmetic3A_1577 : i32 to vector<16xi32>
      %shift_right_arithmetic3A_1579 = arith.shrsi %get3A_1535, %shift_right_arithmetic3A_1578 : vector<16xi32>
      %and3A_1580 = arith.constant 31 : i32
      %and3A_1581 = vector.broadcast %and3A_1580 : i32 to vector<16xi32>
      %and3A_1582 = arith.andi %shift_right_arithmetic3A_1579, %and3A_1581 : vector<16xi32>
      %shift_right_arithmetic3A_1583 = arith.shrsi %gather3A_970, %and3A_1582 : vector<16xi32>
      %and3A_1584 = arith.constant 31 : i32
      %and3A_1585 = vector.broadcast %and3A_1584 : i32 to vector<16xi32>
      %and3A_1586 = arith.andi %shift_right_arithmetic3A_1583, %and3A_1585 : vector<16xi32>
      %shift_left3A_1587 = arith.constant 15 : i32
      %shift_left3A_1588 = vector.broadcast %shift_left3A_1587 : i32 to vector<16xi32>
      %shift_left3A_1589 = arith.shli %and3A_1586, %shift_left3A_1588 : vector<16xi32>
      %or3A_1590 = arith.ori %or3A_1576, %shift_left3A_1589 : vector<16xi32>
      %shift_right_arithmetic3A_1591 = arith.constant 20 : i32
      %shift_right_arithmetic3A_1592 = vector.broadcast %shift_right_arithmetic3A_1591 : i32 to vector<16xi32>
      %shift_right_arithmetic3A_1593 = arith.shrsi %get3A_1535, %shift_right_arithmetic3A_1592 : vector<16xi32>
      %and3A_1594 = arith.constant 31 : i32
      %and3A_1595 = vector.broadcast %and3A_1594 : i32 to vector<16xi32>
      %and3A_1596 = arith.andi %shift_right_arithmetic3A_1593, %and3A_1595 : vector<16xi32>
      %shift_right_arithmetic3A_1597 = arith.shrsi %gather3A_970, %and3A_1596 : vector<16xi32>
      %and3A_1598 = arith.constant 31 : i32
      %and3A_1599 = vector.broadcast %and3A_1598 : i32 to vector<16xi32>
      %and3A_1600 = arith.andi %shift_right_arithmetic3A_1597, %and3A_1599 : vector<16xi32>
      %shift_left3A_1601 = arith.constant 20 : i32
      %shift_left3A_1602 = vector.broadcast %shift_left3A_1601 : i32 to vector<16xi32>
      %shift_left3A_1603 = arith.shli %and3A_1600, %shift_left3A_1602 : vector<16xi32>
      %or3A_1604 = arith.ori %or3A_1590, %shift_left3A_1603 : vector<16xi32>
      %shift_right_arithmetic3A_1605 = arith.constant 0 : i32
      %shift_right_arithmetic3A_1606 = vector.broadcast %shift_right_arithmetic3A_1605 : i32 to vector<16xi32>
      %shift_right_arithmetic3A_1607 = arith.shrsi %or3A_1604, %shift_right_arithmetic3A_1606 : vector<16xi32>
      %and3A_1608 = arith.constant 31 : i32
      %and3A_1609 = vector.broadcast %and3A_1608 : i32 to vector<16xi32>
      %and3A_1610 = arith.andi %shift_right_arithmetic3A_1607, %and3A_1609 : vector<16xi32>
      %add3A_1611 = arith.constant 64 : i32
      %add3A_1612 = vector.broadcast %add3A_1611 : i32 to vector<16xi32>
      %add3A_1613 = arith.addi %and3A_1610, %add3A_1612 : vector<16xi32>
      %gather3A_1614 = tpu.vector_load_idx %arg8[%add3A_1613] : memref<128xf32, #tpu.memory_space<vmem>>[vector<16xi32>], vector<16xf32>,
      %mul3A_1615 = arith.constant 80 : i32
      %mul3A_1616 = arith.muli %scan3A_1529, %mul3A_1615 : i32
      %add3A_1617 = arith.constant 0 : i32
      %add3A_1618 = arith.addi %mul3A_1616, %add3A_1617 : i32
      %add3A_1619 = arith.constant 0 : i32
      %add3A_1620 = arith.addi %add3A_1619, %add3A_1618 : i32
      %add3A_1621 = vector.broadcast %add3A_1620 : i32 to vector<16xi32>
      %add3A_1622 = arith.addi %mul3A_4, %add3A_1621 : vector<16xi32>
      tpu.vector_store_idx %arg7[%add3A_1622], %gather3A_1614 : memref<81920xf32, #tpu.memory_space<vmem>>[vector<16xi32>], vector<16xf32>,
      %shift_right_arithmetic3A_1623 = arith.constant 5 : i32
      %shift_right_arithmetic3A_1624 = vector.broadcast %shift_right_arithmetic3A_1623 : i32 to vector<16xi32>
      %shift_right_arithmetic3A_1625 = arith.shrsi %or3A_1604, %shift_right_arithmetic3A_1624 : vector<16xi32>
      %and3A_1626 = arith.constant 31 : i32
      %and3A_1627 = vector.broadcast %and3A_1626 : i32 to vector<16xi32>
      %and3A_1628 = arith.andi %shift_right_arithmetic3A_1625, %and3A_1627 : vector<16xi32>
      %add3A_1629 = arith.constant 64 : i32
      %add3A_1630 = vector.broadcast %add3A_1629 : i32 to vector<16xi32>
      %add3A_1631 = arith.addi %and3A_1628, %add3A_1630 : vector<16xi32>
      %gather3A_1632 = tpu.vector_load_idx %arg8[%add3A_1631] : memref<128xf32, #tpu.memory_space<vmem>>[vector<16xi32>], vector<16xf32>,
      %mul3A_1633 = arith.constant 80 : i32
      %mul3A_1634 = arith.muli %scan3A_1529, %mul3A_1633 : i32
      %add3A_1635 = arith.constant 1 : i32
      %add3A_1636 = arith.addi %mul3A_1634, %add3A_1635 : i32
      %add3A_1637 = arith.constant 0 : i32
      %add3A_1638 = arith.addi %add3A_1637, %add3A_1636 : i32
      %add3A_1639 = vector.broadcast %add3A_1638 : i32 to vector<16xi32>
      %add3A_1640 = arith.addi %mul3A_4, %add3A_1639 : vector<16xi32>
      tpu.vector_store_idx %arg7[%add3A_1640], %gather3A_1632 : memref<81920xf32, #tpu.memory_space<vmem>>[vector<16xi32>], vector<16xf32>,
      %shift_right_arithmetic3A_1641 = arith.constant 10 : i32
      %shift_right_arithmetic3A_1642 = vector.broadcast %shift_right_arithmetic3A_1641 : i32 to vector<16xi32>
      %shift_right_arithmetic3A_1643 = arith.shrsi %or3A_1604, %shift_right_arithmetic3A_1642 : vector<16xi32>
      %and3A_1644 = arith.constant 31 : i32
      %and3A_1645 = vector.broadcast %and3A_1644 : i32 to vector<16xi32>
      %and3A_1646 = arith.andi %shift_right_arithmetic3A_1643, %and3A_1645 : vector<16xi32>
      %add3A_1647 = arith.constant 64 : i32
      %add3A_1648 = vector.broadcast %add3A_1647 : i32 to vector<16xi32>
      %add3A_1649 = arith.addi %and3A_1646, %add3A_1648 : vector<16xi32>
      %gather3A_1650 = tpu.vector_load_idx %arg8[%add3A_1649] : memref<128xf32, #tpu.memory_space<vmem>>[vector<16xi32>], vector<16xf32>,
      %mul3A_1651 = arith.constant 80 : i32
      %mul3A_1652 = arith.muli %scan3A_1529, %mul3A_1651 : i32
      %add3A_1653 = arith.constant 2 : i32
      %add3A_1654 = arith.addi %mul3A_1652, %add3A_1653 : i32
      %add3A_1655 = arith.constant 0 : i32
      %add3A_1656 = arith.addi %add3A_1655, %add3A_1654 : i32
      %add3A_1657 = vector.broadcast %add3A_1656 : i32 to vector<16xi32>
      %add3A_1658 = arith.addi %mul3A_4, %add3A_1657 : vector<16xi32>
      tpu.vector_store_idx %arg7[%add3A_1658], %gather3A_1650 : memref<81920xf32, #tpu.memory_space<vmem>>[vector<16xi32>], vector<16xf32>,
      %shift_right_arithmetic3A_1659 = arith.constant 15 : i32
      %shift_right_arithmetic3A_1660 = vector.broadcast %shift_right_arithmetic3A_1659 : i32 to vector<16xi32>
      %shift_right_arithmetic3A_1661 = arith.shrsi %or3A_1604, %shift_right_arithmetic3A_1660 : vector<16xi32>
      %and3A_1662 = arith.constant 31 : i32
      %and3A_1663 = vector.broadcast %and3A_1662 : i32 to vector<16xi32>
      %and3A_1664 = arith.andi %shift_right_arithmetic3A_1661, %and3A_1663 : vector<16xi32>
      %add3A_1665 = arith.constant 64 : i32
      %add3A_1666 = vector.broadcast %add3A_1665 : i32 to vector<16xi32>
      %add3A_1667 = arith.addi %and3A_1664, %add3A_1666 : vector<16xi32>
      %gather3A_1668 = tpu.vector_load_idx %arg8[%add3A_1667] : memref<128xf32, #tpu.memory_space<vmem>>[vector<16xi32>], vector<16xf32>,
      %mul3A_1669 = arith.constant 80 : i32
      %mul3A_1670 = arith.muli %scan3A_1529, %mul3A_1669 : i32
      %add3A_1671 = arith.constant 3 : i32
      %add3A_1672 = arith.addi %mul3A_1670, %add3A_1671 : i32
      %add3A_1673 = arith.constant 0 : i32
      %add3A_1674 = arith.addi %add3A_1673, %add3A_1672 : i32
      %add3A_1675 = vector.broadcast %add3A_1674 : i32 to vector<16xi32>
      %add3A_1676 = arith.addi %mul3A_4, %add3A_1675 : vector<16xi32>
      tpu.vector_store_idx %arg7[%add3A_1676], %gather3A_1668 : memref<81920xf32, #tpu.memory_space<vmem>>[vector<16xi32>], vector<16xf32>,
      %shift_right_arithmetic3A_1677 = arith.constant 20 : i32
      %shift_right_arithmetic3A_1678 = vector.broadcast %shift_right_arithmetic3A_1677 : i32 to vector<16xi32>
      %shift_right_arithmetic3A_1679 = arith.shrsi %or3A_1604, %shift_right_arithmetic3A_1678 : vector<16xi32>
      %and3A_1680 = arith.constant 31 : i32
      %and3A_1681 = vector.broadcast %and3A_1680 : i32 to vector<16xi32>
      %and3A_1682 = arith.andi %shift_right_arithmetic3A_1679, %and3A_1681 : vector<16xi32>
      %add3A_1683 = arith.constant 64 : i32
      %add3A_1684 = vector.broadcast %add3A_1683 : i32 to vector<16xi32>
      %add3A_1685 = arith.addi %and3A_1682, %add3A_1684 : vector<16xi32>
      %gather3A_1686 = tpu.vector_load_idx %arg8[%add3A_1685] : memref<128xf32, #tpu.memory_space<vmem>>[vector<16xi32>], vector<16xf32>,
      %mul3A_1687 = arith.constant 80 : i32
      %mul3A_1688 = arith.muli %scan3A_1529, %mul3A_1687 : i32
      %add3A_1689 = arith.constant 4 : i32
      %add3A_1690 = arith.addi %mul3A_1688, %add3A_1689 : i32
      %add3A_1691 = arith.constant 0 : i32
      %add3A_1692 = arith.addi %add3A_1691, %add3A_1690 : i32
      %add3A_1693 = vector.broadcast %add3A_1692 : i32 to vector<16xi32>
      %add3A_1694 = arith.addi %mul3A_4, %add3A_1693 : vector<16xi32>
      tpu.vector_store_idx %arg7[%add3A_1694], %gather3A_1686 : memref<81920xf32, #tpu.memory_space<vmem>>[vector<16xi32>], vector<16xf32>,
      %scan3A_1695 = arith.constant 2 : i32
      %scan3A_1696 = arith.addi %scan3A_1363, %scan3A_1695 : i32
      %mul3A_1697 = arith.constant 16 : i32
      %mul3A_1698 = arith.muli %scan3A_1696, %mul3A_1697 : i32
      %add3A_1699 = arith.constant 16384 : i32
      %add3A_1700 = arith.addi %add3A_1699, %mul3A_1698 : i32
      %get3A_1701 = arith.index_cast %add3A_1700 : i32 to index
      %get3A_1702 = tpu.vector_load %arg6[%get3A_1701] {strides = array<i32>} : memref<32768xi32, #tpu.memory_space<vmem>>, vector<16xi32>,
      %shift_right_arithmetic3A_1703 = arith.constant 0 : i32
      %shift_right_arithmetic3A_1704 = vector.broadcast %shift_right_arithmetic3A_1703 : i32 to vector<16xi32>
      %shift_right_arithmetic3A_1705 = arith.shrsi %get3A_1702, %shift_right_arithmetic3A_1704 : vector<16xi32>
      %and3A_1706 = arith.constant 31 : i32
      %and3A_1707 = vector.broadcast %and3A_1706 : i32 to vector<16xi32>
      %and3A_1708 = arith.andi %shift_right_arithmetic3A_1705, %and3A_1707 : vector<16xi32>
      %shift_right_arithmetic3A_1709 = arith.shrsi %gather3A_970, %and3A_1708 : vector<16xi32>
      %and3A_1710 = arith.constant 31 : i32
      %and3A_1711 = vector.broadcast %and3A_1710 : i32 to vector<16xi32>
      %and3A_1712 = arith.andi %shift_right_arithmetic3A_1709, %and3A_1711 : vector<16xi32>
      %shift_left3A_1713 = arith.constant 0 : i32
      %shift_left3A_1714 = vector.broadcast %shift_left3A_1713 : i32 to vector<16xi32>
      %shift_left3A_1715 = arith.shli %and3A_1712, %shift_left3A_1714 : vector<16xi32>
      %shift_right_arithmetic3A_1716 = arith.constant 5 : i32
      %shift_right_arithmetic3A_1717 = vector.broadcast %shift_right_arithmetic3A_1716 : i32 to vector<16xi32>
      %shift_right_arithmetic3A_1718 = arith.shrsi %get3A_1702, %shift_right_arithmetic3A_1717 : vector<16xi32>
      %and3A_1719 = arith.constant 31 : i32
      %and3A_1720 = vector.broadcast %and3A_1719 : i32 to vector<16xi32>
      %and3A_1721 = arith.andi %shift_right_arithmetic3A_1718, %and3A_1720 : vector<16xi32>
      %shift_right_arithmetic3A_1722 = arith.shrsi %gather3A_970, %and3A_1721 : vector<16xi32>
      %and3A_1723 = arith.constant 31 : i32
      %and3A_1724 = vector.broadcast %and3A_1723 : i32 to vector<16xi32>
      %and3A_1725 = arith.andi %shift_right_arithmetic3A_1722, %and3A_1724 : vector<16xi32>
      %shift_left3A_1726 = arith.constant 5 : i32
      %shift_left3A_1727 = vector.broadcast %shift_left3A_1726 : i32 to vector<16xi32>
      %shift_left3A_1728 = arith.shli %and3A_1725, %shift_left3A_1727 : vector<16xi32>
      %or3A_1729 = arith.ori %shift_left3A_1715, %shift_left3A_1728 : vector<16xi32>
      %shift_right_arithmetic3A_1730 = arith.constant 10 : i32
      %shift_right_arithmetic3A_1731 = vector.broadcast %shift_right_arithmetic3A_1730 : i32 to vector<16xi32>
      %shift_right_arithmetic3A_1732 = arith.shrsi %get3A_1702, %shift_right_arithmetic3A_1731 : vector<16xi32>
      %and3A_1733 = arith.constant 31 : i32
      %and3A_1734 = vector.broadcast %and3A_1733 : i32 to vector<16xi32>
      %and3A_1735 = arith.andi %shift_right_arithmetic3A_1732, %and3A_1734 : vector<16xi32>
      %shift_right_arithmetic3A_1736 = arith.shrsi %gather3A_970, %and3A_1735 : vector<16xi32>
      %and3A_1737 = arith.constant 31 : i32
      %and3A_1738 = vector.broadcast %and3A_1737 : i32 to vector<16xi32>
      %and3A_1739 = arith.andi %shift_right_arithmetic3A_1736, %and3A_1738 : vector<16xi32>
      %shift_left3A_1740 = arith.constant 10 : i32
      %shift_left3A_1741 = vector.broadcast %shift_left3A_1740 : i32 to vector<16xi32>
      %shift_left3A_1742 = arith.shli %and3A_1739, %shift_left3A_1741 : vector<16xi32>
      %or3A_1743 = arith.ori %or3A_1729, %shift_left3A_1742 : vector<16xi32>
      %shift_right_arithmetic3A_1744 = arith.constant 15 : i32
      %shift_right_arithmetic3A_1745 = vector.broadcast %shift_right_arithmetic3A_1744 : i32 to vector<16xi32>
      %shift_right_arithmetic3A_1746 = arith.shrsi %get3A_1702, %shift_right_arithmetic3A_1745 : vector<16xi32>
      %and3A_1747 = arith.constant 31 : i32
      %and3A_1748 = vector.broadcast %and3A_1747 : i32 to vector<16xi32>
      %and3A_1749 = arith.andi %shift_right_arithmetic3A_1746, %and3A_1748 : vector<16xi32>
      %shift_right_arithmetic3A_1750 = arith.shrsi %gather3A_970, %and3A_1749 : vector<16xi32>
      %and3A_1751 = arith.constant 31 : i32
      %and3A_1752 = vector.broadcast %and3A_1751 : i32 to vector<16xi32>
      %and3A_1753 = arith.andi %shift_right_arithmetic3A_1750, %and3A_1752 : vector<16xi32>
      %shift_left3A_1754 = arith.constant 15 : i32
      %shift_left3A_1755 = vector.broadcast %shift_left3A_1754 : i32 to vector<16xi32>
      %shift_left3A_1756 = arith.shli %and3A_1753, %shift_left3A_1755 : vector<16xi32>
      %or3A_1757 = arith.ori %or3A_1743, %shift_left3A_1756 : vector<16xi32>
      %shift_right_arithmetic3A_1758 = arith.constant 20 : i32
      %shift_right_arithmetic3A_1759 = vector.broadcast %shift_right_arithmetic3A_1758 : i32 to vector<16xi32>
      %shift_right_arithmetic3A_1760 = arith.shrsi %get3A_1702, %shift_right_arithmetic3A_1759 : vector<16xi32>
      %and3A_1761 = arith.constant 31 : i32
      %and3A_1762 = vector.broadcast %and3A_1761 : i32 to vector<16xi32>
      %and3A_1763 = arith.andi %shift_right_arithmetic3A_1760, %and3A_1762 : vector<16xi32>
      %shift_right_arithmetic3A_1764 = arith.shrsi %gather3A_970, %and3A_1763 : vector<16xi32>
      %and3A_1765 = arith.constant 31 : i32
      %and3A_1766 = vector.broadcast %and3A_1765 : i32 to vector<16xi32>
      %and3A_1767 = arith.andi %shift_right_arithmetic3A_1764, %and3A_1766 : vector<16xi32>
      %shift_left3A_1768 = arith.constant 20 : i32
      %shift_left3A_1769 = vector.broadcast %shift_left3A_1768 : i32 to vector<16xi32>
      %shift_left3A_1770 = arith.shli %and3A_1767, %shift_left3A_1769 : vector<16xi32>
      %or3A_1771 = arith.ori %or3A_1757, %shift_left3A_1770 : vector<16xi32>
      %shift_right_arithmetic3A_1772 = arith.constant 0 : i32
      %shift_right_arithmetic3A_1773 = vector.broadcast %shift_right_arithmetic3A_1772 : i32 to vector<16xi32>
      %shift_right_arithmetic3A_1774 = arith.shrsi %or3A_1771, %shift_right_arithmetic3A_1773 : vector<16xi32>
      %and3A_1775 = arith.constant 31 : i32
      %and3A_1776 = vector.broadcast %and3A_1775 : i32 to vector<16xi32>
      %and3A_1777 = arith.andi %shift_right_arithmetic3A_1774, %and3A_1776 : vector<16xi32>
      %add3A_1778 = arith.constant 64 : i32
      %add3A_1779 = vector.broadcast %add3A_1778 : i32 to vector<16xi32>
      %add3A_1780 = arith.addi %and3A_1777, %add3A_1779 : vector<16xi32>
      %gather3A_1781 = tpu.vector_load_idx %arg8[%add3A_1780] : memref<128xf32, #tpu.memory_space<vmem>>[vector<16xi32>], vector<16xf32>,
      %mul3A_1782 = arith.constant 80 : i32
      %mul3A_1783 = arith.muli %scan3A_1696, %mul3A_1782 : i32
      %add3A_1784 = arith.constant 0 : i32
      %add3A_1785 = arith.addi %mul3A_1783, %add3A_1784 : i32
      %add3A_1786 = arith.constant 0 : i32
      %add3A_1787 = arith.addi %add3A_1786, %add3A_1785 : i32
      %add3A_1788 = vector.broadcast %add3A_1787 : i32 to vector<16xi32>
      %add3A_1789 = arith.addi %mul3A_4, %add3A_1788 : vector<16xi32>
      tpu.vector_store_idx %arg7[%add3A_1789], %gather3A_1781 : memref<81920xf32, #tpu.memory_space<vmem>>[vector<16xi32>], vector<16xf32>,
      %shift_right_arithmetic3A_1790 = arith.constant 5 : i32
      %shift_right_arithmetic3A_1791 = vector.broadcast %shift_right_arithmetic3A_1790 : i32 to vector<16xi32>
      %shift_right_arithmetic3A_1792 = arith.shrsi %or3A_1771, %shift_right_arithmetic3A_1791 : vector<16xi32>
      %and3A_1793 = arith.constant 31 : i32
      %and3A_1794 = vector.broadcast %and3A_1793 : i32 to vector<16xi32>
      %and3A_1795 = arith.andi %shift_right_arithmetic3A_1792, %and3A_1794 : vector<16xi32>
      %add3A_1796 = arith.constant 64 : i32
      %add3A_1797 = vector.broadcast %add3A_1796 : i32 to vector<16xi32>
      %add3A_1798 = arith.addi %and3A_1795, %add3A_1797 : vector<16xi32>
      %gather3A_1799 = tpu.vector_load_idx %arg8[%add3A_1798] : memref<128xf32, #tpu.memory_space<vmem>>[vector<16xi32>], vector<16xf32>,
      %mul3A_1800 = arith.constant 80 : i32
      %mul3A_1801 = arith.muli %scan3A_1696, %mul3A_1800 : i32
      %add3A_1802 = arith.constant 1 : i32
      %add3A_1803 = arith.addi %mul3A_1801, %add3A_1802 : i32
      %add3A_1804 = arith.constant 0 : i32
      %add3A_1805 = arith.addi %add3A_1804, %add3A_1803 : i32
      %add3A_1806 = vector.broadcast %add3A_1805 : i32 to vector<16xi32>
      %add3A_1807 = arith.addi %mul3A_4, %add3A_1806 : vector<16xi32>
      tpu.vector_store_idx %arg7[%add3A_1807], %gather3A_1799 : memref<81920xf32, #tpu.memory_space<vmem>>[vector<16xi32>], vector<16xf32>,
      %shift_right_arithmetic3A_1808 = arith.constant 10 : i32
      %shift_right_arithmetic3A_1809 = vector.broadcast %shift_right_arithmetic3A_1808 : i32 to vector<16xi32>
      %shift_right_arithmetic3A_1810 = arith.shrsi %or3A_1771, %shift_right_arithmetic3A_1809 : vector<16xi32>
      %and3A_1811 = arith.constant 31 : i32
      %and3A_1812 = vector.broadcast %and3A_1811 : i32 to vector<16xi32>
      %and3A_1813 = arith.andi %shift_right_arithmetic3A_1810, %and3A_1812 : vector<16xi32>
      %add3A_1814 = arith.constant 64 : i32
      %add3A_1815 = vector.broadcast %add3A_1814 : i32 to vector<16xi32>
      %add3A_1816 = arith.addi %and3A_1813, %add3A_1815 : vector<16xi32>
      %gather3A_1817 = tpu.vector_load_idx %arg8[%add3A_1816] : memref<128xf32, #tpu.memory_space<vmem>>[vector<16xi32>], vector<16xf32>,
      %mul3A_1818 = arith.constant 80 : i32
      %mul3A_1819 = arith.muli %scan3A_1696, %mul3A_1818 : i32
      %add3A_1820 = arith.constant 2 : i32
      %add3A_1821 = arith.addi %mul3A_1819, %add3A_1820 : i32
      %add3A_1822 = arith.constant 0 : i32
      %add3A_1823 = arith.addi %add3A_1822, %add3A_1821 : i32
      %add3A_1824 = vector.broadcast %add3A_1823 : i32 to vector<16xi32>
      %add3A_1825 = arith.addi %mul3A_4, %add3A_1824 : vector<16xi32>
      tpu.vector_store_idx %arg7[%add3A_1825], %gather3A_1817 : memref<81920xf32, #tpu.memory_space<vmem>>[vector<16xi32>], vector<16xf32>,
      %shift_right_arithmetic3A_1826 = arith.constant 15 : i32
      %shift_right_arithmetic3A_1827 = vector.broadcast %shift_right_arithmetic3A_1826 : i32 to vector<16xi32>
      %shift_right_arithmetic3A_1828 = arith.shrsi %or3A_1771, %shift_right_arithmetic3A_1827 : vector<16xi32>
      %and3A_1829 = arith.constant 31 : i32
      %and3A_1830 = vector.broadcast %and3A_1829 : i32 to vector<16xi32>
      %and3A_1831 = arith.andi %shift_right_arithmetic3A_1828, %and3A_1830 : vector<16xi32>
      %add3A_1832 = arith.constant 64 : i32
      %add3A_1833 = vector.broadcast %add3A_1832 : i32 to vector<16xi32>
      %add3A_1834 = arith.addi %and3A_1831, %add3A_1833 : vector<16xi32>
      %gather3A_1835 = tpu.vector_load_idx %arg8[%add3A_1834] : memref<128xf32, #tpu.memory_space<vmem>>[vector<16xi32>], vector<16xf32>,
      %mul3A_1836 = arith.constant 80 : i32
      %mul3A_1837 = arith.muli %scan3A_1696, %mul3A_1836 : i32
      %add3A_1838 = arith.constant 3 : i32
      %add3A_1839 = arith.addi %mul3A_1837, %add3A_1838 : i32
      %add3A_1840 = arith.constant 0 : i32
      %add3A_1841 = arith.addi %add3A_1840, %add3A_1839 : i32
      %add3A_1842 = vector.broadcast %add3A_1841 : i32 to vector<16xi32>
      %add3A_1843 = arith.addi %mul3A_4, %add3A_1842 : vector<16xi32>
      tpu.vector_store_idx %arg7[%add3A_1843], %gather3A_1835 : memref<81920xf32, #tpu.memory_space<vmem>>[vector<16xi32>], vector<16xf32>,
      %shift_right_arithmetic3A_1844 = arith.constant 20 : i32
      %shift_right_arithmetic3A_1845 = vector.broadcast %shift_right_arithmetic3A_1844 : i32 to vector<16xi32>
      %shift_right_arithmetic3A_1846 = arith.shrsi %or3A_1771, %shift_right_arithmetic3A_1845 : vector<16xi32>
      %and3A_1847 = arith.constant 31 : i32
      %and3A_1848 = vector.broadcast %and3A_1847 : i32 to vector<16xi32>
      %and3A_1849 = arith.andi %shift_right_arithmetic3A_1846, %and3A_1848 : vector<16xi32>
      %add3A_1850 = arith.constant 64 : i32
      %add3A_1851 = vector.broadcast %add3A_1850 : i32 to vector<16xi32>
      %add3A_1852 = arith.addi %and3A_1849, %add3A_1851 : vector<16xi32>
      %gather3A_1853 = tpu.vector_load_idx %arg8[%add3A_1852] : memref<128xf32, #tpu.memory_space<vmem>>[vector<16xi32>], vector<16xf32>,
      %mul3A_1854 = arith.constant 80 : i32
      %mul3A_1855 = arith.muli %scan3A_1696, %mul3A_1854 : i32
      %add3A_1856 = arith.constant 4 : i32
      %add3A_1857 = arith.addi %mul3A_1855, %add3A_1856 : i32
      %add3A_1858 = arith.constant 0 : i32
      %add3A_1859 = arith.addi %add3A_1858, %add3A_1857 : i32
      %add3A_1860 = vector.broadcast %add3A_1859 : i32 to vector<16xi32>
      %add3A_1861 = arith.addi %mul3A_4, %add3A_1860 : vector<16xi32>
      tpu.vector_store_idx %arg7[%add3A_1861], %gather3A_1853 : memref<81920xf32, #tpu.memory_space<vmem>>[vector<16xi32>], vector<16xf32>,
      %scan3A_1862 = arith.constant 3 : i32
      %scan3A_1863 = arith.addi %scan3A_1363, %scan3A_1862 : i32
      %mul3A_1864 = arith.constant 16 : i32
      %mul3A_1865 = arith.muli %scan3A_1863, %mul3A_1864 : i32
      %add3A_1866 = arith.constant 16384 : i32
      %add3A_1867 = arith.addi %add3A_1866, %mul3A_1865 : i32
      %get3A_1868 = arith.index_cast %add3A_1867 : i32 to index
      %get3A_1869 = tpu.vector_load %arg6[%get3A_1868] {strides = array<i32>} : memref<32768xi32, #tpu.memory_space<vmem>>, vector<16xi32>,
      %shift_right_arithmetic3A_1870 = arith.constant 0 : i32
      %shift_right_arithmetic3A_1871 = vector.broadcast %shift_right_arithmetic3A_1870 : i32 to vector<16xi32>
      %shift_right_arithmetic3A_1872 = arith.shrsi %get3A_1869, %shift_right_arithmetic3A_1871 : vector<16xi32>
      %and3A_1873 = arith.constant 31 : i32
      %and3A_1874 = vector.broadcast %and3A_1873 : i32 to vector<16xi32>
      %and3A_1875 = arith.andi %shift_right_arithmetic3A_1872, %and3A_1874 : vector<16xi32>
      %shift_right_arithmetic3A_1876 = arith.shrsi %gather3A_970, %and3A_1875 : vector<16xi32>
      %and3A_1877 = arith.constant 31 : i32
      %and3A_1878 = vector.broadcast %and3A_1877 : i32 to vector<16xi32>
      %and3A_1879 = arith.andi %shift_right_arithmetic3A_1876, %and3A_1878 : vector<16xi32>
      %shift_left3A_1880 = arith.constant 0 : i32
      %shift_left3A_1881 = vector.broadcast %shift_left3A_1880 : i32 to vector<16xi32>
      %shift_left3A_1882 = arith.shli %and3A_1879, %shift_left3A_1881 : vector<16xi32>
      %shift_right_arithmetic3A_1883 = arith.constant 5 : i32
      %shift_right_arithmetic3A_1884 = vector.broadcast %shift_right_arithmetic3A_1883 : i32 to vector<16xi32>
      %shift_right_arithmetic3A_1885 = arith.shrsi %get3A_1869, %shift_right_arithmetic3A_1884 : vector<16xi32>
      %and3A_1886 = arith.constant 31 : i32
      %and3A_1887 = vector.broadcast %and3A_1886 : i32 to vector<16xi32>
      %and3A_1888 = arith.andi %shift_right_arithmetic3A_1885, %and3A_1887 : vector<16xi32>
      %shift_right_arithmetic3A_1889 = arith.shrsi %gather3A_970, %and3A_1888 : vector<16xi32>
      %and3A_1890 = arith.constant 31 : i32
      %and3A_1891 = vector.broadcast %and3A_1890 : i32 to vector<16xi32>
      %and3A_1892 = arith.andi %shift_right_arithmetic3A_1889, %and3A_1891 : vector<16xi32>
      %shift_left3A_1893 = arith.constant 5 : i32
      %shift_left3A_1894 = vector.broadcast %shift_left3A_1893 : i32 to vector<16xi32>
      %shift_left3A_1895 = arith.shli %and3A_1892, %shift_left3A_1894 : vector<16xi32>
      %or3A_1896 = arith.ori %shift_left3A_1882, %shift_left3A_1895 : vector<16xi32>
      %shift_right_arithmetic3A_1897 = arith.constant 10 : i32
      %shift_right_arithmetic3A_1898 = vector.broadcast %shift_right_arithmetic3A_1897 : i32 to vector<16xi32>
      %shift_right_arithmetic3A_1899 = arith.shrsi %get3A_1869, %shift_right_arithmetic3A_1898 : vector<16xi32>
      %and3A_1900 = arith.constant 31 : i32
      %and3A_1901 = vector.broadcast %and3A_1900 : i32 to vector<16xi32>
      %and3A_1902 = arith.andi %shift_right_arithmetic3A_1899, %and3A_1901 : vector<16xi32>
      %shift_right_arithmetic3A_1903 = arith.shrsi %gather3A_970, %and3A_1902 : vector<16xi32>
      %and3A_1904 = arith.constant 31 : i32
      %and3A_1905 = vector.broadcast %and3A_1904 : i32 to vector<16xi32>
      %and3A_1906 = arith.andi %shift_right_arithmetic3A_1903, %and3A_1905 : vector<16xi32>
      %shift_left3A_1907 = arith.constant 10 : i32
      %shift_left3A_1908 = vector.broadcast %shift_left3A_1907 : i32 to vector<16xi32>
      %shift_left3A_1909 = arith.shli %and3A_1906, %shift_left3A_1908 : vector<16xi32>
      %or3A_1910 = arith.ori %or3A_1896, %shift_left3A_1909 : vector<16xi32>
      %shift_right_arithmetic3A_1911 = arith.constant 15 : i32
      %shift_right_arithmetic3A_1912 = vector.broadcast %shift_right_arithmetic3A_1911 : i32 to vector<16xi32>
      %shift_right_arithmetic3A_1913 = arith.shrsi %get3A_1869, %shift_right_arithmetic3A_1912 : vector<16xi32>
      %and3A_1914 = arith.constant 31 : i32
      %and3A_1915 = vector.broadcast %and3A_1914 : i32 to vector<16xi32>
      %and3A_1916 = arith.andi %shift_right_arithmetic3A_1913, %and3A_1915 : vector<16xi32>
      %shift_right_arithmetic3A_1917 = arith.shrsi %gather3A_970, %and3A_1916 : vector<16xi32>
      %and3A_1918 = arith.constant 31 : i32
      %and3A_1919 = vector.broadcast %and3A_1918 : i32 to vector<16xi32>
      %and3A_1920 = arith.andi %shift_right_arithmetic3A_1917, %and3A_1919 : vector<16xi32>
      %shift_left3A_1921 = arith.constant 15 : i32
      %shift_left3A_1922 = vector.broadcast %shift_left3A_1921 : i32 to vector<16xi32>
      %shift_left3A_1923 = arith.shli %and3A_1920, %shift_left3A_1922 : vector<16xi32>
      %or3A_1924 = arith.ori %or3A_1910, %shift_left3A_1923 : vector<16xi32>
      %shift_right_arithmetic3A_1925 = arith.constant 20 : i32
      %shift_right_arithmetic3A_1926 = vector.broadcast %shift_right_arithmetic3A_1925 : i32 to vector<16xi32>
      %shift_right_arithmetic3A_1927 = arith.shrsi %get3A_1869, %shift_right_arithmetic3A_1926 : vector<16xi32>
      %and3A_1928 = arith.constant 31 : i32
      %and3A_1929 = vector.broadcast %and3A_1928 : i32 to vector<16xi32>
      %and3A_1930 = arith.andi %shift_right_arithmetic3A_1927, %and3A_1929 : vector<16xi32>
      %shift_right_arithmetic3A_1931 = arith.shrsi %gather3A_970, %and3A_1930 : vector<16xi32>
      %and3A_1932 = arith.constant 31 : i32
      %and3A_1933 = vector.broadcast %and3A_1932 : i32 to vector<16xi32>
      %and3A_1934 = arith.andi %shift_right_arithmetic3A_1931, %and3A_1933 : vector<16xi32>
      %shift_left3A_1935 = arith.constant 20 : i32
      %shift_left3A_1936 = vector.broadcast %shift_left3A_1935 : i32 to vector<16xi32>
      %shift_left3A_1937 = arith.shli %and3A_1934, %shift_left3A_1936 : vector<16xi32>
      %or3A_1938 = arith.ori %or3A_1924, %shift_left3A_1937 : vector<16xi32>
      %shift_right_arithmetic3A_1939 = arith.constant 0 : i32
      %shift_right_arithmetic3A_1940 = vector.broadcast %shift_right_arithmetic3A_1939 : i32 to vector<16xi32>
      %shift_right_arithmetic3A_1941 = arith.shrsi %or3A_1938, %shift_right_arithmetic3A_1940 : vector<16xi32>
      %and3A_1942 = arith.constant 31 : i32
      %and3A_1943 = vector.broadcast %and3A_1942 : i32 to vector<16xi32>
      %and3A_1944 = arith.andi %shift_right_arithmetic3A_1941, %and3A_1943 : vector<16xi32>
      %add3A_1945 = arith.constant 64 : i32
      %add3A_1946 = vector.broadcast %add3A_1945 : i32 to vector<16xi32>
      %add3A_1947 = arith.addi %and3A_1944, %add3A_1946 : vector<16xi32>
      %gather3A_1948 = tpu.vector_load_idx %arg8[%add3A_1947] : memref<128xf32, #tpu.memory_space<vmem>>[vector<16xi32>], vector<16xf32>,
      %mul3A_1949 = arith.constant 80 : i32
      %mul3A_1950 = arith.muli %scan3A_1863, %mul3A_1949 : i32
      %add3A_1951 = arith.constant 0 : i32
      %add3A_1952 = arith.addi %mul3A_1950, %add3A_1951 : i32
      %add3A_1953 = arith.constant 0 : i32
      %add3A_1954 = arith.addi %add3A_1953, %add3A_1952 : i32
      %add3A_1955 = vector.broadcast %add3A_1954 : i32 to vector<16xi32>
      %add3A_1956 = arith.addi %mul3A_4, %add3A_1955 : vector<16xi32>
      tpu.vector_store_idx %arg7[%add3A_1956], %gather3A_1948 : memref<81920xf32, #tpu.memory_space<vmem>>[vector<16xi32>], vector<16xf32>,
      %shift_right_arithmetic3A_1957 = arith.constant 5 : i32
      %shift_right_arithmetic3A_1958 = vector.broadcast %shift_right_arithmetic3A_1957 : i32 to vector<16xi32>
      %shift_right_arithmetic3A_1959 = arith.shrsi %or3A_1938, %shift_right_arithmetic3A_1958 : vector<16xi32>
      %and3A_1960 = arith.constant 31 : i32
      %and3A_1961 = vector.broadcast %and3A_1960 : i32 to vector<16xi32>
      %and3A_1962 = arith.andi %shift_right_arithmetic3A_1959, %and3A_1961 : vector<16xi32>
      %add3A_1963 = arith.constant 64 : i32
      %add3A_1964 = vector.broadcast %add3A_1963 : i32 to vector<16xi32>
      %add3A_1965 = arith.addi %and3A_1962, %add3A_1964 : vector<16xi32>
      %gather3A_1966 = tpu.vector_load_idx %arg8[%add3A_1965] : memref<128xf32, #tpu.memory_space<vmem>>[vector<16xi32>], vector<16xf32>,
      %mul3A_1967 = arith.constant 80 : i32
      %mul3A_1968 = arith.muli %scan3A_1863, %mul3A_1967 : i32
      %add3A_1969 = arith.constant 1 : i32
      %add3A_1970 = arith.addi %mul3A_1968, %add3A_1969 : i32
      %add3A_1971 = arith.constant 0 : i32
      %add3A_1972 = arith.addi %add3A_1971, %add3A_1970 : i32
      %add3A_1973 = vector.broadcast %add3A_1972 : i32 to vector<16xi32>
      %add3A_1974 = arith.addi %mul3A_4, %add3A_1973 : vector<16xi32>
      tpu.vector_store_idx %arg7[%add3A_1974], %gather3A_1966 : memref<81920xf32, #tpu.memory_space<vmem>>[vector<16xi32>], vector<16xf32>,
      %shift_right_arithmetic3A_1975 = arith.constant 10 : i32
      %shift_right_arithmetic3A_1976 = vector.broadcast %shift_right_arithmetic3A_1975 : i32 to vector<16xi32>
      %shift_right_arithmetic3A_1977 = arith.shrsi %or3A_1938, %shift_right_arithmetic3A_1976 : vector<16xi32>
      %and3A_1978 = arith.constant 31 : i32
      %and3A_1979 = vector.broadcast %and3A_1978 : i32 to vector<16xi32>
      %and3A_1980 = arith.andi %shift_right_arithmetic3A_1977, %and3A_1979 : vector<16xi32>
      %add3A_1981 = arith.constant 64 : i32
      %add3A_1982 = vector.broadcast %add3A_1981 : i32 to vector<16xi32>
      %add3A_1983 = arith.addi %and3A_1980, %add3A_1982 : vector<16xi32>
      %gather3A_1984 = tpu.vector_load_idx %arg8[%add3A_1983] : memref<128xf32, #tpu.memory_space<vmem>>[vector<16xi32>], vector<16xf32>,
      %mul3A_1985 = arith.constant 80 : i32
      %mul3A_1986 = arith.muli %scan3A_1863, %mul3A_1985 : i32
      %add3A_1987 = arith.constant 2 : i32
      %add3A_1988 = arith.addi %mul3A_1986, %add3A_1987 : i32
      %add3A_1989 = arith.constant 0 : i32
      %add3A_1990 = arith.addi %add3A_1989, %add3A_1988 : i32
      %add3A_1991 = vector.broadcast %add3A_1990 : i32 to vector<16xi32>
      %add3A_1992 = arith.addi %mul3A_4, %add3A_1991 : vector<16xi32>
      tpu.vector_store_idx %arg7[%add3A_1992], %gather3A_1984 : memref<81920xf32, #tpu.memory_space<vmem>>[vector<16xi32>], vector<16xf32>,
      %shift_right_arithmetic3A_1993 = arith.constant 15 : i32
      %shift_right_arithmetic3A_1994 = vector.broadcast %shift_right_arithmetic3A_1993 : i32 to vector<16xi32>
      %shift_right_arithmetic3A_1995 = arith.shrsi %or3A_1938, %shift_right_arithmetic3A_1994 : vector<16xi32>
      %and3A_1996 = arith.constant 31 : i32
      %and3A_1997 = vector.broadcast %and3A_1996 : i32 to vector<16xi32>
      %and3A_1998 = arith.andi %shift_right_arithmetic3A_1995, %and3A_1997 : vector<16xi32>
      %add3A_1999 = arith.constant 64 : i32
      %add3A_2000 = vector.broadcast %add3A_1999 : i32 to vector<16xi32>
      %add3A_2001 = arith.addi %and3A_1998, %add3A_2000 : vector<16xi32>
      %gather3A_2002 = tpu.vector_load_idx %arg8[%add3A_2001] : memref<128xf32, #tpu.memory_space<vmem>>[vector<16xi32>], vector<16xf32>,
      %mul3A_2003 = arith.constant 80 : i32
      %mul3A_2004 = arith.muli %scan3A_1863, %mul3A_2003 : i32
      %add3A_2005 = arith.constant 3 : i32
      %add3A_2006 = arith.addi %mul3A_2004, %add3A_2005 : i32
      %add3A_2007 = arith.constant 0 : i32
      %add3A_2008 = arith.addi %add3A_2007, %add3A_2006 : i32
      %add3A_2009 = vector.broadcast %add3A_2008 : i32 to vector<16xi32>
      %add3A_2010 = arith.addi %mul3A_4, %add3A_2009 : vector<16xi32>
      tpu.vector_store_idx %arg7[%add3A_2010], %gather3A_2002 : memref<81920xf32, #tpu.memory_space<vmem>>[vector<16xi32>], vector<16xf32>,
      %shift_right_arithmetic3A_2011 = arith.constant 20 : i32
      %shift_right_arithmetic3A_2012 = vector.broadcast %shift_right_arithmetic3A_2011 : i32 to vector<16xi32>
      %shift_right_arithmetic3A_2013 = arith.shrsi %or3A_1938, %shift_right_arithmetic3A_2012 : vector<16xi32>
      %and3A_2014 = arith.constant 31 : i32
      %and3A_2015 = vector.broadcast %and3A_2014 : i32 to vector<16xi32>
      %and3A_2016 = arith.andi %shift_right_arithmetic3A_2013, %and3A_2015 : vector<16xi32>
      %add3A_2017 = arith.constant 64 : i32
      %add3A_2018 = vector.broadcast %add3A_2017 : i32 to vector<16xi32>
      %add3A_2019 = arith.addi %and3A_2016, %add3A_2018 : vector<16xi32>
      %gather3A_2020 = tpu.vector_load_idx %arg8[%add3A_2019] : memref<128xf32, #tpu.memory_space<vmem>>[vector<16xi32>], vector<16xf32>,
      %mul3A_2021 = arith.constant 80 : i32
      %mul3A_2022 = arith.muli %scan3A_1863, %mul3A_2021 : i32
      %add3A_2023 = arith.constant 4 : i32
      %add3A_2024 = arith.addi %mul3A_2022, %add3A_2023 : i32
      %add3A_2025 = arith.constant 0 : i32
      %add3A_2026 = arith.addi %add3A_2025, %add3A_2024 : i32
      %add3A_2027 = vector.broadcast %add3A_2026 : i32 to vector<16xi32>
      %add3A_2028 = arith.addi %mul3A_4, %add3A_2027 : vector<16xi32>
      tpu.vector_store_idx %arg7[%add3A_2028], %gather3A_2020 : memref<81920xf32, #tpu.memory_space<vmem>>[vector<16xi32>], vector<16xf32>,
    }
    %scan3A_988 = arith.constant 512 : i32
    %add3A_989 = arith.constant 2 : i32
    %add3A_990 = arith.addi %mul3A_7, %add3A_989 : i32
    %dma_start3A_991 = arith.constant 0 : i32
    %dma_start3A_992 = tpu.memref_slice %arg7[%dma_start3A_991] : memref<81920xf32, #tpu.memory_space<vmem>> -> memref<40960xf32, #tpu.memory_space<vmem>>
    %dma_start3A_993 = arith.constant 0 : i32
    %dma_start3A_994 = tpu.memref_slice %arg5[%add3A_990, %dma_start3A_993] : memref<128x40960xf32, #tpu.memory_space<hbm>> -> memref<1x40960xf32, #tpu.memory_space<hbm>>
    %dma_start3A_995 = tpu.memref_squeeze %dma_start3A_994 : memref<1x40960xf32, #tpu.memory_space<hbm>> -> memref<40960xf32, #tpu.memory_space<hbm>>
    %dma_start3A_996 = arith.constant 0 : i32
    %dma_start3A_997 = tpu.memref_slice %arg5[%add3A_990, %dma_start3A_996] : memref<128x40960xf32, #tpu.memory_space<hbm>> -> memref<1x40960xf32, #tpu.memory_space<hbm>>
    %dma_start3A_998 = tpu.memref_squeeze %dma_start3A_997 : memref<1x40960xf32, #tpu.memory_space<hbm>> -> memref<40960xf32, #tpu.memory_space<hbm>>
    %dma_start3A_999 = arith.constant 0 : i32
    %dma_start3A_1000 = tpu.memref_slice %arg7[%dma_start3A_999] : memref<81920xf32, #tpu.memory_space<vmem>> -> memref<40960xf32, #tpu.memory_space<vmem>>
    tpu.enqueue_dma source(%dma_start3A_1000 : memref<40960xf32, #tpu.memory_space<vmem>>) target(%dma_start3A_998 : memref<40960xf32, #tpu.memory_space<hbm>>) target_semaphore(%arg11 : memref<!tpu.dma_semaphore, #tpu.memory_space<semaphore_mem>>)
    %swap3A_1001 = arith.constant 16 : index
    %swap3A_1002 = tpu.vector_load %arg10[%swap3A_1001] {strides = array<i32>} : memref<32xi32, #tpu.memory_space<vmem>>, vector<16xi32>,
    tpu.vector_store %arg10[%swap3A_1001], %scan3A_21#3 {strides = array<i32>} : memref<32xi32, #tpu.memory_space<vmem>>, vector<16xi32>,
    %add3A_1003 = arith.constant 15 : i32
    %add3A_1004 = vector.broadcast %add3A_1003 : i32 to vector<16xi32>
    %add3A_1005 = arith.addi %iota3A, %add3A_1004 : vector<16xi32>
    %gather3A_1006 = tpu.vector_load_idx %arg10[%add3A_1005] : memref<32xi32, #tpu.memory_space<vmem>>[vector<16xi32>], vector<16xi32>,
    %shift_right_arithmetic3A_1007 = arith.constant 0 : i32
    %shift_right_arithmetic3A_1008 = vector.broadcast %shift_right_arithmetic3A_1007 : i32 to vector<16xi32>
    %shift_right_arithmetic3A_1009 = arith.shrsi %scan3A_21#3, %shift_right_arithmetic3A_1008 : vector<16xi32>
    %and3A_1010 = arith.constant 31 : i32
    %and3A_1011 = vector.broadcast %and3A_1010 : i32 to vector<16xi32>
    %and3A_1012 = arith.andi %shift_right_arithmetic3A_1009, %and3A_1011 : vector<16xi32>
    %shift_right_arithmetic3A_1013 = arith.shrsi %gather3A_1006, %and3A_1012 : vector<16xi32>
    %and3A_1014 = arith.constant 31 : i32
    %and3A_1015 = vector.broadcast %and3A_1014 : i32 to vector<16xi32>
    %and3A_1016 = arith.andi %shift_right_arithmetic3A_1013, %and3A_1015 : vector<16xi32>
    %shift_left3A_1017 = arith.constant 0 : i32
    %shift_left3A_1018 = vector.broadcast %shift_left3A_1017 : i32 to vector<16xi32>
    %shift_left3A_1019 = arith.shli %and3A_1016, %shift_left3A_1018 : vector<16xi32>
    %shift_right_arithmetic3A_1020 = arith.constant 5 : i32
    %shift_right_arithmetic3A_1021 = vector.broadcast %shift_right_arithmetic3A_1020 : i32 to vector<16xi32>
    %shift_right_arithmetic3A_1022 = arith.shrsi %scan3A_21#3, %shift_right_arithmetic3A_1021 : vector<16xi32>
    %and3A_1023 = arith.constant 31 : i32
    %and3A_1024 = vector.broadcast %and3A_1023 : i32 to vector<16xi32>
    %and3A_1025 = arith.andi %shift_right_arithmetic3A_1022, %and3A_1024 : vector<16xi32>
    %shift_right_arithmetic3A_1026 = arith.shrsi %gather3A_1006, %and3A_1025 : vector<16xi32>
    %and3A_1027 = arith.constant 31 : i32
    %and3A_1028 = vector.broadcast %and3A_1027 : i32 to vector<16xi32>
    %and3A_1029 = arith.andi %shift_right_arithmetic3A_1026, %and3A_1028 : vector<16xi32>
    %shift_left3A_1030 = arith.constant 5 : i32
    %shift_left3A_1031 = vector.broadcast %shift_left3A_1030 : i32 to vector<16xi32>
    %shift_left3A_1032 = arith.shli %and3A_1029, %shift_left3A_1031 : vector<16xi32>
    %or3A_1033 = arith.ori %shift_left3A_1019, %shift_left3A_1032 : vector<16xi32>
    %shift_right_arithmetic3A_1034 = arith.constant 10 : i32
    %shift_right_arithmetic3A_1035 = vector.broadcast %shift_right_arithmetic3A_1034 : i32 to vector<16xi32>
    %shift_right_arithmetic3A_1036 = arith.shrsi %scan3A_21#3, %shift_right_arithmetic3A_1035 : vector<16xi32>
    %and3A_1037 = arith.constant 31 : i32
    %and3A_1038 = vector.broadcast %and3A_1037 : i32 to vector<16xi32>
    %and3A_1039 = arith.andi %shift_right_arithmetic3A_1036, %and3A_1038 : vector<16xi32>
    %shift_right_arithmetic3A_1040 = arith.shrsi %gather3A_1006, %and3A_1039 : vector<16xi32>
    %and3A_1041 = arith.constant 31 : i32
    %and3A_1042 = vector.broadcast %and3A_1041 : i32 to vector<16xi32>
    %and3A_1043 = arith.andi %shift_right_arithmetic3A_1040, %and3A_1042 : vector<16xi32>
    %shift_left3A_1044 = arith.constant 10 : i32
    %shift_left3A_1045 = vector.broadcast %shift_left3A_1044 : i32 to vector<16xi32>
    %shift_left3A_1046 = arith.shli %and3A_1043, %shift_left3A_1045 : vector<16xi32>
    %or3A_1047 = arith.ori %or3A_1033, %shift_left3A_1046 : vector<16xi32>
    %shift_right_arithmetic3A_1048 = arith.constant 15 : i32
    %shift_right_arithmetic3A_1049 = vector.broadcast %shift_right_arithmetic3A_1048 : i32 to vector<16xi32>
    %shift_right_arithmetic3A_1050 = arith.shrsi %scan3A_21#3, %shift_right_arithmetic3A_1049 : vector<16xi32>
    %and3A_1051 = arith.constant 31 : i32
    %and3A_1052 = vector.broadcast %and3A_1051 : i32 to vector<16xi32>
    %and3A_1053 = arith.andi %shift_right_arithmetic3A_1050, %and3A_1052 : vector<16xi32>
    %shift_right_arithmetic3A_1054 = arith.shrsi %gather3A_1006, %and3A_1053 : vector<16xi32>
    %and3A_1055 = arith.constant 31 : i32
    %and3A_1056 = vector.broadcast %and3A_1055 : i32 to vector<16xi32>
    %and3A_1057 = arith.andi %shift_right_arithmetic3A_1054, %and3A_1056 : vector<16xi32>
    %shift_left3A_1058 = arith.constant 15 : i32
    %shift_left3A_1059 = vector.broadcast %shift_left3A_1058 : i32 to vector<16xi32>
    %shift_left3A_1060 = arith.shli %and3A_1057, %shift_left3A_1059 : vector<16xi32>
    %or3A_1061 = arith.ori %or3A_1047, %shift_left3A_1060 : vector<16xi32>
    %shift_right_arithmetic3A_1062 = arith.constant 20 : i32
    %shift_right_arithmetic3A_1063 = vector.broadcast %shift_right_arithmetic3A_1062 : i32 to vector<16xi32>
    %shift_right_arithmetic3A_1064 = arith.shrsi %scan3A_21#3, %shift_right_arithmetic3A_1063 : vector<16xi32>
    %and3A_1065 = arith.constant 31 : i32
    %and3A_1066 = vector.broadcast %and3A_1065 : i32 to vector<16xi32>
    %and3A_1067 = arith.andi %shift_right_arithmetic3A_1064, %and3A_1066 : vector<16xi32>
    %shift_right_arithmetic3A_1068 = arith.shrsi %gather3A_1006, %and3A_1067 : vector<16xi32>
    %and3A_1069 = arith.constant 31 : i32
    %and3A_1070 = vector.broadcast %and3A_1069 : i32 to vector<16xi32>
    %and3A_1071 = arith.andi %shift_right_arithmetic3A_1068, %and3A_1070 : vector<16xi32>
    %shift_left3A_1072 = arith.constant 20 : i32
    %shift_left3A_1073 = vector.broadcast %shift_left3A_1072 : i32 to vector<16xi32>
    %shift_left3A_1074 = arith.shli %and3A_1071, %shift_left3A_1073 : vector<16xi32>
    %or3A_1075 = arith.ori %or3A_1061, %shift_left3A_1074 : vector<16xi32>
    %swap3A_1076 = arith.constant 16 : index
    %swap3A_1077 = tpu.vector_load %arg10[%swap3A_1076] {strides = array<i32>} : memref<32xi32, #tpu.memory_space<vmem>>, vector<16xi32>,
    tpu.vector_store %arg10[%swap3A_1076], %or3A_1075 {strides = array<i32>} : memref<32xi32, #tpu.memory_space<vmem>>, vector<16xi32>,
    %add3A_1078 = arith.constant 14 : i32
    %add3A_1079 = vector.broadcast %add3A_1078 : i32 to vector<16xi32>
    %add3A_1080 = arith.addi %iota3A, %add3A_1079 : vector<16xi32>
    %gather3A_1081 = tpu.vector_load_idx %arg10[%add3A_1080] : memref<32xi32, #tpu.memory_space<vmem>>[vector<16xi32>], vector<16xi32>,
    %shift_right_arithmetic3A_1082 = arith.constant 0 : i32
    %shift_right_arithmetic3A_1083 = vector.broadcast %shift_right_arithmetic3A_1082 : i32 to vector<16xi32>
    %shift_right_arithmetic3A_1084 = arith.shrsi %or3A_1075, %shift_right_arithmetic3A_1083 : vector<16xi32>
    %and3A_1085 = arith.constant 31 : i32
    %and3A_1086 = vector.broadcast %and3A_1085 : i32 to vector<16xi32>
    %and3A_1087 = arith.andi %shift_right_arithmetic3A_1084, %and3A_1086 : vector<16xi32>
    %shift_right_arithmetic3A_1088 = arith.shrsi %gather3A_1081, %and3A_1087 : vector<16xi32>
    %and3A_1089 = arith.constant 31 : i32
    %and3A_1090 = vector.broadcast %and3A_1089 : i32 to vector<16xi32>
    %and3A_1091 = arith.andi %shift_right_arithmetic3A_1088, %and3A_1090 : vector<16xi32>
    %shift_left3A_1092 = arith.constant 0 : i32
    %shift_left3A_1093 = vector.broadcast %shift_left3A_1092 : i32 to vector<16xi32>
    %shift_left3A_1094 = arith.shli %and3A_1091, %shift_left3A_1093 : vector<16xi32>
    %shift_right_arithmetic3A_1095 = arith.constant 5 : i32
    %shift_right_arithmetic3A_1096 = vector.broadcast %shift_right_arithmetic3A_1095 : i32 to vector<16xi32>
    %shift_right_arithmetic3A_1097 = arith.shrsi %or3A_1075, %shift_right_arithmetic3A_1096 : vector<16xi32>
    %and3A_1098 = arith.constant 31 : i32
    %and3A_1099 = vector.broadcast %and3A_1098 : i32 to vector<16xi32>
    %and3A_1100 = arith.andi %shift_right_arithmetic3A_1097, %and3A_1099 : vector<16xi32>
    %shift_right_arithmetic3A_1101 = arith.shrsi %gather3A_1081, %and3A_1100 : vector<16xi32>
    %and3A_1102 = arith.constant 31 : i32
    %and3A_1103 = vector.broadcast %and3A_1102 : i32 to vector<16xi32>
    %and3A_1104 = arith.andi %shift_right_arithmetic3A_1101, %and3A_1103 : vector<16xi32>
    %shift_left3A_1105 = arith.constant 5 : i32
    %shift_left3A_1106 = vector.broadcast %shift_left3A_1105 : i32 to vector<16xi32>
    %shift_left3A_1107 = arith.shli %and3A_1104, %shift_left3A_1106 : vector<16xi32>
    %or3A_1108 = arith.ori %shift_left3A_1094, %shift_left3A_1107 : vector<16xi32>
    %shift_right_arithmetic3A_1109 = arith.constant 10 : i32
    %shift_right_arithmetic3A_1110 = vector.broadcast %shift_right_arithmetic3A_1109 : i32 to vector<16xi32>
    %shift_right_arithmetic3A_1111 = arith.shrsi %or3A_1075, %shift_right_arithmetic3A_1110 : vector<16xi32>
    %and3A_1112 = arith.constant 31 : i32
    %and3A_1113 = vector.broadcast %and3A_1112 : i32 to vector<16xi32>
    %and3A_1114 = arith.andi %shift_right_arithmetic3A_1111, %and3A_1113 : vector<16xi32>
    %shift_right_arithmetic3A_1115 = arith.shrsi %gather3A_1081, %and3A_1114 : vector<16xi32>
    %and3A_1116 = arith.constant 31 : i32
    %and3A_1117 = vector.broadcast %and3A_1116 : i32 to vector<16xi32>
    %and3A_1118 = arith.andi %shift_right_arithmetic3A_1115, %and3A_1117 : vector<16xi32>
    %shift_left3A_1119 = arith.constant 10 : i32
    %shift_left3A_1120 = vector.broadcast %shift_left3A_1119 : i32 to vector<16xi32>
    %shift_left3A_1121 = arith.shli %and3A_1118, %shift_left3A_1120 : vector<16xi32>
    %or3A_1122 = arith.ori %or3A_1108, %shift_left3A_1121 : vector<16xi32>
    %shift_right_arithmetic3A_1123 = arith.constant 15 : i32
    %shift_right_arithmetic3A_1124 = vector.broadcast %shift_right_arithmetic3A_1123 : i32 to vector<16xi32>
    %shift_right_arithmetic3A_1125 = arith.shrsi %or3A_1075, %shift_right_arithmetic3A_1124 : vector<16xi32>
    %and3A_1126 = arith.constant 31 : i32
    %and3A_1127 = vector.broadcast %and3A_1126 : i32 to vector<16xi32>
    %and3A_1128 = arith.andi %shift_right_arithmetic3A_1125, %and3A_1127 : vector<16xi32>
    %shift_right_arithmetic3A_1129 = arith.shrsi %gather3A_1081, %and3A_1128 : vector<16xi32>
    %and3A_1130 = arith.constant 31 : i32
    %and3A_1131 = vector.broadcast %and3A_1130 : i32 to vector<16xi32>
    %and3A_1132 = arith.andi %shift_right_arithmetic3A_1129, %and3A_1131 : vector<16xi32>
    %shift_left3A_1133 = arith.constant 15 : i32
    %shift_left3A_1134 = vector.broadcast %shift_left3A_1133 : i32 to vector<16xi32>
    %shift_left3A_1135 = arith.shli %and3A_1132, %shift_left3A_1134 : vector<16xi32>
    %or3A_1136 = arith.ori %or3A_1122, %shift_left3A_1135 : vector<16xi32>
    %shift_right_arithmetic3A_1137 = arith.constant 20 : i32
    %shift_right_arithmetic3A_1138 = vector.broadcast %shift_right_arithmetic3A_1137 : i32 to vector<16xi32>
    %shift_right_arithmetic3A_1139 = arith.shrsi %or3A_1075, %shift_right_arithmetic3A_1138 : vector<16xi32>
    %and3A_1140 = arith.constant 31 : i32
    %and3A_1141 = vector.broadcast %and3A_1140 : i32 to vector<16xi32>
    %and3A_1142 = arith.andi %shift_right_arithmetic3A_1139, %and3A_1141 : vector<16xi32>
    %shift_right_arithmetic3A_1143 = arith.shrsi %gather3A_1081, %and3A_1142 : vector<16xi32>
    %and3A_1144 = arith.constant 31 : i32
    %and3A_1145 = vector.broadcast %and3A_1144 : i32 to vector<16xi32>
    %and3A_1146 = arith.andi %shift_right_arithmetic3A_1143, %and3A_1145 : vector<16xi32>
    %shift_left3A_1147 = arith.constant 20 : i32
    %shift_left3A_1148 = vector.broadcast %shift_left3A_1147 : i32 to vector<16xi32>
    %shift_left3A_1149 = arith.shli %and3A_1146, %shift_left3A_1148 : vector<16xi32>
    %or3A_1150 = arith.ori %or3A_1136, %shift_left3A_1149 : vector<16xi32>
    %swap3A_1151 = arith.constant 16 : index
    %swap3A_1152 = tpu.vector_load %arg10[%swap3A_1151] {strides = array<i32>} : memref<32xi32, #tpu.memory_space<vmem>>, vector<16xi32>,
    tpu.vector_store %arg10[%swap3A_1151], %or3A_1150 {strides = array<i32>} : memref<32xi32, #tpu.memory_space<vmem>>, vector<16xi32>,
    %add3A_1153 = arith.constant 12 : i32
    %add3A_1154 = vector.broadcast %add3A_1153 : i32 to vector<16xi32>
    %add3A_1155 = arith.addi %iota3A, %add3A_1154 : vector<16xi32>
    %gather3A_1156 = tpu.vector_load_idx %arg10[%add3A_1155] : memref<32xi32, #tpu.memory_space<vmem>>[vector<16xi32>], vector<16xi32>,
    %shift_right_arithmetic3A_1157 = arith.constant 0 : i32
    %shift_right_arithmetic3A_1158 = vector.broadcast %shift_right_arithmetic3A_1157 : i32 to vector<16xi32>
    %shift_right_arithmetic3A_1159 = arith.shrsi %or3A_1150, %shift_right_arithmetic3A_1158 : vector<16xi32>
    %and3A_1160 = arith.constant 31 : i32
    %and3A_1161 = vector.broadcast %and3A_1160 : i32 to vector<16xi32>
    %and3A_1162 = arith.andi %shift_right_arithmetic3A_1159, %and3A_1161 : vector<16xi32>
    %shift_right_arithmetic3A_1163 = arith.shrsi %gather3A_1156, %and3A_1162 : vector<16xi32>
    %and3A_1164 = arith.constant 31 : i32
    %and3A_1165 = vector.broadcast %and3A_1164 : i32 to vector<16xi32>
    %and3A_1166 = arith.andi %shift_right_arithmetic3A_1163, %and3A_1165 : vector<16xi32>
    %shift_left3A_1167 = arith.constant 0 : i32
    %shift_left3A_1168 = vector.broadcast %shift_left3A_1167 : i32 to vector<16xi32>
    %shift_left3A_1169 = arith.shli %and3A_1166, %shift_left3A_1168 : vector<16xi32>
    %shift_right_arithmetic3A_1170 = arith.constant 5 : i32
    %shift_right_arithmetic3A_1171 = vector.broadcast %shift_right_arithmetic3A_1170 : i32 to vector<16xi32>
    %shift_right_arithmetic3A_1172 = arith.shrsi %or3A_1150, %shift_right_arithmetic3A_1171 : vector<16xi32>
    %and3A_1173 = arith.constant 31 : i32
    %and3A_1174 = vector.broadcast %and3A_1173 : i32 to vector<16xi32>
    %and3A_1175 = arith.andi %shift_right_arithmetic3A_1172, %and3A_1174 : vector<16xi32>
    %shift_right_arithmetic3A_1176 = arith.shrsi %gather3A_1156, %and3A_1175 : vector<16xi32>
    %and3A_1177 = arith.constant 31 : i32
    %and3A_1178 = vector.broadcast %and3A_1177 : i32 to vector<16xi32>
    %and3A_1179 = arith.andi %shift_right_arithmetic3A_1176, %and3A_1178 : vector<16xi32>
    %shift_left3A_1180 = arith.constant 5 : i32
    %shift_left3A_1181 = vector.broadcast %shift_left3A_1180 : i32 to vector<16xi32>
    %shift_left3A_1182 = arith.shli %and3A_1179, %shift_left3A_1181 : vector<16xi32>
    %or3A_1183 = arith.ori %shift_left3A_1169, %shift_left3A_1182 : vector<16xi32>
    %shift_right_arithmetic3A_1184 = arith.constant 10 : i32
    %shift_right_arithmetic3A_1185 = vector.broadcast %shift_right_arithmetic3A_1184 : i32 to vector<16xi32>
    %shift_right_arithmetic3A_1186 = arith.shrsi %or3A_1150, %shift_right_arithmetic3A_1185 : vector<16xi32>
    %and3A_1187 = arith.constant 31 : i32
    %and3A_1188 = vector.broadcast %and3A_1187 : i32 to vector<16xi32>
    %and3A_1189 = arith.andi %shift_right_arithmetic3A_1186, %and3A_1188 : vector<16xi32>
    %shift_right_arithmetic3A_1190 = arith.shrsi %gather3A_1156, %and3A_1189 : vector<16xi32>
    %and3A_1191 = arith.constant 31 : i32
    %and3A_1192 = vector.broadcast %and3A_1191 : i32 to vector<16xi32>
    %and3A_1193 = arith.andi %shift_right_arithmetic3A_1190, %and3A_1192 : vector<16xi32>
    %shift_left3A_1194 = arith.constant 10 : i32
    %shift_left3A_1195 = vector.broadcast %shift_left3A_1194 : i32 to vector<16xi32>
    %shift_left3A_1196 = arith.shli %and3A_1193, %shift_left3A_1195 : vector<16xi32>
    %or3A_1197 = arith.ori %or3A_1183, %shift_left3A_1196 : vector<16xi32>
    %shift_right_arithmetic3A_1198 = arith.constant 15 : i32
    %shift_right_arithmetic3A_1199 = vector.broadcast %shift_right_arithmetic3A_1198 : i32 to vector<16xi32>
    %shift_right_arithmetic3A_1200 = arith.shrsi %or3A_1150, %shift_right_arithmetic3A_1199 : vector<16xi32>
    %and3A_1201 = arith.constant 31 : i32
    %and3A_1202 = vector.broadcast %and3A_1201 : i32 to vector<16xi32>
    %and3A_1203 = arith.andi %shift_right_arithmetic3A_1200, %and3A_1202 : vector<16xi32>
    %shift_right_arithmetic3A_1204 = arith.shrsi %gather3A_1156, %and3A_1203 : vector<16xi32>
    %and3A_1205 = arith.constant 31 : i32
    %and3A_1206 = vector.broadcast %and3A_1205 : i32 to vector<16xi32>
    %and3A_1207 = arith.andi %shift_right_arithmetic3A_1204, %and3A_1206 : vector<16xi32>
    %shift_left3A_1208 = arith.constant 15 : i32
    %shift_left3A_1209 = vector.broadcast %shift_left3A_1208 : i32 to vector<16xi32>
    %shift_left3A_1210 = arith.shli %and3A_1207, %shift_left3A_1209 : vector<16xi32>
    %or3A_1211 = arith.ori %or3A_1197, %shift_left3A_1210 : vector<16xi32>
    %shift_right_arithmetic3A_1212 = arith.constant 20 : i32
    %shift_right_arithmetic3A_1213 = vector.broadcast %shift_right_arithmetic3A_1212 : i32 to vector<16xi32>
    %shift_right_arithmetic3A_1214 = arith.shrsi %or3A_1150, %shift_right_arithmetic3A_1213 : vector<16xi32>
    %and3A_1215 = arith.constant 31 : i32
    %and3A_1216 = vector.broadcast %and3A_1215 : i32 to vector<16xi32>
    %and3A_1217 = arith.andi %shift_right_arithmetic3A_1214, %and3A_1216 : vector<16xi32>
    %shift_right_arithmetic3A_1218 = arith.shrsi %gather3A_1156, %and3A_1217 : vector<16xi32>
    %and3A_1219 = arith.constant 31 : i32
    %and3A_1220 = vector.broadcast %and3A_1219 : i32 to vector<16xi32>
    %and3A_1221 = arith.andi %shift_right_arithmetic3A_1218, %and3A_1220 : vector<16xi32>
    %shift_left3A_1222 = arith.constant 20 : i32
    %shift_left3A_1223 = vector.broadcast %shift_left3A_1222 : i32 to vector<16xi32>
    %shift_left3A_1224 = arith.shli %and3A_1221, %shift_left3A_1223 : vector<16xi32>
    %or3A_1225 = arith.ori %or3A_1211, %shift_left3A_1224 : vector<16xi32>
    %swap3A_1226 = arith.constant 16 : index
    %swap3A_1227 = tpu.vector_load %arg10[%swap3A_1226] {strides = array<i32>} : memref<32xi32, #tpu.memory_space<vmem>>, vector<16xi32>,
    tpu.vector_store %arg10[%swap3A_1226], %or3A_1225 {strides = array<i32>} : memref<32xi32, #tpu.memory_space<vmem>>, vector<16xi32>,
    %add3A_1228 = arith.constant 8 : i32
    %add3A_1229 = vector.broadcast %add3A_1228 : i32 to vector<16xi32>
    %add3A_1230 = arith.addi %iota3A, %add3A_1229 : vector<16xi32>
    %gather3A_1231 = tpu.vector_load_idx %arg10[%add3A_1230] : memref<32xi32, #tpu.memory_space<vmem>>[vector<16xi32>], vector<16xi32>,
    %shift_right_arithmetic3A_1232 = arith.constant 0 : i32
    %shift_right_arithmetic3A_1233 = vector.broadcast %shift_right_arithmetic3A_1232 : i32 to vector<16xi32>
    %shift_right_arithmetic3A_1234 = arith.shrsi %or3A_1225, %shift_right_arithmetic3A_1233 : vector<16xi32>
    %and3A_1235 = arith.constant 31 : i32
    %and3A_1236 = vector.broadcast %and3A_1235 : i32 to vector<16xi32>
    %and3A_1237 = arith.andi %shift_right_arithmetic3A_1234, %and3A_1236 : vector<16xi32>
    %shift_right_arithmetic3A_1238 = arith.shrsi %gather3A_1231, %and3A_1237 : vector<16xi32>
    %and3A_1239 = arith.constant 31 : i32
    %and3A_1240 = vector.broadcast %and3A_1239 : i32 to vector<16xi32>
    %and3A_1241 = arith.andi %shift_right_arithmetic3A_1238, %and3A_1240 : vector<16xi32>
    %shift_left3A_1242 = arith.constant 0 : i32
    %shift_left3A_1243 = vector.broadcast %shift_left3A_1242 : i32 to vector<16xi32>
    %shift_left3A_1244 = arith.shli %and3A_1241, %shift_left3A_1243 : vector<16xi32>
    %shift_right_arithmetic3A_1245 = arith.constant 5 : i32
    %shift_right_arithmetic3A_1246 = vector.broadcast %shift_right_arithmetic3A_1245 : i32 to vector<16xi32>
    %shift_right_arithmetic3A_1247 = arith.shrsi %or3A_1225, %shift_right_arithmetic3A_1246 : vector<16xi32>
    %and3A_1248 = arith.constant 31 : i32
    %and3A_1249 = vector.broadcast %and3A_1248 : i32 to vector<16xi32>
    %and3A_1250 = arith.andi %shift_right_arithmetic3A_1247, %and3A_1249 : vector<16xi32>
    %shift_right_arithmetic3A_1251 = arith.shrsi %gather3A_1231, %and3A_1250 : vector<16xi32>
    %and3A_1252 = arith.constant 31 : i32
    %and3A_1253 = vector.broadcast %and3A_1252 : i32 to vector<16xi32>
    %and3A_1254 = arith.andi %shift_right_arithmetic3A_1251, %and3A_1253 : vector<16xi32>
    %shift_left3A_1255 = arith.constant 5 : i32
    %shift_left3A_1256 = vector.broadcast %shift_left3A_1255 : i32 to vector<16xi32>
    %shift_left3A_1257 = arith.shli %and3A_1254, %shift_left3A_1256 : vector<16xi32>
    %or3A_1258 = arith.ori %shift_left3A_1244, %shift_left3A_1257 : vector<16xi32>
    %shift_right_arithmetic3A_1259 = arith.constant 10 : i32
    %shift_right_arithmetic3A_1260 = vector.broadcast %shift_right_arithmetic3A_1259 : i32 to vector<16xi32>
    %shift_right_arithmetic3A_1261 = arith.shrsi %or3A_1225, %shift_right_arithmetic3A_1260 : vector<16xi32>
    %and3A_1262 = arith.constant 31 : i32
    %and3A_1263 = vector.broadcast %and3A_1262 : i32 to vector<16xi32>
    %and3A_1264 = arith.andi %shift_right_arithmetic3A_1261, %and3A_1263 : vector<16xi32>
    %shift_right_arithmetic3A_1265 = arith.shrsi %gather3A_1231, %and3A_1264 : vector<16xi32>
    %and3A_1266 = arith.constant 31 : i32
    %and3A_1267 = vector.broadcast %and3A_1266 : i32 to vector<16xi32>
    %and3A_1268 = arith.andi %shift_right_arithmetic3A_1265, %and3A_1267 : vector<16xi32>
    %shift_left3A_1269 = arith.constant 10 : i32
    %shift_left3A_1270 = vector.broadcast %shift_left3A_1269 : i32 to vector<16xi32>
    %shift_left3A_1271 = arith.shli %and3A_1268, %shift_left3A_1270 : vector<16xi32>
    %or3A_1272 = arith.ori %or3A_1258, %shift_left3A_1271 : vector<16xi32>
    %shift_right_arithmetic3A_1273 = arith.constant 15 : i32
    %shift_right_arithmetic3A_1274 = vector.broadcast %shift_right_arithmetic3A_1273 : i32 to vector<16xi32>
    %shift_right_arithmetic3A_1275 = arith.shrsi %or3A_1225, %shift_right_arithmetic3A_1274 : vector<16xi32>
    %and3A_1276 = arith.constant 31 : i32
    %and3A_1277 = vector.broadcast %and3A_1276 : i32 to vector<16xi32>
    %and3A_1278 = arith.andi %shift_right_arithmetic3A_1275, %and3A_1277 : vector<16xi32>
    %shift_right_arithmetic3A_1279 = arith.shrsi %gather3A_1231, %and3A_1278 : vector<16xi32>
    %and3A_1280 = arith.constant 31 : i32
    %and3A_1281 = vector.broadcast %and3A_1280 : i32 to vector<16xi32>
    %and3A_1282 = arith.andi %shift_right_arithmetic3A_1279, %and3A_1281 : vector<16xi32>
    %shift_left3A_1283 = arith.constant 15 : i32
    %shift_left3A_1284 = vector.broadcast %shift_left3A_1283 : i32 to vector<16xi32>
    %shift_left3A_1285 = arith.shli %and3A_1282, %shift_left3A_1284 : vector<16xi32>
    %or3A_1286 = arith.ori %or3A_1272, %shift_left3A_1285 : vector<16xi32>
    %shift_right_arithmetic3A_1287 = arith.constant 20 : i32
    %shift_right_arithmetic3A_1288 = vector.broadcast %shift_right_arithmetic3A_1287 : i32 to vector<16xi32>
    %shift_right_arithmetic3A_1289 = arith.shrsi %or3A_1225, %shift_right_arithmetic3A_1288 : vector<16xi32>
    %and3A_1290 = arith.constant 31 : i32
    %and3A_1291 = vector.broadcast %and3A_1290 : i32 to vector<16xi32>
    %and3A_1292 = arith.andi %shift_right_arithmetic3A_1289, %and3A_1291 : vector<16xi32>
    %shift_right_arithmetic3A_1293 = arith.shrsi %gather3A_1231, %and3A_1292 : vector<16xi32>
    %and3A_1294 = arith.constant 31 : i32
    %and3A_1295 = vector.broadcast %and3A_1294 : i32 to vector<16xi32>
    %and3A_1296 = arith.andi %shift_right_arithmetic3A_1293, %and3A_1295 : vector<16xi32>
    %shift_left3A_1297 = arith.constant 20 : i32
    %shift_left3A_1298 = vector.broadcast %shift_left3A_1297 : i32 to vector<16xi32>
    %shift_left3A_1299 = arith.shli %and3A_1296, %shift_left3A_1298 : vector<16xi32>
    %or3A_1300 = arith.ori %or3A_1286, %shift_left3A_1299 : vector<16xi32>
    %swap3A_1301 = arith.constant 16 : index
    %swap3A_1302 = tpu.vector_load %arg10[%swap3A_1301] {strides = array<i32>} : memref<32xi32, #tpu.memory_space<vmem>>, vector<16xi32>,
    tpu.vector_store %arg10[%swap3A_1301], %or3A_1300 {strides = array<i32>} : memref<32xi32, #tpu.memory_space<vmem>>, vector<16xi32>,
    %add3A_1303 = arith.constant 15 : i32
    %add3A_1304 = vector.broadcast %add3A_1303 : i32 to vector<16xi32>
    %add3A_1305 = arith.addi %iota3A, %add3A_1304 : vector<16xi32>
    %gather3A_1306 = tpu.vector_load_idx %arg10[%add3A_1305] : memref<32xi32, #tpu.memory_space<vmem>>[vector<16xi32>], vector<16xi32>,
    %add3A_1307 = arith.constant 3 : i32
    %add3A_1308 = arith.addi %mul3A_7, %add3A_1307 : i32
    %sub3A_1309 = arith.constant 2 : i32
    %sub3A_1310 = arith.subi %add3A_1308, %sub3A_1309 : i32
    %dma_wait3A_1311 = arith.constant 40960 : i32
    %dma_wait3A_1312 = tpu.memref_slice %arg7[%dma_wait3A_1311] : memref<81920xf32, #tpu.memory_space<vmem>> -> memref<40960xf32, #tpu.memory_space<vmem>>
    %dma_wait3A_1313 = arith.constant 0 : i32
    %dma_wait3A_1314 = tpu.memref_slice %arg5[%sub3A_1310, %dma_wait3A_1313] : memref<128x40960xf32, #tpu.memory_space<hbm>> -> memref<1x40960xf32, #tpu.memory_space<hbm>>
    %dma_wait3A_1315 = tpu.memref_squeeze %dma_wait3A_1314 : memref<1x40960xf32, #tpu.memory_space<hbm>> -> memref<40960xf32, #tpu.memory_space<hbm>>
    %dma_wait3A_1316 = arith.constant 0 : i32
    %dma_wait3A_1317 = tpu.memref_slice %arg5[%sub3A_1310, %dma_wait3A_1316] : memref<128x40960xf32, #tpu.memory_space<hbm>> -> memref<1x40960xf32, #tpu.memory_space<hbm>>
    %dma_wait3A_1318 = tpu.memref_squeeze %dma_wait3A_1317 : memref<1x40960xf32, #tpu.memory_space<hbm>> -> memref<40960xf32, #tpu.memory_space<hbm>>
    %dma_wait3A_1319 = arith.constant 40960 : i32
    %dma_wait3A_1320 = tpu.memref_slice %arg7[%dma_wait3A_1319] : memref<81920xf32, #tpu.memory_space<vmem>> -> memref<40960xf32, #tpu.memory_space<vmem>>
    tpu.wait_dma2 semaphore(%arg12 : memref<!tpu.dma_semaphore, #tpu.memory_space<semaphore_mem>>) src(%dma_wait3A_1320 : memref<40960xf32, #tpu.memory_space<vmem>>) dst(%dma_wait3A_1318 : memref<40960xf32, #tpu.memory_space<hbm>>)
    %scan3A_1321 = arith.constant 0 : i32
    %scan3A_1322 = arith.constant 0 : i32
    %scan3A_1323 = arith.constant 512 : i32
    %scan3A_1324 = arith.addi %scan3A_1322, %scan3A_1323 : i32
    %scan3A_1325 = arith.constant 4 : i32
    scf.for %scan3A_1363 = %scan3A_1322 to %scan3A_1324 step %scan3A_1325  : i32 {
      %mul3A_1364 = arith.constant 16 : i32
      %mul3A_1365 = arith.muli %scan3A_1363, %mul3A_1364 : i32
      %add3A_1366 = arith.constant 24576 : i32
      %add3A_1367 = arith.addi %add3A_1366, %mul3A_1365 : i32
      %get3A = arith.index_cast %add3A_1367 : i32 to index
      %get3A_1368 = tpu.vector_load %arg6[%get3A] {strides = array<i32>} : memref<32768xi32, #tpu.memory_space<vmem>>, vector<16xi32>,
      %shift_right_arithmetic3A_1369 = arith.constant 0 : i32
      %shift_right_arithmetic3A_1370 = vector.broadcast %shift_right_arithmetic3A_1369 : i32 to vector<16xi32>
      %shift_right_arithmetic3A_1371 = arith.shrsi %get3A_1368, %shift_right_arithmetic3A_1370 : vector<16xi32>
      %and3A_1372 = arith.constant 31 : i32
      %and3A_1373 = vector.broadcast %and3A_1372 : i32 to vector<16xi32>
      %and3A_1374 = arith.andi %shift_right_arithmetic3A_1371, %and3A_1373 : vector<16xi32>
      %shift_right_arithmetic3A_1375 = arith.shrsi %gather3A_1306, %and3A_1374 : vector<16xi32>
      %and3A_1376 = arith.constant 31 : i32
      %and3A_1377 = vector.broadcast %and3A_1376 : i32 to vector<16xi32>
      %and3A_1378 = arith.andi %shift_right_arithmetic3A_1375, %and3A_1377 : vector<16xi32>
      %shift_left3A_1379 = arith.constant 0 : i32
      %shift_left3A_1380 = vector.broadcast %shift_left3A_1379 : i32 to vector<16xi32>
      %shift_left3A_1381 = arith.shli %and3A_1378, %shift_left3A_1380 : vector<16xi32>
      %shift_right_arithmetic3A_1382 = arith.constant 5 : i32
      %shift_right_arithmetic3A_1383 = vector.broadcast %shift_right_arithmetic3A_1382 : i32 to vector<16xi32>
      %shift_right_arithmetic3A_1384 = arith.shrsi %get3A_1368, %shift_right_arithmetic3A_1383 : vector<16xi32>
      %and3A_1385 = arith.constant 31 : i32
      %and3A_1386 = vector.broadcast %and3A_1385 : i32 to vector<16xi32>
      %and3A_1387 = arith.andi %shift_right_arithmetic3A_1384, %and3A_1386 : vector<16xi32>
      %shift_right_arithmetic3A_1388 = arith.shrsi %gather3A_1306, %and3A_1387 : vector<16xi32>
      %and3A_1389 = arith.constant 31 : i32
      %and3A_1390 = vector.broadcast %and3A_1389 : i32 to vector<16xi32>
      %and3A_1391 = arith.andi %shift_right_arithmetic3A_1388, %and3A_1390 : vector<16xi32>
      %shift_left3A_1392 = arith.constant 5 : i32
      %shift_left3A_1393 = vector.broadcast %shift_left3A_1392 : i32 to vector<16xi32>
      %shift_left3A_1394 = arith.shli %and3A_1391, %shift_left3A_1393 : vector<16xi32>
      %or3A_1395 = arith.ori %shift_left3A_1381, %shift_left3A_1394 : vector<16xi32>
      %shift_right_arithmetic3A_1396 = arith.constant 10 : i32
      %shift_right_arithmetic3A_1397 = vector.broadcast %shift_right_arithmetic3A_1396 : i32 to vector<16xi32>
      %shift_right_arithmetic3A_1398 = arith.shrsi %get3A_1368, %shift_right_arithmetic3A_1397 : vector<16xi32>
      %and3A_1399 = arith.constant 31 : i32
      %and3A_1400 = vector.broadcast %and3A_1399 : i32 to vector<16xi32>
      %and3A_1401 = arith.andi %shift_right_arithmetic3A_1398, %and3A_1400 : vector<16xi32>
      %shift_right_arithmetic3A_1402 = arith.shrsi %gather3A_1306, %and3A_1401 : vector<16xi32>
      %and3A_1403 = arith.constant 31 : i32
      %and3A_1404 = vector.broadcast %and3A_1403 : i32 to vector<16xi32>
      %and3A_1405 = arith.andi %shift_right_arithmetic3A_1402, %and3A_1404 : vector<16xi32>
      %shift_left3A_1406 = arith.constant 10 : i32
      %shift_left3A_1407 = vector.broadcast %shift_left3A_1406 : i32 to vector<16xi32>
      %shift_left3A_1408 = arith.shli %and3A_1405, %shift_left3A_1407 : vector<16xi32>
      %or3A_1409 = arith.ori %or3A_1395, %shift_left3A_1408 : vector<16xi32>
      %shift_right_arithmetic3A_1410 = arith.constant 15 : i32
      %shift_right_arithmetic3A_1411 = vector.broadcast %shift_right_arithmetic3A_1410 : i32 to vector<16xi32>
      %shift_right_arithmetic3A_1412 = arith.shrsi %get3A_1368, %shift_right_arithmetic3A_1411 : vector<16xi32>
      %and3A_1413 = arith.constant 31 : i32
      %and3A_1414 = vector.broadcast %and3A_1413 : i32 to vector<16xi32>
      %and3A_1415 = arith.andi %shift_right_arithmetic3A_1412, %and3A_1414 : vector<16xi32>
      %shift_right_arithmetic3A_1416 = arith.shrsi %gather3A_1306, %and3A_1415 : vector<16xi32>
      %and3A_1417 = arith.constant 31 : i32
      %and3A_1418 = vector.broadcast %and3A_1417 : i32 to vector<16xi32>
      %and3A_1419 = arith.andi %shift_right_arithmetic3A_1416, %and3A_1418 : vector<16xi32>
      %shift_left3A_1420 = arith.constant 15 : i32
      %shift_left3A_1421 = vector.broadcast %shift_left3A_1420 : i32 to vector<16xi32>
      %shift_left3A_1422 = arith.shli %and3A_1419, %shift_left3A_1421 : vector<16xi32>
      %or3A_1423 = arith.ori %or3A_1409, %shift_left3A_1422 : vector<16xi32>
      %shift_right_arithmetic3A_1424 = arith.constant 20 : i32
      %shift_right_arithmetic3A_1425 = vector.broadcast %shift_right_arithmetic3A_1424 : i32 to vector<16xi32>
      %shift_right_arithmetic3A_1426 = arith.shrsi %get3A_1368, %shift_right_arithmetic3A_1425 : vector<16xi32>
      %and3A_1427 = arith.constant 31 : i32
      %and3A_1428 = vector.broadcast %and3A_1427 : i32 to vector<16xi32>
      %and3A_1429 = arith.andi %shift_right_arithmetic3A_1426, %and3A_1428 : vector<16xi32>
      %shift_right_arithmetic3A_1430 = arith.shrsi %gather3A_1306, %and3A_1429 : vector<16xi32>
      %and3A_1431 = arith.constant 31 : i32
      %and3A_1432 = vector.broadcast %and3A_1431 : i32 to vector<16xi32>
      %and3A_1433 = arith.andi %shift_right_arithmetic3A_1430, %and3A_1432 : vector<16xi32>
      %shift_left3A_1434 = arith.constant 20 : i32
      %shift_left3A_1435 = vector.broadcast %shift_left3A_1434 : i32 to vector<16xi32>
      %shift_left3A_1436 = arith.shli %and3A_1433, %shift_left3A_1435 : vector<16xi32>
      %or3A_1437 = arith.ori %or3A_1423, %shift_left3A_1436 : vector<16xi32>
      %shift_right_arithmetic3A_1438 = arith.constant 0 : i32
      %shift_right_arithmetic3A_1439 = vector.broadcast %shift_right_arithmetic3A_1438 : i32 to vector<16xi32>
      %shift_right_arithmetic3A_1440 = arith.shrsi %or3A_1437, %shift_right_arithmetic3A_1439 : vector<16xi32>
      %and3A_1441 = arith.constant 31 : i32
      %and3A_1442 = vector.broadcast %and3A_1441 : i32 to vector<16xi32>
      %and3A_1443 = arith.andi %shift_right_arithmetic3A_1440, %and3A_1442 : vector<16xi32>
      %add3A_1444 = arith.constant 96 : i32
      %add3A_1445 = vector.broadcast %add3A_1444 : i32 to vector<16xi32>
      %add3A_1446 = arith.addi %and3A_1443, %add3A_1445 : vector<16xi32>
      %gather3A_1447 = tpu.vector_load_idx %arg8[%add3A_1446] : memref<128xf32, #tpu.memory_space<vmem>>[vector<16xi32>], vector<16xf32>,
      %mul3A_1448 = arith.constant 80 : i32
      %mul3A_1449 = arith.muli %scan3A_1363, %mul3A_1448 : i32
      %add3A_1450 = arith.constant 0 : i32
      %add3A_1451 = arith.addi %mul3A_1449, %add3A_1450 : i32
      %add3A_1452 = arith.constant 40960 : i32
      %add3A_1453 = arith.addi %add3A_1452, %add3A_1451 : i32
      %add3A_1454 = vector.broadcast %add3A_1453 : i32 to vector<16xi32>
      %add3A_1455 = arith.addi %mul3A_4, %add3A_1454 : vector<16xi32>
      tpu.vector_store_idx %arg7[%add3A_1455], %gather3A_1447 : memref<81920xf32, #tpu.memory_space<vmem>>[vector<16xi32>], vector<16xf32>,
      %shift_right_arithmetic3A_1456 = arith.constant 5 : i32
      %shift_right_arithmetic3A_1457 = vector.broadcast %shift_right_arithmetic3A_1456 : i32 to vector<16xi32>
      %shift_right_arithmetic3A_1458 = arith.shrsi %or3A_1437, %shift_right_arithmetic3A_1457 : vector<16xi32>
      %and3A_1459 = arith.constant 31 : i32
      %and3A_1460 = vector.broadcast %and3A_1459 : i32 to vector<16xi32>
      %and3A_1461 = arith.andi %shift_right_arithmetic3A_1458, %and3A_1460 : vector<16xi32>
      %add3A_1462 = arith.constant 96 : i32
      %add3A_1463 = vector.broadcast %add3A_1462 : i32 to vector<16xi32>
      %add3A_1464 = arith.addi %and3A_1461, %add3A_1463 : vector<16xi32>
      %gather3A_1465 = tpu.vector_load_idx %arg8[%add3A_1464] : memref<128xf32, #tpu.memory_space<vmem>>[vector<16xi32>], vector<16xf32>,
      %mul3A_1466 = arith.constant 80 : i32
      %mul3A_1467 = arith.muli %scan3A_1363, %mul3A_1466 : i32
      %add3A_1468 = arith.constant 1 : i32
      %add3A_1469 = arith.addi %mul3A_1467, %add3A_1468 : i32
      %add3A_1470 = arith.constant 40960 : i32
      %add3A_1471 = arith.addi %add3A_1470, %add3A_1469 : i32
      %add3A_1472 = vector.broadcast %add3A_1471 : i32 to vector<16xi32>
      %add3A_1473 = arith.addi %mul3A_4, %add3A_1472 : vector<16xi32>
      tpu.vector_store_idx %arg7[%add3A_1473], %gather3A_1465 : memref<81920xf32, #tpu.memory_space<vmem>>[vector<16xi32>], vector<16xf32>,
      %shift_right_arithmetic3A_1474 = arith.constant 10 : i32
      %shift_right_arithmetic3A_1475 = vector.broadcast %shift_right_arithmetic3A_1474 : i32 to vector<16xi32>
      %shift_right_arithmetic3A_1476 = arith.shrsi %or3A_1437, %shift_right_arithmetic3A_1475 : vector<16xi32>
      %and3A_1477 = arith.constant 31 : i32
      %and3A_1478 = vector.broadcast %and3A_1477 : i32 to vector<16xi32>
      %and3A_1479 = arith.andi %shift_right_arithmetic3A_1476, %and3A_1478 : vector<16xi32>
      %add3A_1480 = arith.constant 96 : i32
      %add3A_1481 = vector.broadcast %add3A_1480 : i32 to vector<16xi32>
      %add3A_1482 = arith.addi %and3A_1479, %add3A_1481 : vector<16xi32>
      %gather3A_1483 = tpu.vector_load_idx %arg8[%add3A_1482] : memref<128xf32, #tpu.memory_space<vmem>>[vector<16xi32>], vector<16xf32>,
      %mul3A_1484 = arith.constant 80 : i32
      %mul3A_1485 = arith.muli %scan3A_1363, %mul3A_1484 : i32
      %add3A_1486 = arith.constant 2 : i32
      %add3A_1487 = arith.addi %mul3A_1485, %add3A_1486 : i32
      %add3A_1488 = arith.constant 40960 : i32
      %add3A_1489 = arith.addi %add3A_1488, %add3A_1487 : i32
      %add3A_1490 = vector.broadcast %add3A_1489 : i32 to vector<16xi32>
      %add3A_1491 = arith.addi %mul3A_4, %add3A_1490 : vector<16xi32>
      tpu.vector_store_idx %arg7[%add3A_1491], %gather3A_1483 : memref<81920xf32, #tpu.memory_space<vmem>>[vector<16xi32>], vector<16xf32>,
      %shift_right_arithmetic3A_1492 = arith.constant 15 : i32
      %shift_right_arithmetic3A_1493 = vector.broadcast %shift_right_arithmetic3A_1492 : i32 to vector<16xi32>
      %shift_right_arithmetic3A_1494 = arith.shrsi %or3A_1437, %shift_right_arithmetic3A_1493 : vector<16xi32>
      %and3A_1495 = arith.constant 31 : i32
      %and3A_1496 = vector.broadcast %and3A_1495 : i32 to vector<16xi32>
      %and3A_1497 = arith.andi %shift_right_arithmetic3A_1494, %and3A_1496 : vector<16xi32>
      %add3A_1498 = arith.constant 96 : i32
      %add3A_1499 = vector.broadcast %add3A_1498 : i32 to vector<16xi32>
      %add3A_1500 = arith.addi %and3A_1497, %add3A_1499 : vector<16xi32>
      %gather3A_1501 = tpu.vector_load_idx %arg8[%add3A_1500] : memref<128xf32, #tpu.memory_space<vmem>>[vector<16xi32>], vector<16xf32>,
      %mul3A_1502 = arith.constant 80 : i32
      %mul3A_1503 = arith.muli %scan3A_1363, %mul3A_1502 : i32
      %add3A_1504 = arith.constant 3 : i32
      %add3A_1505 = arith.addi %mul3A_1503, %add3A_1504 : i32
      %add3A_1506 = arith.constant 40960 : i32
      %add3A_1507 = arith.addi %add3A_1506, %add3A_1505 : i32
      %add3A_1508 = vector.broadcast %add3A_1507 : i32 to vector<16xi32>
      %add3A_1509 = arith.addi %mul3A_4, %add3A_1508 : vector<16xi32>
      tpu.vector_store_idx %arg7[%add3A_1509], %gather3A_1501 : memref<81920xf32, #tpu.memory_space<vmem>>[vector<16xi32>], vector<16xf32>,
      %shift_right_arithmetic3A_1510 = arith.constant 20 : i32
      %shift_right_arithmetic3A_1511 = vector.broadcast %shift_right_arithmetic3A_1510 : i32 to vector<16xi32>
      %shift_right_arithmetic3A_1512 = arith.shrsi %or3A_1437, %shift_right_arithmetic3A_1511 : vector<16xi32>
      %and3A_1513 = arith.constant 31 : i32
      %and3A_1514 = vector.broadcast %and3A_1513 : i32 to vector<16xi32>
      %and3A_1515 = arith.andi %shift_right_arithmetic3A_1512, %and3A_1514 : vector<16xi32>
      %add3A_1516 = arith.constant 96 : i32
      %add3A_1517 = vector.broadcast %add3A_1516 : i32 to vector<16xi32>
      %add3A_1518 = arith.addi %and3A_1515, %add3A_1517 : vector<16xi32>
      %gather3A_1519 = tpu.vector_load_idx %arg8[%add3A_1518] : memref<128xf32, #tpu.memory_space<vmem>>[vector<16xi32>], vector<16xf32>,
      %mul3A_1520 = arith.constant 80 : i32
      %mul3A_1521 = arith.muli %scan3A_1363, %mul3A_1520 : i32
      %add3A_1522 = arith.constant 4 : i32
      %add3A_1523 = arith.addi %mul3A_1521, %add3A_1522 : i32
      %add3A_1524 = arith.constant 40960 : i32
      %add3A_1525 = arith.addi %add3A_1524, %add3A_1523 : i32
      %add3A_1526 = vector.broadcast %add3A_1525 : i32 to vector<16xi32>
      %add3A_1527 = arith.addi %mul3A_4, %add3A_1526 : vector<16xi32>
      tpu.vector_store_idx %arg7[%add3A_1527], %gather3A_1519 : memref<81920xf32, #tpu.memory_space<vmem>>[vector<16xi32>], vector<16xf32>,
      %scan3A_1528 = arith.constant 1 : i32
      %scan3A_1529 = arith.addi %scan3A_1363, %scan3A_1528 : i32
      %mul3A_1530 = arith.constant 16 : i32
      %mul3A_1531 = arith.muli %scan3A_1529, %mul3A_1530 : i32
      %add3A_1532 = arith.constant 24576 : i32
      %add3A_1533 = arith.addi %add3A_1532, %mul3A_1531 : i32
      %get3A_1534 = arith.index_cast %add3A_1533 : i32 to index
      %get3A_1535 = tpu.vector_load %arg6[%get3A_1534] {strides = array<i32>} : memref<32768xi32, #tpu.memory_space<vmem>>, vector<16xi32>,
      %shift_right_arithmetic3A_1536 = arith.constant 0 : i32
      %shift_right_arithmetic3A_1537 = vector.broadcast %shift_right_arithmetic3A_1536 : i32 to vector<16xi32>
      %shift_right_arithmetic3A_1538 = arith.shrsi %get3A_1535, %shift_right_arithmetic3A_1537 : vector<16xi32>
      %and3A_1539 = arith.constant 31 : i32
      %and3A_1540 = vector.broadcast %and3A_1539 : i32 to vector<16xi32>
      %and3A_1541 = arith.andi %shift_right_arithmetic3A_1538, %and3A_1540 : vector<16xi32>
      %shift_right_arithmetic3A_1542 = arith.shrsi %gather3A_1306, %and3A_1541 : vector<16xi32>
      %and3A_1543 = arith.constant 31 : i32
      %and3A_1544 = vector.broadcast %and3A_1543 : i32 to vector<16xi32>
      %and3A_1545 = arith.andi %shift_right_arithmetic3A_1542, %and3A_1544 : vector<16xi32>
      %shift_left3A_1546 = arith.constant 0 : i32
      %shift_left3A_1547 = vector.broadcast %shift_left3A_1546 : i32 to vector<16xi32>
      %shift_left3A_1548 = arith.shli %and3A_1545, %shift_left3A_1547 : vector<16xi32>
      %shift_right_arithmetic3A_1549 = arith.constant 5 : i32
      %shift_right_arithmetic3A_1550 = vector.broadcast %shift_right_arithmetic3A_1549 : i32 to vector<16xi32>
      %shift_right_arithmetic3A_1551 = arith.shrsi %get3A_1535, %shift_right_arithmetic3A_1550 : vector<16xi32>
      %and3A_1552 = arith.constant 31 : i32
      %and3A_1553 = vector.broadcast %and3A_1552 : i32 to vector<16xi32>
      %and3A_1554 = arith.andi %shift_right_arithmetic3A_1551, %and3A_1553 : vector<16xi32>
      %shift_right_arithmetic3A_1555 = arith.shrsi %gather3A_1306, %and3A_1554 : vector<16xi32>
      %and3A_1556 = arith.constant 31 : i32
      %and3A_1557 = vector.broadcast %and3A_1556 : i32 to vector<16xi32>
      %and3A_1558 = arith.andi %shift_right_arithmetic3A_1555, %and3A_1557 : vector<16xi32>
      %shift_left3A_1559 = arith.constant 5 : i32
      %shift_left3A_1560 = vector.broadcast %shift_left3A_1559 : i32 to vector<16xi32>
      %shift_left3A_1561 = arith.shli %and3A_1558, %shift_left3A_1560 : vector<16xi32>
      %or3A_1562 = arith.ori %shift_left3A_1548, %shift_left3A_1561 : vector<16xi32>
      %shift_right_arithmetic3A_1563 = arith.constant 10 : i32
      %shift_right_arithmetic3A_1564 = vector.broadcast %shift_right_arithmetic3A_1563 : i32 to vector<16xi32>
      %shift_right_arithmetic3A_1565 = arith.shrsi %get3A_1535, %shift_right_arithmetic3A_1564 : vector<16xi32>
      %and3A_1566 = arith.constant 31 : i32
      %and3A_1567 = vector.broadcast %and3A_1566 : i32 to vector<16xi32>
      %and3A_1568 = arith.andi %shift_right_arithmetic3A_1565, %and3A_1567 : vector<16xi32>
      %shift_right_arithmetic3A_1569 = arith.shrsi %gather3A_1306, %and3A_1568 : vector<16xi32>
      %and3A_1570 = arith.constant 31 : i32
      %and3A_1571 = vector.broadcast %and3A_1570 : i32 to vector<16xi32>
      %and3A_1572 = arith.andi %shift_right_arithmetic3A_1569, %and3A_1571 : vector<16xi32>
      %shift_left3A_1573 = arith.constant 10 : i32
      %shift_left3A_1574 = vector.broadcast %shift_left3A_1573 : i32 to vector<16xi32>
      %shift_left3A_1575 = arith.shli %and3A_1572, %shift_left3A_1574 : vector<16xi32>
      %or3A_1576 = arith.ori %or3A_1562, %shift_left3A_1575 : vector<16xi32>
      %shift_right_arithmetic3A_1577 = arith.constant 15 : i32
      %shift_right_arithmetic3A_1578 = vector.broadcast %shift_right_arithmetic3A_1577 : i32 to vector<16xi32>
      %shift_right_arithmetic3A_1579 = arith.shrsi %get3A_1535, %shift_right_arithmetic3A_1578 : vector<16xi32>
      %and3A_1580 = arith.constant 31 : i32
      %and3A_1581 = vector.broadcast %and3A_1580 : i32 to vector<16xi32>
      %and3A_1582 = arith.andi %shift_right_arithmetic3A_1579, %and3A_1581 : vector<16xi32>
      %shift_right_arithmetic3A_1583 = arith.shrsi %gather3A_1306, %and3A_1582 : vector<16xi32>
      %and3A_1584 = arith.constant 31 : i32
      %and3A_1585 = vector.broadcast %and3A_1584 : i32 to vector<16xi32>
      %and3A_1586 = arith.andi %shift_right_arithmetic3A_1583, %and3A_1585 : vector<16xi32>
      %shift_left3A_1587 = arith.constant 15 : i32
      %shift_left3A_1588 = vector.broadcast %shift_left3A_1587 : i32 to vector<16xi32>
      %shift_left3A_1589 = arith.shli %and3A_1586, %shift_left3A_1588 : vector<16xi32>
      %or3A_1590 = arith.ori %or3A_1576, %shift_left3A_1589 : vector<16xi32>
      %shift_right_arithmetic3A_1591 = arith.constant 20 : i32
      %shift_right_arithmetic3A_1592 = vector.broadcast %shift_right_arithmetic3A_1591 : i32 to vector<16xi32>
      %shift_right_arithmetic3A_1593 = arith.shrsi %get3A_1535, %shift_right_arithmetic3A_1592 : vector<16xi32>
      %and3A_1594 = arith.constant 31 : i32
      %and3A_1595 = vector.broadcast %and3A_1594 : i32 to vector<16xi32>
      %and3A_1596 = arith.andi %shift_right_arithmetic3A_1593, %and3A_1595 : vector<16xi32>
      %shift_right_arithmetic3A_1597 = arith.shrsi %gather3A_1306, %and3A_1596 : vector<16xi32>
      %and3A_1598 = arith.constant 31 : i32
      %and3A_1599 = vector.broadcast %and3A_1598 : i32 to vector<16xi32>
      %and3A_1600 = arith.andi %shift_right_arithmetic3A_1597, %and3A_1599 : vector<16xi32>
      %shift_left3A_1601 = arith.constant 20 : i32
      %shift_left3A_1602 = vector.broadcast %shift_left3A_1601 : i32 to vector<16xi32>
      %shift_left3A_1603 = arith.shli %and3A_1600, %shift_left3A_1602 : vector<16xi32>
      %or3A_1604 = arith.ori %or3A_1590, %shift_left3A_1603 : vector<16xi32>
      %shift_right_arithmetic3A_1605 = arith.constant 0 : i32
      %shift_right_arithmetic3A_1606 = vector.broadcast %shift_right_arithmetic3A_1605 : i32 to vector<16xi32>
      %shift_right_arithmetic3A_1607 = arith.shrsi %or3A_1604, %shift_right_arithmetic3A_1606 : vector<16xi32>
      %and3A_1608 = arith.constant 31 : i32
      %and3A_1609 = vector.broadcast %and3A_1608 : i32 to vector<16xi32>
      %and3A_1610 = arith.andi %shift_right_arithmetic3A_1607, %and3A_1609 : vector<16xi32>
      %add3A_1611 = arith.constant 96 : i32
      %add3A_1612 = vector.broadcast %add3A_1611 : i32 to vector<16xi32>
      %add3A_1613 = arith.addi %and3A_1610, %add3A_1612 : vector<16xi32>
      %gather3A_1614 = tpu.vector_load_idx %arg8[%add3A_1613] : memref<128xf32, #tpu.memory_space<vmem>>[vector<16xi32>], vector<16xf32>,
      %mul3A_1615 = arith.constant 80 : i32
      %mul3A_1616 = arith.muli %scan3A_1529, %mul3A_1615 : i32
      %add3A_1617 = arith.constant 0 : i32
      %add3A_1618 = arith.addi %mul3A_1616, %add3A_1617 : i32
      %add3A_1619 = arith.constant 40960 : i32
      %add3A_1620 = arith.addi %add3A_1619, %add3A_1618 : i32
      %add3A_1621 = vector.broadcast %add3A_1620 : i32 to vector<16xi32>
      %add3A_1622 = arith.addi %mul3A_4, %add3A_1621 : vector<16xi32>
      tpu.vector_store_idx %arg7[%add3A_1622], %gather3A_1614 : memref<81920xf32, #tpu.memory_space<vmem>>[vector<16xi32>], vector<16xf32>,
      %shift_right_arithmetic3A_1623 = arith.constant 5 : i32
      %shift_right_arithmetic3A_1624 = vector.broadcast %shift_right_arithmetic3A_1623 : i32 to vector<16xi32>
      %shift_right_arithmetic3A_1625 = arith.shrsi %or3A_1604, %shift_right_arithmetic3A_1624 : vector<16xi32>
      %and3A_1626 = arith.constant 31 : i32
      %and3A_1627 = vector.broadcast %and3A_1626 : i32 to vector<16xi32>
      %and3A_1628 = arith.andi %shift_right_arithmetic3A_1625, %and3A_1627 : vector<16xi32>
      %add3A_1629 = arith.constant 96 : i32
      %add3A_1630 = vector.broadcast %add3A_1629 : i32 to vector<16xi32>
      %add3A_1631 = arith.addi %and3A_1628, %add3A_1630 : vector<16xi32>
      %gather3A_1632 = tpu.vector_load_idx %arg8[%add3A_1631] : memref<128xf32, #tpu.memory_space<vmem>>[vector<16xi32>], vector<16xf32>,
      %mul3A_1633 = arith.constant 80 : i32
      %mul3A_1634 = arith.muli %scan3A_1529, %mul3A_1633 : i32
      %add3A_1635 = arith.constant 1 : i32
      %add3A_1636 = arith.addi %mul3A_1634, %add3A_1635 : i32
      %add3A_1637 = arith.constant 40960 : i32
      %add3A_1638 = arith.addi %add3A_1637, %add3A_1636 : i32
      %add3A_1639 = vector.broadcast %add3A_1638 : i32 to vector<16xi32>
      %add3A_1640 = arith.addi %mul3A_4, %add3A_1639 : vector<16xi32>
      tpu.vector_store_idx %arg7[%add3A_1640], %gather3A_1632 : memref<81920xf32, #tpu.memory_space<vmem>>[vector<16xi32>], vector<16xf32>,
      %shift_right_arithmetic3A_1641 = arith.constant 10 : i32
      %shift_right_arithmetic3A_1642 = vector.broadcast %shift_right_arithmetic3A_1641 : i32 to vector<16xi32>
      %shift_right_arithmetic3A_1643 = arith.shrsi %or3A_1604, %shift_right_arithmetic3A_1642 : vector<16xi32>
      %and3A_1644 = arith.constant 31 : i32
      %and3A_1645 = vector.broadcast %and3A_1644 : i32 to vector<16xi32>
      %and3A_1646 = arith.andi %shift_right_arithmetic3A_1643, %and3A_1645 : vector<16xi32>
      %add3A_1647 = arith.constant 96 : i32
      %add3A_1648 = vector.broadcast %add3A_1647 : i32 to vector<16xi32>
      %add3A_1649 = arith.addi %and3A_1646, %add3A_1648 : vector<16xi32>
      %gather3A_1650 = tpu.vector_load_idx %arg8[%add3A_1649] : memref<128xf32, #tpu.memory_space<vmem>>[vector<16xi32>], vector<16xf32>,
      %mul3A_1651 = arith.constant 80 : i32
      %mul3A_1652 = arith.muli %scan3A_1529, %mul3A_1651 : i32
      %add3A_1653 = arith.constant 2 : i32
      %add3A_1654 = arith.addi %mul3A_1652, %add3A_1653 : i32
      %add3A_1655 = arith.constant 40960 : i32
      %add3A_1656 = arith.addi %add3A_1655, %add3A_1654 : i32
      %add3A_1657 = vector.broadcast %add3A_1656 : i32 to vector<16xi32>
      %add3A_1658 = arith.addi %mul3A_4, %add3A_1657 : vector<16xi32>
      tpu.vector_store_idx %arg7[%add3A_1658], %gather3A_1650 : memref<81920xf32, #tpu.memory_space<vmem>>[vector<16xi32>], vector<16xf32>,
      %shift_right_arithmetic3A_1659 = arith.constant 15 : i32
      %shift_right_arithmetic3A_1660 = vector.broadcast %shift_right_arithmetic3A_1659 : i32 to vector<16xi32>
      %shift_right_arithmetic3A_1661 = arith.shrsi %or3A_1604, %shift_right_arithmetic3A_1660 : vector<16xi32>
      %and3A_1662 = arith.constant 31 : i32
      %and3A_1663 = vector.broadcast %and3A_1662 : i32 to vector<16xi32>
      %and3A_1664 = arith.andi %shift_right_arithmetic3A_1661, %and3A_1663 : vector<16xi32>
      %add3A_1665 = arith.constant 96 : i32
      %add3A_1666 = vector.broadcast %add3A_1665 : i32 to vector<16xi32>
      %add3A_1667 = arith.addi %and3A_1664, %add3A_1666 : vector<16xi32>
      %gather3A_1668 = tpu.vector_load_idx %arg8[%add3A_1667] : memref<128xf32, #tpu.memory_space<vmem>>[vector<16xi32>], vector<16xf32>,
      %mul3A_1669 = arith.constant 80 : i32
      %mul3A_1670 = arith.muli %scan3A_1529, %mul3A_1669 : i32
      %add3A_1671 = arith.constant 3 : i32
      %add3A_1672 = arith.addi %mul3A_1670, %add3A_1671 : i32
      %add3A_1673 = arith.constant 40960 : i32
      %add3A_1674 = arith.addi %add3A_1673, %add3A_1672 : i32
      %add3A_1675 = vector.broadcast %add3A_1674 : i32 to vector<16xi32>
      %add3A_1676 = arith.addi %mul3A_4, %add3A_1675 : vector<16xi32>
      tpu.vector_store_idx %arg7[%add3A_1676], %gather3A_1668 : memref<81920xf32, #tpu.memory_space<vmem>>[vector<16xi32>], vector<16xf32>,
      %shift_right_arithmetic3A_1677 = arith.constant 20 : i32
      %shift_right_arithmetic3A_1678 = vector.broadcast %shift_right_arithmetic3A_1677 : i32 to vector<16xi32>
      %shift_right_arithmetic3A_1679 = arith.shrsi %or3A_1604, %shift_right_arithmetic3A_1678 : vector<16xi32>
      %and3A_1680 = arith.constant 31 : i32
      %and3A_1681 = vector.broadcast %and3A_1680 : i32 to vector<16xi32>
      %and3A_1682 = arith.andi %shift_right_arithmetic3A_1679, %and3A_1681 : vector<16xi32>
      %add3A_1683 = arith.constant 96 : i32
      %add3A_1684 = vector.broadcast %add3A_1683 : i32 to vector<16xi32>
      %add3A_1685 = arith.addi %and3A_1682, %add3A_1684 : vector<16xi32>
      %gather3A_1686 = tpu.vector_load_idx %arg8[%add3A_1685] : memref<128xf32, #tpu.memory_space<vmem>>[vector<16xi32>], vector<16xf32>,
      %mul3A_1687 = arith.constant 80 : i32
      %mul3A_1688 = arith.muli %scan3A_1529, %mul3A_1687 : i32
      %add3A_1689 = arith.constant 4 : i32
      %add3A_1690 = arith.addi %mul3A_1688, %add3A_1689 : i32
      %add3A_1691 = arith.constant 40960 : i32
      %add3A_1692 = arith.addi %add3A_1691, %add3A_1690 : i32
      %add3A_1693 = vector.broadcast %add3A_1692 : i32 to vector<16xi32>
      %add3A_1694 = arith.addi %mul3A_4, %add3A_1693 : vector<16xi32>
      tpu.vector_store_idx %arg7[%add3A_1694], %gather3A_1686 : memref<81920xf32, #tpu.memory_space<vmem>>[vector<16xi32>], vector<16xf32>,
      %scan3A_1695 = arith.constant 2 : i32
      %scan3A_1696 = arith.addi %scan3A_1363, %scan3A_1695 : i32
      %mul3A_1697 = arith.constant 16 : i32
      %mul3A_1698 = arith.muli %scan3A_1696, %mul3A_1697 : i32
      %add3A_1699 = arith.constant 24576 : i32
      %add3A_1700 = arith.addi %add3A_1699, %mul3A_1698 : i32
      %get3A_1701 = arith.index_cast %add3A_1700 : i32 to index
      %get3A_1702 = tpu.vector_load %arg6[%get3A_1701] {strides = array<i32>} : memref<32768xi32, #tpu.memory_space<vmem>>, vector<16xi32>,
      %shift_right_arithmetic3A_1703 = arith.constant 0 : i32
      %shift_right_arithmetic3A_1704 = vector.broadcast %shift_right_arithmetic3A_1703 : i32 to vector<16xi32>
      %shift_right_arithmetic3A_1705 = arith.shrsi %get3A_1702, %shift_right_arithmetic3A_1704 : vector<16xi32>
      %and3A_1706 = arith.constant 31 : i32
      %and3A_1707 = vector.broadcast %and3A_1706 : i32 to vector<16xi32>
      %and3A_1708 = arith.andi %shift_right_arithmetic3A_1705, %and3A_1707 : vector<16xi32>
      %shift_right_arithmetic3A_1709 = arith.shrsi %gather3A_1306, %and3A_1708 : vector<16xi32>
      %and3A_1710 = arith.constant 31 : i32
      %and3A_1711 = vector.broadcast %and3A_1710 : i32 to vector<16xi32>
      %and3A_1712 = arith.andi %shift_right_arithmetic3A_1709, %and3A_1711 : vector<16xi32>
      %shift_left3A_1713 = arith.constant 0 : i32
      %shift_left3A_1714 = vector.broadcast %shift_left3A_1713 : i32 to vector<16xi32>
      %shift_left3A_1715 = arith.shli %and3A_1712, %shift_left3A_1714 : vector<16xi32>
      %shift_right_arithmetic3A_1716 = arith.constant 5 : i32
      %shift_right_arithmetic3A_1717 = vector.broadcast %shift_right_arithmetic3A_1716 : i32 to vector<16xi32>
      %shift_right_arithmetic3A_1718 = arith.shrsi %get3A_1702, %shift_right_arithmetic3A_1717 : vector<16xi32>
      %and3A_1719 = arith.constant 31 : i32
      %and3A_1720 = vector.broadcast %and3A_1719 : i32 to vector<16xi32>
      %and3A_1721 = arith.andi %shift_right_arithmetic3A_1718, %and3A_1720 : vector<16xi32>
      %shift_right_arithmetic3A_1722 = arith.shrsi %gather3A_1306, %and3A_1721 : vector<16xi32>
      %and3A_1723 = arith.constant 31 : i32
      %and3A_1724 = vector.broadcast %and3A_1723 : i32 to vector<16xi32>
      %and3A_1725 = arith.andi %shift_right_arithmetic3A_1722, %and3A_1724 : vector<16xi32>
      %shift_left3A_1726 = arith.constant 5 : i32
      %shift_left3A_1727 = vector.broadcast %shift_left3A_1726 : i32 to vector<16xi32>
      %shift_left3A_1728 = arith.shli %and3A_1725, %shift_left3A_1727 : vector<16xi32>
      %or3A_1729 = arith.ori %shift_left3A_1715, %shift_left3A_1728 : vector<16xi32>
      %shift_right_arithmetic3A_1730 = arith.constant 10 : i32
      %shift_right_arithmetic3A_1731 = vector.broadcast %shift_right_arithmetic3A_1730 : i32 to vector<16xi32>
      %shift_right_arithmetic3A_1732 = arith.shrsi %get3A_1702, %shift_right_arithmetic3A_1731 : vector<16xi32>
      %and3A_1733 = arith.constant 31 : i32
      %and3A_1734 = vector.broadcast %and3A_1733 : i32 to vector<16xi32>
      %and3A_1735 = arith.andi %shift_right_arithmetic3A_1732, %and3A_1734 : vector<16xi32>
      %shift_right_arithmetic3A_1736 = arith.shrsi %gather3A_1306, %and3A_1735 : vector<16xi32>
      %and3A_1737 = arith.constant 31 : i32
      %and3A_1738 = vector.broadcast %and3A_1737 : i32 to vector<16xi32>
      %and3A_1739 = arith.andi %shift_right_arithmetic3A_1736, %and3A_1738 : vector<16xi32>
      %shift_left3A_1740 = arith.constant 10 : i32
      %shift_left3A_1741 = vector.broadcast %shift_left3A_1740 : i32 to vector<16xi32>
      %shift_left3A_1742 = arith.shli %and3A_1739, %shift_left3A_1741 : vector<16xi32>
      %or3A_1743 = arith.ori %or3A_1729, %shift_left3A_1742 : vector<16xi32>
      %shift_right_arithmetic3A_1744 = arith.constant 15 : i32
      %shift_right_arithmetic3A_1745 = vector.broadcast %shift_right_arithmetic3A_1744 : i32 to vector<16xi32>
      %shift_right_arithmetic3A_1746 = arith.shrsi %get3A_1702, %shift_right_arithmetic3A_1745 : vector<16xi32>
      %and3A_1747 = arith.constant 31 : i32
      %and3A_1748 = vector.broadcast %and3A_1747 : i32 to vector<16xi32>
      %and3A_1749 = arith.andi %shift_right_arithmetic3A_1746, %and3A_1748 : vector<16xi32>
      %shift_right_arithmetic3A_1750 = arith.shrsi %gather3A_1306, %and3A_1749 : vector<16xi32>
      %and3A_1751 = arith.constant 31 : i32
      %and3A_1752 = vector.broadcast %and3A_1751 : i32 to vector<16xi32>
      %and3A_1753 = arith.andi %shift_right_arithmetic3A_1750, %and3A_1752 : vector<16xi32>
      %shift_left3A_1754 = arith.constant 15 : i32
      %shift_left3A_1755 = vector.broadcast %shift_left3A_1754 : i32 to vector<16xi32>
      %shift_left3A_1756 = arith.shli %and3A_1753, %shift_left3A_1755 : vector<16xi32>
      %or3A_1757 = arith.ori %or3A_1743, %shift_left3A_1756 : vector<16xi32>
      %shift_right_arithmetic3A_1758 = arith.constant 20 : i32
      %shift_right_arithmetic3A_1759 = vector.broadcast %shift_right_arithmetic3A_1758 : i32 to vector<16xi32>
      %shift_right_arithmetic3A_1760 = arith.shrsi %get3A_1702, %shift_right_arithmetic3A_1759 : vector<16xi32>
      %and3A_1761 = arith.constant 31 : i32
      %and3A_1762 = vector.broadcast %and3A_1761 : i32 to vector<16xi32>
      %and3A_1763 = arith.andi %shift_right_arithmetic3A_1760, %and3A_1762 : vector<16xi32>
      %shift_right_arithmetic3A_1764 = arith.shrsi %gather3A_1306, %and3A_1763 : vector<16xi32>
      %and3A_1765 = arith.constant 31 : i32
      %and3A_1766 = vector.broadcast %and3A_1765 : i32 to vector<16xi32>
      %and3A_1767 = arith.andi %shift_right_arithmetic3A_1764, %and3A_1766 : vector<16xi32>
      %shift_left3A_1768 = arith.constant 20 : i32
      %shift_left3A_1769 = vector.broadcast %shift_left3A_1768 : i32 to vector<16xi32>
      %shift_left3A_1770 = arith.shli %and3A_1767, %shift_left3A_1769 : vector<16xi32>
      %or3A_1771 = arith.ori %or3A_1757, %shift_left3A_1770 : vector<16xi32>
      %shift_right_arithmetic3A_1772 = arith.constant 0 : i32
      %shift_right_arithmetic3A_1773 = vector.broadcast %shift_right_arithmetic3A_1772 : i32 to vector<16xi32>
      %shift_right_arithmetic3A_1774 = arith.shrsi %or3A_1771, %shift_right_arithmetic3A_1773 : vector<16xi32>
      %and3A_1775 = arith.constant 31 : i32
      %and3A_1776 = vector.broadcast %and3A_1775 : i32 to vector<16xi32>
      %and3A_1777 = arith.andi %shift_right_arithmetic3A_1774, %and3A_1776 : vector<16xi32>
      %add3A_1778 = arith.constant 96 : i32
      %add3A_1779 = vector.broadcast %add3A_1778 : i32 to vector<16xi32>
      %add3A_1780 = arith.addi %and3A_1777, %add3A_1779 : vector<16xi32>
      %gather3A_1781 = tpu.vector_load_idx %arg8[%add3A_1780] : memref<128xf32, #tpu.memory_space<vmem>>[vector<16xi32>], vector<16xf32>,
      %mul3A_1782 = arith.constant 80 : i32
      %mul3A_1783 = arith.muli %scan3A_1696, %mul3A_1782 : i32
      %add3A_1784 = arith.constant 0 : i32
      %add3A_1785 = arith.addi %mul3A_1783, %add3A_1784 : i32
      %add3A_1786 = arith.constant 40960 : i32
      %add3A_1787 = arith.addi %add3A_1786, %add3A_1785 : i32
      %add3A_1788 = vector.broadcast %add3A_1787 : i32 to vector<16xi32>
      %add3A_1789 = arith.addi %mul3A_4, %add3A_1788 : vector<16xi32>
      tpu.vector_store_idx %arg7[%add3A_1789], %gather3A_1781 : memref<81920xf32, #tpu.memory_space<vmem>>[vector<16xi32>], vector<16xf32>,
      %shift_right_arithmetic3A_1790 = arith.constant 5 : i32
      %shift_right_arithmetic3A_1791 = vector.broadcast %shift_right_arithmetic3A_1790 : i32 to vector<16xi32>
      %shift_right_arithmetic3A_1792 = arith.shrsi %or3A_1771, %shift_right_arithmetic3A_1791 : vector<16xi32>
      %and3A_1793 = arith.constant 31 : i32
      %and3A_1794 = vector.broadcast %and3A_1793 : i32 to vector<16xi32>
      %and3A_1795 = arith.andi %shift_right_arithmetic3A_1792, %and3A_1794 : vector<16xi32>
      %add3A_1796 = arith.constant 96 : i32
      %add3A_1797 = vector.broadcast %add3A_1796 : i32 to vector<16xi32>
      %add3A_1798 = arith.addi %and3A_1795, %add3A_1797 : vector<16xi32>
      %gather3A_1799 = tpu.vector_load_idx %arg8[%add3A_1798] : memref<128xf32, #tpu.memory_space<vmem>>[vector<16xi32>], vector<16xf32>,
      %mul3A_1800 = arith.constant 80 : i32
      %mul3A_1801 = arith.muli %scan3A_1696, %mul3A_1800 : i32
      %add3A_1802 = arith.constant 1 : i32
      %add3A_1803 = arith.addi %mul3A_1801, %add3A_1802 : i32
      %add3A_1804 = arith.constant 40960 : i32
      %add3A_1805 = arith.addi %add3A_1804, %add3A_1803 : i32
      %add3A_1806 = vector.broadcast %add3A_1805 : i32 to vector<16xi32>
      %add3A_1807 = arith.addi %mul3A_4, %add3A_1806 : vector<16xi32>
      tpu.vector_store_idx %arg7[%add3A_1807], %gather3A_1799 : memref<81920xf32, #tpu.memory_space<vmem>>[vector<16xi32>], vector<16xf32>,
      %shift_right_arithmetic3A_1808 = arith.constant 10 : i32
      %shift_right_arithmetic3A_1809 = vector.broadcast %shift_right_arithmetic3A_1808 : i32 to vector<16xi32>
      %shift_right_arithmetic3A_1810 = arith.shrsi %or3A_1771, %shift_right_arithmetic3A_1809 : vector<16xi32>
      %and3A_1811 = arith.constant 31 : i32
      %and3A_1812 = vector.broadcast %and3A_1811 : i32 to vector<16xi32>
      %and3A_1813 = arith.andi %shift_right_arithmetic3A_1810, %and3A_1812 : vector<16xi32>
      %add3A_1814 = arith.constant 96 : i32
      %add3A_1815 = vector.broadcast %add3A_1814 : i32 to vector<16xi32>
      %add3A_1816 = arith.addi %and3A_1813, %add3A_1815 : vector<16xi32>
      %gather3A_1817 = tpu.vector_load_idx %arg8[%add3A_1816] : memref<128xf32, #tpu.memory_space<vmem>>[vector<16xi32>], vector<16xf32>,
      %mul3A_1818 = arith.constant 80 : i32
      %mul3A_1819 = arith.muli %scan3A_1696, %mul3A_1818 : i32
      %add3A_1820 = arith.constant 2 : i32
      %add3A_1821 = arith.addi %mul3A_1819, %add3A_1820 : i32
      %add3A_1822 = arith.constant 40960 : i32
      %add3A_1823 = arith.addi %add3A_1822, %add3A_1821 : i32
      %add3A_1824 = vector.broadcast %add3A_1823 : i32 to vector<16xi32>
      %add3A_1825 = arith.addi %mul3A_4, %add3A_1824 : vector<16xi32>
      tpu.vector_store_idx %arg7[%add3A_1825], %gather3A_1817 : memref<81920xf32, #tpu.memory_space<vmem>>[vector<16xi32>], vector<16xf32>,
      %shift_right_arithmetic3A_1826 = arith.constant 15 : i32
      %shift_right_arithmetic3A_1827 = vector.broadcast %shift_right_arithmetic3A_1826 : i32 to vector<16xi32>
      %shift_right_arithmetic3A_1828 = arith.shrsi %or3A_1771, %shift_right_arithmetic3A_1827 : vector<16xi32>
      %and3A_1829 = arith.constant 31 : i32
      %and3A_1830 = vector.broadcast %and3A_1829 : i32 to vector<16xi32>
      %and3A_1831 = arith.andi %shift_right_arithmetic3A_1828, %and3A_1830 : vector<16xi32>
      %add3A_1832 = arith.constant 96 : i32
      %add3A_1833 = vector.broadcast %add3A_1832 : i32 to vector<16xi32>
      %add3A_1834 = arith.addi %and3A_1831, %add3A_1833 : vector<16xi32>
      %gather3A_1835 = tpu.vector_load_idx %arg8[%add3A_1834] : memref<128xf32, #tpu.memory_space<vmem>>[vector<16xi32>], vector<16xf32>,
      %mul3A_1836 = arith.constant 80 : i32
      %mul3A_1837 = arith.muli %scan3A_1696, %mul3A_1836 : i32
      %add3A_1838 = arith.constant 3 : i32
      %add3A_1839 = arith.addi %mul3A_1837, %add3A_1838 : i32
      %add3A_1840 = arith.constant 40960 : i32
      %add3A_1841 = arith.addi %add3A_1840, %add3A_1839 : i32
      %add3A_1842 = vector.broadcast %add3A_1841 : i32 to vector<16xi32>
      %add3A_1843 = arith.addi %mul3A_4, %add3A_1842 : vector<16xi32>
      tpu.vector_store_idx %arg7[%add3A_1843], %gather3A_1835 : memref<81920xf32, #tpu.memory_space<vmem>>[vector<16xi32>], vector<16xf32>,
      %shift_right_arithmetic3A_1844 = arith.constant 20 : i32
      %shift_right_arithmetic3A_1845 = vector.broadcast %shift_right_arithmetic3A_1844 : i32 to vector<16xi32>
      %shift_right_arithmetic3A_1846 = arith.shrsi %or3A_1771, %shift_right_arithmetic3A_1845 : vector<16xi32>
      %and3A_1847 = arith.constant 31 : i32
      %and3A_1848 = vector.broadcast %and3A_1847 : i32 to vector<16xi32>
      %and3A_1849 = arith.andi %shift_right_arithmetic3A_1846, %and3A_1848 : vector<16xi32>
      %add3A_1850 = arith.constant 96 : i32
      %add3A_1851 = vector.broadcast %add3A_1850 : i32 to vector<16xi32>
      %add3A_1852 = arith.addi %and3A_1849, %add3A_1851 : vector<16xi32>
      %gather3A_1853 = tpu.vector_load_idx %arg8[%add3A_1852] : memref<128xf32, #tpu.memory_space<vmem>>[vector<16xi32>], vector<16xf32>,
      %mul3A_1854 = arith.constant 80 : i32
      %mul3A_1855 = arith.muli %scan3A_1696, %mul3A_1854 : i32
      %add3A_1856 = arith.constant 4 : i32
      %add3A_1857 = arith.addi %mul3A_1855, %add3A_1856 : i32
      %add3A_1858 = arith.constant 40960 : i32
      %add3A_1859 = arith.addi %add3A_1858, %add3A_1857 : i32
      %add3A_1860 = vector.broadcast %add3A_1859 : i32 to vector<16xi32>
      %add3A_1861 = arith.addi %mul3A_4, %add3A_1860 : vector<16xi32>
      tpu.vector_store_idx %arg7[%add3A_1861], %gather3A_1853 : memref<81920xf32, #tpu.memory_space<vmem>>[vector<16xi32>], vector<16xf32>,
      %scan3A_1862 = arith.constant 3 : i32
      %scan3A_1863 = arith.addi %scan3A_1363, %scan3A_1862 : i32
      %mul3A_1864 = arith.constant 16 : i32
      %mul3A_1865 = arith.muli %scan3A_1863, %mul3A_1864 : i32
      %add3A_1866 = arith.constant 24576 : i32
      %add3A_1867 = arith.addi %add3A_1866, %mul3A_1865 : i32
      %get3A_1868 = arith.index_cast %add3A_1867 : i32 to index
      %get3A_1869 = tpu.vector_load %arg6[%get3A_1868] {strides = array<i32>} : memref<32768xi32, #tpu.memory_space<vmem>>, vector<16xi32>,
      %shift_right_arithmetic3A_1870 = arith.constant 0 : i32
      %shift_right_arithmetic3A_1871 = vector.broadcast %shift_right_arithmetic3A_1870 : i32 to vector<16xi32>
      %shift_right_arithmetic3A_1872 = arith.shrsi %get3A_1869, %shift_right_arithmetic3A_1871 : vector<16xi32>
      %and3A_1873 = arith.constant 31 : i32
      %and3A_1874 = vector.broadcast %and3A_1873 : i32 to vector<16xi32>
      %and3A_1875 = arith.andi %shift_right_arithmetic3A_1872, %and3A_1874 : vector<16xi32>
      %shift_right_arithmetic3A_1876 = arith.shrsi %gather3A_1306, %and3A_1875 : vector<16xi32>
      %and3A_1877 = arith.constant 31 : i32
      %and3A_1878 = vector.broadcast %and3A_1877 : i32 to vector<16xi32>
      %and3A_1879 = arith.andi %shift_right_arithmetic3A_1876, %and3A_1878 : vector<16xi32>
      %shift_left3A_1880 = arith.constant 0 : i32
      %shift_left3A_1881 = vector.broadcast %shift_left3A_1880 : i32 to vector<16xi32>
      %shift_left3A_1882 = arith.shli %and3A_1879, %shift_left3A_1881 : vector<16xi32>
      %shift_right_arithmetic3A_1883 = arith.constant 5 : i32
      %shift_right_arithmetic3A_1884 = vector.broadcast %shift_right_arithmetic3A_1883 : i32 to vector<16xi32>
      %shift_right_arithmetic3A_1885 = arith.shrsi %get3A_1869, %shift_right_arithmetic3A_1884 : vector<16xi32>
      %and3A_1886 = arith.constant 31 : i32
      %and3A_1887 = vector.broadcast %and3A_1886 : i32 to vector<16xi32>
      %and3A_1888 = arith.andi %shift_right_arithmetic3A_1885, %and3A_1887 : vector<16xi32>
      %shift_right_arithmetic3A_1889 = arith.shrsi %gather3A_1306, %and3A_1888 : vector<16xi32>
      %and3A_1890 = arith.constant 31 : i32
      %and3A_1891 = vector.broadcast %and3A_1890 : i32 to vector<16xi32>
      %and3A_1892 = arith.andi %shift_right_arithmetic3A_1889, %and3A_1891 : vector<16xi32>
      %shift_left3A_1893 = arith.constant 5 : i32
      %shift_left3A_1894 = vector.broadcast %shift_left3A_1893 : i32 to vector<16xi32>
      %shift_left3A_1895 = arith.shli %and3A_1892, %shift_left3A_1894 : vector<16xi32>
      %or3A_1896 = arith.ori %shift_left3A_1882, %shift_left3A_1895 : vector<16xi32>
      %shift_right_arithmetic3A_1897 = arith.constant 10 : i32
      %shift_right_arithmetic3A_1898 = vector.broadcast %shift_right_arithmetic3A_1897 : i32 to vector<16xi32>
      %shift_right_arithmetic3A_1899 = arith.shrsi %get3A_1869, %shift_right_arithmetic3A_1898 : vector<16xi32>
      %and3A_1900 = arith.constant 31 : i32
      %and3A_1901 = vector.broadcast %and3A_1900 : i32 to vector<16xi32>
      %and3A_1902 = arith.andi %shift_right_arithmetic3A_1899, %and3A_1901 : vector<16xi32>
      %shift_right_arithmetic3A_1903 = arith.shrsi %gather3A_1306, %and3A_1902 : vector<16xi32>
      %and3A_1904 = arith.constant 31 : i32
      %and3A_1905 = vector.broadcast %and3A_1904 : i32 to vector<16xi32>
      %and3A_1906 = arith.andi %shift_right_arithmetic3A_1903, %and3A_1905 : vector<16xi32>
      %shift_left3A_1907 = arith.constant 10 : i32
      %shift_left3A_1908 = vector.broadcast %shift_left3A_1907 : i32 to vector<16xi32>
      %shift_left3A_1909 = arith.shli %and3A_1906, %shift_left3A_1908 : vector<16xi32>
      %or3A_1910 = arith.ori %or3A_1896, %shift_left3A_1909 : vector<16xi32>
      %shift_right_arithmetic3A_1911 = arith.constant 15 : i32
      %shift_right_arithmetic3A_1912 = vector.broadcast %shift_right_arithmetic3A_1911 : i32 to vector<16xi32>
      %shift_right_arithmetic3A_1913 = arith.shrsi %get3A_1869, %shift_right_arithmetic3A_1912 : vector<16xi32>
      %and3A_1914 = arith.constant 31 : i32
      %and3A_1915 = vector.broadcast %and3A_1914 : i32 to vector<16xi32>
      %and3A_1916 = arith.andi %shift_right_arithmetic3A_1913, %and3A_1915 : vector<16xi32>
      %shift_right_arithmetic3A_1917 = arith.shrsi %gather3A_1306, %and3A_1916 : vector<16xi32>
      %and3A_1918 = arith.constant 31 : i32
      %and3A_1919 = vector.broadcast %and3A_1918 : i32 to vector<16xi32>
      %and3A_1920 = arith.andi %shift_right_arithmetic3A_1917, %and3A_1919 : vector<16xi32>
      %shift_left3A_1921 = arith.constant 15 : i32
      %shift_left3A_1922 = vector.broadcast %shift_left3A_1921 : i32 to vector<16xi32>
      %shift_left3A_1923 = arith.shli %and3A_1920, %shift_left3A_1922 : vector<16xi32>
      %or3A_1924 = arith.ori %or3A_1910, %shift_left3A_1923 : vector<16xi32>
      %shift_right_arithmetic3A_1925 = arith.constant 20 : i32
      %shift_right_arithmetic3A_1926 = vector.broadcast %shift_right_arithmetic3A_1925 : i32 to vector<16xi32>
      %shift_right_arithmetic3A_1927 = arith.shrsi %get3A_1869, %shift_right_arithmetic3A_1926 : vector<16xi32>
      %and3A_1928 = arith.constant 31 : i32
      %and3A_1929 = vector.broadcast %and3A_1928 : i32 to vector<16xi32>
      %and3A_1930 = arith.andi %shift_right_arithmetic3A_1927, %and3A_1929 : vector<16xi32>
      %shift_right_arithmetic3A_1931 = arith.shrsi %gather3A_1306, %and3A_1930 : vector<16xi32>
      %and3A_1932 = arith.constant 31 : i32
      %and3A_1933 = vector.broadcast %and3A_1932 : i32 to vector<16xi32>
      %and3A_1934 = arith.andi %shift_right_arithmetic3A_1931, %and3A_1933 : vector<16xi32>
      %shift_left3A_1935 = arith.constant 20 : i32
      %shift_left3A_1936 = vector.broadcast %shift_left3A_1935 : i32 to vector<16xi32>
      %shift_left3A_1937 = arith.shli %and3A_1934, %shift_left3A_1936 : vector<16xi32>
      %or3A_1938 = arith.ori %or3A_1924, %shift_left3A_1937 : vector<16xi32>
      %shift_right_arithmetic3A_1939 = arith.constant 0 : i32
      %shift_right_arithmetic3A_1940 = vector.broadcast %shift_right_arithmetic3A_1939 : i32 to vector<16xi32>
      %shift_right_arithmetic3A_1941 = arith.shrsi %or3A_1938, %shift_right_arithmetic3A_1940 : vector<16xi32>
      %and3A_1942 = arith.constant 31 : i32
      %and3A_1943 = vector.broadcast %and3A_1942 : i32 to vector<16xi32>
      %and3A_1944 = arith.andi %shift_right_arithmetic3A_1941, %and3A_1943 : vector<16xi32>
      %add3A_1945 = arith.constant 96 : i32
      %add3A_1946 = vector.broadcast %add3A_1945 : i32 to vector<16xi32>
      %add3A_1947 = arith.addi %and3A_1944, %add3A_1946 : vector<16xi32>
      %gather3A_1948 = tpu.vector_load_idx %arg8[%add3A_1947] : memref<128xf32, #tpu.memory_space<vmem>>[vector<16xi32>], vector<16xf32>,
      %mul3A_1949 = arith.constant 80 : i32
      %mul3A_1950 = arith.muli %scan3A_1863, %mul3A_1949 : i32
      %add3A_1951 = arith.constant 0 : i32
      %add3A_1952 = arith.addi %mul3A_1950, %add3A_1951 : i32
      %add3A_1953 = arith.constant 40960 : i32
      %add3A_1954 = arith.addi %add3A_1953, %add3A_1952 : i32
      %add3A_1955 = vector.broadcast %add3A_1954 : i32 to vector<16xi32>
      %add3A_1956 = arith.addi %mul3A_4, %add3A_1955 : vector<16xi32>
      tpu.vector_store_idx %arg7[%add3A_1956], %gather3A_1948 : memref<81920xf32, #tpu.memory_space<vmem>>[vector<16xi32>], vector<16xf32>,
      %shift_right_arithmetic3A_1957 = arith.constant 5 : i32
      %shift_right_arithmetic3A_1958 = vector.broadcast %shift_right_arithmetic3A_1957 : i32 to vector<16xi32>
      %shift_right_arithmetic3A_1959 = arith.shrsi %or3A_1938, %shift_right_arithmetic3A_1958 : vector<16xi32>
      %and3A_1960 = arith.constant 31 : i32
      %and3A_1961 = vector.broadcast %and3A_1960 : i32 to vector<16xi32>
      %and3A_1962 = arith.andi %shift_right_arithmetic3A_1959, %and3A_1961 : vector<16xi32>
      %add3A_1963 = arith.constant 96 : i32
      %add3A_1964 = vector.broadcast %add3A_1963 : i32 to vector<16xi32>
      %add3A_1965 = arith.addi %and3A_1962, %add3A_1964 : vector<16xi32>
      %gather3A_1966 = tpu.vector_load_idx %arg8[%add3A_1965] : memref<128xf32, #tpu.memory_space<vmem>>[vector<16xi32>], vector<16xf32>,
      %mul3A_1967 = arith.constant 80 : i32
      %mul3A_1968 = arith.muli %scan3A_1863, %mul3A_1967 : i32
      %add3A_1969 = arith.constant 1 : i32
      %add3A_1970 = arith.addi %mul3A_1968, %add3A_1969 : i32
      %add3A_1971 = arith.constant 40960 : i32
      %add3A_1972 = arith.addi %add3A_1971, %add3A_1970 : i32
      %add3A_1973 = vector.broadcast %add3A_1972 : i32 to vector<16xi32>
      %add3A_1974 = arith.addi %mul3A_4, %add3A_1973 : vector<16xi32>
      tpu.vector_store_idx %arg7[%add3A_1974], %gather3A_1966 : memref<81920xf32, #tpu.memory_space<vmem>>[vector<16xi32>], vector<16xf32>,
      %shift_right_arithmetic3A_1975 = arith.constant 10 : i32
      %shift_right_arithmetic3A_1976 = vector.broadcast %shift_right_arithmetic3A_1975 : i32 to vector<16xi32>
      %shift_right_arithmetic3A_1977 = arith.shrsi %or3A_1938, %shift_right_arithmetic3A_1976 : vector<16xi32>
      %and3A_1978 = arith.constant 31 : i32
      %and3A_1979 = vector.broadcast %and3A_1978 : i32 to vector<16xi32>
      %and3A_1980 = arith.andi %shift_right_arithmetic3A_1977, %and3A_1979 : vector<16xi32>
      %add3A_1981 = arith.constant 96 : i32
      %add3A_1982 = vector.broadcast %add3A_1981 : i32 to vector<16xi32>
      %add3A_1983 = arith.addi %and3A_1980, %add3A_1982 : vector<16xi32>
      %gather3A_1984 = tpu.vector_load_idx %arg8[%add3A_1983] : memref<128xf32, #tpu.memory_space<vmem>>[vector<16xi32>], vector<16xf32>,
      %mul3A_1985 = arith.constant 80 : i32
      %mul3A_1986 = arith.muli %scan3A_1863, %mul3A_1985 : i32
      %add3A_1987 = arith.constant 2 : i32
      %add3A_1988 = arith.addi %mul3A_1986, %add3A_1987 : i32
      %add3A_1989 = arith.constant 40960 : i32
      %add3A_1990 = arith.addi %add3A_1989, %add3A_1988 : i32
      %add3A_1991 = vector.broadcast %add3A_1990 : i32 to vector<16xi32>
      %add3A_1992 = arith.addi %mul3A_4, %add3A_1991 : vector<16xi32>
      tpu.vector_store_idx %arg7[%add3A_1992], %gather3A_1984 : memref<81920xf32, #tpu.memory_space<vmem>>[vector<16xi32>], vector<16xf32>,
      %shift_right_arithmetic3A_1993 = arith.constant 15 : i32
      %shift_right_arithmetic3A_1994 = vector.broadcast %shift_right_arithmetic3A_1993 : i32 to vector<16xi32>
      %shift_right_arithmetic3A_1995 = arith.shrsi %or3A_1938, %shift_right_arithmetic3A_1994 : vector<16xi32>
      %and3A_1996 = arith.constant 31 : i32
      %and3A_1997 = vector.broadcast %and3A_1996 : i32 to vector<16xi32>
      %and3A_1998 = arith.andi %shift_right_arithmetic3A_1995, %and3A_1997 : vector<16xi32>
      %add3A_1999 = arith.constant 96 : i32
      %add3A_2000 = vector.broadcast %add3A_1999 : i32 to vector<16xi32>
      %add3A_2001 = arith.addi %and3A_1998, %add3A_2000 : vector<16xi32>
      %gather3A_2002 = tpu.vector_load_idx %arg8[%add3A_2001] : memref<128xf32, #tpu.memory_space<vmem>>[vector<16xi32>], vector<16xf32>,
      %mul3A_2003 = arith.constant 80 : i32
      %mul3A_2004 = arith.muli %scan3A_1863, %mul3A_2003 : i32
      %add3A_2005 = arith.constant 3 : i32
      %add3A_2006 = arith.addi %mul3A_2004, %add3A_2005 : i32
      %add3A_2007 = arith.constant 40960 : i32
      %add3A_2008 = arith.addi %add3A_2007, %add3A_2006 : i32
      %add3A_2009 = vector.broadcast %add3A_2008 : i32 to vector<16xi32>
      %add3A_2010 = arith.addi %mul3A_4, %add3A_2009 : vector<16xi32>
      tpu.vector_store_idx %arg7[%add3A_2010], %gather3A_2002 : memref<81920xf32, #tpu.memory_space<vmem>>[vector<16xi32>], vector<16xf32>,
      %shift_right_arithmetic3A_2011 = arith.constant 20 : i32
      %shift_right_arithmetic3A_2012 = vector.broadcast %shift_right_arithmetic3A_2011 : i32 to vector<16xi32>
      %shift_right_arithmetic3A_2013 = arith.shrsi %or3A_1938, %shift_right_arithmetic3A_2012 : vector<16xi32>
      %and3A_2014 = arith.constant 31 : i32
      %and3A_2015 = vector.broadcast %and3A_2014 : i32 to vector<16xi32>
      %and3A_2016 = arith.andi %shift_right_arithmetic3A_2013, %and3A_2015 : vector<16xi32>
      %add3A_2017 = arith.constant 96 : i32
      %add3A_2018 = vector.broadcast %add3A_2017 : i32 to vector<16xi32>
      %add3A_2019 = arith.addi %and3A_2016, %add3A_2018 : vector<16xi32>
      %gather3A_2020 = tpu.vector_load_idx %arg8[%add3A_2019] : memref<128xf32, #tpu.memory_space<vmem>>[vector<16xi32>], vector<16xf32>,
      %mul3A_2021 = arith.constant 80 : i32
      %mul3A_2022 = arith.muli %scan3A_1863, %mul3A_2021 : i32
      %add3A_2023 = arith.constant 4 : i32
      %add3A_2024 = arith.addi %mul3A_2022, %add3A_2023 : i32
      %add3A_2025 = arith.constant 40960 : i32
      %add3A_2026 = arith.addi %add3A_2025, %add3A_2024 : i32
      %add3A_2027 = vector.broadcast %add3A_2026 : i32 to vector<16xi32>
      %add3A_2028 = arith.addi %mul3A_4, %add3A_2027 : vector<16xi32>
      tpu.vector_store_idx %arg7[%add3A_2028], %gather3A_2020 : memref<81920xf32, #tpu.memory_space<vmem>>[vector<16xi32>], vector<16xf32>,
    }
    %scan3A_1326 = arith.constant 512 : i32
    %add3A_1327 = arith.constant 3 : i32
    %add3A_1328 = arith.addi %mul3A_7, %add3A_1327 : i32
    %dma_start3A_1329 = arith.constant 40960 : i32
    %dma_start3A_1330 = tpu.memref_slice %arg7[%dma_start3A_1329] : memref<81920xf32, #tpu.memory_space<vmem>> -> memref<40960xf32, #tpu.memory_space<vmem>>
    %dma_start3A_1331 = arith.constant 0 : i32
    %dma_start3A_1332 = tpu.memref_slice %arg5[%add3A_1328, %dma_start3A_1331] : memref<128x40960xf32, #tpu.memory_space<hbm>> -> memref<1x40960xf32, #tpu.memory_space<hbm>>
    %dma_start3A_1333 = tpu.memref_squeeze %dma_start3A_1332 : memref<1x40960xf32, #tpu.memory_space<hbm>> -> memref<40960xf32, #tpu.memory_space<hbm>>
    %dma_start3A_1334 = arith.constant 0 : i32
    %dma_start3A_1335 = tpu.memref_slice %arg5[%add3A_1328, %dma_start3A_1334] : memref<128x40960xf32, #tpu.memory_space<hbm>> -> memref<1x40960xf32, #tpu.memory_space<hbm>>
    %dma_start3A_1336 = tpu.memref_squeeze %dma_start3A_1335 : memref<1x40960xf32, #tpu.memory_space<hbm>> -> memref<40960xf32, #tpu.memory_space<hbm>>
    %dma_start3A_1337 = arith.constant 40960 : i32
    %dma_start3A_1338 = tpu.memref_slice %arg7[%dma_start3A_1337] : memref<81920xf32, #tpu.memory_space<vmem>> -> memref<40960xf32, #tpu.memory_space<vmem>>
    tpu.enqueue_dma source(%dma_start3A_1338 : memref<40960xf32, #tpu.memory_space<vmem>>) target(%dma_start3A_1336 : memref<40960xf32, #tpu.memory_space<hbm>>) target_semaphore(%arg12 : memref<!tpu.dma_semaphore, #tpu.memory_space<semaphore_mem>>)
    %add3A_1339 = arith.constant 2 : i32
    %add3A_1340 = arith.addi %mul3A_7, %add3A_1339 : i32
    %dma_wait3A_1341 = arith.constant 0 : i32
    %dma_wait3A_1342 = tpu.memref_slice %arg7[%dma_wait3A_1341] : memref<81920xf32, #tpu.memory_space<vmem>> -> memref<40960xf32, #tpu.memory_space<vmem>>
    %dma_wait3A_1343 = arith.constant 0 : i32
    %dma_wait3A_1344 = tpu.memref_slice %arg5[%add3A_1340, %dma_wait3A_1343] : memref<128x40960xf32, #tpu.memory_space<hbm>> -> memref<1x40960xf32, #tpu.memory_space<hbm>>
    %dma_wait3A_1345 = tpu.memref_squeeze %dma_wait3A_1344 : memref<1x40960xf32, #tpu.memory_space<hbm>> -> memref<40960xf32, #tpu.memory_space<hbm>>
    %dma_wait3A_1346 = arith.constant 0 : i32
    %dma_wait3A_1347 = tpu.memref_slice %arg5[%add3A_1340, %dma_wait3A_1346] : memref<128x40960xf32, #tpu.memory_space<hbm>> -> memref<1x40960xf32, #tpu.memory_space<hbm>>
    %dma_wait3A_1348 = tpu.memref_squeeze %dma_wait3A_1347 : memref<1x40960xf32, #tpu.memory_space<hbm>> -> memref<40960xf32, #tpu.memory_space<hbm>>
    %dma_wait3A_1349 = arith.constant 0 : i32
    %dma_wait3A_1350 = tpu.memref_slice %arg7[%dma_wait3A_1349] : memref<81920xf32, #tpu.memory_space<vmem>> -> memref<40960xf32, #tpu.memory_space<vmem>>
    tpu.wait_dma2 semaphore(%arg11 : memref<!tpu.dma_semaphore, #tpu.memory_space<semaphore_mem>>) src(%dma_wait3A_1350 : memref<40960xf32, #tpu.memory_space<vmem>>) dst(%dma_wait3A_1348 : memref<40960xf32, #tpu.memory_space<hbm>>)
    %add3A_1351 = arith.constant 3 : i32
    %add3A_1352 = arith.addi %mul3A_7, %add3A_1351 : i32
    %dma_wait3A_1353 = arith.constant 40960 : i32
    %dma_wait3A_1354 = tpu.memref_slice %arg7[%dma_wait3A_1353] : memref<81920xf32, #tpu.memory_space<vmem>> -> memref<40960xf32, #tpu.memory_space<vmem>>
    %dma_wait3A_1355 = arith.constant 0 : i32
    %dma_wait3A_1356 = tpu.memref_slice %arg5[%add3A_1352, %dma_wait3A_1355] : memref<128x40960xf32, #tpu.memory_space<hbm>> -> memref<1x40960xf32, #tpu.memory_space<hbm>>
    %dma_wait3A_1357 = tpu.memref_squeeze %dma_wait3A_1356 : memref<1x40960xf32, #tpu.memory_space<hbm>> -> memref<40960xf32, #tpu.memory_space<hbm>>
    %dma_wait3A_1358 = arith.constant 0 : i32
    %dma_wait3A_1359 = tpu.memref_slice %arg5[%add3A_1352, %dma_wait3A_1358] : memref<128x40960xf32, #tpu.memory_space<hbm>> -> memref<1x40960xf32, #tpu.memory_space<hbm>>
    %dma_wait3A_1360 = tpu.memref_squeeze %dma_wait3A_1359 : memref<1x40960xf32, #tpu.memory_space<hbm>> -> memref<40960xf32, #tpu.memory_space<hbm>>
    %dma_wait3A_1361 = arith.constant 40960 : i32
    %dma_wait3A_1362 = tpu.memref_slice %arg7[%dma_wait3A_1361] : memref<81920xf32, #tpu.memory_space<vmem>> -> memref<40960xf32, #tpu.memory_space<vmem>>
    tpu.wait_dma2 semaphore(%arg12 : memref<!tpu.dma_semaphore, #tpu.memory_space<semaphore_mem>>) src(%dma_wait3A_1362 : memref<40960xf32, #tpu.memory_space<vmem>>) dst(%dma_wait3A_1360 : memref<40960xf32, #tpu.memory_space<hbm>>)
    return
  }
}

</mosaic_0001>

<sc_bundles>
// kernel: kernel.3.cloned.1.call-start
scs
__scs_entry_jumppad:
0x0: {  	(pc) =	sbr.rel $0x88, $3  }
0x1: {  	(tag) =	ssettag $0x0;
	lr =	simm.s32 $0x1  }
0x2: {  	[smem:$0x3F9E] =	sst lr;
	_ =	strace $0xD0000000  }
0x3: {  	_ = 	snop  }
0x4: {  	_ = 	snop  }
0x5: {  	_ = 	snop  }
0x6: {  	_ = 	snop  }
0x7: {  	_ = 	snop  }
__scs_overlays_trampoline_lowered:
0x8: {  	[smem:$0x3FAD] =	sst s0  }
0x9: {  	[smem:$0x3FAE] =	sst s1  }
0xa: {  	[smem:$0x3FAF] =	sst s2  }
0xb: {  	[smem:$0x3FB0] =	sst s3  }
0xc: {  	[smem:$0x3FB1] =	sst s4  }
0xd: {  	[smem:$0x3FB2] =	sst s5  }
0xe: {  	[smem:$0x3FB3] =	sst s6  }
0xf: {  	[smem:$0x3FB4] =	sst s7  }
0x10: {  	[smem:$0x3FB5] =	sst s8  }
0x11: {  	[smem:$0x3FB6] =	sst s9;
	s0 =	simm.s32 @!p0 $0x0  }
0x12: {  	s1 =	sld [smem:$0x3F9C];
	s0 =	simm.s32 @p0 $0x1  }
0x13: {  	[smem:$0x3FB7] =	sst s0;
	s0 =	simm.s32 @!p1 $0x0  }
0x14: {  	s2 =	sld [smem:$0x3F9B];
	s0 =	simm.s32 @p1 $0x1  }
0x15: {  	[smem:$0x3FB8] =	sst s0;
	s0 =	simm.s32 @!p2 $0x0  }
0x16: {  	s3 =	sld [smem:$0x3FDB];
	s0 =	simm.s32 @p2 $0x1  }
0x17: {  	s4 =	simm.s32 $0x1BF5;
	[smem:$0x3FBA] =	sst s0  }
0x18: {  	s0 =	sld [smem:$0x3F9D];
	_ =	swait.ge [sflag:s4], $0x0  }
0x19: {  	s7 =	sld [smem:$0x3F9E]  }
0x1a: {  	s8 =	sadd.s32 $0xFFFFE003, lr  }
0x1b: {  	s9 =	sadd.s32 $0xFFFFFEF7, lr;
	s5 =	simm.s32 $0xFFFFFFFF;
	p2 =	slt.u32 s8, $0xFFFFF086  }
0x1c: {  	p1 =	slt.u32 s9, $0xF7A;
	s5 =	simm.s32 @!p2 $0x0  }
0x1d: {  	s5 =	simm.s32 @p1 $0x1;
	p0 =	seq.s32 s7, s2  }
0x1e: {  	s7 =	smul.u32 @!p0 $0xF7A, s2;
	p2 =	seq.s32 @!p0 s5, $0x0  }
0x1f: {  	s9 =	smul.u32 $0xF7A, s1;
	s8 =	simm.s32 @!p0 $0x1BF5;
	p2 =	por !p2, p0  }
0x20: {  	[sflag:s8] =	ssyncset.s32 @!p0 $0xFFFFF086;
	s6 =	sadd.s32 @!p0 s3, s7;
	s7 =	simm.s32 @!p0 $0x108  }
0x21: {  	s3 =	sadd.s32 s3, s9;
	s6 =	sadd.s32 @!p0 $0x88, s6;
	s7 =	simm.s32 @p2 $0x1082  }
0x22: {  	[simem:s7], [sflag:s8] =	dma.local @!p0 [hbm:s6], $0xF7A  }
0x23: {  	s9 =	sor.u32 $0xD0000000, s2;
	s6 =	simm.s32 $0x108;
	_ =	swait.ge @!p0 [sflag:s8], $0x0  }
0x24: {  	s3 =	sadd.s32 $0x88, s3;
	s6 =	simm.s32 @!p1 $0x1082;
	[sflag:s4] =	ssyncset.s32 $0xFFFFF086  }
0x25: {  	[simem:s6], [sflag:s4] =	dma.local [hbm:s3], $0xF7A  }
0x26: {  	[smem:$0x3F9E] =	sst s1;
	(tag) =	ssettag s2;
	_ =	strace s9  }
0x27: {  	s1 =	sld [smem:$0x3FAE]  }
0x28: {  	s2 =	sld [smem:$0x3FAF]  }
0x29: {  	s4 =	sld [smem:$0x3FB1]  }
0x2a: {  	p0 =	seq.s32 s5, $0x0;
	s5 =	sld [smem:$0x3FB2]  }
0x2b: {  	s6 =	sld [smem:$0x3FB3]  }
0x2c: {  	s7 =	sld [smem:$0x3FB4]  }
0x2d: {  	s3 =	simm.s32 $0x108;
	s8 =	sld [smem:$0x3FB5]  }
0x2e: {  	s3 =	simm.s32 @!p0 $0x1082;
	s9 =	sld [smem:$0x3FB6]  }
0x2f: {  	lr =	sadd.s32 s0, s3;
	s0 =	sld [smem:$0x3FAD]  }
0x30: {  	s3 =	sld [smem:$0x3FB0]  }
0x31: {  	[smem:$0x3FB9] =	sst s10  }
0x32: {  	s10 =	sld [smem:$0x3FB7];
	_ =	sdelay $0x3  }
0x33: {  	p0 =	seq.s32 s10, $0x1;
	s10 =	sld [smem:$0x3FB9];
	_ =	sdelay $0x3  }
0x34: {  	[smem:$0x3FB9] =	sst s10  }
0x35: {  	s10 =	sld [smem:$0x3FB8];
	_ =	sdelay $0x3  }
0x36: {  	p1 =	seq.s32 s10, $0x1;
	s10 =	sld [smem:$0x3FB9];
	_ =	sdelay $0x3  }
0x37: {  	[smem:$0x3FB9] =	sst s10  }
0x38: {  	s10 =	sld [smem:$0x3FBA]  }
0x39: {  	_ = 	snop;
	(pc) =	sbr.ind lr, $3  }
0x3a: {  	_ = 	snop  }
0x3b: {  	_ = 	snop  }
0x3c: {  	p2 =	seq.s32 s10, $0x1;
	s10 =	sld [smem:$0x3FB9]  }
0x3d: {  	_ =	shalt  }
0x3e: {  	_ =	shalt  }
0x3f: {  	_ =	shalt  }
0x40: {  	_ =	shalt  }
0x41: {  	_ =	shalt  }
0x42: {  	_ =	shalt  }
0x43: {  	_ =	shalt  }
0x44: {  	_ =	shalt  }
0x45: {  	_ =	shalt  }
0x46: {  	_ =	shalt  }
0x47: {  	_ =	shalt  }
0x48: {  	_ =	shalt  }
0x49: {  	_ =	shalt  }
0x4a: {  	_ =	shalt  }
0x4b: {  	_ =	shalt  }
0x4c: {  	_ =	shalt  }
0x4d: {  	_ =	shalt  }
0x4e: {  	_ =	shalt  }
0x4f: {  	_ =	shalt  }
0x50: {  	_ =	shalt  }
0x51: {  	_ =	shalt  }
0x52: {  	_ =	shalt  }
0x53: {  	_ =	shalt  }
0x54: {  	_ =	shalt  }
0x55: {  	_ =	shalt  }
0x56: {  	_ =	shalt  }
0x57: {  	_ =	shalt  }
0x58: {  	_ =	shalt  }
0x59: {  	_ =	shalt  }
0x5a: {  	_ =	shalt  }
0x5b: {  	_ =	shalt  }
0x5c: {  	_ =	shalt  }
0x5d: {  	_ =	shalt  }
0x5e: {  	_ =	shalt  }
0x5f: {  	_ =	shalt  }
0x60: {  	_ =	shalt  }
0x61: {  	_ =	shalt  }
0x62: {  	_ =	shalt  }
0x63: {  	_ =	shalt  }
0x64: {  	_ =	shalt  }
0x65: {  	_ =	shalt  }
0x66: {  	_ =	shalt  }
0x67: {  	_ =	shalt  }
0x68: {  	_ =	shalt  }
0x69: {  	_ =	shalt  }
0x6a: {  	_ =	shalt  }
0x6b: {  	_ =	shalt  }
0x6c: {  	_ =	shalt  }
0x6d: {  	_ =	shalt  }
0x6e: {  	_ =	shalt  }
0x6f: {  	_ =	shalt  }
0x70: {  	_ =	shalt  }
0x71: {  	_ =	shalt  }
0x72: {  	_ =	shalt  }
0x73: {  	_ =	shalt  }
0x74: {  	_ =	shalt  }
0x75: {  	_ =	shalt  }
0x76: {  	_ =	shalt  }
0x77: {  	_ =	shalt  }
0x78: {  	_ =	shalt  }
0x79: {  	_ =	shalt  }
0x7a: {  	_ =	shalt  }
0x7b: {  	_ =	shalt  }
0x7c: {  	_ =	shalt  }
0x7d: {  	_ =	shalt  }
0x7e: {  	_ =	shalt  }
0x7f: {  	_ =	shalt  }
0x80: {  	_ =	shalt  }
0x81: {  	_ =	shalt  }
0x82: {  	_ =	shalt  }
0x83: {  	_ =	shalt  }
0x84: {  	_ =	shalt  }
0x85: {  	_ =	shalt  }
0x86: {  	_ =	shalt  }
0x87: {  	_ =	shalt  }
.Lfunc_end0:
.L_simem_size_0:
called_computation_lowered:
.L_overlay_start_0:
0x88: {  	s2 =	sld [smem:$0x3FD9]  }
0x89: {  	s3 =	sld [smem:$0x3FFE];
	_ =	sdelay $0x1  }
0x8a: {  	s1 =	srdreg.scid  }
0x8b: {  	s0 =	sand.u32 $0x1, s1  }
0x8c: {  	s17 =	sshll.u32 s0, $0xA;
	s2 =	sadd.s32 s3, s2  }
0x8d: {  	s2 =	sadd.s32 s2, s17  }
0x8e: {  	[smem:$0x3FC5] =	sst s2  }
0x8f: {  	_ = 	snop  }
0x90: {  	s2 =	sld [smem:$0x3FD0];
	(tm) =	ssettm $0x1  }
0x91: {  	s18 =	sld [smem:$0x3FFB];
	_ =	sdelay $0x3  }
0x92: {  	_ =	strace s18  }
0x93: {  	s3 =	sld [smem:$0x3FFC];
	_ =	sdelay $0x3  }
0x94: {  	_ =	strace s3  }
0x95: {  	s3 =	sld [smem:$0x3FFD];
	_ =	sdelay $0x3  }
0x96: {  	_ =	strace s3  }
0x97: {  	_ =	strace $0x8FFFFFFF  }
0x98: {  	s19 =	sld [smem:$0x3FDB];
	_ =	sdelay $0x1  }
0x99: {  	s4 =	simm.s32 $_scs_section_size  }
0x9a: {  	s5 =	simm.s32 $_size__tile_overlayer_lowered;
	s6 =	simm.s32 $_tile_overlayer_lowered  }
0x9b: {  	s22 =	simm.s32 $0x1BFF;
	s21 =	sshll.u32 s6, $0x1;
	s3 =	sadd.s32 s4, s19  }
0x9c: {  	s7 =	simm.s32 $0x0;
	s20 =	sshll.u32 s5, $0x1;
	s5 =	sadd.s32 s21, s3  }
0x9d: {  	[timem:s7], [sflag:s22] =	dma.local [hbm:s5], s20  }
0x9e: {  	_ =	swait.ge [sflag:s22], s20  }
0x9f: {  	s4 =	ssub.s32 $0x0, s20;
	[sflag:s22] =	ssyncset.done $0x0  }
0xa0: {  	[sflag:s22] =	ssyncadd.s32 s4;
	_ =	sdelay $0x1  }
0xa1: {  	s23 =	simm.s32 $0x1B8B  }
0xa2: {  	_ =	swait.ge [sflag:s23], $0x1  }
0xa3: {  	[sflag:s23] =	ssyncset.done $0x0  }
0xa4: {  	s25 =	simm.s32 $0x1B8E;
	s24 =	sld [smem:$0x3FFE];
	[sflag:s23] =	ssyncadd.s32 $0xFFFFFFFF  }
0xa5: {  	s26 =	simm.s32 $execute0_lowered;
	[smem:$0x3FD2] =	sst s25  }
0xa6: {  	s5 =	sshll.u32 s26, $0x1;
	_ =	strace $0x80000046;
	[dreg:$0x1] =	wrdreg $0xFFFFFFFF  }
0xa7: {  	s28 =	simm.s32 $_size_execute0_lowered;
	s3 =	sadd.s32 s3, s5;
	[dreg:$0x0] =	wrdreg $0x0  }
0xa8: {  	s5 =	sshll.u32 s28, $0x1;
	[dreg:$0x2] =	wrdreg s3  }
0xa9: {  	[dreg:$0x3] =	wrdreg s5  }
0xaa: {  	[dreg:$0x4] =	wrdreg $0xC0  }
0xab: {  	_ =	task [dreg:s7], $0x5FFFF  }
0xac: {  	[dreg:$0x1] =	wrdreg $0xFFFFFFFF  }
0xad: {  	[dreg:$0x0] =	wrdreg $0x60  }
0xae: {  	[dreg:$0x2] =	wrdreg s24  }
0xaf: {  	[dreg:$0x3] =	wrdreg s2  }
0xb0: {  	[dreg:$0x4] =	wrdreg $0x9  }
0xb1: {  	_ =	task.clear_ibuf [dreg:s7], $0x5FFFF;
	_ =	strace $0x90000046  }
0xb2: {  	s29 =	simm.s32 $0x9;
	_ =	strace $0x80000048  }
0xb3: {  	_ =	swait.ge [sflag:s29], $0x1  }
0xb4: {  	[sflag:s29] =	ssyncadd.s32 $0xFFFFFFFF  }
0xb5: {  	_ =	strace $0x90000048  }
0xb6: {  	_ =	sfence  }
0xb7: {  	s30 =	sld [smem:$0x0];
	_ =	sdelay $0x2  }
0xb8: {  	s31 =	sshll.u32 s1, $0xD;
	s1 =	sshrl.u32 s1, $0x2  }
0xb9: {  	s3 =	sand.u32 $0x4000, s31;
	s1 =	sadd.s32 s1, s30  }
0xba: {  	s0 =	sor.u32 s3, s0;
	s1 =	sshll.u32 s1, $0x11  }
0xbb: {  	s0 =	sor.u32 s1, s0  }
0xbc: {  	s0 =	sadd.s32 $0x8F2B, s0  }
0xbd: {  	[sflag:s0] =	ssyncadd.remote.s32 $0x1  }
0xbe: {  	_ =	sfence.sel $0xFFFF  }
0xbf: {  	[dreg:$0x0] =	wrdreg $0xFFFFFFFF;
	(pc) =	sbr.abs _section_cstart, $3  }
0xc0: {  	[dreg:$0x1] =	wrdreg $0xFFFFFFFF  }
0xc1: {  	_ =	task.clear_ibuf [dreg:s7], $0x2FFFF;
	_ =	strace $0x9FFFFFFF  }
0xc2: {  	(tm) =	ssettm $0x7FFFFFFF  }
0xc3: {  	_ =	shalt  }
tec
execute0_lowered:
.L_overlay_start_1:
0x0: {  	(tag) =	ssettag $0x1  }
0x1: {  	s0 =	rddreg [dreg:$0x0]  }
0x2: {  	s12 =	rddreg [dreg:$0x1]  }
0x3: {  	s1 =	simm.s32 $0x0;
	s2 =	srdreg.scid;
	s18 =	simm.s32 $0x2000  }
0x4: {  	s19 =	simm.s32 $0x4000;
	s20 =	simm.s32 $0x6000;
	s21 =	simm.s32 $0x1C000  }
0x5: {  	s22 =	simm.s32 $0x1C100;
	s23 =	simm.s32 $0x8000;
	s24 =	simm.s32 $0x12000  }
0x6: {  	s28 =	simm.s32 $0x0;
	[smem:$0x7FF] =	sst s1;
	s7 =	sadd.s32 $0x200, s0  }
0x7: {  	s8 =	sand.u32 $0x1, s2;
	s3 =	sadd.s32 $0x20200, s0;
	s2 =	stileid.u32  }
0x8: {  	_ =	strace $0x80000047;
	s4 =	ssub.s32 $0x2, s8;
	s9 =	sshll.u32 s8, $0x9  }
0x9: {  	s10 =	sshll.u32 s2, $0x10;
	s16 =	smul.u32 $0x50000, s2;
	s8 =	sshll.u32 s8, $0x4  }
0xa: {  	s17 =	sshll.u32 s2, $0x5;
	s5 =	sshrl.u32 s4, $0x1;
	s25 =	sor.u32 s9, s10  }
0xb: {  	s11 =	sor.u32 $0x80, s9;
	s14 =	sor.u32 $0x100, s9;
	s15 =	sor.u32 $0x180, s9  }
0xc: {  	s0 =	sadd.s32 s0, s8;
	s13 =	ssub.s32 s4, s5;
	s4 =	sshrl.u32 s25, $0x3  }
0xd: {  	s26 =	sor.u32 s10, s11;
	s6 =	sor.u32 s10, s14;
	s10 =	sor.u32 s10, s15  }
0xe: {  	s9 =	sor.u32 s9, s16;
	s8 =	sadd.s32 s17, s0;
	s29 =	sor.u32 s16, s11  }
0xf: {  	s30 =	sor.u32 s16, s14;
	s31 =	sor.u32 s16, s15;
	s16 =	simm.s32 $0x80  }
0x10: {  	s17 =	simm.s32 $0x400;
	s25 =	simm.s32 $0x1;
	s4 =	sadd.s32 s7, s4  }
0x11: {  	s5 =	sshrl.u32 s26, $0x3;
	s6 =	sshrl.u32 s6, $0x3;
	s10 =	sshrl.u32 s10, $0x3  }
0x12: {  	s9 =	sshrl.u32 s9, $0x3;
	s0 =	sshrl.u32 s29, $0x3;
	s14 =	sshrl.u32 s30, $0x3  }
0x13: {  	s15 =	sshrl.u32 s31, $0x3;
	s13 =	smax.u32 s13, $0x1;
	s26 =	simm.s32 $0x2  }
0x14: {  	v0 =	vlaneseq.u32;
	s5 =	sadd.s32 s7, s5;
	s6 =	sadd.s32 s7, s6;
	s7 =	sadd.s32 s7, s10  }
0x15: {  	v1 =	vadd.s32 $0xF, v0;
	s9 =	sadd.s32 s12, s9;
	s10 =	sadd.s32 s12, s0;
	s11 =	sadd.s32 s12, s14  }
0x16: {  	v2 =	vadd.s32 $0xE, v0;
	v3 =	vadd.s32 $0xC, v0;
	v4 =	vadd.s32 $0x8, v0;
	s12 =	sadd.s32 s12, s15;
	s14 =	simm.s32 $0x1C080;
	s15 =	simm.s32 $0x3  }
.LBB2_1:
0x17: {  	[tilespmem:s14], [sflag:$0x3] =	stream.linear.gather [hbm4b:s3+s1], $0x80, $0x38;
	[tilespmem:$0x1C180] =	vst v63  }
0x18: {  	_ =	swait.ge [sflag:s15], $0x80  }
0x19: {  	[sflag:s15] =	ssyncset.done $0x0  }
0x1a: {  	v6 =	vimm.s32 $0x147A8A0;
	[sflag:s15] =	ssyncadd.s32 $0xFFFFFF80  }
0x1b: {  	[tilespmem:$0x1C100] =	vst v6  }
0x1c: {  	[tilespmem:s1], [sflag:$0x3] =	stream.strided.gather [hbm4b:s4+s16], $0x2000, s17, s16, $0x38;
	[tilespmem:$0x1C180] =	vst v63  }
0x1d: {  	_ =	swait.ge [sflag:s15], $0x2000  }
0x1e: {  	[sflag:s15] =	ssyncset.done $0x0  }
0x1f: {  	[sflag:s15] =	ssyncadd.s32 $0xFFFFE000  }
0x20: {  	[tilespmem:s18], [sflag:$0x3] =	stream.strided.gather [hbm4b:s5+s16], $0x2000, s17, s16, $0x38;
	[tilespmem:$0x1C180] =	vst v63  }
0x21: {  	_ =	swait.ge [sflag:s15], $0x2000  }
0x22: {  	[sflag:s15] =	ssyncset.done $0x0  }
0x23: {  	[sflag:s15] =	ssyncadd.s32 $0xFFFFE000  }
0x24: {  	[tilespmem:s19], [sflag:$0x3] =	stream.strided.gather [hbm4b:s6+s16], $0x2000, s17, s16, $0x38;
	[tilespmem:$0x1C180] =	vst v63  }
0x25: {  	_ =	swait.ge [sflag:s15], $0x2000  }
0x26: {  	[sflag:s15] =	ssyncset.done $0x0  }
0x27: {  	[sflag:s15] =	ssyncadd.s32 $0xFFFFE000  }
0x28: {  	[tilespmem:s20], [sflag:$0x3] =	stream.strided.gather [hbm4b:s7+s16], $0x2000, s17, s16, $0x38;
	[tilespmem:$0x1C180] =	vst v63  }
0x29: {  	_ =	swait.ge [sflag:s15], $0x2000  }
0x2a: {  	[sflag:s15] =	ssyncset.done $0x0  }
0x2b: {  	[sflag:s15] =	ssyncadd.s32 $0xFFFFE000  }
0x2c: {  	[tilespmem:s21], [sflag:$0x3] =	stream.linear.gather [hbm4b:s8+s1], $0x80, $0x38;
	[tilespmem:$0x1C180] =	vst v63  }
0x2d: {  	_ =	swait.ge [sflag:s15], $0x80  }
0x2e: {  	s29 =	simm.s32 $0xFFFFFFFC;
	[sflag:s15] =	ssyncset.done $0x0  }
0x2f: {  	s30 =	simm.s32 $0x6030;
	s31 =	simm.s32 $0x0;
	v12 =	vimm.s32 $0x147A8A0;
	v18 =	vimm.s32 $0x147A8A0;
	v24 =	vimm.s32 $0x147A8A0;
	[sflag:s15] =	ssyncadd.s32 $0xFFFFFF80  }
.LBB2_2:
0x30: {  	v5 =	vld [tilespmem:s30+$0xFFFF9FD0];
	_ =	sdelay $0x7  }
0x31: {  	v5 =	vld.idx.msk [tilespmem:v5+s14+$0x0], $0xffff;
	_ =	sdelay $0x4  }
0x32: {  	v7 =	vshrl.u32 v5, $0x5  }
0x33: {  	v7 =	vand.u32 $0x1F, v7  }
0x34: {  	v8 =	vand.u32 $0x1F, v5;
	v7 =	vshrl.u32 v24, v7  }
0x35: {  	v8 =	vshrl.u32 v24, v8;
	v7 =	vshll.u32 v7, $0x5  }
0x36: {  	v9 =	vshrl.u32 v5, $0xA;
	v8 =	vand.u32 $0x1F, v8;
	v7 =	vand.u32 $0x3E0, v7  }
0x37: {  	v7 =	vor.u32 v8, v7;
	v8 =	vand.u32 $0x1F, v9;
	v9 =	vshrl.u32 v5, $0xF  }
0x38: {  	v5 =	vshrl.u32 v5, $0x14;
	v8 =	vshrl.u32 v24, v8;
	v9 =	vand.u32 $0x1F, v9  }
0x39: {  	v5 =	vand.u32 $0x1F, v5;
	v8 =	vshll.u32 v8, $0xA;
	v9 =	vshrl.u32 v24, v9  }
0x3a: {  	v5 =	vshrl.u32 v24, v5;
	v8 =	vand.u32 $0x7C00, v8;
	v9 =	vshll.u32 v9, $0xF  }
0x3b: {  	v5 =	vshll.u32 v5, $0x14;
	v7 =	vor.u32 v8, v7;
	v8 =	vand.u32 $0xF8000, v9  }
0x3c: {  	v5 =	vand.u32 $0x1F00000, v5;
	v7 =	vor.u32 v8, v7  }
0x3d: {  	v5 =	vor.u32 v5, v7  }
0x3e: {  	s0 =	sand.u32 $0x1FC0, s31;
	[tilespmem:s30+$0xFFFF9FD0] =	vst v5  }
0x3f: {  	v7 =	vld [tilespmem:s0+$0x2000];
	_ =	sdelay $0x7  }
0x40: {  	v7 =	vld.idx.msk [tilespmem:v7+s14+$0x0], $0xffff;
	_ =	sdelay $0x4  }
0x41: {  	v8 =	vshrl.u32 v7, $0x5  }
0x42: {  	v8 =	vand.u32 $0x1F, v8  }
0x43: {  	v9 =	vand.u32 $0x1F, v7;
	v8 =	vshrl.u32 v18, v8  }
0x44: {  	v9 =	vshrl.u32 v18, v9;
	v8 =	vshll.u32 v8, $0x5  }
0x45: {  	v10 =	vshrl.u32 v7, $0xA;
	v9 =	vand.u32 $0x1F, v9;
	v8 =	vand.u32 $0x3E0, v8  }
0x46: {  	v11 =	vld [tilespmem:s0+$0x4000];
	v8 =	vor.u32 v9, v8;
	v9 =	vand.u32 $0x1F, v10;
	v10 =	vshrl.u32 v7, $0xF  }
0x47: {  	v7 =	vshrl.u32 v7, $0x14;
	v9 =	vshrl.u32 v18, v9;
	v10 =	vand.u32 $0x1F, v10  }
0x48: {  	v7 =	vand.u32 $0x1F, v7;
	v9 =	vshll.u32 v9, $0xA;
	v10 =	vshrl.u32 v18, v10  }
0x49: {  	v7 =	vshrl.u32 v18, v7;
	v9 =	vand.u32 $0x7C00, v9;
	v10 =	vshll.u32 v10, $0xF  }
0x4a: {  	v7 =	vshll.u32 v7, $0x14;
	v8 =	vor.u32 v9, v8;
	v9 =	vand.u32 $0xF8000, v10  }
0x4b: {  	v7 =	vand.u32 $0x1F00000, v7;
	v8 =	vor.u32 v9, v8  }
0x4c: {  	v7 =	vor.u32 v7, v8  }
0x4d: {  	[tilespmem:s0+$0x2000] =	vst v7  }
0x4e: {  	v8 =	vld.idx.msk [tilespmem:v11+s14+$0x0], $0xffff;
	_ =	sdelay $0x4  }
0x4f: {  	v9 =	vshrl.u32 v8, $0x5  }
0x50: {  	v9 =	vand.u32 $0x1F, v9  }
0x51: {  	v10 =	vand.u32 $0x1F, v8;
	v9 =	vshrl.u32 v12, v9  }
0x52: {  	v10 =	vshrl.u32 v12, v10;
	v9 =	vshll.u32 v9, $0x5  }
0x53: {  	v11 =	vshrl.u32 v8, $0xA;
	v10 =	vand.u32 $0x1F, v10;
	v9 =	vand.u32 $0x3E0, v9  }
0x54: {  	v13 =	vld [tilespmem:s0+$0x6000];
	v9 =	vor.u32 v10, v9;
	v10 =	vand.u32 $0x1F, v11;
	v11 =	vshrl.u32 v8, $0xF  }
0x55: {  	v8 =	vshrl.u32 v8, $0x14;
	v10 =	vshrl.u32 v12, v10;
	v11 =	vand.u32 $0x1F, v11  }
0x56: {  	v8 =	vand.u32 $0x1F, v8;
	v10 =	vshll.u32 v10, $0xA;
	v11 =	vshrl.u32 v12, v11  }
0x57: {  	v8 =	vshrl.u32 v12, v8;
	v10 =	vand.u32 $0x7C00, v10;
	v11 =	vshll.u32 v11, $0xF  }
0x58: {  	v8 =	vshll.u32 v8, $0x14;
	v9 =	vor.u32 v10, v9;
	v10 =	vand.u32 $0xF8000, v11  }
0x59: {  	v8 =	vand.u32 $0x1F00000, v8;
	v9 =	vor.u32 v10, v9  }
0x5a: {  	v8 =	vor.u32 v8, v9  }
0x5b: {  	[tilespmem:s0+$0x4000] =	vst v8  }
0x5c: {  	v9 =	vld.idx.msk [tilespmem:v13+s14+$0x0], $0xffff;
	_ =	sdelay $0x4  }
0x5d: {  	v10 =	vshrl.u32 v9, $0x5  }
0x5e: {  	v10 =	vand.u32 $0x1F, v10  }
0x5f: {  	v11 =	vand.u32 $0x1F, v9;
	v10 =	vshrl.u32 v6, v10  }
0x60: {  	v11 =	vshrl.u32 v6, v11;
	v10 =	vshll.u32 v10, $0x5  }
0x61: {  	v12 =	vshrl.u32 v9, $0xA;
	v11 =	vand.u32 $0x1F, v11;
	v10 =	vand.u32 $0x3E0, v10  }
0x62: {  	v10 =	vor.u32 v11, v10;
	v11 =	vand.u32 $0x1F, v12;
	v12 =	vshrl.u32 v9, $0xF  }
0x63: {  	v9 =	vshrl.u32 v9, $0x14;
	v11 =	vshrl.u32 v6, v11;
	v12 =	vand.u32 $0x1F, v12  }
0x64: {  	v9 =	vand.u32 $0x1F, v9;
	v11 =	vshll.u32 v11, $0xA;
	v12 =	vshrl.u32 v6, v12  }
0x65: {  	v6 =	vshrl.u32 v6, v9;
	v11 =	vand.u32 $0x7C00, v11;
	v12 =	vshll.u32 v12, $0xF  }
0x66: {  	v6 =	vshll.u32 v6, $0x14;
	v9 =	vor.u32 v11, v10;
	v10 =	vand.u32 $0xF8000, v12  }
0x67: {  	v6 =	vand.u32 $0x1F00000, v6;
	v9 =	vor.u32 v10, v9  }
0x68: {  	v6 =	vor.u32 v6, v9  }
0x69: {  	[tilespmem:s0+$0x6000] =	vst v6  }
0x6a: {  	v9 =	vld [tilespmem:s30+$0xFFFF9FE0];
	_ =	sdelay $0x7  }
0x6b: {  	v9 =	vld.idx.msk [tilespmem:v9+s14+$0x0], $0xffff;
	_ =	sdelay $0x4  }
0x6c: {  	v10 =	vshrl.u32 v9, $0x5  }
0x6d: {  	v10 =	vand.u32 $0x1F, v10  }
0x6e: {  	v11 =	vand.u32 $0x1F, v9;
	v10 =	vshrl.u32 v5, v10  }
0x6f: {  	v11 =	vshrl.u32 v5, v11;
	v10 =	vshll.u32 v10, $0x5  }
0x70: {  	v12 =	vshrl.u32 v9, $0xA;
	v11 =	vand.u32 $0x1F, v11;
	v10 =	vand.u32 $0x3E0, v10  }
0x71: {  	v13 =	vld [tilespmem:s30+$0xFFFFBFE0];
	v10 =	vor.u32 v11, v10;
	v11 =	vand.u32 $0x1F, v12;
	v12 =	vshrl.u32 v9, $0xF  }
0x72: {  	v9 =	vshrl.u32 v9, $0x14;
	v11 =	vshrl.u32 v5, v11;
	v12 =	vand.u32 $0x1F, v12  }
0x73: {  	v9 =	vand.u32 $0x1F, v9;
	v11 =	vshll.u32 v11, $0xA;
	v12 =	vshrl.u32 v5, v12  }
0x74: {  	v5 =	vshrl.u32 v5, v9;
	v11 =	vand.u32 $0x7C00, v11;
	v12 =	vshll.u32 v12, $0xF  }
0x75: {  	v5 =	vshll.u32 v5, $0x14;
	v9 =	vor.u32 v11, v10;
	v10 =	vand.u32 $0xF8000, v12  }
0x76: {  	v5 =	vand.u32 $0x1F00000, v5;
	v9 =	vor.u32 v10, v9  }
0x77: {  	v5 =	vor.u32 v5, v9  }
0x78: {  	[tilespmem:s30+$0xFFFF9FE0] =	vst v5  }
0x79: {  	v9 =	vld.idx.msk [tilespmem:v13+s14+$0x0], $0xffff;
	_ =	sdelay $0x4  }
0x7a: {  	v10 =	vshrl.u32 v9, $0x5  }
0x7b: {  	v10 =	vand.u32 $0x1F, v10  }
0x7c: {  	v11 =	vand.u32 $0x1F, v9;
	v10 =	vshrl.u32 v7, v10  }
0x7d: {  	v11 =	vshrl.u32 v7, v11;
	v10 =	vshll.u32 v10, $0x5  }
0x7e: {  	v12 =	vshrl.u32 v9, $0xA;
	v11 =	vand.u32 $0x1F, v11;
	v10 =	vand.u32 $0x3E0, v10  }
0x7f: {  	v13 =	vld [tilespmem:s30+$0xFFFFDFE0];
	v10 =	vor.u32 v11, v10;
	v11 =	vand.u32 $0x1F, v12;
	v12 =	vshrl.u32 v9, $0xF  }
0x80: {  	v9 =	vshrl.u32 v9, $0x14;
	v11 =	vshrl.u32 v7, v11;
	v12 =	vand.u32 $0x1F, v12  }
0x81: {  	v9 =	vand.u32 $0x1F, v9;
	v11 =	vshll.u32 v11, $0xA;
	v12 =	vshrl.u32 v7, v12  }
0x82: {  	v7 =	vshrl.u32 v7, v9;
	v11 =	vand.u32 $0x7C00, v11;
	v12 =	vshll.u32 v12, $0xF  }
0x83: {  	v7 =	vshll.u32 v7, $0x14;
	v9 =	vor.u32 v11, v10;
	v10 =	vand.u32 $0xF8000, v12  }
0x84: {  	v7 =	vand.u32 $0x1F00000, v7;
	v9 =	vor.u32 v10, v9  }
0x85: {  	v7 =	vor.u32 v7, v9  }
0x86: {  	[tilespmem:s30+$0xFFFFBFE0] =	vst v7  }
0x87: {  	v9 =	vld.idx.msk [tilespmem:v13+s14+$0x0], $0xffff;
	_ =	sdelay $0x4  }
0x88: {  	v10 =	vshrl.u32 v9, $0x5  }
0x89: {  	v10 =	vand.u32 $0x1F, v10  }
0x8a: {  	v11 =	vand.u32 $0x1F, v9;
	v10 =	vshrl.u32 v8, v10  }
0x8b: {  	v11 =	vshrl.u32 v8, v11;
	v10 =	vshll.u32 v10, $0x5  }
0x8c: {  	v12 =	vshrl.u32 v9, $0xA;
	v11 =	vand.u32 $0x1F, v11;
	v10 =	vand.u32 $0x3E0, v10  }
0x8d: {  	v13 =	vld [tilespmem:s30+$0xFFFFFFE0];
	v10 =	vor.u32 v11, v10;
	v11 =	vand.u32 $0x1F, v12;
	v12 =	vshrl.u32 v9, $0xF  }
0x8e: {  	v9 =	vshrl.u32 v9, $0x14;
	v11 =	vshrl.u32 v8, v11;
	v12 =	vand.u32 $0x1F, v12  }
0x8f: {  	v9 =	vand.u32 $0x1F, v9;
	v11 =	vshll.u32 v11, $0xA;
	v12 =	vshrl.u32 v8, v12  }
0x90: {  	v8 =	vshrl.u32 v8, v9;
	v11 =	vand.u32 $0x7C00, v11;
	v12 =	vshll.u32 v12, $0xF  }
0x91: {  	v8 =	vshll.u32 v8, $0x14;
	v9 =	vor.u32 v11, v10;
	v10 =	vand.u32 $0xF8000, v12  }
0x92: {  	v8 =	vand.u32 $0x1F00000, v8;
	v9 =	vor.u32 v10, v9  }
0x93: {  	v8 =	vor.u32 v8, v9  }
0x94: {  	[tilespmem:s30+$0xFFFFDFE0] =	vst v8  }
0x95: {  	v9 =	vld.idx.msk [tilespmem:v13+s14+$0x0], $0xffff;
	_ =	sdelay $0x4  }
0x96: {  	v10 =	vshrl.u32 v9, $0x5  }
0x97: {  	v10 =	vand.u32 $0x1F, v10  }
0x98: {  	v11 =	vand.u32 $0x1F, v9;
	v10 =	vshrl.u32 v6, v10  }
0x99: {  	v11 =	vshrl.u32 v6, v11;
	v10 =	vshll.u32 v10, $0x5  }
0x9a: {  	v12 =	vshrl.u32 v9, $0xA;
	v11 =	vand.u32 $0x1F, v11;
	v10 =	vand.u32 $0x3E0, v10  }
0x9b: {  	v13 =	vld [tilespmem:s30+$0xFFFF9FF0];
	v10 =	vor.u32 v11, v10;
	v11 =	vand.u32 $0x1F, v12;
	v12 =	vshrl.u32 v9, $0xF  }
0x9c: {  	v9 =	vshrl.u32 v9, $0x14;
	v11 =	vshrl.u32 v6, v11;
	v12 =	vand.u32 $0x1F, v12  }
0x9d: {  	v9 =	vand.u32 $0x1F, v9;
	v11 =	vshll.u32 v11, $0xA;
	v12 =	vshrl.u32 v6, v12  }
0x9e: {  	v6 =	vshrl.u32 v6, v9;
	v11 =	vand.u32 $0x7C00, v11;
	v12 =	vshll.u32 v12, $0xF  }
0x9f: {  	v6 =	vshll.u32 v6, $0x14;
	v9 =	vor.u32 v11, v10;
	v10 =	vand.u32 $0xF8000, v12  }
0xa0: {  	v6 =	vand.u32 $0x1F00000, v6;
	v9 =	vor.u32 v10, v9  }
0xa1: {  	v6 =	vor.u32 v6, v9  }
0xa2: {  	[tilespmem:s30+$0xFFFFFFE0] =	vst v6  }
0xa3: {  	v9 =	vld.idx.msk [tilespmem:v13+s14+$0x0], $0xffff;
	_ =	sdelay $0x4  }
0xa4: {  	v10 =	vshrl.u32 v9, $0x5  }
0xa5: {  	v10 =	vand.u32 $0x1F, v10  }
0xa6: {  	v11 =	vand.u32 $0x1F, v9;
	v10 =	vshrl.u32 v5, v10  }
0xa7: {  	v11 =	vshrl.u32 v5, v11;
	v10 =	vshll.u32 v10, $0x5  }
0xa8: {  	v12 =	vshrl.u32 v9, $0xA;
	v11 =	vand.u32 $0x1F, v11;
	v10 =	vand.u32 $0x3E0, v10  }
0xa9: {  	v13 =	vld [tilespmem:s30+$0xFFFFBFF0];
	v10 =	vor.u32 v11, v10;
	v11 =	vand.u32 $0x1F, v12;
	v12 =	vshrl.u32 v9, $0xF  }
0xaa: {  	v9 =	vshrl.u32 v9, $0x14;
	v11 =	vshrl.u32 v5, v11;
	v12 =	vand.u32 $0x1F, v12  }
0xab: {  	v9 =	vand.u32 $0x1F, v9;
	v11 =	vshll.u32 v11, $0xA;
	v12 =	vshrl.u32 v5, v12  }
0xac: {  	v5 =	vshrl.u32 v5, v9;
	v11 =	vand.u32 $0x7C00, v11;
	v12 =	vshll.u32 v12, $0xF  }
0xad: {  	v5 =	vshll.u32 v5, $0x14;
	v9 =	vor.u32 v11, v10;
	v10 =	vand.u32 $0xF8000, v12  }
0xae: {  	v5 =	vand.u32 $0x1F00000, v5;
	v9 =	vor.u32 v10, v9  }
0xaf: {  	v9 =	vor.u32 v5, v9  }
0xb0: {  	[tilespmem:s30+$0xFFFF9FF0] =	vst v9  }
0xb1: {  	v5 =	vld.idx.msk [tilespmem:v13+s14+$0x0], $0xffff;
	_ =	sdelay $0x4  }
0xb2: {  	v10 =	vshrl.u32 v5, $0x5  }
0xb3: {  	v10 =	vand.u32 $0x1F, v10  }
0xb4: {  	v11 =	vand.u32 $0x1F, v5;
	v10 =	vshrl.u32 v7, v10  }
0xb5: {  	v11 =	vshrl.u32 v7, v11;
	v10 =	vshll.u32 v10, $0x5  }
0xb6: {  	v12 =	vshrl.u32 v5, $0xA;
	v11 =	vand.u32 $0x1F, v11;
	v10 =	vand.u32 $0x3E0, v10  }
0xb7: {  	v13 =	vld [tilespmem:s30+$0xFFFFDFF0];
	v10 =	vor.u32 v11, v10;
	v11 =	vand.u32 $0x1F, v12;
	v12 =	vshrl.u32 v5, $0xF  }
0xb8: {  	v5 =	vshrl.u32 v5, $0x14;
	v11 =	vshrl.u32 v7, v11;
	v12 =	vand.u32 $0x1F, v12  }
0xb9: {  	v5 =	vand.u32 $0x1F, v5;
	v11 =	vshll.u32 v11, $0xA;
	v12 =	vshrl.u32 v7, v12  }
0xba: {  	v5 =	vshrl.u32 v7, v5;
	v11 =	vand.u32 $0x7C00, v11;
	v12 =	vshll.u32 v12, $0xF  }
0xbb: {  	v5 =	vshll.u32 v5, $0x14;
	v7 =	vor.u32 v11, v10;
	v10 =	vand.u32 $0xF8000, v12  }
0xbc: {  	v5 =	vand.u32 $0x1F00000, v5;
	v7 =	vor.u32 v10, v7  }
0xbd: {  	v7 =	vor.u32 v5, v7  }
0xbe: {  	[tilespmem:s30+$0xFFFFBFF0] =	vst v7  }
0xbf: {  	v5 =	vld.idx.msk [tilespmem:v13+s14+$0x0], $0xffff;
	_ =	sdelay $0x4  }
0xc0: {  	v10 =	vshrl.u32 v5, $0x5  }
0xc1: {  	v10 =	vand.u32 $0x1F, v10  }
0xc2: {  	v11 =	vand.u32 $0x1F, v5;
	v10 =	vshrl.u32 v8, v10  }
0xc3: {  	v11 =	vshrl.u32 v8, v11;
	v10 =	vshll.u32 v10, $0x5  }
0xc4: {  	v12 =	vshrl.u32 v5, $0xA;
	v11 =	vand.u32 $0x1F, v11;
	v10 =	vand.u32 $0x3E0, v10  }
0xc5: {  	v13 =	vld [tilespmem:s30+$0xFFFFFFF0];
	v10 =	vor.u32 v11, v10;
	v11 =	vand.u32 $0x1F, v12;
	v12 =	vshrl.u32 v5, $0xF  }
0xc6: {  	v5 =	vshrl.u32 v5, $0x14;
	v11 =	vshrl.u32 v8, v11;
	v12 =	vand.u32 $0x1F, v12  }
0xc7: {  	v5 =	vand.u32 $0x1F, v5;
	v11 =	vshll.u32 v11, $0xA;
	v12 =	vshrl.u32 v8, v12  }
0xc8: {  	v5 =	vshrl.u32 v8, v5;
	v11 =	vand.u32 $0x7C00, v11;
	v12 =	vshll.u32 v12, $0xF  }
0xc9: {  	v5 =	vshll.u32 v5, $0x14;
	v8 =	vor.u32 v11, v10;
	v10 =	vand.u32 $0xF8000, v12  }
0xca: {  	v5 =	vand.u32 $0x1F00000, v5;
	v8 =	vor.u32 v10, v8  }
0xcb: {  	v8 =	vor.u32 v5, v8  }
0xcc: {  	[tilespmem:s30+$0xFFFFDFF0] =	vst v8  }
0xcd: {  	v5 =	vld.idx.msk [tilespmem:v13+s14+$0x0], $0xffff;
	_ =	sdelay $0x4  }
0xce: {  	v10 =	vshrl.u32 v5, $0x5  }
0xcf: {  	v10 =	vand.u32 $0x1F, v10  }
0xd0: {  	v11 =	vand.u32 $0x1F, v5;
	v10 =	vshrl.u32 v6, v10  }
0xd1: {  	v11 =	vshrl.u32 v6, v11;
	v10 =	vshll.u32 v10, $0x5  }
0xd2: {  	v12 =	vshrl.u32 v5, $0xA;
	v11 =	vand.u32 $0x1F, v11;
	v10 =	vand.u32 $0x3E0, v10  }
0xd3: {  	v13 =	vld [tilespmem:s30+$0xFFFFA000];
	v10 =	vor.u32 v11, v10;
	v11 =	vand.u32 $0x1F, v12;
	v12 =	vshrl.u32 v5, $0xF  }
0xd4: {  	v5 =	vshrl.u32 v5, $0x14;
	v11 =	vshrl.u32 v6, v11;
	v12 =	vand.u32 $0x1F, v12  }
0xd5: {  	v5 =	vand.u32 $0x1F, v5;
	v11 =	vshll.u32 v11, $0xA;
	v12 =	vshrl.u32 v6, v12  }
0xd6: {  	v5 =	vshrl.u32 v6, v5;
	v11 =	vand.u32 $0x7C00, v11;
	v12 =	vshll.u32 v12, $0xF  }
0xd7: {  	v5 =	vshll.u32 v5, $0x14;
	v6 =	vor.u32 v11, v10;
	v10 =	vand.u32 $0xF8000, v12  }
0xd8: {  	v5 =	vand.u32 $0x1F00000, v5;
	v6 =	vor.u32 v10, v6  }
0xd9: {  	v6 =	vor.u32 v5, v6  }
0xda: {  	[tilespmem:s30+$0xFFFFFFF0] =	vst v6  }
0xdb: {  	v10 =	vld.idx.msk [tilespmem:v13+s14+$0x0], $0xffff;
	_ =	sdelay $0x4  }
0xdc: {  	v5 =	vshrl.u32 v10, $0x5;
	v11 =	vand.u32 $0x1F, v10;
	v13 =	vshrl.u32 v10, $0xA  }
0xdd: {  	v14 =	vshrl.u32 v10, $0xF;
	v10 =	vshrl.u32 v10, $0x14;
	v5 =	vand.u32 $0x1F, v5  }
0xde: {  	v13 =	vand.u32 $0x1F, v13;
	v10 =	vand.u32 $0x1F, v10;
	v5 =	vshrl.u32 v9, v5  }
0xdf: {  	v25 =	vshrl.u32 v9, v13;
	v13 =	vand.u32 $0x1F, v14;
	v14 =	vld [tilespmem:s30+$0xFFFFC000];
	v10 =	vshrl.u32 v9, v10  }
0xe0: {  	v12 =	vshll.u32 v5, $0x5;
	v15 =	vshll.u32 v25, $0xA;
	v26 =	vshrl.u32 v9, v13  }
0xe1: {  	v12 =	vand.u32 $0x3E0, v12;
	v13 =	vand.u32 $0x7C00, v15;
	v15 =	vshll.u32 v26, $0xF  }
0xe2: {  	v10 =	vshll.u32 v10, $0x14;
	v12 =	vor.u32 v13, v12;
	v13 =	vand.u32 $0xF8000, v15  }
0xe3: {  	v9 =	vshrl.u32 v9, v11;
	v28 =	vand.u32 $0x1F00000, v10;
	v10 =	vor.u32 v13, v12  }
0xe4: {  	v27 =	vand.u32 $0x1F, v9;
	v9 =	vor.u32 v28, v10  }
0xe5: {  	v24 =	vor.u32 v27, v9  }
0xe6: {  	[tilespmem:s30+$0xFFFFA000] =	vst v24  }
0xe7: {  	v9 =	vld.idx.msk [tilespmem:v14+s14+$0x0], $0xffff;
	_ =	sdelay $0x4  }
0xe8: {  	v10 =	vshrl.u32 v9, $0x5  }
0xe9: {  	v12 =	vshrl.u32 v9, $0xA;
	v10 =	vand.u32 $0x1F, v10  }
0xea: {  	v13 =	vshrl.u32 v9, $0xF;
	v12 =	vand.u32 $0x1F, v12;
	v19 =	vshrl.u32 v7, v10  }
0xeb: {  	v10 =	vand.u32 $0x1F, v9;
	v20 =	vshrl.u32 v7, v12;
	v12 =	vand.u32 $0x1F, v13  }
0xec: {  	v9 =	vshrl.u32 v9, $0x14;
	v13 =	vld [tilespmem:s30+$0xFFFFE000];
	v11 =	vshll.u32 v19, $0x5;
	v14 =	vshll.u32 v20, $0xA  }
0xed: {  	v21 =	vshrl.u32 v7, v12;
	v9 =	vand.u32 $0x1F, v9;
	v11 =	vand.u32 $0x3E0, v11  }
0xee: {  	v12 =	vand.u32 $0x7C00, v14;
	v14 =	vshll.u32 v21, $0xF;
	v9 =	vshrl.u32 v7, v9  }
0xef: {  	v11 =	vor.u32 v12, v11;
	v12 =	vand.u32 $0xF8000, v14;
	v9 =	vshll.u32 v9, $0x14  }
0xf0: {  	v7 =	vshrl.u32 v7, v10;
	v23 =	vand.u32 $0x1F00000, v9;
	v9 =	vor.u32 v12, v11  }
0xf1: {  	v22 =	vand.u32 $0x1F, v7;
	v7 =	vor.u32 v23, v9  }
0xf2: {  	v18 =	vor.u32 v22, v7  }
0xf3: {  	[tilespmem:s30+$0xFFFFC000] =	vst v18  }
0xf4: {  	v7 =	vld.idx.msk [tilespmem:v13+s14+$0x0], $0xffff;
	_ =	sdelay $0x4  }
0xf5: {  	v9 =	vshrl.u32 v7, $0x5  }
0xf6: {  	v11 =	vshrl.u32 v7, $0xA;
	v9 =	vand.u32 $0x1F, v9  }
0xf7: {  	v12 =	vshrl.u32 v7, $0xF;
	v11 =	vand.u32 $0x1F, v11;
	v13 =	vshrl.u32 v8, v9  }
0xf8: {  	v9 =	vand.u32 $0x1F, v7;
	v14 =	vshrl.u32 v8, v11;
	v11 =	vand.u32 $0x1F, v12  }
0xf9: {  	v29 =	vld [tilespmem:s30+$0x0];
	v7 =	vshrl.u32 v7, $0x14;
	v10 =	vshll.u32 v13, $0x5;
	v12 =	vshll.u32 v14, $0xA  }
0xfa: {  	v15 =	vshrl.u32 v8, v11;
	v7 =	vand.u32 $0x1F, v7;
	v10 =	vand.u32 $0x3E0, v10  }
0xfb: {  	v11 =	vand.u32 $0x7C00, v12;
	v12 =	vshll.u32 v15, $0xF;
	v7 =	vshrl.u32 v8, v7  }
0xfc: {  	v10 =	vor.u32 v11, v10;
	v11 =	vand.u32 $0xF8000, v12;
	v7 =	vshll.u32 v7, $0x14  }
0xfd: {  	v8 =	vshrl.u32 v8, v9;
	v17 =	vand.u32 $0x1F00000, v7;
	v7 =	vor.u32 v11, v10  }
0xfe: {  	v16 =	vand.u32 $0x1F, v8;
	v7 =	vor.u32 v17, v7  }
0xff: {  	v12 =	vor.u32 v16, v7  }
0x100: {  	[tilespmem:s30+$0xFFFFE000] =	vst v12  }
0x101: {  	v10 =	vld.idx.msk [tilespmem:v29+s14+$0x0], $0xffff;
	_ =	sdelay $0x4  }
0x102: {  	v7 =	vshrl.u32 v10, $0x5  }
0x103: {  	v7 =	vand.u32 $0x1F, v7  }
0x104: {  	v8 =	vshrl.u32 v10, $0xA;
	v7 =	vshrl.u32 v6, v7  }
0x105: {  	v8 =	vand.u32 $0x1F, v8;
	v9 =	vshll.u32 v7, $0x5  }
0x106: {  	v8 =	vshrl.u32 v6, v8;
	v11 =	vand.u32 $0x3E0, v9;
	v9 =	vshrl.u32 v10, $0xF  }
0x107: {  	v30 =	vshrl.u32 v10, $0x14;
	v29 =	vshll.u32 v8, $0xA;
	v9 =	vand.u32 $0x1F, v9  }
0x108: {  	s29 =	sadd.s32 $0x4, s29;
	v30 =	vand.u32 $0x1F, v30;
	v29 =	vand.u32 $0x7C00, v29;
	v9 =	vshrl.u32 v6, v9  }
0x109: {  	p0 =	slt.u32 s29, $0x1FC;
	v30 =	vshrl.u32 v6, v30;
	v29 =	vor.u32 v29, v11;
	v11 =	vshll.u32 v9, $0xF  }
.Ltmp0:
0x10a: {  	v10 =	vand.u32 $0x1F, v10;
	v31 =	vand.u32 $0xF8000, v11;
	v11 =	vshll.u32 v30, $0x14;
	(pc) =	sbr.rel @p0 .LBB2_2-.Ltmp0, $4  }
0x10b: {  	v6 =	vshrl.u32 v6, v10;
	v11 =	vand.u32 $0x1F00000, v11;
	v29 =	vor.u32 v31, v29  }
0x10c: {  	v10 =	vand.u32 $0x1F, v6;
	v6 =	vor.u32 v11, v29  }
0x10d: {  	v6 =	vor.u32 v10, v6  }
0x10e: {  	s31 =	sadd.s32 $0x40, s31;
	[tilespmem:s30+$0x0] =	vst v6;
	s30 =	sadd.s32 $0x40, s30  }
0x10f: {  	_ =	sdelay $0x2  }
0x110: {  	[tilespmem:$0x1C110] =	vst v24  }
0x111: {  	v24 =	vld.idx.msk [tilespmem:v1+s22+$0x0], $0xffff;
	_ =	sdelay $0x2  }
0x112: {  	v5 =	vand.u32 $0x1F, v5  }
0x113: {  	v25 =	vand.u32 $0x1F, v25;
	v26 =	vand.u32 $0x1F, v26;
	v28 =	vshrl.u32 v28, $0x14  }
0x114: {  	v5 =	vshra.s32 v24, v5;
	v25 =	vshra.s32 v24, v25;
	v26 =	vshra.s32 v24, v26  }
0x115: {  	v28 =	vshra.s32 v24, v28;
	v29 =	vshll.u32 v5, $0x5;
	v30 =	vshll.u32 v25, $0xA  }
0x116: {  	v31 =	vshll.u32 v26, $0xF;
	v29 =	vand.u32 $0x3E0, v29;
	v30 =	vand.u32 $0x7C00, v30  }
0x117: {  	v55 =	vshll.u32 v28, $0x14;
	v31 =	vand.u32 $0xF8000, v31;
	v29 =	vor.u32 v29, v30  }
0x118: {  	v24 =	vshra.s32 v24, v27;
	v27 =	vand.u32 $0x1F00000, v55;
	v29 =	vor.u32 v31, v29  }
0x119: {  	v24 =	vand.u32 $0x1F, v24;
	v27 =	vor.u32 v27, v29  }
0x11a: {  	v27 =	vor.u32 v24, v27  }
0x11b: {  	[tilespmem:$0x1C110] =	vst v27  }
0x11c: {  	v27 =	vld.idx.msk [tilespmem:v2+s22+$0x0], $0xffff;
	_ =	sdelay $0x2  }
0x11d: {  	v5 =	vand.u32 $0x1F, v5  }
0x11e: {  	v25 =	vand.u32 $0x1F, v25;
	v26 =	vand.u32 $0x1F, v26;
	v28 =	vand.u32 $0x1F, v28  }
0x11f: {  	v5 =	vshra.s32 v27, v5;
	v25 =	vshra.s32 v27, v25;
	v26 =	vshra.s32 v27, v26  }
0x120: {  	v28 =	vshra.s32 v27, v28;
	v56 =	vshll.u32 v5, $0x5;
	v57 =	vshll.u32 v25, $0xA  }
0x121: {  	v58 =	vshll.u32 v26, $0xF;
	v29 =	vand.u32 $0x3E0, v56;
	v30 =	vand.u32 $0x7C00, v57  }
0x122: {  	v59 =	vshll.u32 v28, $0x14;
	v31 =	vand.u32 $0xF8000, v58;
	v29 =	vor.u32 v29, v30  }
0x123: {  	v24 =	vshra.s32 v27, v24;
	v27 =	vand.u32 $0x1F00000, v59;
	v29 =	vor.u32 v31, v29  }
0x124: {  	v24 =	vand.u32 $0x1F, v24;
	v27 =	vor.u32 v27, v29  }
0x125: {  	v27 =	vor.u32 v24, v27  }
0x126: {  	[tilespmem:$0x1C110] =	vst v27  }
0x127: {  	v27 =	vld.idx.msk [tilespmem:v3+s22+$0x0], $0xffff;
	_ =	sdelay $0x2  }
0x128: {  	v5 =	vand.u32 $0x1F, v5  }
0x129: {  	v25 =	vand.u32 $0x1F, v25;
	v26 =	vand.u32 $0x1F, v26;
	v28 =	vand.u32 $0x1F, v28  }
0x12a: {  	v5 =	vshra.s32 v27, v5;
	v25 =	vshra.s32 v27, v25;
	v26 =	vshra.s32 v27, v26  }
0x12b: {  	v28 =	vshra.s32 v27, v28;
	v60 =	vshll.u32 v5, $0x5;
	v61 =	vshll.u32 v25, $0xA  }
0x12c: {  	v62 =	vshll.u32 v26, $0xF;
	v29 =	vand.u32 $0x3E0, v60;
	v30 =	vand.u32 $0x7C00, v61  }
0x12d: {  	v63 =	vshll.u32 v28, $0x14;
	v31 =	vand.u32 $0xF8000, v62;
	v29 =	vor.u32 v29, v30  }
0x12e: {  	v24 =	vshra.s32 v27, v24;
	v27 =	vand.u32 $0x1F00000, v63;
	v29 =	vor.u32 v31, v29  }
0x12f: {  	v24 =	vand.u32 $0x1F, v24;
	v27 =	vor.u32 v27, v29  }
0x130: {  	v27 =	vor.u32 v24, v27  }
0x131: {  	[tilespmem:$0x1C110] =	vst v27  }
0x132: {  	v27 =	vld.idx.msk [tilespmem:v4+s22+$0x0], $0xffff;
	_ =	sdelay $0x3  }
0x133: {  	v5 =	vand.u32 $0x1F, v5  }
0x134: {  	v5 =	vshra.s32 v27, v5  }
0x135: {  	v24 =	vshra.s32 v27, v24;
	v5 =	vshll.u32 v5, $0x5  }
0x136: {  	v25 =	vand.u32 $0x1F, v25;
	v24 =	vand.u32 $0x1F, v24;
	v5 =	vand.u32 $0x3E0, v5  }
0x137: {  	v5 =	vor.u32 v24, v5;
	v24 =	vshra.s32 v27, v25;
	v25 =	vand.u32 $0x1F, v26  }
0x138: {  	v26 =	vand.u32 $0x1F, v28;
	v24 =	vshll.u32 v24, $0xA;
	v25 =	vshra.s32 v27, v25  }
0x139: {  	v26 =	vshra.s32 v27, v26;
	v24 =	vand.u32 $0x7C00, v24;
	v25 =	vshll.u32 v25, $0xF  }
0x13a: {  	v5 =	vor.u32 v24, v5;
	v24 =	vand.u32 $0xF8000, v25;
	v25 =	vshll.u32 v26, $0x14  }
0x13b: {  	v5 =	vor.u32 v24, v5;
	v24 =	vand.u32 $0x1F00000, v25  }
0x13c: {  	v5 =	vor.u32 v24, v5  }
0x13d: {  	[tilespmem:$0x1C110] =	vst v5  }
0x13e: {  	s29 =	simm.s32 $0xFFFFFFFC;
	s30 =	simm.s32 $0xF4;
	s31 =	simm.s32 $0x20;
	v24 =	vld.idx.msk [tilespmem:v1+s22+$0x0], $0xffff  }
.LBB2_4:
0x13f: {  	v25 =	vld [tilespmem:s31+$0xFFFFFFE0];
	_ =	sdelay $0x4  }
0x140: {  	v5 =	vand.u32 $0x1F, v25  }
0x141: {  	v5 =	vshra.s32 v24, v5  }
0x142: {  	v26 =	vand.u32 $0x1F, v5;
	_ =	sdelay $0x2  }
0x143: {  	v27 =	vshrl.u32 v25, $0x5;
	v5 =	vmul.u32 $0x5, v0  }
0x144: {  	s0 =	sadd.s32 $0xFFFFFF0C, s30;
	v27 =	vand.u32 $0x1F, v27  }
0x145: {  	v27 =	vshra.s32 v24, v27;
	v28 =	vadd.s32 s0, v5;
	v26 =	vld.idx.msk [tilespmem:v26+s21+$0x0], $0xffff  }
0x146: {  	v27 =	vand.u32 $0x1F, v27;
	_ =	sdelay $0x2  }
0x147: {  	v29 =	vshrl.u32 v25, $0xA  }
0x148: {  	v29 =	vand.u32 $0x1F, v29;
	s0 =	sadd.s32 $0xFFFFFF0D, s30;
	[tilespmem:v28+s23+$0x0] =	vst.idx.msk $0xffff, v26  }
0x149: {  	v46 =	vadd.s32 s0, v5;
	v26 =	vshra.s32 v24, v29;
	v27 =	vld.idx.msk [tilespmem:v27+s21+$0x0], $0xffff  }
0x14a: {  	v26 =	vand.u32 $0x1F, v26;
	_ =	sdelay $0x2  }
0x14b: {  	v47 =	vshrl.u32 v25, $0xF  }
0x14c: {  	s0 =	sadd.s32 $0xFFFFFF0E, s30;
	v29 =	vand.u32 $0x1F, v47;
	[tilespmem:v46+s23+$0x0] =	vst.idx.msk $0xffff, v27  }
0x14d: {  	v48 =	vadd.s32 s0, v5;
	v27 =	vshra.s32 v24, v29;
	v26 =	vld.idx.msk [tilespmem:v26+s21+$0x0], $0xffff  }
0x14e: {  	v27 =	vand.u32 $0x1F, v27;
	_ =	sdelay $0x2  }
0x14f: {  	v25 =	vshrl.u32 v25, $0x14  }
0x150: {  	v25 =	vand.u32 $0x1F, v25;
	s0 =	sadd.s32 $0xFFFFFF0F, s30;
	[tilespmem:v48+s23+$0x0] =	vst.idx.msk $0xffff, v26  }
0x151: {  	v25 =	vshra.s32 v24, v25;
	v26 =	vld.idx.msk [tilespmem:v27+s21+$0x0], $0xffff;
	v27 =	vadd.s32 s0, v5  }
0x152: {  	v25 =	vand.u32 $0x1F, v25;
	_ =	sdelay $0x3  }
0x153: {  	s0 =	sadd.s32 $0xFFFFFF10, s30;
	[tilespmem:v27+s23+$0x0] =	vst.idx.msk $0xffff, v26  }
0x154: {  	v26 =	vadd.s32 s0, v5;
	v25 =	vld.idx.msk [tilespmem:v25+s21+$0x0], $0xffff;
	_ =	sdelay $0x4  }
0x155: {  	[tilespmem:v26+s23+$0x0] =	vst.idx.msk $0xffff, v25  }
0x156: {  	v25 =	vld [tilespmem:s31+$0xFFFFFFF0];
	_ =	sdelay $0x4  }
0x157: {  	v26 =	vand.u32 $0x1F, v25  }
0x158: {  	v26 =	vshra.s32 v24, v26  }
0x159: {  	v26 =	vand.u32 $0x1F, v26;
	_ =	sdelay $0x2  }
0x15a: {  	v27 =	vshrl.u32 v25, $0x5  }
0x15b: {  	s0 =	sadd.s32 $0xFFFFFF5C, s30;
	v27 =	vand.u32 $0x1F, v27  }
0x15c: {  	v49 =	vadd.s32 s0, v5;
	v27 =	vshra.s32 v24, v27;
	v26 =	vld.idx.msk [tilespmem:v26+s21+$0x0], $0xffff  }
0x15d: {  	v27 =	vand.u32 $0x1F, v27;
	_ =	sdelay $0x2  }
0x15e: {  	v50 =	vshrl.u32 v25, $0xA  }
0x15f: {  	s0 =	sadd.s32 $0xFFFFFF5D, s30;
	v29 =	vand.u32 $0x1F, v50;
	[tilespmem:v49+s23+$0x0] =	vst.idx.msk $0xffff, v26  }
0x160: {  	v51 =	vadd.s32 s0, v5;
	v26 =	vshra.s32 v24, v29;
	v27 =	vld.idx.msk [tilespmem:v27+s21+$0x0], $0xffff  }
0x161: {  	v26 =	vand.u32 $0x1F, v26;
	_ =	sdelay $0x2  }
0x162: {  	v52 =	vshrl.u32 v25, $0xF  }
0x163: {  	s0 =	sadd.s32 $0xFFFFFF5E, s30;
	v29 =	vand.u32 $0x1F, v52;
	[tilespmem:v51+s23+$0x0] =	vst.idx.msk $0xffff, v27  }
0x164: {  	v53 =	vadd.s32 s0, v5;
	v27 =	vshra.s32 v24, v29;
	v26 =	vld.idx.msk [tilespmem:v26+s21+$0x0], $0xffff  }
0x165: {  	v27 =	vand.u32 $0x1F, v27;
	_ =	sdelay $0x2  }
0x166: {  	v25 =	vshrl.u32 v25, $0x14  }
0x167: {  	s0 =	sadd.s32 $0xFFFFFF5F, s30;
	v25 =	vand.u32 $0x1F, v25;
	[tilespmem:v53+s23+$0x0] =	vst.idx.msk $0xffff, v26  }
0x168: {  	v25 =	vshra.s32 v24, v25;
	v26 =	vld.idx.msk [tilespmem:v27+s21+$0x0], $0xffff;
	v27 =	vadd.s32 s0, v5  }
0x169: {  	v25 =	vand.u32 $0x1F, v25;
	_ =	sdelay $0x3  }
0x16a: {  	s0 =	sadd.s32 $0xFFFFFF60, s30;
	[tilespmem:v27+s23+$0x0] =	vst.idx.msk $0xffff, v26  }
0x16b: {  	v26 =	vadd.s32 s0, v5;
	v25 =	vld.idx.msk [tilespmem:v25+s21+$0x0], $0xffff;
	_ =	sdelay $0x4  }
0x16c: {  	[tilespmem:v26+s23+$0x0] =	vst.idx.msk $0xffff, v25  }
0x16d: {  	v25 =	vld [tilespmem:s31+$0x0];
	_ =	sdelay $0x4  }
0x16e: {  	v26 =	vand.u32 $0x1F, v25  }
0x16f: {  	v26 =	vshra.s32 v24, v26  }
0x170: {  	v26 =	vand.u32 $0x1F, v26;
	_ =	sdelay $0x2  }
0x171: {  	v27 =	vshrl.u32 v25, $0x5  }
0x172: {  	s0 =	sadd.s32 $0xFFFFFFAC, s30;
	v27 =	vand.u32 $0x1F, v27  }
0x173: {  	v54 =	vadd.s32 s0, v5;
	v27 =	vshra.s32 v24, v27;
	v26 =	vld.idx.msk [tilespmem:v26+s21+$0x0], $0xffff  }
0x174: {  	v27 =	vand.u32 $0x1F, v27;
	_ =	sdelay $0x2  }
0x175: {  	v55 =	vshrl.u32 v25, $0xA  }
0x176: {  	s0 =	sadd.s32 $0xFFFFFFAD, s30;
	v29 =	vand.u32 $0x1F, v55;
	[tilespmem:v54+s23+$0x0] =	vst.idx.msk $0xffff, v26  }
0x177: {  	v56 =	vadd.s32 s0, v5;
	v26 =	vshra.s32 v24, v29;
	v27 =	vld.idx.msk [tilespmem:v27+s21+$0x0], $0xffff  }
0x178: {  	v26 =	vand.u32 $0x1F, v26;
	_ =	sdelay $0x2  }
0x179: {  	v57 =	vshrl.u32 v25, $0xF  }
0x17a: {  	s0 =	sadd.s32 $0xFFFFFFAE, s30;
	v29 =	vand.u32 $0x1F, v57;
	[tilespmem:v56+s23+$0x0] =	vst.idx.msk $0xffff, v27  }
0x17b: {  	v58 =	vadd.s32 s0, v5;
	v27 =	vshra.s32 v24, v29;
	v26 =	vld.idx.msk [tilespmem:v26+s21+$0x0], $0xffff  }
0x17c: {  	v27 =	vand.u32 $0x1F, v27;
	_ =	sdelay $0x2  }
0x17d: {  	v25 =	vshrl.u32 v25, $0x14  }
0x17e: {  	s0 =	sadd.s32 $0xFFFFFFAF, s30;
	v25 =	vand.u32 $0x1F, v25;
	[tilespmem:v58+s23+$0x0] =	vst.idx.msk $0xffff, v26  }
0x17f: {  	v25 =	vshra.s32 v24, v25;
	v26 =	vld.idx.msk [tilespmem:v27+s21+$0x0], $0xffff;
	v27 =	vadd.s32 s0, v5  }
0x180: {  	v25 =	vand.u32 $0x1F, v25;
	_ =	sdelay $0x3  }
0x181: {  	s0 =	sadd.s32 $0xFFFFFFB0, s30;
	[tilespmem:v27+s23+$0x0] =	vst.idx.msk $0xffff, v26  }
0x182: {  	v26 =	vadd.s32 s0, v5;
	v25 =	vld.idx.msk [tilespmem:v25+s21+$0x0], $0xffff;
	_ =	sdelay $0x4  }
0x183: {  	[tilespmem:v26+s23+$0x0] =	vst.idx.msk $0xffff, v25  }
0x184: {  	v25 =	vld [tilespmem:s31+$0x10];
	_ =	sdelay $0x4  }
0x185: {  	v26 =	vand.u32 $0x1F, v25  }
0x186: {  	v26 =	vshra.s32 v24, v26  }
0x187: {  	v26 =	vand.u32 $0x1F, v26;
	_ =	sdelay $0x2  }
0x188: {  	v27 =	vshrl.u32 v25, $0x5  }
0x189: {  	s0 =	sadd.s32 $0xFFFFFFFC, s30;
	v27 =	vand.u32 $0x1F, v27  }
0x18a: {  	v59 =	vadd.s32 s0, v5;
	v27 =	vshra.s32 v24, v27;
	v26 =	vld.idx.msk [tilespmem:v26+s21+$0x0], $0xffff  }
0x18b: {  	v27 =	vand.u32 $0x1F, v27;
	_ =	sdelay $0x2  }
0x18c: {  	v60 =	vshrl.u32 v25, $0xA  }
0x18d: {  	s0 =	sadd.s32 $0xFFFFFFFD, s30;
	v29 =	vand.u32 $0x1F, v60;
	[tilespmem:v59+s23+$0x0] =	vst.idx.msk $0xffff, v26  }
0x18e: {  	v61 =	vadd.s32 s0, v5;
	v26 =	vshra.s32 v24, v29;
	v27 =	vld.idx.msk [tilespmem:v27+s21+$0x0], $0xffff  }
0x18f: {  	v26 =	vand.u32 $0x1F, v26;
	_ =	sdelay $0x2  }
0x190: {  	v62 =	vshrl.u32 v25, $0xF  }
0x191: {  	s0 =	sadd.s32 $0xFFFFFFFE, s30;
	v29 =	vand.u32 $0x1F, v62;
	[tilespmem:v61+s23+$0x0] =	vst.idx.msk $0xffff, v27  }
0x192: {  	v63 =	vadd.s32 s0, v5;
	v27 =	vshra.s32 v24, v29;
	v26 =	vld.idx.msk [tilespmem:v26+s21+$0x0], $0xffff  }
0x193: {  	v27 =	vand.u32 $0x1F, v27;
	_ =	sdelay $0x2  }
0x194: {  	v25 =	vshrl.u32 v25, $0x14  }
0x195: {  	s0 =	sadd.s32 $0xFFFFFFFF, s30;
	v25 =	vand.u32 $0x1F, v25;
	[tilespmem:v63+s23+$0x0] =	vst.idx.msk $0xffff, v26  }
0x196: {  	v25 =	vshra.s32 v24, v25;
	v26 =	vld.idx.msk [tilespmem:v27+s21+$0x0], $0xffff;
	v27 =	vadd.s32 s0, v5  }
0x197: {  	v25 =	vand.u32 $0x1F, v25;
	_ =	sdelay $0x3  }
0x198: {  	s29 =	sadd.s32 $0x4, s29;
	[tilespmem:v27+s23+$0x0] =	vst.idx.msk $0xffff, v26  }
0x199: {  	p0 =	slt.u32 s29, $0x1FC;
	v26 =	vadd.s32 s30, v5;
	v25 =	vld.idx.msk [tilespmem:v25+s21+$0x0], $0xffff  }
.Ltmp1:
0x19a: {  	_ = 	snop;
	(pc) =	sbr.rel @p0 .LBB2_4-.Ltmp1, $2  }
0x19b: {  	_ =	sdelay $0x2  }
0x19c: {  	s31 =	sadd.s32 $0x40, s31;
	s30 =	sadd.s32 $0x140, s30;
	[tilespmem:v26+s23+$0x0] =	vst.idx.msk $0xffff, v25  }
0x19d: {  	_ =	sdelay $0x1  }
0x19e: {  	[hbm4b:s9+s16] =	stream.strided.scatter [tilespmem:s23], [sflag:$0x1], $0xA000, s17, s16, $0x38;
	[tilespmem:$0x1C180] =	vst v63  }
0x19f: {  	[tilespmem:$0x1C110] =	vst v18  }
0x1a0: {  	v18 =	vld.idx.msk [tilespmem:v1+s22+$0x0], $0xffff;
	_ =	sdelay $0x2  }
0x1a1: {  	v19 =	vand.u32 $0x1F, v19  }
0x1a2: {  	v20 =	vand.u32 $0x1F, v20;
	v21 =	vand.u32 $0x1F, v21;
	v23 =	vshrl.u32 v23, $0x14  }
0x1a3: {  	v19 =	vshra.s32 v18, v19;
	v20 =	vshra.s32 v18, v20;
	v21 =	vshra.s32 v18, v21  }
0x1a4: {  	v23 =	vshra.s32 v18, v23;
	v24 =	vshll.u32 v19, $0x5;
	v25 =	vshll.u32 v20, $0xA  }
0x1a5: {  	v26 =	vshll.u32 v21, $0xF;
	v24 =	vand.u32 $0x3E0, v24;
	v25 =	vand.u32 $0x7C00, v25  }
0x1a6: {  	v51 =	vshll.u32 v23, $0x14;
	v26 =	vand.u32 $0xF8000, v26;
	v24 =	vor.u32 v24, v25  }
0x1a7: {  	v18 =	vshra.s32 v18, v22;
	v52 =	vand.u32 $0x1F00000, v51;
	v24 =	vor.u32 v26, v24  }
0x1a8: {  	v18 =	vand.u32 $0x1F, v18;
	v22 =	vor.u32 v52, v24  }
0x1a9: {  	v22 =	vor.u32 v18, v22  }
0x1aa: {  	[tilespmem:$0x1C110] =	vst v22  }
0x1ab: {  	v22 =	vld.idx.msk [tilespmem:v2+s22+$0x0], $0xffff;
	_ =	sdelay $0x2  }
0x1ac: {  	v19 =	vand.u32 $0x1F, v19  }
0x1ad: {  	v20 =	vand.u32 $0x1F, v20;
	v21 =	vand.u32 $0x1F, v21;
	v23 =	vand.u32 $0x1F, v23  }
0x1ae: {  	v19 =	vshra.s32 v22, v19;
	v20 =	vshra.s32 v22, v20;
	v21 =	vshra.s32 v22, v21  }
0x1af: {  	v23 =	vshra.s32 v22, v23;
	v53 =	vshll.u32 v19, $0x5;
	v54 =	vshll.u32 v20, $0xA  }
0x1b0: {  	v55 =	vshll.u32 v21, $0xF;
	v24 =	vand.u32 $0x3E0, v53;
	v25 =	vand.u32 $0x7C00, v54  }
0x1b1: {  	v56 =	vshll.u32 v23, $0x14;
	v26 =	vand.u32 $0xF8000, v55;
	v24 =	vor.u32 v24, v25  }
0x1b2: {  	v18 =	vshra.s32 v22, v18;
	v57 =	vand.u32 $0x1F00000, v56;
	v24 =	vor.u32 v26, v24  }
0x1b3: {  	v18 =	vand.u32 $0x1F, v18;
	v22 =	vor.u32 v57, v24  }
0x1b4: {  	v22 =	vor.u32 v18, v22  }
0x1b5: {  	[tilespmem:$0x1C110] =	vst v22  }
0x1b6: {  	v22 =	vld.idx.msk [tilespmem:v3+s22+$0x0], $0xffff;
	_ =	sdelay $0x2  }
0x1b7: {  	v19 =	vand.u32 $0x1F, v19  }
0x1b8: {  	v20 =	vand.u32 $0x1F, v20;
	v21 =	vand.u32 $0x1F, v21;
	v23 =	vand.u32 $0x1F, v23  }
0x1b9: {  	v19 =	vshra.s32 v22, v19;
	v20 =	vshra.s32 v22, v20;
	v21 =	vshra.s32 v22, v21  }
0x1ba: {  	v23 =	vshra.s32 v22, v23;
	v58 =	vshll.u32 v19, $0x5;
	v59 =	vshll.u32 v20, $0xA  }
0x1bb: {  	v60 =	vshll.u32 v21, $0xF;
	v24 =	vand.u32 $0x3E0, v58;
	v25 =	vand.u32 $0x7C00, v59  }
0x1bc: {  	v61 =	vshll.u32 v23, $0x14;
	v26 =	vand.u32 $0xF8000, v60;
	v24 =	vor.u32 v24, v25  }
0x1bd: {  	v18 =	vshra.s32 v22, v18;
	v62 =	vand.u32 $0x1F00000, v61;
	v24 =	vor.u32 v26, v24  }
0x1be: {  	v18 =	vand.u32 $0x1F, v18;
	v22 =	vor.u32 v62, v24  }
0x1bf: {  	v22 =	vor.u32 v18, v22  }
0x1c0: {  	[tilespmem:$0x1C110] =	vst v22  }
0x1c1: {  	v22 =	vld.idx.msk [tilespmem:v4+s22+$0x0], $0xffff;
	_ =	sdelay $0x3  }
0x1c2: {  	v19 =	vand.u32 $0x1F, v19  }
0x1c3: {  	v19 =	vshra.s32 v22, v19  }
0x1c4: {  	v18 =	vshra.s32 v22, v18;
	v19 =	vshll.u32 v19, $0x5  }
0x1c5: {  	v20 =	vand.u32 $0x1F, v20;
	v18 =	vand.u32 $0x1F, v18;
	v19 =	vand.u32 $0x3E0, v19  }
0x1c6: {  	v18 =	vor.u32 v18, v19;
	v19 =	vshra.s32 v22, v20;
	v20 =	vand.u32 $0x1F, v21  }
0x1c7: {  	v63 =	vand.u32 $0x1F, v23;
	v19 =	vshll.u32 v19, $0xA;
	v20 =	vshra.s32 v22, v20  }
0x1c8: {  	v21 =	vshra.s32 v22, v63;
	v19 =	vand.u32 $0x7C00, v19;
	v20 =	vshll.u32 v20, $0xF  }
0x1c9: {  	v18 =	vor.u32 v19, v18;
	v19 =	vand.u32 $0xF8000, v20;
	v20 =	vshll.u32 v21, $0x14  }
0x1ca: {  	v18 =	vor.u32 v19, v18;
	v19 =	vand.u32 $0x1F00000, v20  }
0x1cb: {  	v18 =	vor.u32 v19, v18  }
0x1cc: {  	[tilespmem:$0x1C110] =	vst v18  }
0x1cd: {  	s29 =	simm.s32 $0xFFFFFFFC;
	s30 =	simm.s32 $0x30;
	s31 =	simm.s32 $0xA0F4;
	v18 =	vld.idx.msk [tilespmem:v1+s22+$0x0], $0xffff  }
.LBB2_6:
0x1ce: {  	s0 =	sadd.s32 $0xFFFFFFD0, s30  }
0x1cf: {  	s0 =	sand.u32 $0x1FC0, s0  }
0x1d0: {  	v19 =	vld [tilespmem:s0+$0x2000];
	_ =	sdelay $0x4  }
0x1d1: {  	v20 =	vand.u32 $0x1F, v19  }
0x1d2: {  	v20 =	vshra.s32 v18, v20  }
0x1d3: {  	v20 =	vand.u32 $0x1F, v20  }
0x1d4: {  	v20 =	vor.u32 $0x20, v20;
	_ =	sdelay $0x1  }
0x1d5: {  	v21 =	vshrl.u32 v19, $0x5  }
0x1d6: {  	v21 =	vand.u32 $0x1F, v21  }
0x1d7: {  	s0 =	sadd.s32 $0xFFFFFF0C, s31;
	v21 =	vshra.s32 v18, v21  }
0x1d8: {  	v22 =	vadd.s32 s0, v5;
	v21 =	vand.u32 $0x1F, v21;
	v20 =	vld.idx.msk [tilespmem:v20+s21+$0x0], $0xffff  }
0x1d9: {  	v21 =	vor.u32 $0x20, v21;
	_ =	sdelay $0x1  }
0x1da: {  	v23 =	vshrl.u32 v19, $0xA  }
0x1db: {  	v23 =	vand.u32 $0x1F, v23  }
0x1dc: {  	s0 =	sadd.s32 $0xFFFFFF0D, s31;
	v23 =	vshra.s32 v18, v23;
	[tilespmem:v22+s23+$0x0] =	vst.idx.msk $0xffff, v20  }
0x1dd: {  	v31 =	vadd.s32 s0, v5;
	v32 =	vand.u32 $0x1F, v23;
	v20 =	vld.idx.msk [tilespmem:v21+s21+$0x0], $0xffff  }
0x1de: {  	v22 =	vor.u32 $0x20, v32;
	_ =	sdelay $0x1  }
0x1df: {  	v33 =	vshrl.u32 v19, $0xF  }
0x1e0: {  	v23 =	vand.u32 $0x1F, v33  }
0x1e1: {  	s0 =	sadd.s32 $0xFFFFFF0E, s31;
	v23 =	vshra.s32 v18, v23;
	[tilespmem:v31+s23+$0x0] =	vst.idx.msk $0xffff, v20  }
0x1e2: {  	v34 =	vadd.s32 s0, v5;
	v35 =	vand.u32 $0x1F, v23;
	v20 =	vld.idx.msk [tilespmem:v22+s21+$0x0], $0xffff  }
0x1e3: {  	v22 =	vor.u32 $0x20, v35;
	_ =	sdelay $0x1  }
0x1e4: {  	v19 =	vshrl.u32 v19, $0x14  }
0x1e5: {  	v19 =	vand.u32 $0x1F, v19  }
0x1e6: {  	s0 =	sadd.s32 $0xFFFFFF0F, s31;
	v19 =	vshra.s32 v18, v19;
	[tilespmem:v34+s23+$0x0] =	vst.idx.msk $0xffff, v20  }
0x1e7: {  	v36 =	vadd.s32 s0, v5;
	v19 =	vand.u32 $0x1F, v19;
	v20 =	vld.idx.msk [tilespmem:v22+s21+$0x0], $0xffff  }
0x1e8: {  	v19 =	vor.u32 $0x20, v19;
	_ =	sdelay $0x3  }
0x1e9: {  	s0 =	sadd.s32 $0xFFFFFF10, s31;
	[tilespmem:v36+s23+$0x0] =	vst.idx.msk $0xffff, v20  }
0x1ea: {  	v20 =	vadd.s32 s0, v5;
	v19 =	vld.idx.msk [tilespmem:v19+s21+$0x0], $0xffff;
	_ =	sdelay $0x3  }
0x1eb: {  	s0 =	sadd.s32 $0xFFFFFFE0, s30  }
0x1ec: {  	s0 =	sand.u32 $0x1FD0, s0;
	[tilespmem:v20+s23+$0x0] =	vst.idx.msk $0xffff, v19  }
0x1ed: {  	v19 =	vld [tilespmem:s0+$0x2000];
	_ =	sdelay $0x4  }
0x1ee: {  	v20 =	vand.u32 $0x1F, v19  }
0x1ef: {  	v20 =	vshra.s32 v18, v20  }
0x1f0: {  	v20 =	vand.u32 $0x1F, v20  }
0x1f1: {  	v20 =	vor.u32 $0x20, v20;
	_ =	sdelay $0x1  }
0x1f2: {  	v37 =	vshrl.u32 v19, $0x5  }
0x1f3: {  	v21 =	vand.u32 $0x1F, v37  }
0x1f4: {  	s0 =	sadd.s32 $0xFFFFFF5C, s31;
	v21 =	vshra.s32 v18, v21  }
0x1f5: {  	v38 =	vadd.s32 s0, v5;
	v21 =	vand.u32 $0x1F, v21;
	v20 =	vld.idx.msk [tilespmem:v20+s21+$0x0], $0xffff  }
0x1f6: {  	v21 =	vor.u32 $0x20, v21;
	_ =	sdelay $0x1  }
0x1f7: {  	v39 =	vshrl.u32 v19, $0xA  }
0x1f8: {  	v23 =	vand.u32 $0x1F, v39  }
0x1f9: {  	s0 =	sadd.s32 $0xFFFFFF5D, s31;
	v23 =	vshra.s32 v18, v23;
	[tilespmem:v38+s23+$0x0] =	vst.idx.msk $0xffff, v20  }
0x1fa: {  	v40 =	vadd.s32 s0, v5;
	v41 =	vand.u32 $0x1F, v23;
	v20 =	vld.idx.msk [tilespmem:v21+s21+$0x0], $0xffff  }
0x1fb: {  	v22 =	vor.u32 $0x20, v41;
	_ =	sdelay $0x1  }
0x1fc: {  	v42 =	vshrl.u32 v19, $0xF  }
0x1fd: {  	v23 =	vand.u32 $0x1F, v42  }
0x1fe: {  	s0 =	sadd.s32 $0xFFFFFF5E, s31;
	v23 =	vshra.s32 v18, v23;
	[tilespmem:v40+s23+$0x0] =	vst.idx.msk $0xffff, v20  }
0x1ff: {  	v43 =	vadd.s32 s0, v5;
	v44 =	vand.u32 $0x1F, v23;
	v20 =	vld.idx.msk [tilespmem:v22+s21+$0x0], $0xffff  }
0x200: {  	v22 =	vor.u32 $0x20, v44;
	_ =	sdelay $0x1  }
0x201: {  	v19 =	vshrl.u32 v19, $0x14  }
0x202: {  	v19 =	vand.u32 $0x1F, v19  }
0x203: {  	s0 =	sadd.s32 $0xFFFFFF5F, s31;
	v19 =	vshra.s32 v18, v19;
	[tilespmem:v43+s23+$0x0] =	vst.idx.msk $0xffff, v20  }
0x204: {  	v45 =	vadd.s32 s0, v5;
	v19 =	vand.u32 $0x1F, v19;
	v20 =	vld.idx.msk [tilespmem:v22+s21+$0x0], $0xffff  }
0x205: {  	v19 =	vor.u32 $0x20, v19;
	_ =	sdelay $0x3  }
0x206: {  	s0 =	sadd.s32 $0xFFFFFF60, s31;
	[tilespmem:v45+s23+$0x0] =	vst.idx.msk $0xffff, v20  }
0x207: {  	v20 =	vadd.s32 s0, v5;
	v19 =	vld.idx.msk [tilespmem:v19+s21+$0x0], $0xffff;
	_ =	sdelay $0x3  }
0x208: {  	s0 =	sadd.s32 $0xFFFFFFF0, s30  }
0x209: {  	s0 =	sand.u32 $0x1FE0, s0;
	[tilespmem:v20+s23+$0x0] =	vst.idx.msk $0xffff, v19  }
0x20a: {  	v19 =	vld [tilespmem:s0+$0x2000];
	_ =	sdelay $0x4  }
0x20b: {  	v20 =	vand.u32 $0x1F, v19  }
0x20c: {  	v20 =	vshra.s32 v18, v20  }
0x20d: {  	v20 =	vand.u32 $0x1F, v20  }
0x20e: {  	v20 =	vor.u32 $0x20, v20;
	_ =	sdelay $0x1  }
0x20f: {  	v46 =	vshrl.u32 v19, $0x5  }
0x210: {  	v21 =	vand.u32 $0x1F, v46  }
0x211: {  	s0 =	sadd.s32 $0xFFFFFFAC, s31;
	v21 =	vshra.s32 v18, v21  }
0x212: {  	v47 =	vadd.s32 s0, v5;
	v21 =	vand.u32 $0x1F, v21;
	v20 =	vld.idx.msk [tilespmem:v20+s21+$0x0], $0xffff  }
0x213: {  	v21 =	vor.u32 $0x20, v21;
	_ =	sdelay $0x1  }
0x214: {  	v48 =	vshrl.u32 v19, $0xA  }
0x215: {  	v23 =	vand.u32 $0x1F, v48  }
0x216: {  	s0 =	sadd.s32 $0xFFFFFFAD, s31;
	v23 =	vshra.s32 v18, v23;
	[tilespmem:v47+s23+$0x0] =	vst.idx.msk $0xffff, v20  }
0x217: {  	v49 =	vadd.s32 s0, v5;
	v50 =	vand.u32 $0x1F, v23;
	v20 =	vld.idx.msk [tilespmem:v21+s21+$0x0], $0xffff  }
0x218: {  	v22 =	vor.u32 $0x20, v50;
	_ =	sdelay $0x1  }
0x219: {  	v51 =	vshrl.u32 v19, $0xF  }
0x21a: {  	v23 =	vand.u32 $0x1F, v51  }
0x21b: {  	s0 =	sadd.s32 $0xFFFFFFAE, s31;
	v23 =	vshra.s32 v18, v23;
	[tilespmem:v49+s23+$0x0] =	vst.idx.msk $0xffff, v20  }
0x21c: {  	v52 =	vadd.s32 s0, v5;
	v53 =	vand.u32 $0x1F, v23;
	v20 =	vld.idx.msk [tilespmem:v22+s21+$0x0], $0xffff  }
0x21d: {  	v22 =	vor.u32 $0x20, v53;
	_ =	sdelay $0x1  }
0x21e: {  	v19 =	vshrl.u32 v19, $0x14  }
0x21f: {  	v19 =	vand.u32 $0x1F, v19  }
0x220: {  	s0 =	sadd.s32 $0xFFFFFFAF, s31;
	v19 =	vshra.s32 v18, v19;
	[tilespmem:v52+s23+$0x0] =	vst.idx.msk $0xffff, v20  }
0x221: {  	v54 =	vadd.s32 s0, v5;
	v19 =	vand.u32 $0x1F, v19;
	v20 =	vld.idx.msk [tilespmem:v22+s21+$0x0], $0xffff  }
0x222: {  	v19 =	vor.u32 $0x20, v19;
	_ =	sdelay $0x3  }
0x223: {  	s0 =	sadd.s32 $0xFFFFFFB0, s31;
	[tilespmem:v54+s23+$0x0] =	vst.idx.msk $0xffff, v20  }
0x224: {  	v20 =	vadd.s32 s0, v5;
	v19 =	vld.idx.msk [tilespmem:v19+s21+$0x0], $0xffff;
	_ =	sdelay $0x4  }
0x225: {  	s0 =	sand.u32 $0x1FF0, s30;
	[tilespmem:v20+s23+$0x0] =	vst.idx.msk $0xffff, v19  }
0x226: {  	v19 =	vld [tilespmem:s0+$0x2000];
	_ =	sdelay $0x4  }
0x227: {  	v20 =	vand.u32 $0x1F, v19  }
0x228: {  	v20 =	vshra.s32 v18, v20  }
0x229: {  	v20 =	vand.u32 $0x1F, v20  }
0x22a: {  	v20 =	vor.u32 $0x20, v20;
	_ =	sdelay $0x1  }
0x22b: {  	v55 =	vshrl.u32 v19, $0x5  }
0x22c: {  	v21 =	vand.u32 $0x1F, v55  }
0x22d: {  	s0 =	sadd.s32 $0xFFFFFFFC, s31;
	v21 =	vshra.s32 v18, v21  }
0x22e: {  	v56 =	vadd.s32 s0, v5;
	v21 =	vand.u32 $0x1F, v21;
	v20 =	vld.idx.msk [tilespmem:v20+s21+$0x0], $0xffff  }
0x22f: {  	v21 =	vor.u32 $0x20, v21;
	_ =	sdelay $0x1  }
0x230: {  	v57 =	vshrl.u32 v19, $0xA  }
0x231: {  	v23 =	vand.u32 $0x1F, v57  }
0x232: {  	s0 =	sadd.s32 $0xFFFFFFFD, s31;
	v23 =	vshra.s32 v18, v23;
	[tilespmem:v56+s23+$0x0] =	vst.idx.msk $0xffff, v20  }
0x233: {  	v58 =	vadd.s32 s0, v5;
	v59 =	vand.u32 $0x1F, v23;
	v20 =	vld.idx.msk [tilespmem:v21+s21+$0x0], $0xffff  }
0x234: {  	v22 =	vor.u32 $0x20, v59;
	_ =	sdelay $0x1  }
0x235: {  	v60 =	vshrl.u32 v19, $0xF  }
0x236: {  	v23 =	vand.u32 $0x1F, v60  }
0x237: {  	s0 =	sadd.s32 $0xFFFFFFFE, s31;
	v23 =	vshra.s32 v18, v23;
	[tilespmem:v58+s23+$0x0] =	vst.idx.msk $0xffff, v20  }
0x238: {  	v61 =	vadd.s32 s0, v5;
	v62 =	vand.u32 $0x1F, v23;
	v20 =	vld.idx.msk [tilespmem:v22+s21+$0x0], $0xffff  }
0x239: {  	v22 =	vor.u32 $0x20, v62;
	_ =	sdelay $0x1  }
0x23a: {  	v19 =	vshrl.u32 v19, $0x14  }
0x23b: {  	v19 =	vand.u32 $0x1F, v19  }
0x23c: {  	s0 =	sadd.s32 $0xFFFFFFFF, s31;
	v19 =	vshra.s32 v18, v19;
	[tilespmem:v61+s23+$0x0] =	vst.idx.msk $0xffff, v20  }
0x23d: {  	v63 =	vadd.s32 s0, v5;
	v19 =	vand.u32 $0x1F, v19;
	v20 =	vld.idx.msk [tilespmem:v22+s21+$0x0], $0xffff  }
0x23e: {  	v19 =	vor.u32 $0x20, v19;
	_ =	sdelay $0x3  }
0x23f: {  	s29 =	sadd.s32 $0x4, s29;
	[tilespmem:v63+s23+$0x0] =	vst.idx.msk $0xffff, v20  }
0x240: {  	p0 =	slt.u32 s29, $0x1FC;
	v20 =	vadd.s32 s31, v5;
	v19 =	vld.idx.msk [tilespmem:v19+s21+$0x0], $0xffff  }
.Ltmp2:
0x241: {  	_ = 	snop;
	(pc) =	sbr.rel @p0 .LBB2_6-.Ltmp2, $2  }
0x242: {  	_ =	sdelay $0x2  }
0x243: {  	s30 =	sadd.s32 $0x40, s30;
	s31 =	sadd.s32 $0x140, s31;
	[tilespmem:v20+s23+$0x0] =	vst.idx.msk $0xffff, v19  }
0x244: {  	_ =	sdelay $0x1  }
0x245: {  	[hbm4b:s10+s16] =	stream.strided.scatter [tilespmem:s24], [sflag:$0x2], $0xA000, s17, s16, $0x38;
	[tilespmem:$0x1C180] =	vst v63  }
0x246: {  	[tilespmem:$0x1C110] =	vst v12  }
0x247: {  	v12 =	vld.idx.msk [tilespmem:v1+s22+$0x0], $0xffff;
	_ =	sdelay $0x2  }
0x248: {  	v13 =	vand.u32 $0x1F, v13  }
0x249: {  	v14 =	vand.u32 $0x1F, v14;
	v15 =	vand.u32 $0x1F, v15;
	v17 =	vshrl.u32 v17, $0x14  }
0x24a: {  	v13 =	vshra.s32 v12, v13;
	v14 =	vshra.s32 v12, v14;
	v15 =	vshra.s32 v12, v15  }
0x24b: {  	v17 =	vshra.s32 v12, v17;
	v18 =	vshll.u32 v13, $0x5;
	v19 =	vshll.u32 v14, $0xA  }
0x24c: {  	v20 =	vshll.u32 v15, $0xF;
	v18 =	vand.u32 $0x3E0, v18;
	v19 =	vand.u32 $0x7C00, v19  }
0x24d: {  	v52 =	vshll.u32 v17, $0x14;
	v20 =	vand.u32 $0xF8000, v20;
	v18 =	vor.u32 v18, v19  }
0x24e: {  	v12 =	vshra.s32 v12, v16;
	v53 =	vand.u32 $0x1F00000, v52;
	v18 =	vor.u32 v20, v18  }
0x24f: {  	v12 =	vand.u32 $0x1F, v12;
	v16 =	vor.u32 v53, v18  }
0x250: {  	v16 =	vor.u32 v12, v16  }
0x251: {  	[tilespmem:$0x1C110] =	vst v16  }
0x252: {  	v16 =	vld.idx.msk [tilespmem:v2+s22+$0x0], $0xffff;
	_ =	sdelay $0x2  }
0x253: {  	v13 =	vand.u32 $0x1F, v13  }
0x254: {  	v14 =	vand.u32 $0x1F, v14;
	v15 =	vand.u32 $0x1F, v15;
	v17 =	vand.u32 $0x1F, v17  }
0x255: {  	v13 =	vshra.s32 v16, v13;
	v14 =	vshra.s32 v16, v14;
	v15 =	vshra.s32 v16, v15  }
0x256: {  	v17 =	vshra.s32 v16, v17;
	v54 =	vshll.u32 v13, $0x5;
	v55 =	vshll.u32 v14, $0xA  }
0x257: {  	v56 =	vshll.u32 v15, $0xF;
	v18 =	vand.u32 $0x3E0, v54;
	v19 =	vand.u32 $0x7C00, v55  }
0x258: {  	v57 =	vshll.u32 v17, $0x14;
	v20 =	vand.u32 $0xF8000, v56;
	v18 =	vor.u32 v18, v19  }
0x259: {  	v12 =	vshra.s32 v16, v12;
	v58 =	vand.u32 $0x1F00000, v57;
	v18 =	vor.u32 v20, v18  }
0x25a: {  	v12 =	vand.u32 $0x1F, v12;
	v16 =	vor.u32 v58, v18  }
0x25b: {  	v16 =	vor.u32 v12, v16  }
0x25c: {  	[tilespmem:$0x1C110] =	vst v16  }
0x25d: {  	v16 =	vld.idx.msk [tilespmem:v3+s22+$0x0], $0xffff;
	_ =	sdelay $0x2  }
0x25e: {  	v13 =	vand.u32 $0x1F, v13  }
0x25f: {  	v14 =	vand.u32 $0x1F, v14;
	v15 =	vand.u32 $0x1F, v15;
	v17 =	vand.u32 $0x1F, v17  }
0x260: {  	v13 =	vshra.s32 v16, v13;
	v14 =	vshra.s32 v16, v14;
	v15 =	vshra.s32 v16, v15  }
0x261: {  	v17 =	vshra.s32 v16, v17;
	v59 =	vshll.u32 v13, $0x5;
	v60 =	vshll.u32 v14, $0xA  }
0x262: {  	v61 =	vshll.u32 v15, $0xF;
	v18 =	vand.u32 $0x3E0, v59;
	v19 =	vand.u32 $0x7C00, v60  }
0x263: {  	v62 =	vshll.u32 v17, $0x14;
	v20 =	vand.u32 $0xF8000, v61;
	v18 =	vor.u32 v18, v19  }
0x264: {  	v12 =	vshra.s32 v16, v12;
	v63 =	vand.u32 $0x1F00000, v62;
	v18 =	vor.u32 v20, v18  }
0x265: {  	v12 =	vand.u32 $0x1F, v12;
	v16 =	vor.u32 v63, v18  }
0x266: {  	v16 =	vor.u32 v12, v16  }
0x267: {  	[tilespmem:$0x1C110] =	vst v16  }
0x268: {  	v16 =	vld.idx.msk [tilespmem:v4+s22+$0x0], $0xffff;
	_ =	sdelay $0x3  }
0x269: {  	v13 =	vand.u32 $0x1F, v13  }
0x26a: {  	v13 =	vshra.s32 v16, v13  }
0x26b: {  	v12 =	vshra.s32 v16, v12;
	v13 =	vshll.u32 v13, $0x5  }
0x26c: {  	v14 =	vand.u32 $0x1F, v14;
	v12 =	vand.u32 $0x1F, v12;
	v13 =	vand.u32 $0x3E0, v13  }
0x26d: {  	v12 =	vor.u32 v12, v13;
	v13 =	vshra.s32 v16, v14;
	v14 =	vand.u32 $0x1F, v15  }
0x26e: {  	v15 =	vand.u32 $0x1F, v17;
	v13 =	vshll.u32 v13, $0xA;
	v14 =	vshra.s32 v16, v14  }
0x26f: {  	v15 =	vshra.s32 v16, v15;
	v13 =	vand.u32 $0x7C00, v13;
	v14 =	vshll.u32 v14, $0xF  }
0x270: {  	v12 =	vor.u32 v13, v12;
	v13 =	vand.u32 $0xF8000, v14;
	v14 =	vshll.u32 v15, $0x14  }
0x271: {  	v12 =	vor.u32 v13, v12;
	v13 =	vand.u32 $0x1F00000, v14  }
0x272: {  	v12 =	vor.u32 v13, v12  }
0x273: {  	[tilespmem:$0x1C110] =	vst v12  }
0x274: {  	v12 =	vld.idx.msk [tilespmem:v1+s22+$0x0], $0xffff;
	_ =	swait.ge [sflag:s25], $0xA000  }
0x275: {  	s29 =	simm.s32 $0xFFFFFFFC;
	[sflag:s25] =	ssyncset.done $0x0  }
0x276: {  	s30 =	simm.s32 $0x30;
	s31 =	simm.s32 $0xF4;
	[sflag:s25] =	ssyncadd.s32 $0xFFFF6000  }
.LBB2_8:
0x277: {  	s0 =	sadd.s32 $0xFFFFFFD0, s30  }
0x278: {  	s0 =	sand.u32 $0x1FC0, s0  }
0x279: {  	v13 =	vld [tilespmem:s0+$0x4000];
	_ =	sdelay $0x4  }
0x27a: {  	v14 =	vand.u32 $0x1F, v13  }
0x27b: {  	v14 =	vshra.s32 v12, v14  }
0x27c: {  	v14 =	vand.u32 $0x1F, v14  }
0x27d: {  	v14 =	vor.u32 $0x40, v14;
	_ =	sdelay $0x1  }
0x27e: {  	v15 =	vshrl.u32 v13, $0x5  }
0x27f: {  	v15 =	vand.u32 $0x1F, v15  }
0x280: {  	s0 =	sadd.s32 $0xFFFFFF0C, s31;
	v15 =	vshra.s32 v12, v15  }
0x281: {  	v16 =	vadd.s32 s0, v5;
	v15 =	vand.u32 $0x1F, v15;
	v14 =	vld.idx.msk [tilespmem:v14+s21+$0x0], $0xffff  }
0x282: {  	v15 =	vor.u32 $0x40, v15;
	_ =	sdelay $0x1  }
0x283: {  	v17 =	vshrl.u32 v13, $0xA  }
0x284: {  	v17 =	vand.u32 $0x1F, v17  }
0x285: {  	s0 =	sadd.s32 $0xFFFFFF0D, s31;
	v17 =	vshra.s32 v12, v17;
	[tilespmem:v16+s23+$0x0] =	vst.idx.msk $0xffff, v14  }
0x286: {  	v46 =	vand.u32 $0x1F, v17;
	v14 =	vld.idx.msk [tilespmem:v15+s21+$0x0], $0xffff;
	v15 =	vadd.s32 s0, v5  }
0x287: {  	v16 =	vor.u32 $0x40, v46;
	_ =	sdelay $0x1  }
0x288: {  	v47 =	vshrl.u32 v13, $0xF  }
0x289: {  	v17 =	vand.u32 $0x1F, v47  }
0x28a: {  	v17 =	vshra.s32 v12, v17;
	s0 =	sadd.s32 $0xFFFFFF0E, s31;
	[tilespmem:v15+s23+$0x0] =	vst.idx.msk $0xffff, v14  }
0x28b: {  	v48 =	vand.u32 $0x1F, v17;
	v15 =	vadd.s32 s0, v5;
	v14 =	vld.idx.msk [tilespmem:v16+s21+$0x0], $0xffff  }
0x28c: {  	v16 =	vor.u32 $0x40, v48;
	_ =	sdelay $0x1  }
0x28d: {  	v13 =	vshrl.u32 v13, $0x14  }
0x28e: {  	v13 =	vand.u32 $0x1F, v13  }
0x28f: {  	v13 =	vshra.s32 v12, v13;
	s0 =	sadd.s32 $0xFFFFFF0F, s31;
	[tilespmem:v15+s23+$0x0] =	vst.idx.msk $0xffff, v14  }
0x290: {  	v13 =	vand.u32 $0x1F, v13;
	v15 =	vadd.s32 s0, v5;
	v14 =	vld.idx.msk [tilespmem:v16+s21+$0x0], $0xffff  }
0x291: {  	v13 =	vor.u32 $0x40, v13;
	_ =	sdelay $0x3  }
0x292: {  	s0 =	sadd.s32 $0xFFFFFF10, s31;
	[tilespmem:v15+s23+$0x0] =	vst.idx.msk $0xffff, v14  }
0x293: {  	v14 =	vadd.s32 s0, v5;
	v13 =	vld.idx.msk [tilespmem:v13+s21+$0x0], $0xffff;
	_ =	sdelay $0x3  }
0x294: {  	s0 =	sadd.s32 $0xFFFFFFE0, s30  }
0x295: {  	s0 =	sand.u32 $0x1FD0, s0;
	[tilespmem:v14+s23+$0x0] =	vst.idx.msk $0xffff, v13  }
0x296: {  	v13 =	vld [tilespmem:s0+$0x4000];
	_ =	sdelay $0x4  }
0x297: {  	v14 =	vand.u32 $0x1F, v13  }
0x298: {  	v14 =	vshra.s32 v12, v14  }
0x299: {  	v14 =	vand.u32 $0x1F, v14  }
0x29a: {  	v14 =	vor.u32 $0x40, v14;
	_ =	sdelay $0x1  }
0x29b: {  	v15 =	vshrl.u32 v13, $0x5  }
0x29c: {  	v15 =	vand.u32 $0x1F, v15  }
0x29d: {  	s0 =	sadd.s32 $0xFFFFFF5C, s31;
	v15 =	vshra.s32 v12, v15  }
0x29e: {  	v49 =	vadd.s32 s0, v5;
	v15 =	vand.u32 $0x1F, v15;
	v14 =	vld.idx.msk [tilespmem:v14+s21+$0x0], $0xffff  }
0x29f: {  	v15 =	vor.u32 $0x40, v15;
	_ =	sdelay $0x1  }
0x2a0: {  	v50 =	vshrl.u32 v13, $0xA  }
0x2a1: {  	v17 =	vand.u32 $0x1F, v50  }
0x2a2: {  	s0 =	sadd.s32 $0xFFFFFF5D, s31;
	v17 =	vshra.s32 v12, v17;
	[tilespmem:v49+s23+$0x0] =	vst.idx.msk $0xffff, v14  }
0x2a3: {  	v51 =	vand.u32 $0x1F, v17;
	v14 =	vld.idx.msk [tilespmem:v15+s21+$0x0], $0xffff;
	v15 =	vadd.s32 s0, v5  }
0x2a4: {  	v16 =	vor.u32 $0x40, v51;
	_ =	sdelay $0x1  }
0x2a5: {  	v52 =	vshrl.u32 v13, $0xF  }
0x2a6: {  	v17 =	vand.u32 $0x1F, v52  }
0x2a7: {  	v17 =	vshra.s32 v12, v17;
	s0 =	sadd.s32 $0xFFFFFF5E, s31;
	[tilespmem:v15+s23+$0x0] =	vst.idx.msk $0xffff, v14  }
0x2a8: {  	v53 =	vand.u32 $0x1F, v17;
	v15 =	vadd.s32 s0, v5;
	v14 =	vld.idx.msk [tilespmem:v16+s21+$0x0], $0xffff  }
0x2a9: {  	v16 =	vor.u32 $0x40, v53;
	_ =	sdelay $0x1  }
0x2aa: {  	v13 =	vshrl.u32 v13, $0x14  }
0x2ab: {  	v13 =	vand.u32 $0x1F, v13  }
0x2ac: {  	v13 =	vshra.s32 v12, v13;
	s0 =	sadd.s32 $0xFFFFFF5F, s31;
	[tilespmem:v15+s23+$0x0] =	vst.idx.msk $0xffff, v14  }
0x2ad: {  	v13 =	vand.u32 $0x1F, v13;
	v15 =	vadd.s32 s0, v5;
	v14 =	vld.idx.msk [tilespmem:v16+s21+$0x0], $0xffff  }
0x2ae: {  	v13 =	vor.u32 $0x40, v13;
	_ =	sdelay $0x3  }
0x2af: {  	s0 =	sadd.s32 $0xFFFFFF60, s31;
	[tilespmem:v15+s23+$0x0] =	vst.idx.msk $0xffff, v14  }
0x2b0: {  	v14 =	vadd.s32 s0, v5;
	v13 =	vld.idx.msk [tilespmem:v13+s21+$0x0], $0xffff;
	_ =	sdelay $0x3  }
0x2b1: {  	s0 =	sadd.s32 $0xFFFFFFF0, s30  }
0x2b2: {  	s0 =	sand.u32 $0x1FE0, s0;
	[tilespmem:v14+s23+$0x0] =	vst.idx.msk $0xffff, v13  }
0x2b3: {  	v13 =	vld [tilespmem:s0+$0x4000];
	_ =	sdelay $0x4  }
0x2b4: {  	v14 =	vand.u32 $0x1F, v13  }
0x2b5: {  	v14 =	vshra.s32 v12, v14  }
0x2b6: {  	v14 =	vand.u32 $0x1F, v14  }
0x2b7: {  	v14 =	vor.u32 $0x40, v14;
	_ =	sdelay $0x1  }
0x2b8: {  	v15 =	vshrl.u32 v13, $0x5  }
0x2b9: {  	v15 =	vand.u32 $0x1F, v15  }
0x2ba: {  	s0 =	sadd.s32 $0xFFFFFFAC, s31;
	v15 =	vshra.s32 v12, v15  }
0x2bb: {  	v54 =	vadd.s32 s0, v5;
	v15 =	vand.u32 $0x1F, v15;
	v14 =	vld.idx.msk [tilespmem:v14+s21+$0x0], $0xffff  }
0x2bc: {  	v15 =	vor.u32 $0x40, v15;
	_ =	sdelay $0x1  }
0x2bd: {  	v55 =	vshrl.u32 v13, $0xA  }
0x2be: {  	v17 =	vand.u32 $0x1F, v55  }
0x2bf: {  	s0 =	sadd.s32 $0xFFFFFFAD, s31;
	v17 =	vshra.s32 v12, v17;
	[tilespmem:v54+s23+$0x0] =	vst.idx.msk $0xffff, v14  }
0x2c0: {  	v56 =	vand.u32 $0x1F, v17;
	v14 =	vld.idx.msk [tilespmem:v15+s21+$0x0], $0xffff;
	v15 =	vadd.s32 s0, v5  }
0x2c1: {  	v16 =	vor.u32 $0x40, v56;
	_ =	sdelay $0x1  }
0x2c2: {  	v57 =	vshrl.u32 v13, $0xF  }
0x2c3: {  	v17 =	vand.u32 $0x1F, v57  }
0x2c4: {  	v17 =	vshra.s32 v12, v17;
	s0 =	sadd.s32 $0xFFFFFFAE, s31;
	[tilespmem:v15+s23+$0x0] =	vst.idx.msk $0xffff, v14  }
0x2c5: {  	v58 =	vand.u32 $0x1F, v17;
	v15 =	vadd.s32 s0, v5;
	v14 =	vld.idx.msk [tilespmem:v16+s21+$0x0], $0xffff  }
0x2c6: {  	v16 =	vor.u32 $0x40, v58;
	_ =	sdelay $0x1  }
0x2c7: {  	v13 =	vshrl.u32 v13, $0x14  }
0x2c8: {  	v13 =	vand.u32 $0x1F, v13  }
0x2c9: {  	v13 =	vshra.s32 v12, v13;
	s0 =	sadd.s32 $0xFFFFFFAF, s31;
	[tilespmem:v15+s23+$0x0] =	vst.idx.msk $0xffff, v14  }
0x2ca: {  	v13 =	vand.u32 $0x1F, v13;
	v15 =	vadd.s32 s0, v5;
	v14 =	vld.idx.msk [tilespmem:v16+s21+$0x0], $0xffff  }
0x2cb: {  	v13 =	vor.u32 $0x40, v13;
	_ =	sdelay $0x3  }
0x2cc: {  	s0 =	sadd.s32 $0xFFFFFFB0, s31;
	[tilespmem:v15+s23+$0x0] =	vst.idx.msk $0xffff, v14  }
0x2cd: {  	v14 =	vadd.s32 s0, v5;
	v13 =	vld.idx.msk [tilespmem:v13+s21+$0x0], $0xffff;
	_ =	sdelay $0x4  }
0x2ce: {  	s0 =	sand.u32 $0x1FF0, s30;
	[tilespmem:v14+s23+$0x0] =	vst.idx.msk $0xffff, v13  }
0x2cf: {  	v13 =	vld [tilespmem:s0+$0x4000];
	_ =	sdelay $0x4  }
0x2d0: {  	v14 =	vand.u32 $0x1F, v13  }
0x2d1: {  	v14 =	vshra.s32 v12, v14  }
0x2d2: {  	v14 =	vand.u32 $0x1F, v14  }
0x2d3: {  	v14 =	vor.u32 $0x40, v14;
	_ =	sdelay $0x1  }
0x2d4: {  	v15 =	vshrl.u32 v13, $0x5  }
0x2d5: {  	v15 =	vand.u32 $0x1F, v15  }
0x2d6: {  	s0 =	sadd.s32 $0xFFFFFFFC, s31;
	v15 =	vshra.s32 v12, v15  }
0x2d7: {  	v59 =	vadd.s32 s0, v5;
	v15 =	vand.u32 $0x1F, v15;
	v14 =	vld.idx.msk [tilespmem:v14+s21+$0x0], $0xffff  }
0x2d8: {  	v15 =	vor.u32 $0x40, v15;
	_ =	sdelay $0x1  }
0x2d9: {  	v60 =	vshrl.u32 v13, $0xA  }
0x2da: {  	v17 =	vand.u32 $0x1F, v60  }
0x2db: {  	s0 =	sadd.s32 $0xFFFFFFFD, s31;
	v17 =	vshra.s32 v12, v17;
	[tilespmem:v59+s23+$0x0] =	vst.idx.msk $0xffff, v14  }
0x2dc: {  	v61 =	vand.u32 $0x1F, v17;
	v14 =	vld.idx.msk [tilespmem:v15+s21+$0x0], $0xffff;
	v15 =	vadd.s32 s0, v5  }
0x2dd: {  	v16 =	vor.u32 $0x40, v61;
	_ =	sdelay $0x1  }
0x2de: {  	v62 =	vshrl.u32 v13, $0xF  }
0x2df: {  	v17 =	vand.u32 $0x1F, v62  }
0x2e0: {  	v17 =	vshra.s32 v12, v17;
	s0 =	sadd.s32 $0xFFFFFFFE, s31;
	[tilespmem:v15+s23+$0x0] =	vst.idx.msk $0xffff, v14  }
0x2e1: {  	v63 =	vand.u32 $0x1F, v17;
	v15 =	vadd.s32 s0, v5;
	v14 =	vld.idx.msk [tilespmem:v16+s21+$0x0], $0xffff  }
0x2e2: {  	v16 =	vor.u32 $0x40, v63;
	_ =	sdelay $0x1  }
0x2e3: {  	v13 =	vshrl.u32 v13, $0x14  }
0x2e4: {  	v13 =	vand.u32 $0x1F, v13  }
0x2e5: {  	v13 =	vshra.s32 v12, v13;
	s0 =	sadd.s32 $0xFFFFFFFF, s31;
	[tilespmem:v15+s23+$0x0] =	vst.idx.msk $0xffff, v14  }
0x2e6: {  	v13 =	vand.u32 $0x1F, v13;
	v15 =	vadd.s32 s0, v5;
	v14 =	vld.idx.msk [tilespmem:v16+s21+$0x0], $0xffff  }
0x2e7: {  	v13 =	vor.u32 $0x40, v13;
	_ =	sdelay $0x3  }
0x2e8: {  	s29 =	sadd.s32 $0x4, s29;
	[tilespmem:v15+s23+$0x0] =	vst.idx.msk $0xffff, v14  }
0x2e9: {  	p0 =	slt.u32 s29, $0x1FC;
	v14 =	vadd.s32 s31, v5;
	v13 =	vld.idx.msk [tilespmem:v13+s21+$0x0], $0xffff  }
.Ltmp3:
0x2ea: {  	_ = 	snop;
	(pc) =	sbr.rel @p0 .LBB2_8-.Ltmp3, $2  }
0x2eb: {  	_ =	sdelay $0x2  }
0x2ec: {  	s30 =	sadd.s32 $0x40, s30;
	s31 =	sadd.s32 $0x140, s31;
	[tilespmem:v14+s23+$0x0] =	vst.idx.msk $0xffff, v13  }
0x2ed: {  	_ =	sdelay $0x1  }
0x2ee: {  	[hbm4b:s11+s16] =	stream.strided.scatter [tilespmem:s23], [sflag:$0x1], $0xA000, s17, s16, $0x38;
	[tilespmem:$0x1C180] =	vst v63  }
0x2ef: {  	[tilespmem:$0x1C110] =	vst v6  }
0x2f0: {  	v6 =	vld.idx.msk [tilespmem:v1+s22+$0x0], $0xffff;
	_ =	sdelay $0x2  }
0x2f1: {  	v7 =	vand.u32 $0x1F, v7  }
0x2f2: {  	v8 =	vand.u32 $0x1F, v8;
	v9 =	vand.u32 $0x1F, v9;
	v11 =	vshrl.u32 v11, $0x14  }
0x2f3: {  	v7 =	vshra.s32 v6, v7;
	v8 =	vshra.s32 v6, v8;
	v9 =	vshra.s32 v6, v9  }
0x2f4: {  	v11 =	vshra.s32 v6, v11;
	v12 =	vshll.u32 v7, $0x5;
	v13 =	vshll.u32 v8, $0xA  }
0x2f5: {  	v14 =	vshll.u32 v9, $0xF;
	v12 =	vand.u32 $0x3E0, v12;
	v13 =	vand.u32 $0x7C00, v13  }
0x2f6: {  	v51 =	vshll.u32 v11, $0x14;
	v14 =	vand.u32 $0xF8000, v14;
	v12 =	vor.u32 v12, v13  }
0x2f7: {  	v6 =	vshra.s32 v6, v10;
	v52 =	vand.u32 $0x1F00000, v51;
	v12 =	vor.u32 v14, v12  }
0x2f8: {  	v6 =	vand.u32 $0x1F, v6;
	v10 =	vor.u32 v52, v12  }
0x2f9: {  	v10 =	vor.u32 v6, v10  }
0x2fa: {  	[tilespmem:$0x1C110] =	vst v10  }
0x2fb: {  	v10 =	vld.idx.msk [tilespmem:v2+s22+$0x0], $0xffff;
	_ =	sdelay $0x2  }
0x2fc: {  	v7 =	vand.u32 $0x1F, v7  }
0x2fd: {  	v8 =	vand.u32 $0x1F, v8;
	v9 =	vand.u32 $0x1F, v9;
	v11 =	vand.u32 $0x1F, v11  }
0x2fe: {  	v7 =	vshra.s32 v10, v7;
	v8 =	vshra.s32 v10, v8;
	v9 =	vshra.s32 v10, v9  }
0x2ff: {  	v11 =	vshra.s32 v10, v11;
	v53 =	vshll.u32 v7, $0x5;
	v54 =	vshll.u32 v8, $0xA  }
0x300: {  	v55 =	vshll.u32 v9, $0xF;
	v12 =	vand.u32 $0x3E0, v53;
	v13 =	vand.u32 $0x7C00, v54  }
0x301: {  	v56 =	vshll.u32 v11, $0x14;
	v14 =	vand.u32 $0xF8000, v55;
	v12 =	vor.u32 v12, v13  }
0x302: {  	v6 =	vshra.s32 v10, v6;
	v57 =	vand.u32 $0x1F00000, v56;
	v12 =	vor.u32 v14, v12  }
0x303: {  	v6 =	vand.u32 $0x1F, v6;
	v10 =	vor.u32 v57, v12  }
0x304: {  	v10 =	vor.u32 v6, v10  }
0x305: {  	[tilespmem:$0x1C110] =	vst v10  }
0x306: {  	v10 =	vld.idx.msk [tilespmem:v3+s22+$0x0], $0xffff;
	_ =	sdelay $0x2  }
0x307: {  	v7 =	vand.u32 $0x1F, v7  }
0x308: {  	v8 =	vand.u32 $0x1F, v8;
	v9 =	vand.u32 $0x1F, v9;
	v11 =	vand.u32 $0x1F, v11  }
0x309: {  	v7 =	vshra.s32 v10, v7;
	v8 =	vshra.s32 v10, v8;
	v9 =	vshra.s32 v10, v9  }
0x30a: {  	v11 =	vshra.s32 v10, v11;
	v58 =	vshll.u32 v7, $0x5;
	v59 =	vshll.u32 v8, $0xA  }
0x30b: {  	v60 =	vshll.u32 v9, $0xF;
	v12 =	vand.u32 $0x3E0, v58;
	v13 =	vand.u32 $0x7C00, v59  }
0x30c: {  	v61 =	vshll.u32 v11, $0x14;
	v14 =	vand.u32 $0xF8000, v60;
	v12 =	vor.u32 v12, v13  }
0x30d: {  	v6 =	vshra.s32 v10, v6;
	v62 =	vand.u32 $0x1F00000, v61;
	v12 =	vor.u32 v14, v12  }
0x30e: {  	v6 =	vand.u32 $0x1F, v6;
	v10 =	vor.u32 v62, v12  }
0x30f: {  	v10 =	vor.u32 v6, v10  }
0x310: {  	[tilespmem:$0x1C110] =	vst v10  }
0x311: {  	v10 =	vld.idx.msk [tilespmem:v4+s22+$0x0], $0xffff;
	_ =	sdelay $0x3  }
0x312: {  	v7 =	vand.u32 $0x1F, v7  }
0x313: {  	v7 =	vshra.s32 v10, v7  }
0x314: {  	v6 =	vshra.s32 v10, v6;
	v7 =	vshll.u32 v7, $0x5  }
0x315: {  	v8 =	vand.u32 $0x1F, v8;
	v6 =	vand.u32 $0x1F, v6;
	v7 =	vand.u32 $0x3E0, v7  }
0x316: {  	v6 =	vor.u32 v6, v7;
	v7 =	vshra.s32 v10, v8;
	v8 =	vand.u32 $0x1F, v9  }
0x317: {  	v63 =	vand.u32 $0x1F, v11;
	v7 =	vshll.u32 v7, $0xA;
	v8 =	vshra.s32 v10, v8  }
0x318: {  	v9 =	vshra.s32 v10, v63;
	v7 =	vand.u32 $0x7C00, v7;
	v8 =	vshll.u32 v8, $0xF  }
0x319: {  	v6 =	vor.u32 v7, v6;
	v7 =	vand.u32 $0xF8000, v8;
	v8 =	vshll.u32 v9, $0x14  }
0x31a: {  	v6 =	vor.u32 v7, v6;
	v7 =	vand.u32 $0x1F00000, v8  }
0x31b: {  	v6 =	vor.u32 v7, v6  }
0x31c: {  	[tilespmem:$0x1C110] =	vst v6  }
0x31d: {  	v6 =	vld.idx.msk [tilespmem:v1+s22+$0x0], $0xffff;
	_ =	swait.ge [sflag:s26], $0xA000  }
0x31e: {  	s29 =	simm.s32 $0xFFFFFFFC;
	[sflag:s26] =	ssyncset.done $0x0  }
0x31f: {  	s30 =	simm.s32 $0x30;
	s31 =	simm.s32 $0xA0F4;
	[sflag:s26] =	ssyncadd.s32 $0xFFFF6000  }
.LBB2_10:
0x320: {  	s0 =	sadd.s32 $0xFFFFFFD0, s30  }
0x321: {  	s0 =	sand.u32 $0x1FC0, s0  }
0x322: {  	v7 =	vld [tilespmem:s0+$0x6000];
	_ =	sdelay $0x4  }
0x323: {  	v8 =	vand.u32 $0x1F, v7  }
0x324: {  	v8 =	vshra.s32 v6, v8  }
0x325: {  	v8 =	vand.u32 $0x1F, v8  }
0x326: {  	v8 =	vor.u32 $0x60, v8;
	_ =	sdelay $0x1  }
0x327: {  	v9 =	vshrl.u32 v7, $0x5  }
0x328: {  	v9 =	vand.u32 $0x1F, v9  }
0x329: {  	s0 =	sadd.s32 $0xFFFFFF0C, s31;
	v9 =	vshra.s32 v6, v9  }
0x32a: {  	v10 =	vadd.s32 s0, v5;
	v9 =	vand.u32 $0x1F, v9;
	v8 =	vld.idx.msk [tilespmem:v8+s21+$0x0], $0xffff  }
0x32b: {  	v9 =	vor.u32 $0x60, v9;
	_ =	sdelay $0x1  }
0x32c: {  	v11 =	vshrl.u32 v7, $0xA  }
0x32d: {  	v11 =	vand.u32 $0x1F, v11  }
0x32e: {  	s0 =	sadd.s32 $0xFFFFFF0D, s31;
	v11 =	vshra.s32 v6, v11;
	[tilespmem:v10+s23+$0x0] =	vst.idx.msk $0xffff, v8  }
0x32f: {  	v31 =	vadd.s32 s0, v5;
	v32 =	vand.u32 $0x1F, v11;
	v8 =	vld.idx.msk [tilespmem:v9+s21+$0x0], $0xffff  }
0x330: {  	v10 =	vor.u32 $0x60, v32;
	_ =	sdelay $0x1  }
0x331: {  	v33 =	vshrl.u32 v7, $0xF  }
0x332: {  	v11 =	vand.u32 $0x1F, v33  }
0x333: {  	s0 =	sadd.s32 $0xFFFFFF0E, s31;
	v11 =	vshra.s32 v6, v11;
	[tilespmem:v31+s23+$0x0] =	vst.idx.msk $0xffff, v8  }
0x334: {  	v34 =	vadd.s32 s0, v5;
	v35 =	vand.u32 $0x1F, v11;
	v8 =	vld.idx.msk [tilespmem:v10+s21+$0x0], $0xffff  }
0x335: {  	v10 =	vor.u32 $0x60, v35;
	_ =	sdelay $0x1  }
0x336: {  	v7 =	vshrl.u32 v7, $0x14  }
0x337: {  	v7 =	vand.u32 $0x1F, v7  }
0x338: {  	s0 =	sadd.s32 $0xFFFFFF0F, s31;
	v7 =	vshra.s32 v6, v7;
	[tilespmem:v34+s23+$0x0] =	vst.idx.msk $0xffff, v8  }
0x339: {  	v36 =	vadd.s32 s0, v5;
	v7 =	vand.u32 $0x1F, v7;
	v8 =	vld.idx.msk [tilespmem:v10+s21+$0x0], $0xffff  }
0x33a: {  	v7 =	vor.u32 $0x60, v7;
	_ =	sdelay $0x3  }
0x33b: {  	s0 =	sadd.s32 $0xFFFFFF10, s31;
	[tilespmem:v36+s23+$0x0] =	vst.idx.msk $0xffff, v8  }
0x33c: {  	v8 =	vadd.s32 s0, v5;
	v7 =	vld.idx.msk [tilespmem:v7+s21+$0x0], $0xffff;
	_ =	sdelay $0x3  }
0x33d: {  	s0 =	sadd.s32 $0xFFFFFFE0, s30  }
0x33e: {  	s0 =	sand.u32 $0x1FD0, s0;
	[tilespmem:v8+s23+$0x0] =	vst.idx.msk $0xffff, v7  }
0x33f: {  	v7 =	vld [tilespmem:s0+$0x6000];
	_ =	sdelay $0x4  }
0x340: {  	v8 =	vand.u32 $0x1F, v7  }
0x341: {  	v8 =	vshra.s32 v6, v8  }
0x342: {  	v8 =	vand.u32 $0x1F, v8  }
0x343: {  	v8 =	vor.u32 $0x60, v8;
	_ =	sdelay $0x1  }
0x344: {  	v37 =	vshrl.u32 v7, $0x5  }
0x345: {  	v9 =	vand.u32 $0x1F, v37  }
0x346: {  	s0 =	sadd.s32 $0xFFFFFF5C, s31;
	v9 =	vshra.s32 v6, v9  }
0x347: {  	v38 =	vadd.s32 s0, v5;
	v9 =	vand.u32 $0x1F, v9;
	v8 =	vld.idx.msk [tilespmem:v8+s21+$0x0], $0xffff  }
0x348: {  	v9 =	vor.u32 $0x60, v9;
	_ =	sdelay $0x1  }
0x349: {  	v39 =	vshrl.u32 v7, $0xA  }
0x34a: {  	v11 =	vand.u32 $0x1F, v39  }
0x34b: {  	s0 =	sadd.s32 $0xFFFFFF5D, s31;
	v11 =	vshra.s32 v6, v11;
	[tilespmem:v38+s23+$0x0] =	vst.idx.msk $0xffff, v8  }
0x34c: {  	v40 =	vadd.s32 s0, v5;
	v41 =	vand.u32 $0x1F, v11;
	v8 =	vld.idx.msk [tilespmem:v9+s21+$0x0], $0xffff  }
0x34d: {  	v10 =	vor.u32 $0x60, v41;
	_ =	sdelay $0x1  }
0x34e: {  	v42 =	vshrl.u32 v7, $0xF  }
0x34f: {  	v11 =	vand.u32 $0x1F, v42  }
0x350: {  	s0 =	sadd.s32 $0xFFFFFF5E, s31;
	v11 =	vshra.s32 v6, v11;
	[tilespmem:v40+s23+$0x0] =	vst.idx.msk $0xffff, v8  }
0x351: {  	v43 =	vadd.s32 s0, v5;
	v44 =	vand.u32 $0x1F, v11;
	v8 =	vld.idx.msk [tilespmem:v10+s21+$0x0], $0xffff  }
0x352: {  	v10 =	vor.u32 $0x60, v44;
	_ =	sdelay $0x1  }
0x353: {  	v7 =	vshrl.u32 v7, $0x14  }
0x354: {  	v7 =	vand.u32 $0x1F, v7  }
0x355: {  	s0 =	sadd.s32 $0xFFFFFF5F, s31;
	v7 =	vshra.s32 v6, v7;
	[tilespmem:v43+s23+$0x0] =	vst.idx.msk $0xffff, v8  }
0x356: {  	v45 =	vadd.s32 s0, v5;
	v7 =	vand.u32 $0x1F, v7;
	v8 =	vld.idx.msk [tilespmem:v10+s21+$0x0], $0xffff  }
0x357: {  	v7 =	vor.u32 $0x60, v7;
	_ =	sdelay $0x3  }
0x358: {  	s0 =	sadd.s32 $0xFFFFFF60, s31;
	[tilespmem:v45+s23+$0x0] =	vst.idx.msk $0xffff, v8  }
0x359: {  	v8 =	vadd.s32 s0, v5;
	v7 =	vld.idx.msk [tilespmem:v7+s21+$0x0], $0xffff;
	_ =	sdelay $0x3  }
0x35a: {  	s0 =	sadd.s32 $0xFFFFFFF0, s30  }
0x35b: {  	s0 =	sand.u32 $0x1FE0, s0;
	[tilespmem:v8+s23+$0x0] =	vst.idx.msk $0xffff, v7  }
0x35c: {  	v7 =	vld [tilespmem:s0+$0x6000];
	_ =	sdelay $0x4  }
0x35d: {  	v8 =	vand.u32 $0x1F, v7  }
0x35e: {  	v8 =	vshra.s32 v6, v8  }
0x35f: {  	v8 =	vand.u32 $0x1F, v8  }
0x360: {  	v8 =	vor.u32 $0x60, v8;
	_ =	sdelay $0x1  }
0x361: {  	v46 =	vshrl.u32 v7, $0x5  }
0x362: {  	v9 =	vand.u32 $0x1F, v46  }
0x363: {  	s0 =	sadd.s32 $0xFFFFFFAC, s31;
	v9 =	vshra.s32 v6, v9  }
0x364: {  	v47 =	vadd.s32 s0, v5;
	v9 =	vand.u32 $0x1F, v9;
	v8 =	vld.idx.msk [tilespmem:v8+s21+$0x0], $0xffff  }
0x365: {  	v9 =	vor.u32 $0x60, v9;
	_ =	sdelay $0x1  }
0x366: {  	v48 =	vshrl.u32 v7, $0xA  }
0x367: {  	v11 =	vand.u32 $0x1F, v48  }
0x368: {  	s0 =	sadd.s32 $0xFFFFFFAD, s31;
	v11 =	vshra.s32 v6, v11;
	[tilespmem:v47+s23+$0x0] =	vst.idx.msk $0xffff, v8  }
0x369: {  	v49 =	vadd.s32 s0, v5;
	v50 =	vand.u32 $0x1F, v11;
	v8 =	vld.idx.msk [tilespmem:v9+s21+$0x0], $0xffff  }
0x36a: {  	v10 =	vor.u32 $0x60, v50;
	_ =	sdelay $0x1  }
0x36b: {  	v51 =	vshrl.u32 v7, $0xF  }
0x36c: {  	v11 =	vand.u32 $0x1F, v51  }
0x36d: {  	s0 =	sadd.s32 $0xFFFFFFAE, s31;
	v11 =	vshra.s32 v6, v11;
	[tilespmem:v49+s23+$0x0] =	vst.idx.msk $0xffff, v8  }
0x36e: {  	v52 =	vadd.s32 s0, v5;
	v53 =	vand.u32 $0x1F, v11;
	v8 =	vld.idx.msk [tilespmem:v10+s21+$0x0], $0xffff  }
0x36f: {  	v10 =	vor.u32 $0x60, v53;
	_ =	sdelay $0x1  }
0x370: {  	v7 =	vshrl.u32 v7, $0x14  }
0x371: {  	v7 =	vand.u32 $0x1F, v7  }
0x372: {  	s0 =	sadd.s32 $0xFFFFFFAF, s31;
	v7 =	vshra.s32 v6, v7;
	[tilespmem:v52+s23+$0x0] =	vst.idx.msk $0xffff, v8  }
0x373: {  	v54 =	vadd.s32 s0, v5;
	v7 =	vand.u32 $0x1F, v7;
	v8 =	vld.idx.msk [tilespmem:v10+s21+$0x0], $0xffff  }
0x374: {  	v7 =	vor.u32 $0x60, v7;
	_ =	sdelay $0x3  }
0x375: {  	s0 =	sadd.s32 $0xFFFFFFB0, s31;
	[tilespmem:v54+s23+$0x0] =	vst.idx.msk $0xffff, v8  }
0x376: {  	v8 =	vadd.s32 s0, v5;
	v7 =	vld.idx.msk [tilespmem:v7+s21+$0x0], $0xffff;
	_ =	sdelay $0x4  }
0x377: {  	s0 =	sand.u32 $0x1FF0, s30;
	[tilespmem:v8+s23+$0x0] =	vst.idx.msk $0xffff, v7  }
0x378: {  	v7 =	vld [tilespmem:s0+$0x6000];
	_ =	sdelay $0x4  }
0x379: {  	v8 =	vand.u32 $0x1F, v7  }
0x37a: {  	v8 =	vshra.s32 v6, v8  }
0x37b: {  	v8 =	vand.u32 $0x1F, v8  }
0x37c: {  	v8 =	vor.u32 $0x60, v8;
	_ =	sdelay $0x1  }
0x37d: {  	v55 =	vshrl.u32 v7, $0x5  }
0x37e: {  	v9 =	vand.u32 $0x1F, v55  }
0x37f: {  	s0 =	sadd.s32 $0xFFFFFFFC, s31;
	v9 =	vshra.s32 v6, v9  }
0x380: {  	v56 =	vadd.s32 s0, v5;
	v9 =	vand.u32 $0x1F, v9;
	v8 =	vld.idx.msk [tilespmem:v8+s21+$0x0], $0xffff  }
0x381: {  	v9 =	vor.u32 $0x60, v9;
	_ =	sdelay $0x1  }
0x382: {  	v57 =	vshrl.u32 v7, $0xA  }
0x383: {  	v11 =	vand.u32 $0x1F, v57  }
0x384: {  	s0 =	sadd.s32 $0xFFFFFFFD, s31;
	v11 =	vshra.s32 v6, v11;
	[tilespmem:v56+s23+$0x0] =	vst.idx.msk $0xffff, v8  }
0x385: {  	v58 =	vadd.s32 s0, v5;
	v59 =	vand.u32 $0x1F, v11;
	v8 =	vld.idx.msk [tilespmem:v9+s21+$0x0], $0xffff  }
0x386: {  	v10 =	vor.u32 $0x60, v59;
	_ =	sdelay $0x1  }
0x387: {  	v60 =	vshrl.u32 v7, $0xF  }
0x388: {  	v11 =	vand.u32 $0x1F, v60  }
0x389: {  	s0 =	sadd.s32 $0xFFFFFFFE, s31;
	v11 =	vshra.s32 v6, v11;
	[tilespmem:v58+s23+$0x0] =	vst.idx.msk $0xffff, v8  }
0x38a: {  	v61 =	vadd.s32 s0, v5;
	v62 =	vand.u32 $0x1F, v11;
	v8 =	vld.idx.msk [tilespmem:v10+s21+$0x0], $0xffff  }
0x38b: {  	v10 =	vor.u32 $0x60, v62;
	_ =	sdelay $0x1  }
0x38c: {  	v7 =	vshrl.u32 v7, $0x14  }
0x38d: {  	v7 =	vand.u32 $0x1F, v7  }
0x38e: {  	s0 =	sadd.s32 $0xFFFFFFFF, s31;
	v7 =	vshra.s32 v6, v7;
	[tilespmem:v61+s23+$0x0] =	vst.idx.msk $0xffff, v8  }
0x38f: {  	v63 =	vadd.s32 s0, v5;
	v7 =	vand.u32 $0x1F, v7;
	v8 =	vld.idx.msk [tilespmem:v10+s21+$0x0], $0xffff  }
0x390: {  	v7 =	vor.u32 $0x60, v7;
	_ =	sdelay $0x3  }
0x391: {  	s29 =	sadd.s32 $0x4, s29;
	[tilespmem:v63+s23+$0x0] =	vst.idx.msk $0xffff, v8  }
0x392: {  	p0 =	slt.u32 s29, $0x1FC;
	v8 =	vadd.s32 s31, v5;
	v7 =	vld.idx.msk [tilespmem:v7+s21+$0x0], $0xffff  }
.Ltmp4:
0x393: {  	_ = 	snop;
	(pc) =	sbr.rel @p0 .LBB2_10-.Ltmp4, $2  }
0x394: {  	_ =	sdelay $0x2  }
0x395: {  	s30 =	sadd.s32 $0x40, s30;
	s31 =	sadd.s32 $0x140, s31;
	[tilespmem:v8+s23+$0x0] =	vst.idx.msk $0xffff, v7  }
0x396: {  	[hbm4b:s12+s16] =	stream.strided.scatter [tilespmem:s24], [sflag:$0x2], $0xA000, s17, s16, $0x38;
	[tilespmem:$0x1C180] =	vst v63  }
0x397: {  	s28 =	sadd.s32 $0x1, s28  }
0x398: {  	_ =	swait.ge [sflag:s25], $0xA000;
	p0 =	sne.s32 s28, s13  }
.Ltmp5:
0x399: {  	[sflag:s25] =	ssyncset.done $0x0;
	(pc) =	sbr.rel @p0 .LBB2_1-.Ltmp5, $4  }
0x39a: {  	[sflag:s25] =	ssyncadd.s32 $0xFFFF6000  }
0x39b: {  	_ =	swait.ge [sflag:s26], $0xA000  }
0x39c: {  	[sflag:s26] =	ssyncset.done $0x0  }
0x39d: {  	[sflag:s26] =	ssyncadd.s32 $0xFFFF6000  }
0x39e: {  	_ =	sfence.sel $0x180000  }
0x39f: {  	[bflag:$0x0] =	sbarrier.arrive $0xFFFF  }
0x3a0: {  	_ =	strace $0x90000047  }
0x3a1: {  	[bflag:$0x2] =	sbarrier.arrive $0xFFFF  }
0x3a2: {  	p0 =	sne.s32 s2, $0x0;
	s0 =	rddreg [dreg:$0x2]  }
0x3a3: {  	s0 =	sadd.s32 @!p0 $0x100000, s0  }
0x3a4: {  	[sflag:s0] =	ssyncadd.tile.s32 @!p0 $0x1;
	_ =	shalt  }
.Lfunc_end2:
_tile_overlayer_lowered:
.L_overlay_start_2:
0x3a5: {  	(tag) =	ssettag $0x2  }
0x3a6: {  	s0 =	rddreg [dreg:$0x0];
	s2 =	stileid.u32  }
0x3a7: {  	s1 =	rddreg [dreg:$0x1];
	p0 =	sne.s32 s2, $0x0  }
0x3a8: {  	s3 =	rddreg [dreg:$0x2];
	[bflag:$0x3] =	sbarrier.arrive $0xFFFF;
	s2 =	simm.s32 @!p0 $0x1C03  }
0x3a9: {  	[timem:s3], [sflag:s2] =	dma.local @!p0 [hbm:s0], s1  }
0x3aa: {  	s0 =	simm.s32 @!p0 $0x3  }
0x3ab: {  	_ =	swait.ge @!p0 [sflag:s0], s1  }
0x3ac: {  	s1 =	ssub.s32 @!p0 $0x0, s1;
	[sflag:s0] =	ssyncset.done @!p0 $0x0  }
0x3ad: {  	[sflag:s0] =	ssyncadd.s32 @!p0 s1  }
0x3ae: {  	[bflag:$0x3] =	sbarrier.arrive $0xFFFF  }
0x3af: {  	_ =	shalt  }

</sc_bundles>
